<compile_context>
chip_gen: v7x
topology: tpu7x:2x2x1
jax: 0.10.2.dev20260603
libtpu: 0.0.44.dev20260713+nightly
codegen_flags: <defaults>
</compile_context>

<pallas_src>
import functools

import jax
import jax.numpy as jnp
from jax import lax
from jax.experimental import pallas as pl
from jax.experimental.pallas import tpu as pltpu
from jax.experimental.pallas import tpu_sc as plsc

N_NODES = 10000
DEG = 32
D = 128
NR = 5

NC = 2
NS = 16
NW = NC * NS
BPW = 320
B_PAD = NW * BPW
RPW = 160
ROUNDS = (0, RPW)
CHUNKS = ((0, 128), (128, 32))
STAGE_ROWS = 624


def _sc_gather(nodes_p, ar_pack, feature_table):
  mesh = plsc.VectorSubcoreMesh(core_axis_name="c", subcore_axis_name="s")

  @functools.partial(
      pl.kernel,
      mesh=mesh,
      compiler_params=pltpu.CompilerParams(needs_layout_passes=False),
      out_type=(
          jax.ShapeDtypeStruct((B_PAD, D), jnp.float32),
          jax.ShapeDtypeStruct((B_PAD, D), jnp.float32),
          jax.ShapeDtypeStruct((B_PAD * 8,), jnp.float32),
      ),
      scratch_types=[
          pltpu.VMEM((BPW,), jnp.int32),
          pltpu.VMEM((RPW, D), jnp.int32),
          pltpu.VMEM((DEG, RPW), jnp.int32),
          pltpu.VMEM((RPW, D), jnp.float32),
          pltpu.VMEM((RPW * 8,), jnp.float32),
          pltpu.VMEM_SHARED((N_NODES, D), jnp.float32),
          pltpu.SemaphoreType.DMA,
          pltpu.SemaphoreType.DMA,
          pltpu.SemaphoreType.DMA,
          pltpu.SemaphoreType.DMA,
      ],
  )
  def k(nodes_hbm, ar_hbm, feat_hbm,
        nsum_hbm, self_hbm, cnto_hbm,
        idx_v, ar_v, nbt_v, acc_v, cnt_v, feat_s,
        sem_ar, sem_self, sem_acc, sem_stage):
    wid = lax.axis_index("s") * NC + lax.axis_index("c")
    base = wid * BPW
    sid = lax.axis_index("s")

    stage_cp = pltpu.async_copy(
        feat_hbm.at[pl.ds(sid * STAGE_ROWS, STAGE_ROWS)],
        feat_s.at[pl.ds(sid * STAGE_ROWS, STAGE_ROWS)], sem_stage)

    @pl.when(sid == NS - 1)
    def _stage_tail():
      pltpu.sync_copy(
          feat_hbm.at[pl.ds(NS * STAGE_ROWS, N_NODES - NS * STAGE_ROWS)],
          feat_s.at[pl.ds(NS * STAGE_ROWS, N_NODES - NS * STAGE_ROWS)])

    pltpu.sync_copy(nodes_hbm.at[pl.ds(base, BPW)], idx_v)

    zero16 = jnp.zeros((16,), jnp.float32)
    zero16i = jnp.zeros((16,), jnp.int32)
    lanes = lax.iota(jnp.int32, 16)

    ar_cps = [
        pltpu.async_copy(
            ar_hbm.at[idx_v.at[pl.ds(o, n)]], ar_v.at[pl.ds(o, n)], sem_ar)
        for o, n in CHUNKS
    ]
    stage_cp.wait()
    plsc.subcore_barrier()

    for r, o0 in enumerate(ROUNDS):
      for cp in ar_cps:
        cp.wait()

      def tr(j, c):
        col = zero16i + j
        for g in range(RPW // 16):
          vals = plsc.load_gather(ar_v, [g * 16 + lanes, col])
          nbt_v[j, pl.ds(g * 16, 16)] = vals
        return c

      lax.fori_loop(0, DEG, tr, 0)

      for o, n in CHUNKS:
        pltpu.async_copy(
            feat_s.at[idx_v.at[pl.ds(o0 + o, n)]], acc_v.at[pl.ds(o, n)],
            sem_self).wait()
      pltpu.sync_copy(acc_v, self_hbm.at[pl.ds(base + o0, RPW)])

      def zrow(i, c):
        for k8 in range(D // 16):
          acc_v[i, pl.ds(k8 * 16, 16)] = zero16
        return c

      lax.fori_loop(0, RPW, zrow, 0)

      def fire(j, c):
        for o, n in CHUNKS:
          pltpu.async_copy(
              feat_s.at[nbt_v.at[j, pl.ds(o, n)]],
              acc_v.at[pl.ds(o, n)], sem_acc, add=True)
        return c

      lax.fori_loop(0, DEG, fire, 0)

      for g in range(RPW // 16):
        rows_g = g * 16 + lanes

        def cbody(j, cs):
          vals = plsc.load_gather(ar_v, [rows_g, zero16i + (DEG + j)])
          return tuple(
              cs[rr] + (vals == rr).astype(jnp.float32) for rr in range(NR))

        counts = lax.fori_loop(
            0, DEG, cbody, tuple(jnp.zeros((16,), jnp.float32)
                                 for _ in range(NR)))
        for rr in range(NR):
          plsc.store_scatter(cnt_v, [rows_g * 8 + rr], counts[rr])

      pltpu.sync_copy(cnt_v, cnto_hbm.at[pl.ds((base + o0) * 8, RPW * 8)])

      if r + 1 < len(ROUNDS):
        o1 = ROUNDS[r + 1]
        ar_cps = [
            pltpu.async_copy(
                ar_hbm.at[idx_v.at[pl.ds(o1 + o, n)]],
                ar_v.at[pl.ds(o, n)], sem_ar)
            for o, n in CHUNKS
        ]

      def drain(j, c):
        for o, n in CHUNKS:
          pltpu.make_async_copy(
              feat_s.at[nbt_v.at[0, pl.ds(o, n)]],
              acc_v.at[pl.ds(o, n)], sem_acc).wait()
        return c

      lax.fori_loop(0, DEG, drain, 0)
      pltpu.sync_copy(acc_v, nsum_hbm.at[pl.ds(base + o0, RPW)])

  return k(nodes_p, ar_pack, feature_table)


BB = 2000


def _tc_body(self_ref, nsum_ref, cnt_ref, rtab_ref, wt_ref, b_ref, out_ref):
  rsum = jnp.zeros((BB, D), jnp.float32)
  for r in range(NR):
    rsum = rsum + cnt_ref[:, r:r + 1] * rtab_ref[r:r + 1, :]
  neigh = (nsum_ref[...] + rsum) * (1.0 / DEG)
  out = jnp.dot(self_ref[...], wt_ref[0:D, :],
                preferred_element_type=jnp.float32)
  out += jnp.dot(neigh, wt_ref[D:2 * D, :],
                 preferred_element_type=jnp.float32)
  out_ref[...] = jnp.maximum(out + b_ref[...], 0.0)


def _tc_combine(selfv, nsum, cnt, rating_table, Wt, b2):
  return pl.pallas_call(
      _tc_body,
      grid=(N_NODES // BB,),
      in_specs=[
          pl.BlockSpec((BB, D), lambda i: (i, 0)),
          pl.BlockSpec((BB, D), lambda i: (i, 0)),
          pl.BlockSpec((BB, 8), lambda i: (i, 0)),
          pl.BlockSpec((NR, D), lambda i: (0, 0)),
          pl.BlockSpec((2 * D, D), lambda i: (0, 0)),
          pl.BlockSpec((1, D), lambda i: (0, 0)),
      ],
      out_specs=pl.BlockSpec((BB, D), lambda i: (i, 0)),
      out_shape=jax.ShapeDtypeStruct((N_NODES, D), jnp.float32),
  )(selfv, nsum, cnt, rating_table, Wt, b2)


def kernel(nodes, adj, ratings, feature_table, rating_table, W, b):
  nodes = nodes.astype(jnp.int32)
  nodes_p = jnp.concatenate(
      [nodes, jnp.zeros((B_PAD - N_NODES,), jnp.int32)])
  ar_pack = jnp.concatenate(
      [adj.astype(jnp.int32), ratings.astype(jnp.int32),
       jnp.zeros((N_NODES, D - 2 * DEG), jnp.int32)], axis=1)
  nsum, selfv, cnt = _sc_gather(nodes_p, ar_pack, feature_table)
  return _tc_combine(selfv, nsum, cnt.reshape(B_PAD, 8), rating_table,
                     W.T.astype(jnp.float32), b.reshape(1, D))

# --- scband reference (transcript-rebuilt; emitter-appended) ---
"""Pipeline reference for scband-encoder-18004502905118 (READ-ONLY COPY).

The authoritative reference and input builder live on the scoring server;
editing this copy changes nothing except your own understanding.
"""

import jax, jax.numpy as jnp
import numpy as np

N_NODES = 10000
DEG = 32
D = 128
N_RATINGS = 5


def setup_inputs(seed: int = 0) -> dict:
    key = jax.random.key(seed)
    k1, k2, k3, k4, k5, k6 = jax.random.split(key, 6)
    nodes = jax.random.randint(k1, (N_NODES,), 0, N_NODES, dtype=jnp.int64 if jax.config.jax_enable_x64 else jnp.int32)
    adj = jax.random.randint(k2, (N_NODES, DEG), 0, N_NODES)
    ratings = jax.random.randint(k3, (N_NODES, DEG), 0, N_RATINGS)
    feature_table = jax.random.normal(k4, (N_NODES, D), dtype=jnp.float32) * 0.1
    rating_table = jax.random.normal(k5, (N_RATINGS, D), dtype=jnp.float32) * 0.1
    W = jax.random.normal(k6, (D, 2 * D), dtype=jnp.float32) * (1.0 / np.sqrt(2 * D))
    b = jnp.zeros((D,), dtype=jnp.float32)
    return {"nodes": nodes, "adj": adj, "ratings": ratings, "feature_table": feature_table, "rating_table": rating_table, "W": W, "b": b}


def reference(nodes, adj, ratings, feature_table, rating_table, W, b):
    # Gather per-node neighbor lists and their ratings (the python loop over
    # `nodes` in the torch module is a batched row-gather of adj/ratings).
    nb = jnp.take(adj, nodes, axis=0)          # [B, DEG] neighbor ids
    rt = jnp.take(ratings, nodes, axis=0)      # [B, DEG] rating ids
    # Aggregator: rating-conditioned neighbor embeddings, mean-pooled.
    neigh_embed = jnp.take(feature_table, nb, axis=0) + jnp.take(rating_table, rt, axis=0)  # [B, DEG, D]
    neigh_feature = jnp.mean(neigh_embed, axis=1)          # [B, D]
    # Self embedding: feature.weight[nodes]
    self_feature = jnp.take(feature_table, nodes, axis=0)  # [B, D]
    combined = jnp.concatenate([self_feature, neigh_feature], axis=1)  # [B, 2D]
    out = jax.nn.relu(combined @ W.T + b)                  # [B, D]
    return out

if __name__ == "__main__":
    import jax
    _d = setup_inputs()
    print(jax.jit(kernel)(*tuple(_d.values())))

</pallas_src>

<mosaic_0001>
#map = affine_map<(d0, d1) -> (0)>
#map1 = affine_map<(d0, d1) -> (0, 0)>
module attributes {stable_mosaic.version = 14 : i64} {
  func.func @k(%arg0: i32, %arg1: i32, %arg2: memref<10240xi32, #tpu.memory_space<hbm>>, %arg3: memref<10000x128xi32, #tpu.memory_space<hbm>>, %arg4: memref<10000x128xf32, #tpu.memory_space<hbm>>, %arg5: memref<10240x128xf32, #tpu.memory_space<hbm>>, %arg6: memref<10240x128xf32, #tpu.memory_space<hbm>>, %arg7: memref<81920xf32, #tpu.memory_space<hbm>>, %arg8: memref<320xi32, #tpu.memory_space<vmem>>, %arg9: memref<160x128xi32, #tpu.memory_space<vmem>>, %arg10: memref<32x160xi32, #tpu.memory_space<vmem>>, %arg11: memref<160x128xf32, #tpu.memory_space<vmem>>, %arg12: memref<1280xf32, #tpu.memory_space<vmem>>, %arg13: memref<10000x128xf32, #tpu.memory_space<vmem_shared>>, %arg14: memref<!tpu.dma_semaphore, #tpu.memory_space<semaphore_mem>>, %arg15: memref<!tpu.dma_semaphore, #tpu.memory_space<semaphore_mem>>, %arg16: memref<!tpu.dma_semaphore, #tpu.memory_space<semaphore_mem>>, %arg17: memref<!tpu.dma_semaphore, #tpu.memory_space<semaphore_mem>>) attributes {dimension_semantics = [#tpu.dimension_semantics<core_parallel>, #tpu.dimension_semantics<subcore_parallel>], iteration_bounds = array<i64: 2, 16>, scalar_prefetch = 0 : i64, scratch_operands = 10 : i64, tpu.core_type = #tpu.core_type<sc_vector_subcore>, window_params = [{transform_indices = #map}, {transform_indices = #map1}, {transform_indices = #map1}, {transform_indices = #map1}, {transform_indices = #map1}, {transform_indices = #map}]} {
    %mul3A = arith.constant 2 : i32
    %mul3A_0 = arith.muli %arg1, %mul3A : i32
    %add3A = arith.addi %mul3A_0, %arg0 : i32
    %mul3A_1 = arith.constant 320 : i32
    %mul3A_2 = arith.muli %add3A, %mul3A_1 : i32
    %mul3A_3 = arith.constant 624 : i32
    %mul3A_4 = arith.muli %arg1, %mul3A_3 : i32
    %mul3A_5 = arith.constant 624 : i32
    %mul3A_6 = arith.muli %arg1, %mul3A_5 : i32
    %dma_start3A = arith.constant 0 : i32
    %dma_start3A_7 = tpu.memref_slice %arg13[%mul3A_6, %dma_start3A] : memref<10000x128xf32, #tpu.memory_space<vmem_shared>> -> memref<624x128xf32, #tpu.memory_space<vmem_shared>>
    %dma_start3A_8 = arith.constant 0 : i32
    %dma_start3A_9 = tpu.memref_slice %arg4[%mul3A_4, %dma_start3A_8] : memref<10000x128xf32, #tpu.memory_space<hbm>> -> memref<624x128xf32, #tpu.memory_space<hbm>>
    tpu.enqueue_dma source(%dma_start3A_9 : memref<624x128xf32, #tpu.memory_space<hbm>>) target(%dma_start3A_7 : memref<624x128xf32, #tpu.memory_space<vmem_shared>>) target_semaphore(%arg17 : memref<!tpu.dma_semaphore, #tpu.memory_space<semaphore_mem>>)
    %eq3A = arith.constant 15 : i32
    %eq3A_10 = arith.cmpi eq, %arg1, %eq3A : i32
    %convert_element_type3A = arith.extui %eq3A_10 : i1 to i32
    %cond3A = arith.constant 0 : i32
    %cond3A_11 = arith.cmpi ne, %convert_element_type3A, %cond3A : i32
    scf.if %cond3A_11 {
      "tpu.region"() ({
        %run_scoped3A = tpu.sem_alloc : memref<!tpu.dma_semaphore, #tpu.memory_space<semaphore_mem>>
        %dma_start3A_1189 = arith.constant 9984 : i32
        %dma_start3A_1190 = arith.constant 0 : i32
        %dma_start3A_1191 = tpu.memref_slice %arg13[%dma_start3A_1189, %dma_start3A_1190] : memref<10000x128xf32, #tpu.memory_space<vmem_shared>> -> memref<16x128xf32, #tpu.memory_space<vmem_shared>>
        %dma_start3A_1192 = arith.constant 9984 : i32
        %dma_start3A_1193 = arith.constant 0 : i32
        %dma_start3A_1194 = tpu.memref_slice %arg4[%dma_start3A_1192, %dma_start3A_1193] : memref<10000x128xf32, #tpu.memory_space<hbm>> -> memref<16x128xf32, #tpu.memory_space<hbm>>
        tpu.enqueue_dma source(%dma_start3A_1194 : memref<16x128xf32, #tpu.memory_space<hbm>>) target(%dma_start3A_1191 : memref<16x128xf32, #tpu.memory_space<vmem_shared>>) target_semaphore(%run_scoped3A : memref<!tpu.dma_semaphore, #tpu.memory_space<semaphore_mem>>)
        %dma_wait3A_1195 = arith.constant 9984 : i32
        %dma_wait3A_1196 = arith.constant 0 : i32
        %dma_wait3A_1197 = tpu.memref_slice %arg13[%dma_wait3A_1195, %dma_wait3A_1196] : memref<10000x128xf32, #tpu.memory_space<vmem_shared>> -> memref<16x128xf32, #tpu.memory_space<vmem_shared>>
        %dma_wait3A_1198 = arith.constant 9984 : i32
        %dma_wait3A_1199 = arith.constant 0 : i32
        %dma_wait3A_1200 = tpu.memref_slice %arg4[%dma_wait3A_1198, %dma_wait3A_1199] : memref<10000x128xf32, #tpu.memory_space<hbm>> -> memref<16x128xf32, #tpu.memory_space<hbm>>
        tpu.wait_dma2 semaphore(%run_scoped3A : memref<!tpu.dma_semaphore, #tpu.memory_space<semaphore_mem>>) src(%dma_wait3A_1200 : memref<16x128xf32, #tpu.memory_space<hbm>>) dst(%dma_wait3A_1197 : memref<16x128xf32, #tpu.memory_space<vmem_shared>>)
        tpu.yield
      }) : () -> ()
    } else {
    }
    "tpu.region"() ({
      %run_scoped3A = tpu.sem_alloc : memref<!tpu.dma_semaphore, #tpu.memory_space<semaphore_mem>>
      %dma_start3A_1189 = tpu.memref_slice %arg2[%mul3A_2] : memref<10240xi32, #tpu.memory_space<hbm>> -> memref<320xi32, #tpu.memory_space<hbm>>
      %dma_start3A_1190 = tpu.memref_slice %arg2[%mul3A_2] : memref<10240xi32, #tpu.memory_space<hbm>> -> memref<320xi32, #tpu.memory_space<hbm>>
      tpu.enqueue_dma source(%dma_start3A_1190 : memref<320xi32, #tpu.memory_space<hbm>>) target(%arg8 : memref<320xi32, #tpu.memory_space<vmem>>) target_semaphore(%run_scoped3A : memref<!tpu.dma_semaphore, #tpu.memory_space<semaphore_mem>>)
      %dma_wait3A_1191 = tpu.memref_slice %arg2[%mul3A_2] : memref<10240xi32, #tpu.memory_space<hbm>> -> memref<320xi32, #tpu.memory_space<hbm>>
      %dma_wait3A_1192 = tpu.memref_slice %arg2[%mul3A_2] : memref<10240xi32, #tpu.memory_space<hbm>> -> memref<320xi32, #tpu.memory_space<hbm>>
      tpu.wait_dma2 semaphore(%run_scoped3A : memref<!tpu.dma_semaphore, #tpu.memory_space<semaphore_mem>>) src(%dma_wait3A_1192 : memref<320xi32, #tpu.memory_space<hbm>>) dst(%arg8 : memref<320xi32, #tpu.memory_space<vmem>>)
      tpu.yield
    }) : () -> ()
    %broadcast_in_dim3A = arith.constant 0.000000e+00 : f32
    %broadcast_in_dim3A_12 = vector.broadcast %broadcast_in_dim3A : f32 to vector<16xf32>
    %broadcast_in_dim3A_13 = arith.constant 0 : i32
    %broadcast_in_dim3A_14 = vector.broadcast %broadcast_in_dim3A_13 : i32 to vector<16xi32>
    %iota3A = tpu.iota {dimensions = array<i32: 0>} : vector<16xi32>
    %dma_start3A_15 = arith.constant 0 : i32
    %dma_start3A_16 = arith.constant 0 : i32
    %dma_start3A_17 = tpu.memref_slice %arg9[%dma_start3A_15, %dma_start3A_16] : memref<160x128xi32, #tpu.memory_space<vmem>> -> memref<128x128xi32, #tpu.memory_space<vmem>>
    %dma_start3A_18 = arith.constant 0 : i32
    %dma_start3A_19 = tpu.memref_slice %arg8[%dma_start3A_18] : memref<320xi32, #tpu.memory_space<vmem>> -> memref<128xi32, #tpu.memory_space<vmem>>
    %dma_start3A_20 = arith.constant 0 : i32
    %dma_start3A_21 = arith.constant 0 : i32
    %dma_start3A_22 = tpu.memref_slice %arg3[%dma_start3A_20, %dma_start3A_21] : memref<10000x128xi32, #tpu.memory_space<hbm>> -> memref<10000x128xi32, #tpu.memory_space<hbm>>
    tpu.enqueue_indirect_dma source(%dma_start3A_22 : memref<10000x128xi32, #tpu.memory_space<hbm>>) target(%dma_start3A_17 : memref<128x128xi32, #tpu.memory_space<vmem>>) offsets(%dma_start3A_19 : memref<128xi32, #tpu.memory_space<vmem>>) semaphore(%arg14 : memref<!tpu.dma_semaphore, #tpu.memory_space<semaphore_mem>>)
    %dma_start3A_23 = arith.constant 128 : i32
    %dma_start3A_24 = arith.constant 0 : i32
    %dma_start3A_25 = tpu.memref_slice %arg9[%dma_start3A_23, %dma_start3A_24] : memref<160x128xi32, #tpu.memory_space<vmem>> -> memref<32x128xi32, #tpu.memory_space<vmem>>
    %dma_start3A_26 = arith.constant 128 : i32
    %dma_start3A_27 = tpu.memref_slice %arg8[%dma_start3A_26] : memref<320xi32, #tpu.memory_space<vmem>> -> memref<32xi32, #tpu.memory_space<vmem>>
    %dma_start3A_28 = arith.constant 0 : i32
    %dma_start3A_29 = arith.constant 0 : i32
    %dma_start3A_30 = tpu.memref_slice %arg3[%dma_start3A_28, %dma_start3A_29] : memref<10000x128xi32, #tpu.memory_space<hbm>> -> memref<10000x128xi32, #tpu.memory_space<hbm>>
    tpu.enqueue_indirect_dma source(%dma_start3A_30 : memref<10000x128xi32, #tpu.memory_space<hbm>>) target(%dma_start3A_25 : memref<32x128xi32, #tpu.memory_space<vmem>>) offsets(%dma_start3A_27 : memref<32xi32, #tpu.memory_space<vmem>>) semaphore(%arg14 : memref<!tpu.dma_semaphore, #tpu.memory_space<semaphore_mem>>)
    %dma_wait3A = arith.constant 0 : i32
    %dma_wait3A_31 = tpu.memref_slice %arg13[%mul3A_6, %dma_wait3A] : memref<10000x128xf32, #tpu.memory_space<vmem_shared>> -> memref<624x128xf32, #tpu.memory_space<vmem_shared>>
    %dma_wait3A_32 = arith.constant 0 : i32
    %dma_wait3A_33 = tpu.memref_slice %arg4[%mul3A_4, %dma_wait3A_32] : memref<10000x128xf32, #tpu.memory_space<hbm>> -> memref<624x128xf32, #tpu.memory_space<hbm>>
    tpu.wait_dma2 semaphore(%arg17 : memref<!tpu.dma_semaphore, #tpu.memory_space<semaphore_mem>>) src(%dma_wait3A_33 : memref<624x128xf32, #tpu.memory_space<hbm>>) dst(%dma_wait3A_31 : memref<624x128xf32, #tpu.memory_space<vmem_shared>>)
    %barrier3A = arith.constant 0 : index
    tpu.barrier barrier_id(%barrier3A)
    %dma_wait3A_34 = arith.constant 0 : i32
    %dma_wait3A_35 = arith.constant 0 : i32
    %dma_wait3A_36 = tpu.memref_slice %arg9[%dma_wait3A_34, %dma_wait3A_35] : memref<160x128xi32, #tpu.memory_space<vmem>> -> memref<128x128xi32, #tpu.memory_space<vmem>>
    %dma_wait3A_37 = arith.constant 0 : i32
    %dma_wait3A_38 = tpu.memref_slice %arg8[%dma_wait3A_37] : memref<320xi32, #tpu.memory_space<vmem>> -> memref<128xi32, #tpu.memory_space<vmem>>
    %dma_wait3A_39 = arith.constant 0 : i32
    %dma_wait3A_40 = arith.constant 0 : i32
    %dma_wait3A_41 = tpu.memref_slice %arg3[%dma_wait3A_39, %dma_wait3A_40] : memref<10000x128xi32, #tpu.memory_space<hbm>> -> memref<10000x128xi32, #tpu.memory_space<hbm>>
    tpu.wait_indirect_dma semaphore(%arg14 : memref<!tpu.dma_semaphore, #tpu.memory_space<semaphore_mem>>) src(%dma_wait3A_41 : memref<10000x128xi32, #tpu.memory_space<hbm>>) dst(%dma_wait3A_36 : memref<128x128xi32, #tpu.memory_space<vmem>>)
    %dma_wait3A_42 = arith.constant 128 : i32
    %dma_wait3A_43 = arith.constant 0 : i32
    %dma_wait3A_44 = tpu.memref_slice %arg9[%dma_wait3A_42, %dma_wait3A_43] : memref<160x128xi32, #tpu.memory_space<vmem>> -> memref<32x128xi32, #tpu.memory_space<vmem>>
    %dma_wait3A_45 = arith.constant 128 : i32
    %dma_wait3A_46 = tpu.memref_slice %arg8[%dma_wait3A_45] : memref<320xi32, #tpu.memory_space<vmem>> -> memref<32xi32, #tpu.memory_space<vmem>>
    %dma_wait3A_47 = arith.constant 0 : i32
    %dma_wait3A_48 = arith.constant 0 : i32
    %dma_wait3A_49 = tpu.memref_slice %arg3[%dma_wait3A_47, %dma_wait3A_48] : memref<10000x128xi32, #tpu.memory_space<hbm>> -> memref<10000x128xi32, #tpu.memory_space<hbm>>
    tpu.wait_indirect_dma semaphore(%arg14 : memref<!tpu.dma_semaphore, #tpu.memory_space<semaphore_mem>>) src(%dma_wait3A_49 : memref<10000x128xi32, #tpu.memory_space<hbm>>) dst(%dma_wait3A_44 : memref<32x128xi32, #tpu.memory_space<vmem>>)
    %scan3A = arith.constant 0 : i32
    %scan3A_50 = arith.constant 0 : i32
    %scan3A_51 = arith.constant 32 : i32
    %scan3A_52 = arith.addi %scan3A_50, %scan3A_51 : i32
    %scan3A_53 = arith.constant 1 : i32
    scf.for %scan3A_1189 = %scan3A_50 to %scan3A_52 step %scan3A_53  : i32 {
      %add3A_1190 = vector.broadcast %scan3A_1189 : i32 to vector<16xi32>
      %add3A_1191 = arith.addi %broadcast_in_dim3A_14, %add3A_1190 : vector<16xi32>
      %add3A_1192 = arith.constant 0 : i32
      %add3A_1193 = vector.broadcast %add3A_1192 : i32 to vector<16xi32>
      %add3A_1194 = arith.addi %add3A_1193, %iota3A : vector<16xi32>
      %gather3A = tpu.vector_load_idx %arg9[%add3A_1194, %add3A_1191] : memref<160x128xi32, #tpu.memory_space<vmem>>[vector<16xi32>, vector<16xi32>], vector<16xi32>,
      %swap3A = arith.index_cast %scan3A_1189 : i32 to index
      %swap3A_1195 = arith.constant 0 : index
      %swap3A_1196 = tpu.vector_load %arg10[%swap3A, %swap3A_1195] {strides = array<i32>} : memref<32x160xi32, #tpu.memory_space<vmem>>, vector<16xi32>,
      tpu.vector_store %arg10[%swap3A, %swap3A_1195], %gather3A {strides = array<i32>} : memref<32x160xi32, #tpu.memory_space<vmem>>, vector<16xi32>,
      %add3A_1197 = arith.constant 16 : i32
      %add3A_1198 = vector.broadcast %add3A_1197 : i32 to vector<16xi32>
      %add3A_1199 = arith.addi %add3A_1198, %iota3A : vector<16xi32>
      %gather3A_1200 = tpu.vector_load_idx %arg9[%add3A_1199, %add3A_1191] : memref<160x128xi32, #tpu.memory_space<vmem>>[vector<16xi32>, vector<16xi32>], vector<16xi32>,
      %swap3A_1201 = arith.index_cast %scan3A_1189 : i32 to index
      %swap3A_1202 = arith.constant 16 : index
      %swap3A_1203 = tpu.vector_load %arg10[%swap3A_1201, %swap3A_1202] {strides = array<i32>} : memref<32x160xi32, #tpu.memory_space<vmem>>, vector<16xi32>,
      tpu.vector_store %arg10[%swap3A_1201, %swap3A_1202], %gather3A_1200 {strides = array<i32>} : memref<32x160xi32, #tpu.memory_space<vmem>>, vector<16xi32>,
      %add3A_1204 = arith.constant 32 : i32
      %add3A_1205 = vector.broadcast %add3A_1204 : i32 to vector<16xi32>
      %add3A_1206 = arith.addi %add3A_1205, %iota3A : vector<16xi32>
      %gather3A_1207 = tpu.vector_load_idx %arg9[%add3A_1206, %add3A_1191] : memref<160x128xi32, #tpu.memory_space<vmem>>[vector<16xi32>, vector<16xi32>], vector<16xi32>,
      %swap3A_1208 = arith.index_cast %scan3A_1189 : i32 to index
      %swap3A_1209 = arith.constant 32 : index
      %swap3A_1210 = tpu.vector_load %arg10[%swap3A_1208, %swap3A_1209] {strides = array<i32>} : memref<32x160xi32, #tpu.memory_space<vmem>>, vector<16xi32>,
      tpu.vector_store %arg10[%swap3A_1208, %swap3A_1209], %gather3A_1207 {strides = array<i32>} : memref<32x160xi32, #tpu.memory_space<vmem>>, vector<16xi32>,
      %add3A_1211 = arith.constant 48 : i32
      %add3A_1212 = vector.broadcast %add3A_1211 : i32 to vector<16xi32>
      %add3A_1213 = arith.addi %add3A_1212, %iota3A : vector<16xi32>
      %gather3A_1214 = tpu.vector_load_idx %arg9[%add3A_1213, %add3A_1191] : memref<160x128xi32, #tpu.memory_space<vmem>>[vector<16xi32>, vector<16xi32>], vector<16xi32>,
      %swap3A_1215 = arith.index_cast %scan3A_1189 : i32 to index
      %swap3A_1216 = arith.constant 48 : index
      %swap3A_1217 = tpu.vector_load %arg10[%swap3A_1215, %swap3A_1216] {strides = array<i32>} : memref<32x160xi32, #tpu.memory_space<vmem>>, vector<16xi32>,
      tpu.vector_store %arg10[%swap3A_1215, %swap3A_1216], %gather3A_1214 {strides = array<i32>} : memref<32x160xi32, #tpu.memory_space<vmem>>, vector<16xi32>,
      %add3A_1218 = arith.constant 64 : i32
      %add3A_1219 = vector.broadcast %add3A_1218 : i32 to vector<16xi32>
      %add3A_1220 = arith.addi %add3A_1219, %iota3A : vector<16xi32>
      %gather3A_1221 = tpu.vector_load_idx %arg9[%add3A_1220, %add3A_1191] : memref<160x128xi32, #tpu.memory_space<vmem>>[vector<16xi32>, vector<16xi32>], vector<16xi32>,
      %swap3A_1222 = arith.index_cast %scan3A_1189 : i32 to index
      %swap3A_1223 = arith.constant 64 : index
      %swap3A_1224 = tpu.vector_load %arg10[%swap3A_1222, %swap3A_1223] {strides = array<i32>} : memref<32x160xi32, #tpu.memory_space<vmem>>, vector<16xi32>,
      tpu.vector_store %arg10[%swap3A_1222, %swap3A_1223], %gather3A_1221 {strides = array<i32>} : memref<32x160xi32, #tpu.memory_space<vmem>>, vector<16xi32>,
      %add3A_1225 = arith.constant 80 : i32
      %add3A_1226 = vector.broadcast %add3A_1225 : i32 to vector<16xi32>
      %add3A_1227 = arith.addi %add3A_1226, %iota3A : vector<16xi32>
      %gather3A_1228 = tpu.vector_load_idx %arg9[%add3A_1227, %add3A_1191] : memref<160x128xi32, #tpu.memory_space<vmem>>[vector<16xi32>, vector<16xi32>], vector<16xi32>,
      %swap3A_1229 = arith.index_cast %scan3A_1189 : i32 to index
      %swap3A_1230 = arith.constant 80 : index
      %swap3A_1231 = tpu.vector_load %arg10[%swap3A_1229, %swap3A_1230] {strides = array<i32>} : memref<32x160xi32, #tpu.memory_space<vmem>>, vector<16xi32>,
      tpu.vector_store %arg10[%swap3A_1229, %swap3A_1230], %gather3A_1228 {strides = array<i32>} : memref<32x160xi32, #tpu.memory_space<vmem>>, vector<16xi32>,
      %add3A_1232 = arith.constant 96 : i32
      %add3A_1233 = vector.broadcast %add3A_1232 : i32 to vector<16xi32>
      %add3A_1234 = arith.addi %add3A_1233, %iota3A : vector<16xi32>
      %gather3A_1235 = tpu.vector_load_idx %arg9[%add3A_1234, %add3A_1191] : memref<160x128xi32, #tpu.memory_space<vmem>>[vector<16xi32>, vector<16xi32>], vector<16xi32>,
      %swap3A_1236 = arith.index_cast %scan3A_1189 : i32 to index
      %swap3A_1237 = arith.constant 96 : index
      %swap3A_1238 = tpu.vector_load %arg10[%swap3A_1236, %swap3A_1237] {strides = array<i32>} : memref<32x160xi32, #tpu.memory_space<vmem>>, vector<16xi32>,
      tpu.vector_store %arg10[%swap3A_1236, %swap3A_1237], %gather3A_1235 {strides = array<i32>} : memref<32x160xi32, #tpu.memory_space<vmem>>, vector<16xi32>,
      %add3A_1239 = arith.constant 112 : i32
      %add3A_1240 = vector.broadcast %add3A_1239 : i32 to vector<16xi32>
      %add3A_1241 = arith.addi %add3A_1240, %iota3A : vector<16xi32>
      %gather3A_1242 = tpu.vector_load_idx %arg9[%add3A_1241, %add3A_1191] : memref<160x128xi32, #tpu.memory_space<vmem>>[vector<16xi32>, vector<16xi32>], vector<16xi32>,
      %swap3A_1243 = arith.index_cast %scan3A_1189 : i32 to index
      %swap3A_1244 = arith.constant 112 : index
      %swap3A_1245 = tpu.vector_load %arg10[%swap3A_1243, %swap3A_1244] {strides = array<i32>} : memref<32x160xi32, #tpu.memory_space<vmem>>, vector<16xi32>,
      tpu.vector_store %arg10[%swap3A_1243, %swap3A_1244], %gather3A_1242 {strides = array<i32>} : memref<32x160xi32, #tpu.memory_space<vmem>>, vector<16xi32>,
      %add3A_1246 = arith.constant 128 : i32
      %add3A_1247 = vector.broadcast %add3A_1246 : i32 to vector<16xi32>
      %add3A_1248 = arith.addi %add3A_1247, %iota3A : vector<16xi32>
      %gather3A_1249 = tpu.vector_load_idx %arg9[%add3A_1248, %add3A_1191] : memref<160x128xi32, #tpu.memory_space<vmem>>[vector<16xi32>, vector<16xi32>], vector<16xi32>,
      %swap3A_1250 = arith.index_cast %scan3A_1189 : i32 to index
      %swap3A_1251 = arith.constant 128 : index
      %swap3A_1252 = tpu.vector_load %arg10[%swap3A_1250, %swap3A_1251] {strides = array<i32>} : memref<32x160xi32, #tpu.memory_space<vmem>>, vector<16xi32>,
      tpu.vector_store %arg10[%swap3A_1250, %swap3A_1251], %gather3A_1249 {strides = array<i32>} : memref<32x160xi32, #tpu.memory_space<vmem>>, vector<16xi32>,
      %add3A_1253 = arith.constant 144 : i32
      %add3A_1254 = vector.broadcast %add3A_1253 : i32 to vector<16xi32>
      %add3A_1255 = arith.addi %add3A_1254, %iota3A : vector<16xi32>
      %gather3A_1256 = tpu.vector_load_idx %arg9[%add3A_1255, %add3A_1191] : memref<160x128xi32, #tpu.memory_space<vmem>>[vector<16xi32>, vector<16xi32>], vector<16xi32>,
      %swap3A_1257 = arith.index_cast %scan3A_1189 : i32 to index
      %swap3A_1258 = arith.constant 144 : index
      %swap3A_1259 = tpu.vector_load %arg10[%swap3A_1257, %swap3A_1258] {strides = array<i32>} : memref<32x160xi32, #tpu.memory_space<vmem>>, vector<16xi32>,
      tpu.vector_store %arg10[%swap3A_1257, %swap3A_1258], %gather3A_1256 {strides = array<i32>} : memref<32x160xi32, #tpu.memory_space<vmem>>, vector<16xi32>,
    }
    %scan3A_54 = arith.constant 32 : i32
    %dma_start3A_55 = arith.constant 0 : i32
    %dma_start3A_56 = arith.constant 0 : i32
    %dma_start3A_57 = tpu.memref_slice %arg11[%dma_start3A_55, %dma_start3A_56] : memref<160x128xf32, #tpu.memory_space<vmem>> -> memref<128x128xf32, #tpu.memory_space<vmem>>
    %dma_start3A_58 = arith.constant 0 : i32
    %dma_start3A_59 = tpu.memref_slice %arg8[%dma_start3A_58] : memref<320xi32, #tpu.memory_space<vmem>> -> memref<128xi32, #tpu.memory_space<vmem>>
    %dma_start3A_60 = arith.constant 0 : i32
    %dma_start3A_61 = arith.constant 0 : i32
    %dma_start3A_62 = tpu.memref_slice %arg13[%dma_start3A_60, %dma_start3A_61] : memref<10000x128xf32, #tpu.memory_space<vmem_shared>> -> memref<10000x128xf32, #tpu.memory_space<vmem_shared>>
    tpu.enqueue_indirect_dma source(%dma_start3A_62 : memref<10000x128xf32, #tpu.memory_space<vmem_shared>>) target(%dma_start3A_57 : memref<128x128xf32, #tpu.memory_space<vmem>>) offsets(%dma_start3A_59 : memref<128xi32, #tpu.memory_space<vmem>>) semaphore(%arg15 : memref<!tpu.dma_semaphore, #tpu.memory_space<semaphore_mem>>)
    %dma_wait3A_63 = arith.constant 0 : i32
    %dma_wait3A_64 = arith.constant 0 : i32
    %dma_wait3A_65 = tpu.memref_slice %arg11[%dma_wait3A_63, %dma_wait3A_64] : memref<160x128xf32, #tpu.memory_space<vmem>> -> memref<128x128xf32, #tpu.memory_space<vmem>>
    %dma_wait3A_66 = arith.constant 0 : i32
    %dma_wait3A_67 = tpu.memref_slice %arg8[%dma_wait3A_66] : memref<320xi32, #tpu.memory_space<vmem>> -> memref<128xi32, #tpu.memory_space<vmem>>
    %dma_wait3A_68 = arith.constant 0 : i32
    %dma_wait3A_69 = arith.constant 0 : i32
    %dma_wait3A_70 = tpu.memref_slice %arg13[%dma_wait3A_68, %dma_wait3A_69] : memref<10000x128xf32, #tpu.memory_space<vmem_shared>> -> memref<10000x128xf32, #tpu.memory_space<vmem_shared>>
    tpu.wait_indirect_dma semaphore(%arg15 : memref<!tpu.dma_semaphore, #tpu.memory_space<semaphore_mem>>) src(%dma_wait3A_70 : memref<10000x128xf32, #tpu.memory_space<vmem_shared>>) dst(%dma_wait3A_65 : memref<128x128xf32, #tpu.memory_space<vmem>>)
    %dma_start3A_71 = arith.constant 128 : i32
    %dma_start3A_72 = arith.constant 0 : i32
    %dma_start3A_73 = tpu.memref_slice %arg11[%dma_start3A_71, %dma_start3A_72] : memref<160x128xf32, #tpu.memory_space<vmem>> -> memref<32x128xf32, #tpu.memory_space<vmem>>
    %dma_start3A_74 = arith.constant 128 : i32
    %dma_start3A_75 = tpu.memref_slice %arg8[%dma_start3A_74] : memref<320xi32, #tpu.memory_space<vmem>> -> memref<32xi32, #tpu.memory_space<vmem>>
    %dma_start3A_76 = arith.constant 0 : i32
    %dma_start3A_77 = arith.constant 0 : i32
    %dma_start3A_78 = tpu.memref_slice %arg13[%dma_start3A_76, %dma_start3A_77] : memref<10000x128xf32, #tpu.memory_space<vmem_shared>> -> memref<10000x128xf32, #tpu.memory_space<vmem_shared>>
    tpu.enqueue_indirect_dma source(%dma_start3A_78 : memref<10000x128xf32, #tpu.memory_space<vmem_shared>>) target(%dma_start3A_73 : memref<32x128xf32, #tpu.memory_space<vmem>>) offsets(%dma_start3A_75 : memref<32xi32, #tpu.memory_space<vmem>>) semaphore(%arg15 : memref<!tpu.dma_semaphore, #tpu.memory_space<semaphore_mem>>)
    %dma_wait3A_79 = arith.constant 128 : i32
    %dma_wait3A_80 = arith.constant 0 : i32
    %dma_wait3A_81 = tpu.memref_slice %arg11[%dma_wait3A_79, %dma_wait3A_80] : memref<160x128xf32, #tpu.memory_space<vmem>> -> memref<32x128xf32, #tpu.memory_space<vmem>>
    %dma_wait3A_82 = arith.constant 128 : i32
    %dma_wait3A_83 = tpu.memref_slice %arg8[%dma_wait3A_82] : memref<320xi32, #tpu.memory_space<vmem>> -> memref<32xi32, #tpu.memory_space<vmem>>
    %dma_wait3A_84 = arith.constant 0 : i32
    %dma_wait3A_85 = arith.constant 0 : i32
    %dma_wait3A_86 = tpu.memref_slice %arg13[%dma_wait3A_84, %dma_wait3A_85] : memref<10000x128xf32, #tpu.memory_space<vmem_shared>> -> memref<10000x128xf32, #tpu.memory_space<vmem_shared>>
    tpu.wait_indirect_dma semaphore(%arg15 : memref<!tpu.dma_semaphore, #tpu.memory_space<semaphore_mem>>) src(%dma_wait3A_86 : memref<10000x128xf32, #tpu.memory_space<vmem_shared>>) dst(%dma_wait3A_81 : memref<32x128xf32, #tpu.memory_space<vmem>>)
    %add3A_87 = arith.constant 0 : i32
    %add3A_88 = arith.addi %mul3A_2, %add3A_87 : i32
    "tpu.region"() ({
      %run_scoped3A = tpu.sem_alloc : memref<!tpu.dma_semaphore, #tpu.memory_space<semaphore_mem>>
      %dma_start3A_1189 = arith.constant 0 : i32
      %dma_start3A_1190 = tpu.memref_slice %arg6[%add3A_88, %dma_start3A_1189] : memref<10240x128xf32, #tpu.memory_space<hbm>> -> memref<160x128xf32, #tpu.memory_space<hbm>>
      %dma_start3A_1191 = arith.constant 0 : i32
      %dma_start3A_1192 = tpu.memref_slice %arg6[%add3A_88, %dma_start3A_1191] : memref<10240x128xf32, #tpu.memory_space<hbm>> -> memref<160x128xf32, #tpu.memory_space<hbm>>
      tpu.enqueue_dma source(%arg11 : memref<160x128xf32, #tpu.memory_space<vmem>>) target(%dma_start3A_1192 : memref<160x128xf32, #tpu.memory_space<hbm>>) target_semaphore(%run_scoped3A : memref<!tpu.dma_semaphore, #tpu.memory_space<semaphore_mem>>)
      %dma_wait3A_1193 = arith.constant 0 : i32
      %dma_wait3A_1194 = tpu.memref_slice %arg6[%add3A_88, %dma_wait3A_1193] : memref<10240x128xf32, #tpu.memory_space<hbm>> -> memref<160x128xf32, #tpu.memory_space<hbm>>
      %dma_wait3A_1195 = arith.constant 0 : i32
      %dma_wait3A_1196 = tpu.memref_slice %arg6[%add3A_88, %dma_wait3A_1195] : memref<10240x128xf32, #tpu.memory_space<hbm>> -> memref<160x128xf32, #tpu.memory_space<hbm>>
      tpu.wait_dma2 semaphore(%run_scoped3A : memref<!tpu.dma_semaphore, #tpu.memory_space<semaphore_mem>>) src(%arg11 : memref<160x128xf32, #tpu.memory_space<vmem>>) dst(%dma_wait3A_1196 : memref<160x128xf32, #tpu.memory_space<hbm>>)
      tpu.yield
    }) : () -> ()
    %scan3A_89 = arith.constant 0 : i32
    %scan3A_90 = arith.constant 0 : i32
    %scan3A_91 = arith.constant 160 : i32
    %scan3A_92 = arith.addi %scan3A_90, %scan3A_91 : i32
    %scan3A_93 = arith.constant 1 : i32
    scf.for %scan3A_1189 = %scan3A_90 to %scan3A_92 step %scan3A_93  : i32 {
      %swap3A = arith.index_cast %scan3A_1189 : i32 to index
      %swap3A_1190 = arith.constant 0 : index
      %swap3A_1191 = tpu.vector_load %arg11[%swap3A, %swap3A_1190] {strides = array<i32>} : memref<160x128xf32, #tpu.memory_space<vmem>>, vector<16xf32>,
      tpu.vector_store %arg11[%swap3A, %swap3A_1190], %broadcast_in_dim3A_12 {strides = array<i32>} : memref<160x128xf32, #tpu.memory_space<vmem>>, vector<16xf32>,
      %swap3A_1192 = arith.index_cast %scan3A_1189 : i32 to index
      %swap3A_1193 = arith.constant 16 : index
      %swap3A_1194 = tpu.vector_load %arg11[%swap3A_1192, %swap3A_1193] {strides = array<i32>} : memref<160x128xf32, #tpu.memory_space<vmem>>, vector<16xf32>,
      tpu.vector_store %arg11[%swap3A_1192, %swap3A_1193], %broadcast_in_dim3A_12 {strides = array<i32>} : memref<160x128xf32, #tpu.memory_space<vmem>>, vector<16xf32>,
      %swap3A_1195 = arith.index_cast %scan3A_1189 : i32 to index
      %swap3A_1196 = arith.constant 32 : index
      %swap3A_1197 = tpu.vector_load %arg11[%swap3A_1195, %swap3A_1196] {strides = array<i32>} : memref<160x128xf32, #tpu.memory_space<vmem>>, vector<16xf32>,
      tpu.vector_store %arg11[%swap3A_1195, %swap3A_1196], %broadcast_in_dim3A_12 {strides = array<i32>} : memref<160x128xf32, #tpu.memory_space<vmem>>, vector<16xf32>,
      %swap3A_1198 = arith.index_cast %scan3A_1189 : i32 to index
      %swap3A_1199 = arith.constant 48 : index
      %swap3A_1200 = tpu.vector_load %arg11[%swap3A_1198, %swap3A_1199] {strides = array<i32>} : memref<160x128xf32, #tpu.memory_space<vmem>>, vector<16xf32>,
      tpu.vector_store %arg11[%swap3A_1198, %swap3A_1199], %broadcast_in_dim3A_12 {strides = array<i32>} : memref<160x128xf32, #tpu.memory_space<vmem>>, vector<16xf32>,
      %swap3A_1201 = arith.index_cast %scan3A_1189 : i32 to index
      %swap3A_1202 = arith.constant 64 : index
      %swap3A_1203 = tpu.vector_load %arg11[%swap3A_1201, %swap3A_1202] {strides = array<i32>} : memref<160x128xf32, #tpu.memory_space<vmem>>, vector<16xf32>,
      tpu.vector_store %arg11[%swap3A_1201, %swap3A_1202], %broadcast_in_dim3A_12 {strides = array<i32>} : memref<160x128xf32, #tpu.memory_space<vmem>>, vector<16xf32>,
      %swap3A_1204 = arith.index_cast %scan3A_1189 : i32 to index
      %swap3A_1205 = arith.constant 80 : index
      %swap3A_1206 = tpu.vector_load %arg11[%swap3A_1204, %swap3A_1205] {strides = array<i32>} : memref<160x128xf32, #tpu.memory_space<vmem>>, vector<16xf32>,
      tpu.vector_store %arg11[%swap3A_1204, %swap3A_1205], %broadcast_in_dim3A_12 {strides = array<i32>} : memref<160x128xf32, #tpu.memory_space<vmem>>, vector<16xf32>,
      %swap3A_1207 = arith.index_cast %scan3A_1189 : i32 to index
      %swap3A_1208 = arith.constant 96 : index
      %swap3A_1209 = tpu.vector_load %arg11[%swap3A_1207, %swap3A_1208] {strides = array<i32>} : memref<160x128xf32, #tpu.memory_space<vmem>>, vector<16xf32>,
      tpu.vector_store %arg11[%swap3A_1207, %swap3A_1208], %broadcast_in_dim3A_12 {strides = array<i32>} : memref<160x128xf32, #tpu.memory_space<vmem>>, vector<16xf32>,
      %swap3A_1210 = arith.index_cast %scan3A_1189 : i32 to index
      %swap3A_1211 = arith.constant 112 : index
      %swap3A_1212 = tpu.vector_load %arg11[%swap3A_1210, %swap3A_1211] {strides = array<i32>} : memref<160x128xf32, #tpu.memory_space<vmem>>, vector<16xf32>,
      tpu.vector_store %arg11[%swap3A_1210, %swap3A_1211], %broadcast_in_dim3A_12 {strides = array<i32>} : memref<160x128xf32, #tpu.memory_space<vmem>>, vector<16xf32>,
    }
    %scan3A_94 = arith.constant 160 : i32
    %scan3A_95 = arith.constant 0 : i32
    %scan3A_96 = arith.constant 0 : i32
    %scan3A_97 = arith.constant 32 : i32
    %scan3A_98 = arith.addi %scan3A_96, %scan3A_97 : i32
    %scan3A_99 = arith.constant 1 : i32
    scf.for %scan3A_1189 = %scan3A_96 to %scan3A_98 step %scan3A_99  : i32 {
      %dma_start3A_1190 = arith.constant 0 : i32
      %dma_start3A_1191 = arith.constant 0 : i32
      %dma_start3A_1192 = tpu.memref_slice %arg11[%dma_start3A_1190, %dma_start3A_1191] : memref<160x128xf32, #tpu.memory_space<vmem>> -> memref<128x128xf32, #tpu.memory_space<vmem>>
      %dma_start3A_1193 = arith.constant 0 : i32
      %dma_start3A_1194 = tpu.memref_slice %arg10[%scan3A_1189, %dma_start3A_1193] : memref<32x160xi32, #tpu.memory_space<vmem>> -> memref<1x128xi32, #tpu.memory_space<vmem>>
      %dma_start3A_1195 = tpu.memref_squeeze %dma_start3A_1194 : memref<1x128xi32, #tpu.memory_space<vmem>> -> memref<128xi32, #tpu.memory_space<vmem>>
      %dma_start3A_1196 = arith.constant 0 : i32
      %dma_start3A_1197 = arith.constant 0 : i32
      %dma_start3A_1198 = tpu.memref_slice %arg13[%dma_start3A_1196, %dma_start3A_1197] : memref<10000x128xf32, #tpu.memory_space<vmem_shared>> -> memref<10000x128xf32, #tpu.memory_space<vmem_shared>>
      tpu.enqueue_indirect_dma source(%dma_start3A_1198 : memref<10000x128xf32, #tpu.memory_space<vmem_shared>>) target(%dma_start3A_1192 : memref<128x128xf32, #tpu.memory_space<vmem>>) offsets(%dma_start3A_1195 : memref<128xi32, #tpu.memory_space<vmem>>) semaphore(%arg16 : memref<!tpu.dma_semaphore, #tpu.memory_space<semaphore_mem>>) {add = true}
      %dma_start3A_1199 = arith.constant 128 : i32
      %dma_start3A_1200 = arith.constant 0 : i32
      %dma_start3A_1201 = tpu.memref_slice %arg11[%dma_start3A_1199, %dma_start3A_1200] : memref<160x128xf32, #tpu.memory_space<vmem>> -> memref<32x128xf32, #tpu.memory_space<vmem>>
      %dma_start3A_1202 = arith.constant 128 : i32
      %dma_start3A_1203 = tpu.memref_slice %arg10[%scan3A_1189, %dma_start3A_1202] : memref<32x160xi32, #tpu.memory_space<vmem>> -> memref<1x32xi32, #tpu.memory_space<vmem>>
      %dma_start3A_1204 = tpu.memref_squeeze %dma_start3A_1203 : memref<1x32xi32, #tpu.memory_space<vmem>> -> memref<32xi32, #tpu.memory_space<vmem>>
      %dma_start3A_1205 = arith.constant 0 : i32
      %dma_start3A_1206 = arith.constant 0 : i32
      %dma_start3A_1207 = tpu.memref_slice %arg13[%dma_start3A_1205, %dma_start3A_1206] : memref<10000x128xf32, #tpu.memory_space<vmem_shared>> -> memref<10000x128xf32, #tpu.memory_space<vmem_shared>>
      tpu.enqueue_indirect_dma source(%dma_start3A_1207 : memref<10000x128xf32, #tpu.memory_space<vmem_shared>>) target(%dma_start3A_1201 : memref<32x128xf32, #tpu.memory_space<vmem>>) offsets(%dma_start3A_1204 : memref<32xi32, #tpu.memory_space<vmem>>) semaphore(%arg16 : memref<!tpu.dma_semaphore, #tpu.memory_space<semaphore_mem>>) {add = true}
    }
    %scan3A_100 = arith.constant 32 : i32
    %add3A_101 = arith.constant 0 : i32
    %add3A_102 = vector.broadcast %add3A_101 : i32 to vector<16xi32>
    %add3A_103 = arith.addi %add3A_102, %iota3A : vector<16xi32>
    %broadcast_in_dim3A_104 = arith.constant 0.000000e+00 : f32
    %broadcast_in_dim3A_105 = vector.broadcast %broadcast_in_dim3A_104 : f32 to vector<16xf32>
    %broadcast_in_dim3A_106 = arith.constant 0.000000e+00 : f32
    %broadcast_in_dim3A_107 = vector.broadcast %broadcast_in_dim3A_106 : f32 to vector<16xf32>
    %broadcast_in_dim3A_108 = arith.constant 0.000000e+00 : f32
    %broadcast_in_dim3A_109 = vector.broadcast %broadcast_in_dim3A_108 : f32 to vector<16xf32>
    %broadcast_in_dim3A_110 = arith.constant 0.000000e+00 : f32
    %broadcast_in_dim3A_111 = vector.broadcast %broadcast_in_dim3A_110 : f32 to vector<16xf32>
    %broadcast_in_dim3A_112 = arith.constant 0.000000e+00 : f32
    %broadcast_in_dim3A_113 = vector.broadcast %broadcast_in_dim3A_112 : f32 to vector<16xf32>
    %scan3A_114 = arith.constant 0 : i32
    %scan3A_115 = arith.constant 32 : i32
    %scan3A_116 = arith.addi %scan3A_114, %scan3A_115 : i32
    %scan3A_117 = arith.constant 1 : i32
    %scan3A_118:5 = scf.for %scan3A_1189 = %scan3A_114 to %scan3A_116 step %scan3A_117 iter_args(%scan3A_1190 = %broadcast_in_dim3A_105, %scan3A_1191 = %broadcast_in_dim3A_107, %scan3A_1192 = %broadcast_in_dim3A_109, %scan3A_1193 = %broadcast_in_dim3A_111, %scan3A_1194 = %broadcast_in_dim3A_113) -> (vector<16xf32>, vector<16xf32>, vector<16xf32>, vector<16xf32>, vector<16xf32>)  : i32 {
      %add3A_1195 = arith.constant 32 : i32
      %add3A_1196 = arith.addi %add3A_1195, %scan3A_1189 : i32
      %add3A_1197 = vector.broadcast %add3A_1196 : i32 to vector<16xi32>
      %add3A_1198 = arith.addi %broadcast_in_dim3A_14, %add3A_1197 : vector<16xi32>
      %gather3A = tpu.vector_load_idx %arg9[%add3A_103, %add3A_1198] : memref<160x128xi32, #tpu.memory_space<vmem>>[vector<16xi32>, vector<16xi32>], vector<16xi32>,
      %eq3A_1199 = arith.constant 0 : i32
      %eq3A_1200 = vector.broadcast %eq3A_1199 : i32 to vector<16xi32>
      %eq3A_1201 = arith.cmpi eq, %gather3A, %eq3A_1200 : vector<16xi32>
      %convert_element_type3A_1202 = arith.extui %eq3A_1201 : vector<16xi1> to vector<16xi32>
      %convert_element_type3A_1203 = arith.sitofp %convert_element_type3A_1202 : vector<16xi32> to vector<16xf32>
      %add3A_1204 = arith.addf %scan3A_1190, %convert_element_type3A_1203 : vector<16xf32>
      %eq3A_1205 = arith.constant 1 : i32
      %eq3A_1206 = vector.broadcast %eq3A_1205 : i32 to vector<16xi32>
      %eq3A_1207 = arith.cmpi eq, %gather3A, %eq3A_1206 : vector<16xi32>
      %convert_element_type3A_1208 = arith.extui %eq3A_1207 : vector<16xi1> to vector<16xi32>
      %convert_element_type3A_1209 = arith.sitofp %convert_element_type3A_1208 : vector<16xi32> to vector<16xf32>
      %add3A_1210 = arith.addf %scan3A_1191, %convert_element_type3A_1209 : vector<16xf32>
      %eq3A_1211 = arith.constant 2 : i32
      %eq3A_1212 = vector.broadcast %eq3A_1211 : i32 to vector<16xi32>
      %eq3A_1213 = arith.cmpi eq, %gather3A, %eq3A_1212 : vector<16xi32>
      %convert_element_type3A_1214 = arith.extui %eq3A_1213 : vector<16xi1> to vector<16xi32>
      %convert_element_type3A_1215 = arith.sitofp %convert_element_type3A_1214 : vector<16xi32> to vector<16xf32>
      %add3A_1216 = arith.addf %scan3A_1192, %convert_element_type3A_1215 : vector<16xf32>
      %eq3A_1217 = arith.constant 3 : i32
      %eq3A_1218 = vector.broadcast %eq3A_1217 : i32 to vector<16xi32>
      %eq3A_1219 = arith.cmpi eq, %gather3A, %eq3A_1218 : vector<16xi32>
      %convert_element_type3A_1220 = arith.extui %eq3A_1219 : vector<16xi1> to vector<16xi32>
      %convert_element_type3A_1221 = arith.sitofp %convert_element_type3A_1220 : vector<16xi32> to vector<16xf32>
      %add3A_1222 = arith.addf %scan3A_1193, %convert_element_type3A_1221 : vector<16xf32>
      %eq3A_1223 = arith.constant 4 : i32
      %eq3A_1224 = vector.broadcast %eq3A_1223 : i32 to vector<16xi32>
      %eq3A_1225 = arith.cmpi eq, %gather3A, %eq3A_1224 : vector<16xi32>
      %convert_element_type3A_1226 = arith.extui %eq3A_1225 : vector<16xi1> to vector<16xi32>
      %convert_element_type3A_1227 = arith.sitofp %convert_element_type3A_1226 : vector<16xi32> to vector<16xf32>
      %add3A_1228 = arith.addf %scan3A_1194, %convert_element_type3A_1227 : vector<16xf32>
      scf.yield %add3A_1204, %add3A_1210, %add3A_1216, %add3A_1222, %add3A_1228 : vector<16xf32>, vector<16xf32>, vector<16xf32>, vector<16xf32>, vector<16xf32>
    }
    %scan3A_119 = arith.constant 32 : i32
    %mul3A_120 = arith.constant 8 : i32
    %mul3A_121 = vector.broadcast %mul3A_120 : i32 to vector<16xi32>
    %mul3A_122 = arith.muli %add3A_103, %mul3A_121 : vector<16xi32>
    %add3A_123 = arith.constant 0 : i32
    %add3A_124 = vector.broadcast %add3A_123 : i32 to vector<16xi32>
    %add3A_125 = arith.addi %mul3A_122, %add3A_124 : vector<16xi32>
    tpu.vector_store_idx %arg12[%add3A_125], %scan3A_118#0 : memref<1280xf32, #tpu.memory_space<vmem>>[vector<16xi32>], vector<16xf32>,
    %mul3A_126 = arith.constant 8 : i32
    %mul3A_127 = vector.broadcast %mul3A_126 : i32 to vector<16xi32>
    %mul3A_128 = arith.muli %add3A_103, %mul3A_127 : vector<16xi32>
    %add3A_129 = arith.constant 1 : i32
    %add3A_130 = vector.broadcast %add3A_129 : i32 to vector<16xi32>
    %add3A_131 = arith.addi %mul3A_128, %add3A_130 : vector<16xi32>
    tpu.vector_store_idx %arg12[%add3A_131], %scan3A_118#1 : memref<1280xf32, #tpu.memory_space<vmem>>[vector<16xi32>], vector<16xf32>,
    %mul3A_132 = arith.constant 8 : i32
    %mul3A_133 = vector.broadcast %mul3A_132 : i32 to vector<16xi32>
    %mul3A_134 = arith.muli %add3A_103, %mul3A_133 : vector<16xi32>
    %add3A_135 = arith.constant 2 : i32
    %add3A_136 = vector.broadcast %add3A_135 : i32 to vector<16xi32>
    %add3A_137 = arith.addi %mul3A_134, %add3A_136 : vector<16xi32>
    tpu.vector_store_idx %arg12[%add3A_137], %scan3A_118#2 : memref<1280xf32, #tpu.memory_space<vmem>>[vector<16xi32>], vector<16xf32>,
    %mul3A_138 = arith.constant 8 : i32
    %mul3A_139 = vector.broadcast %mul3A_138 : i32 to vector<16xi32>
    %mul3A_140 = arith.muli %add3A_103, %mul3A_139 : vector<16xi32>
    %add3A_141 = arith.constant 3 : i32
    %add3A_142 = vector.broadcast %add3A_141 : i32 to vector<16xi32>
    %add3A_143 = arith.addi %mul3A_140, %add3A_142 : vector<16xi32>
    tpu.vector_store_idx %arg12[%add3A_143], %scan3A_118#3 : memref<1280xf32, #tpu.memory_space<vmem>>[vector<16xi32>], vector<16xf32>,
    %mul3A_144 = arith.constant 8 : i32
    %mul3A_145 = vector.broadcast %mul3A_144 : i32 to vector<16xi32>
    %mul3A_146 = arith.muli %add3A_103, %mul3A_145 : vector<16xi32>
    %add3A_147 = arith.constant 4 : i32
    %add3A_148 = vector.broadcast %add3A_147 : i32 to vector<16xi32>
    %add3A_149 = arith.addi %mul3A_146, %add3A_148 : vector<16xi32>
    tpu.vector_store_idx %arg12[%add3A_149], %scan3A_118#4 : memref<1280xf32, #tpu.memory_space<vmem>>[vector<16xi32>], vector<16xf32>,
    %add3A_150 = arith.constant 16 : i32
    %add3A_151 = vector.broadcast %add3A_150 : i32 to vector<16xi32>
    %add3A_152 = arith.addi %add3A_151, %iota3A : vector<16xi32>
    %broadcast_in_dim3A_153 = arith.constant 0.000000e+00 : f32
    %broadcast_in_dim3A_154 = vector.broadcast %broadcast_in_dim3A_153 : f32 to vector<16xf32>
    %broadcast_in_dim3A_155 = arith.constant 0.000000e+00 : f32
    %broadcast_in_dim3A_156 = vector.broadcast %broadcast_in_dim3A_155 : f32 to vector<16xf32>
    %broadcast_in_dim3A_157 = arith.constant 0.000000e+00 : f32
    %broadcast_in_dim3A_158 = vector.broadcast %broadcast_in_dim3A_157 : f32 to vector<16xf32>
    %broadcast_in_dim3A_159 = arith.constant 0.000000e+00 : f32
    %broadcast_in_dim3A_160 = vector.broadcast %broadcast_in_dim3A_159 : f32 to vector<16xf32>
    %broadcast_in_dim3A_161 = arith.constant 0.000000e+00 : f32
    %broadcast_in_dim3A_162 = vector.broadcast %broadcast_in_dim3A_161 : f32 to vector<16xf32>
    %scan3A_163 = arith.constant 0 : i32
    %scan3A_164 = arith.constant 32 : i32
    %scan3A_165 = arith.addi %scan3A_163, %scan3A_164 : i32
    %scan3A_166 = arith.constant 1 : i32
    %scan3A_167:5 = scf.for %scan3A_1189 = %scan3A_163 to %scan3A_165 step %scan3A_166 iter_args(%scan3A_1190 = %broadcast_in_dim3A_154, %scan3A_1191 = %broadcast_in_dim3A_156, %scan3A_1192 = %broadcast_in_dim3A_158, %scan3A_1193 = %broadcast_in_dim3A_160, %scan3A_1194 = %broadcast_in_dim3A_162) -> (vector<16xf32>, vector<16xf32>, vector<16xf32>, vector<16xf32>, vector<16xf32>)  : i32 {
      %add3A_1195 = arith.constant 32 : i32
      %add3A_1196 = arith.addi %add3A_1195, %scan3A_1189 : i32
      %add3A_1197 = vector.broadcast %add3A_1196 : i32 to vector<16xi32>
      %add3A_1198 = arith.addi %broadcast_in_dim3A_14, %add3A_1197 : vector<16xi32>
      %gather3A = tpu.vector_load_idx %arg9[%add3A_152, %add3A_1198] : memref<160x128xi32, #tpu.memory_space<vmem>>[vector<16xi32>, vector<16xi32>], vector<16xi32>,
      %eq3A_1199 = arith.constant 0 : i32
      %eq3A_1200 = vector.broadcast %eq3A_1199 : i32 to vector<16xi32>
      %eq3A_1201 = arith.cmpi eq, %gather3A, %eq3A_1200 : vector<16xi32>
      %convert_element_type3A_1202 = arith.extui %eq3A_1201 : vector<16xi1> to vector<16xi32>
      %convert_element_type3A_1203 = arith.sitofp %convert_element_type3A_1202 : vector<16xi32> to vector<16xf32>
      %add3A_1204 = arith.addf %scan3A_1190, %convert_element_type3A_1203 : vector<16xf32>
      %eq3A_1205 = arith.constant 1 : i32
      %eq3A_1206 = vector.broadcast %eq3A_1205 : i32 to vector<16xi32>
      %eq3A_1207 = arith.cmpi eq, %gather3A, %eq3A_1206 : vector<16xi32>
      %convert_element_type3A_1208 = arith.extui %eq3A_1207 : vector<16xi1> to vector<16xi32>
      %convert_element_type3A_1209 = arith.sitofp %convert_element_type3A_1208 : vector<16xi32> to vector<16xf32>
      %add3A_1210 = arith.addf %scan3A_1191, %convert_element_type3A_1209 : vector<16xf32>
      %eq3A_1211 = arith.constant 2 : i32
      %eq3A_1212 = vector.broadcast %eq3A_1211 : i32 to vector<16xi32>
      %eq3A_1213 = arith.cmpi eq, %gather3A, %eq3A_1212 : vector<16xi32>
      %convert_element_type3A_1214 = arith.extui %eq3A_1213 : vector<16xi1> to vector<16xi32>
      %convert_element_type3A_1215 = arith.sitofp %convert_element_type3A_1214 : vector<16xi32> to vector<16xf32>
      %add3A_1216 = arith.addf %scan3A_1192, %convert_element_type3A_1215 : vector<16xf32>
      %eq3A_1217 = arith.constant 3 : i32
      %eq3A_1218 = vector.broadcast %eq3A_1217 : i32 to vector<16xi32>
      %eq3A_1219 = arith.cmpi eq, %gather3A, %eq3A_1218 : vector<16xi32>
      %convert_element_type3A_1220 = arith.extui %eq3A_1219 : vector<16xi1> to vector<16xi32>
      %convert_element_type3A_1221 = arith.sitofp %convert_element_type3A_1220 : vector<16xi32> to vector<16xf32>
      %add3A_1222 = arith.addf %scan3A_1193, %convert_element_type3A_1221 : vector<16xf32>
      %eq3A_1223 = arith.constant 4 : i32
      %eq3A_1224 = vector.broadcast %eq3A_1223 : i32 to vector<16xi32>
      %eq3A_1225 = arith.cmpi eq, %gather3A, %eq3A_1224 : vector<16xi32>
      %convert_element_type3A_1226 = arith.extui %eq3A_1225 : vector<16xi1> to vector<16xi32>
      %convert_element_type3A_1227 = arith.sitofp %convert_element_type3A_1226 : vector<16xi32> to vector<16xf32>
      %add3A_1228 = arith.addf %scan3A_1194, %convert_element_type3A_1227 : vector<16xf32>
      scf.yield %add3A_1204, %add3A_1210, %add3A_1216, %add3A_1222, %add3A_1228 : vector<16xf32>, vector<16xf32>, vector<16xf32>, vector<16xf32>, vector<16xf32>
    }
    %scan3A_168 = arith.constant 32 : i32
    %mul3A_169 = arith.constant 8 : i32
    %mul3A_170 = vector.broadcast %mul3A_169 : i32 to vector<16xi32>
    %mul3A_171 = arith.muli %add3A_152, %mul3A_170 : vector<16xi32>
    %add3A_172 = arith.constant 0 : i32
    %add3A_173 = vector.broadcast %add3A_172 : i32 to vector<16xi32>
    %add3A_174 = arith.addi %mul3A_171, %add3A_173 : vector<16xi32>
    tpu.vector_store_idx %arg12[%add3A_174], %scan3A_167#0 : memref<1280xf32, #tpu.memory_space<vmem>>[vector<16xi32>], vector<16xf32>,
    %mul3A_175 = arith.constant 8 : i32
    %mul3A_176 = vector.broadcast %mul3A_175 : i32 to vector<16xi32>
    %mul3A_177 = arith.muli %add3A_152, %mul3A_176 : vector<16xi32>
    %add3A_178 = arith.constant 1 : i32
    %add3A_179 = vector.broadcast %add3A_178 : i32 to vector<16xi32>
    %add3A_180 = arith.addi %mul3A_177, %add3A_179 : vector<16xi32>
    tpu.vector_store_idx %arg12[%add3A_180], %scan3A_167#1 : memref<1280xf32, #tpu.memory_space<vmem>>[vector<16xi32>], vector<16xf32>,
    %mul3A_181 = arith.constant 8 : i32
    %mul3A_182 = vector.broadcast %mul3A_181 : i32 to vector<16xi32>
    %mul3A_183 = arith.muli %add3A_152, %mul3A_182 : vector<16xi32>
    %add3A_184 = arith.constant 2 : i32
    %add3A_185 = vector.broadcast %add3A_184 : i32 to vector<16xi32>
    %add3A_186 = arith.addi %mul3A_183, %add3A_185 : vector<16xi32>
    tpu.vector_store_idx %arg12[%add3A_186], %scan3A_167#2 : memref<1280xf32, #tpu.memory_space<vmem>>[vector<16xi32>], vector<16xf32>,
    %mul3A_187 = arith.constant 8 : i32
    %mul3A_188 = vector.broadcast %mul3A_187 : i32 to vector<16xi32>
    %mul3A_189 = arith.muli %add3A_152, %mul3A_188 : vector<16xi32>
    %add3A_190 = arith.constant 3 : i32
    %add3A_191 = vector.broadcast %add3A_190 : i32 to vector<16xi32>
    %add3A_192 = arith.addi %mul3A_189, %add3A_191 : vector<16xi32>
    tpu.vector_store_idx %arg12[%add3A_192], %scan3A_167#3 : memref<1280xf32, #tpu.memory_space<vmem>>[vector<16xi32>], vector<16xf32>,
    %mul3A_193 = arith.constant 8 : i32
    %mul3A_194 = vector.broadcast %mul3A_193 : i32 to vector<16xi32>
    %mul3A_195 = arith.muli %add3A_152, %mul3A_194 : vector<16xi32>
    %add3A_196 = arith.constant 4 : i32
    %add3A_197 = vector.broadcast %add3A_196 : i32 to vector<16xi32>
    %add3A_198 = arith.addi %mul3A_195, %add3A_197 : vector<16xi32>
    tpu.vector_store_idx %arg12[%add3A_198], %scan3A_167#4 : memref<1280xf32, #tpu.memory_space<vmem>>[vector<16xi32>], vector<16xf32>,
    %add3A_199 = arith.constant 32 : i32
    %add3A_200 = vector.broadcast %add3A_199 : i32 to vector<16xi32>
    %add3A_201 = arith.addi %add3A_200, %iota3A : vector<16xi32>
    %broadcast_in_dim3A_202 = arith.constant 0.000000e+00 : f32
    %broadcast_in_dim3A_203 = vector.broadcast %broadcast_in_dim3A_202 : f32 to vector<16xf32>
    %broadcast_in_dim3A_204 = arith.constant 0.000000e+00 : f32
    %broadcast_in_dim3A_205 = vector.broadcast %broadcast_in_dim3A_204 : f32 to vector<16xf32>
    %broadcast_in_dim3A_206 = arith.constant 0.000000e+00 : f32
    %broadcast_in_dim3A_207 = vector.broadcast %broadcast_in_dim3A_206 : f32 to vector<16xf32>
    %broadcast_in_dim3A_208 = arith.constant 0.000000e+00 : f32
    %broadcast_in_dim3A_209 = vector.broadcast %broadcast_in_dim3A_208 : f32 to vector<16xf32>
    %broadcast_in_dim3A_210 = arith.constant 0.000000e+00 : f32
    %broadcast_in_dim3A_211 = vector.broadcast %broadcast_in_dim3A_210 : f32 to vector<16xf32>
    %scan3A_212 = arith.constant 0 : i32
    %scan3A_213 = arith.constant 32 : i32
    %scan3A_214 = arith.addi %scan3A_212, %scan3A_213 : i32
    %scan3A_215 = arith.constant 1 : i32
    %scan3A_216:5 = scf.for %scan3A_1189 = %scan3A_212 to %scan3A_214 step %scan3A_215 iter_args(%scan3A_1190 = %broadcast_in_dim3A_203, %scan3A_1191 = %broadcast_in_dim3A_205, %scan3A_1192 = %broadcast_in_dim3A_207, %scan3A_1193 = %broadcast_in_dim3A_209, %scan3A_1194 = %broadcast_in_dim3A_211) -> (vector<16xf32>, vector<16xf32>, vector<16xf32>, vector<16xf32>, vector<16xf32>)  : i32 {
      %add3A_1195 = arith.constant 32 : i32
      %add3A_1196 = arith.addi %add3A_1195, %scan3A_1189 : i32
      %add3A_1197 = vector.broadcast %add3A_1196 : i32 to vector<16xi32>
      %add3A_1198 = arith.addi %broadcast_in_dim3A_14, %add3A_1197 : vector<16xi32>
      %gather3A = tpu.vector_load_idx %arg9[%add3A_201, %add3A_1198] : memref<160x128xi32, #tpu.memory_space<vmem>>[vector<16xi32>, vector<16xi32>], vector<16xi32>,
      %eq3A_1199 = arith.constant 0 : i32
      %eq3A_1200 = vector.broadcast %eq3A_1199 : i32 to vector<16xi32>
      %eq3A_1201 = arith.cmpi eq, %gather3A, %eq3A_1200 : vector<16xi32>
      %convert_element_type3A_1202 = arith.extui %eq3A_1201 : vector<16xi1> to vector<16xi32>
      %convert_element_type3A_1203 = arith.sitofp %convert_element_type3A_1202 : vector<16xi32> to vector<16xf32>
      %add3A_1204 = arith.addf %scan3A_1190, %convert_element_type3A_1203 : vector<16xf32>
      %eq3A_1205 = arith.constant 1 : i32
      %eq3A_1206 = vector.broadcast %eq3A_1205 : i32 to vector<16xi32>
      %eq3A_1207 = arith.cmpi eq, %gather3A, %eq3A_1206 : vector<16xi32>
      %convert_element_type3A_1208 = arith.extui %eq3A_1207 : vector<16xi1> to vector<16xi32>
      %convert_element_type3A_1209 = arith.sitofp %convert_element_type3A_1208 : vector<16xi32> to vector<16xf32>
      %add3A_1210 = arith.addf %scan3A_1191, %convert_element_type3A_1209 : vector<16xf32>
      %eq3A_1211 = arith.constant 2 : i32
      %eq3A_1212 = vector.broadcast %eq3A_1211 : i32 to vector<16xi32>
      %eq3A_1213 = arith.cmpi eq, %gather3A, %eq3A_1212 : vector<16xi32>
      %convert_element_type3A_1214 = arith.extui %eq3A_1213 : vector<16xi1> to vector<16xi32>
      %convert_element_type3A_1215 = arith.sitofp %convert_element_type3A_1214 : vector<16xi32> to vector<16xf32>
      %add3A_1216 = arith.addf %scan3A_1192, %convert_element_type3A_1215 : vector<16xf32>
      %eq3A_1217 = arith.constant 3 : i32
      %eq3A_1218 = vector.broadcast %eq3A_1217 : i32 to vector<16xi32>
      %eq3A_1219 = arith.cmpi eq, %gather3A, %eq3A_1218 : vector<16xi32>
      %convert_element_type3A_1220 = arith.extui %eq3A_1219 : vector<16xi1> to vector<16xi32>
      %convert_element_type3A_1221 = arith.sitofp %convert_element_type3A_1220 : vector<16xi32> to vector<16xf32>
      %add3A_1222 = arith.addf %scan3A_1193, %convert_element_type3A_1221 : vector<16xf32>
      %eq3A_1223 = arith.constant 4 : i32
      %eq3A_1224 = vector.broadcast %eq3A_1223 : i32 to vector<16xi32>
      %eq3A_1225 = arith.cmpi eq, %gather3A, %eq3A_1224 : vector<16xi32>
      %convert_element_type3A_1226 = arith.extui %eq3A_1225 : vector<16xi1> to vector<16xi32>
      %convert_element_type3A_1227 = arith.sitofp %convert_element_type3A_1226 : vector<16xi32> to vector<16xf32>
      %add3A_1228 = arith.addf %scan3A_1194, %convert_element_type3A_1227 : vector<16xf32>
      scf.yield %add3A_1204, %add3A_1210, %add3A_1216, %add3A_1222, %add3A_1228 : vector<16xf32>, vector<16xf32>, vector<16xf32>, vector<16xf32>, vector<16xf32>
    }
    %scan3A_217 = arith.constant 32 : i32
    %mul3A_218 = arith.constant 8 : i32
    %mul3A_219 = vector.broadcast %mul3A_218 : i32 to vector<16xi32>
    %mul3A_220 = arith.muli %add3A_201, %mul3A_219 : vector<16xi32>
    %add3A_221 = arith.constant 0 : i32
    %add3A_222 = vector.broadcast %add3A_221 : i32 to vector<16xi32>
    %add3A_223 = arith.addi %mul3A_220, %add3A_222 : vector<16xi32>
    tpu.vector_store_idx %arg12[%add3A_223], %scan3A_216#0 : memref<1280xf32, #tpu.memory_space<vmem>>[vector<16xi32>], vector<16xf32>,
    %mul3A_224 = arith.constant 8 : i32
    %mul3A_225 = vector.broadcast %mul3A_224 : i32 to vector<16xi32>
    %mul3A_226 = arith.muli %add3A_201, %mul3A_225 : vector<16xi32>
    %add3A_227 = arith.constant 1 : i32
    %add3A_228 = vector.broadcast %add3A_227 : i32 to vector<16xi32>
    %add3A_229 = arith.addi %mul3A_226, %add3A_228 : vector<16xi32>
    tpu.vector_store_idx %arg12[%add3A_229], %scan3A_216#1 : memref<1280xf32, #tpu.memory_space<vmem>>[vector<16xi32>], vector<16xf32>,
    %mul3A_230 = arith.constant 8 : i32
    %mul3A_231 = vector.broadcast %mul3A_230 : i32 to vector<16xi32>
    %mul3A_232 = arith.muli %add3A_201, %mul3A_231 : vector<16xi32>
    %add3A_233 = arith.constant 2 : i32
    %add3A_234 = vector.broadcast %add3A_233 : i32 to vector<16xi32>
    %add3A_235 = arith.addi %mul3A_232, %add3A_234 : vector<16xi32>
    tpu.vector_store_idx %arg12[%add3A_235], %scan3A_216#2 : memref<1280xf32, #tpu.memory_space<vmem>>[vector<16xi32>], vector<16xf32>,
    %mul3A_236 = arith.constant 8 : i32
    %mul3A_237 = vector.broadcast %mul3A_236 : i32 to vector<16xi32>
    %mul3A_238 = arith.muli %add3A_201, %mul3A_237 : vector<16xi32>
    %add3A_239 = arith.constant 3 : i32
    %add3A_240 = vector.broadcast %add3A_239 : i32 to vector<16xi32>
    %add3A_241 = arith.addi %mul3A_238, %add3A_240 : vector<16xi32>
    tpu.vector_store_idx %arg12[%add3A_241], %scan3A_216#3 : memref<1280xf32, #tpu.memory_space<vmem>>[vector<16xi32>], vector<16xf32>,
    %mul3A_242 = arith.constant 8 : i32
    %mul3A_243 = vector.broadcast %mul3A_242 : i32 to vector<16xi32>
    %mul3A_244 = arith.muli %add3A_201, %mul3A_243 : vector<16xi32>
    %add3A_245 = arith.constant 4 : i32
    %add3A_246 = vector.broadcast %add3A_245 : i32 to vector<16xi32>
    %add3A_247 = arith.addi %mul3A_244, %add3A_246 : vector<16xi32>
    tpu.vector_store_idx %arg12[%add3A_247], %scan3A_216#4 : memref<1280xf32, #tpu.memory_space<vmem>>[vector<16xi32>], vector<16xf32>,
    %add3A_248 = arith.constant 48 : i32
    %add3A_249 = vector.broadcast %add3A_248 : i32 to vector<16xi32>
    %add3A_250 = arith.addi %add3A_249, %iota3A : vector<16xi32>
    %broadcast_in_dim3A_251 = arith.constant 0.000000e+00 : f32
    %broadcast_in_dim3A_252 = vector.broadcast %broadcast_in_dim3A_251 : f32 to vector<16xf32>
    %broadcast_in_dim3A_253 = arith.constant 0.000000e+00 : f32
    %broadcast_in_dim3A_254 = vector.broadcast %broadcast_in_dim3A_253 : f32 to vector<16xf32>
    %broadcast_in_dim3A_255 = arith.constant 0.000000e+00 : f32
    %broadcast_in_dim3A_256 = vector.broadcast %broadcast_in_dim3A_255 : f32 to vector<16xf32>
    %broadcast_in_dim3A_257 = arith.constant 0.000000e+00 : f32
    %broadcast_in_dim3A_258 = vector.broadcast %broadcast_in_dim3A_257 : f32 to vector<16xf32>
    %broadcast_in_dim3A_259 = arith.constant 0.000000e+00 : f32
    %broadcast_in_dim3A_260 = vector.broadcast %broadcast_in_dim3A_259 : f32 to vector<16xf32>
    %scan3A_261 = arith.constant 0 : i32
    %scan3A_262 = arith.constant 32 : i32
    %scan3A_263 = arith.addi %scan3A_261, %scan3A_262 : i32
    %scan3A_264 = arith.constant 1 : i32
    %scan3A_265:5 = scf.for %scan3A_1189 = %scan3A_261 to %scan3A_263 step %scan3A_264 iter_args(%scan3A_1190 = %broadcast_in_dim3A_252, %scan3A_1191 = %broadcast_in_dim3A_254, %scan3A_1192 = %broadcast_in_dim3A_256, %scan3A_1193 = %broadcast_in_dim3A_258, %scan3A_1194 = %broadcast_in_dim3A_260) -> (vector<16xf32>, vector<16xf32>, vector<16xf32>, vector<16xf32>, vector<16xf32>)  : i32 {
      %add3A_1195 = arith.constant 32 : i32
      %add3A_1196 = arith.addi %add3A_1195, %scan3A_1189 : i32
      %add3A_1197 = vector.broadcast %add3A_1196 : i32 to vector<16xi32>
      %add3A_1198 = arith.addi %broadcast_in_dim3A_14, %add3A_1197 : vector<16xi32>
      %gather3A = tpu.vector_load_idx %arg9[%add3A_250, %add3A_1198] : memref<160x128xi32, #tpu.memory_space<vmem>>[vector<16xi32>, vector<16xi32>], vector<16xi32>,
      %eq3A_1199 = arith.constant 0 : i32
      %eq3A_1200 = vector.broadcast %eq3A_1199 : i32 to vector<16xi32>
      %eq3A_1201 = arith.cmpi eq, %gather3A, %eq3A_1200 : vector<16xi32>
      %convert_element_type3A_1202 = arith.extui %eq3A_1201 : vector<16xi1> to vector<16xi32>
      %convert_element_type3A_1203 = arith.sitofp %convert_element_type3A_1202 : vector<16xi32> to vector<16xf32>
      %add3A_1204 = arith.addf %scan3A_1190, %convert_element_type3A_1203 : vector<16xf32>
      %eq3A_1205 = arith.constant 1 : i32
      %eq3A_1206 = vector.broadcast %eq3A_1205 : i32 to vector<16xi32>
      %eq3A_1207 = arith.cmpi eq, %gather3A, %eq3A_1206 : vector<16xi32>
      %convert_element_type3A_1208 = arith.extui %eq3A_1207 : vector<16xi1> to vector<16xi32>
      %convert_element_type3A_1209 = arith.sitofp %convert_element_type3A_1208 : vector<16xi32> to vector<16xf32>
      %add3A_1210 = arith.addf %scan3A_1191, %convert_element_type3A_1209 : vector<16xf32>
      %eq3A_1211 = arith.constant 2 : i32
      %eq3A_1212 = vector.broadcast %eq3A_1211 : i32 to vector<16xi32>
      %eq3A_1213 = arith.cmpi eq, %gather3A, %eq3A_1212 : vector<16xi32>
      %convert_element_type3A_1214 = arith.extui %eq3A_1213 : vector<16xi1> to vector<16xi32>
      %convert_element_type3A_1215 = arith.sitofp %convert_element_type3A_1214 : vector<16xi32> to vector<16xf32>
      %add3A_1216 = arith.addf %scan3A_1192, %convert_element_type3A_1215 : vector<16xf32>
      %eq3A_1217 = arith.constant 3 : i32
      %eq3A_1218 = vector.broadcast %eq3A_1217 : i32 to vector<16xi32>
      %eq3A_1219 = arith.cmpi eq, %gather3A, %eq3A_1218 : vector<16xi32>
      %convert_element_type3A_1220 = arith.extui %eq3A_1219 : vector<16xi1> to vector<16xi32>
      %convert_element_type3A_1221 = arith.sitofp %convert_element_type3A_1220 : vector<16xi32> to vector<16xf32>
      %add3A_1222 = arith.addf %scan3A_1193, %convert_element_type3A_1221 : vector<16xf32>
      %eq3A_1223 = arith.constant 4 : i32
      %eq3A_1224 = vector.broadcast %eq3A_1223 : i32 to vector<16xi32>
      %eq3A_1225 = arith.cmpi eq, %gather3A, %eq3A_1224 : vector<16xi32>
      %convert_element_type3A_1226 = arith.extui %eq3A_1225 : vector<16xi1> to vector<16xi32>
      %convert_element_type3A_1227 = arith.sitofp %convert_element_type3A_1226 : vector<16xi32> to vector<16xf32>
      %add3A_1228 = arith.addf %scan3A_1194, %convert_element_type3A_1227 : vector<16xf32>
      scf.yield %add3A_1204, %add3A_1210, %add3A_1216, %add3A_1222, %add3A_1228 : vector<16xf32>, vector<16xf32>, vector<16xf32>, vector<16xf32>, vector<16xf32>
    }
    %scan3A_266 = arith.constant 32 : i32
    %mul3A_267 = arith.constant 8 : i32
    %mul3A_268 = vector.broadcast %mul3A_267 : i32 to vector<16xi32>
    %mul3A_269 = arith.muli %add3A_250, %mul3A_268 : vector<16xi32>
    %add3A_270 = arith.constant 0 : i32
    %add3A_271 = vector.broadcast %add3A_270 : i32 to vector<16xi32>
    %add3A_272 = arith.addi %mul3A_269, %add3A_271 : vector<16xi32>
    tpu.vector_store_idx %arg12[%add3A_272], %scan3A_265#0 : memref<1280xf32, #tpu.memory_space<vmem>>[vector<16xi32>], vector<16xf32>,
    %mul3A_273 = arith.constant 8 : i32
    %mul3A_274 = vector.broadcast %mul3A_273 : i32 to vector<16xi32>
    %mul3A_275 = arith.muli %add3A_250, %mul3A_274 : vector<16xi32>
    %add3A_276 = arith.constant 1 : i32
    %add3A_277 = vector.broadcast %add3A_276 : i32 to vector<16xi32>
    %add3A_278 = arith.addi %mul3A_275, %add3A_277 : vector<16xi32>
    tpu.vector_store_idx %arg12[%add3A_278], %scan3A_265#1 : memref<1280xf32, #tpu.memory_space<vmem>>[vector<16xi32>], vector<16xf32>,
    %mul3A_279 = arith.constant 8 : i32
    %mul3A_280 = vector.broadcast %mul3A_279 : i32 to vector<16xi32>
    %mul3A_281 = arith.muli %add3A_250, %mul3A_280 : vector<16xi32>
    %add3A_282 = arith.constant 2 : i32
    %add3A_283 = vector.broadcast %add3A_282 : i32 to vector<16xi32>
    %add3A_284 = arith.addi %mul3A_281, %add3A_283 : vector<16xi32>
    tpu.vector_store_idx %arg12[%add3A_284], %scan3A_265#2 : memref<1280xf32, #tpu.memory_space<vmem>>[vector<16xi32>], vector<16xf32>,
    %mul3A_285 = arith.constant 8 : i32
    %mul3A_286 = vector.broadcast %mul3A_285 : i32 to vector<16xi32>
    %mul3A_287 = arith.muli %add3A_250, %mul3A_286 : vector<16xi32>
    %add3A_288 = arith.constant 3 : i32
    %add3A_289 = vector.broadcast %add3A_288 : i32 to vector<16xi32>
    %add3A_290 = arith.addi %mul3A_287, %add3A_289 : vector<16xi32>
    tpu.vector_store_idx %arg12[%add3A_290], %scan3A_265#3 : memref<1280xf32, #tpu.memory_space<vmem>>[vector<16xi32>], vector<16xf32>,
    %mul3A_291 = arith.constant 8 : i32
    %mul3A_292 = vector.broadcast %mul3A_291 : i32 to vector<16xi32>
    %mul3A_293 = arith.muli %add3A_250, %mul3A_292 : vector<16xi32>
    %add3A_294 = arith.constant 4 : i32
    %add3A_295 = vector.broadcast %add3A_294 : i32 to vector<16xi32>
    %add3A_296 = arith.addi %mul3A_293, %add3A_295 : vector<16xi32>
    tpu.vector_store_idx %arg12[%add3A_296], %scan3A_265#4 : memref<1280xf32, #tpu.memory_space<vmem>>[vector<16xi32>], vector<16xf32>,
    %add3A_297 = arith.constant 64 : i32
    %add3A_298 = vector.broadcast %add3A_297 : i32 to vector<16xi32>
    %add3A_299 = arith.addi %add3A_298, %iota3A : vector<16xi32>
    %broadcast_in_dim3A_300 = arith.constant 0.000000e+00 : f32
    %broadcast_in_dim3A_301 = vector.broadcast %broadcast_in_dim3A_300 : f32 to vector<16xf32>
    %broadcast_in_dim3A_302 = arith.constant 0.000000e+00 : f32
    %broadcast_in_dim3A_303 = vector.broadcast %broadcast_in_dim3A_302 : f32 to vector<16xf32>
    %broadcast_in_dim3A_304 = arith.constant 0.000000e+00 : f32
    %broadcast_in_dim3A_305 = vector.broadcast %broadcast_in_dim3A_304 : f32 to vector<16xf32>
    %broadcast_in_dim3A_306 = arith.constant 0.000000e+00 : f32
    %broadcast_in_dim3A_307 = vector.broadcast %broadcast_in_dim3A_306 : f32 to vector<16xf32>
    %broadcast_in_dim3A_308 = arith.constant 0.000000e+00 : f32
    %broadcast_in_dim3A_309 = vector.broadcast %broadcast_in_dim3A_308 : f32 to vector<16xf32>
    %scan3A_310 = arith.constant 0 : i32
    %scan3A_311 = arith.constant 32 : i32
    %scan3A_312 = arith.addi %scan3A_310, %scan3A_311 : i32
    %scan3A_313 = arith.constant 1 : i32
    %scan3A_314:5 = scf.for %scan3A_1189 = %scan3A_310 to %scan3A_312 step %scan3A_313 iter_args(%scan3A_1190 = %broadcast_in_dim3A_301, %scan3A_1191 = %broadcast_in_dim3A_303, %scan3A_1192 = %broadcast_in_dim3A_305, %scan3A_1193 = %broadcast_in_dim3A_307, %scan3A_1194 = %broadcast_in_dim3A_309) -> (vector<16xf32>, vector<16xf32>, vector<16xf32>, vector<16xf32>, vector<16xf32>)  : i32 {
      %add3A_1195 = arith.constant 32 : i32
      %add3A_1196 = arith.addi %add3A_1195, %scan3A_1189 : i32
      %add3A_1197 = vector.broadcast %add3A_1196 : i32 to vector<16xi32>
      %add3A_1198 = arith.addi %broadcast_in_dim3A_14, %add3A_1197 : vector<16xi32>
      %gather3A = tpu.vector_load_idx %arg9[%add3A_299, %add3A_1198] : memref<160x128xi32, #tpu.memory_space<vmem>>[vector<16xi32>, vector<16xi32>], vector<16xi32>,
      %eq3A_1199 = arith.constant 0 : i32
      %eq3A_1200 = vector.broadcast %eq3A_1199 : i32 to vector<16xi32>
      %eq3A_1201 = arith.cmpi eq, %gather3A, %eq3A_1200 : vector<16xi32>
      %convert_element_type3A_1202 = arith.extui %eq3A_1201 : vector<16xi1> to vector<16xi32>
      %convert_element_type3A_1203 = arith.sitofp %convert_element_type3A_1202 : vector<16xi32> to vector<16xf32>
      %add3A_1204 = arith.addf %scan3A_1190, %convert_element_type3A_1203 : vector<16xf32>
      %eq3A_1205 = arith.constant 1 : i32
      %eq3A_1206 = vector.broadcast %eq3A_1205 : i32 to vector<16xi32>
      %eq3A_1207 = arith.cmpi eq, %gather3A, %eq3A_1206 : vector<16xi32>
      %convert_element_type3A_1208 = arith.extui %eq3A_1207 : vector<16xi1> to vector<16xi32>
      %convert_element_type3A_1209 = arith.sitofp %convert_element_type3A_1208 : vector<16xi32> to vector<16xf32>
      %add3A_1210 = arith.addf %scan3A_1191, %convert_element_type3A_1209 : vector<16xf32>
      %eq3A_1211 = arith.constant 2 : i32
      %eq3A_1212 = vector.broadcast %eq3A_1211 : i32 to vector<16xi32>
      %eq3A_1213 = arith.cmpi eq, %gather3A, %eq3A_1212 : vector<16xi32>
      %convert_element_type3A_1214 = arith.extui %eq3A_1213 : vector<16xi1> to vector<16xi32>
      %convert_element_type3A_1215 = arith.sitofp %convert_element_type3A_1214 : vector<16xi32> to vector<16xf32>
      %add3A_1216 = arith.addf %scan3A_1192, %convert_element_type3A_1215 : vector<16xf32>
      %eq3A_1217 = arith.constant 3 : i32
      %eq3A_1218 = vector.broadcast %eq3A_1217 : i32 to vector<16xi32>
      %eq3A_1219 = arith.cmpi eq, %gather3A, %eq3A_1218 : vector<16xi32>
      %convert_element_type3A_1220 = arith.extui %eq3A_1219 : vector<16xi1> to vector<16xi32>
      %convert_element_type3A_1221 = arith.sitofp %convert_element_type3A_1220 : vector<16xi32> to vector<16xf32>
      %add3A_1222 = arith.addf %scan3A_1193, %convert_element_type3A_1221 : vector<16xf32>
      %eq3A_1223 = arith.constant 4 : i32
      %eq3A_1224 = vector.broadcast %eq3A_1223 : i32 to vector<16xi32>
      %eq3A_1225 = arith.cmpi eq, %gather3A, %eq3A_1224 : vector<16xi32>
      %convert_element_type3A_1226 = arith.extui %eq3A_1225 : vector<16xi1> to vector<16xi32>
      %convert_element_type3A_1227 = arith.sitofp %convert_element_type3A_1226 : vector<16xi32> to vector<16xf32>
      %add3A_1228 = arith.addf %scan3A_1194, %convert_element_type3A_1227 : vector<16xf32>
      scf.yield %add3A_1204, %add3A_1210, %add3A_1216, %add3A_1222, %add3A_1228 : vector<16xf32>, vector<16xf32>, vector<16xf32>, vector<16xf32>, vector<16xf32>
    }
    %scan3A_315 = arith.constant 32 : i32
    %mul3A_316 = arith.constant 8 : i32
    %mul3A_317 = vector.broadcast %mul3A_316 : i32 to vector<16xi32>
    %mul3A_318 = arith.muli %add3A_299, %mul3A_317 : vector<16xi32>
    %add3A_319 = arith.constant 0 : i32
    %add3A_320 = vector.broadcast %add3A_319 : i32 to vector<16xi32>
    %add3A_321 = arith.addi %mul3A_318, %add3A_320 : vector<16xi32>
    tpu.vector_store_idx %arg12[%add3A_321], %scan3A_314#0 : memref<1280xf32, #tpu.memory_space<vmem>>[vector<16xi32>], vector<16xf32>,
    %mul3A_322 = arith.constant 8 : i32
    %mul3A_323 = vector.broadcast %mul3A_322 : i32 to vector<16xi32>
    %mul3A_324 = arith.muli %add3A_299, %mul3A_323 : vector<16xi32>
    %add3A_325 = arith.constant 1 : i32
    %add3A_326 = vector.broadcast %add3A_325 : i32 to vector<16xi32>
    %add3A_327 = arith.addi %mul3A_324, %add3A_326 : vector<16xi32>
    tpu.vector_store_idx %arg12[%add3A_327], %scan3A_314#1 : memref<1280xf32, #tpu.memory_space<vmem>>[vector<16xi32>], vector<16xf32>,
    %mul3A_328 = arith.constant 8 : i32
    %mul3A_329 = vector.broadcast %mul3A_328 : i32 to vector<16xi32>
    %mul3A_330 = arith.muli %add3A_299, %mul3A_329 : vector<16xi32>
    %add3A_331 = arith.constant 2 : i32
    %add3A_332 = vector.broadcast %add3A_331 : i32 to vector<16xi32>
    %add3A_333 = arith.addi %mul3A_330, %add3A_332 : vector<16xi32>
    tpu.vector_store_idx %arg12[%add3A_333], %scan3A_314#2 : memref<1280xf32, #tpu.memory_space<vmem>>[vector<16xi32>], vector<16xf32>,
    %mul3A_334 = arith.constant 8 : i32
    %mul3A_335 = vector.broadcast %mul3A_334 : i32 to vector<16xi32>
    %mul3A_336 = arith.muli %add3A_299, %mul3A_335 : vector<16xi32>
    %add3A_337 = arith.constant 3 : i32
    %add3A_338 = vector.broadcast %add3A_337 : i32 to vector<16xi32>
    %add3A_339 = arith.addi %mul3A_336, %add3A_338 : vector<16xi32>
    tpu.vector_store_idx %arg12[%add3A_339], %scan3A_314#3 : memref<1280xf32, #tpu.memory_space<vmem>>[vector<16xi32>], vector<16xf32>,
    %mul3A_340 = arith.constant 8 : i32
    %mul3A_341 = vector.broadcast %mul3A_340 : i32 to vector<16xi32>
    %mul3A_342 = arith.muli %add3A_299, %mul3A_341 : vector<16xi32>
    %add3A_343 = arith.constant 4 : i32
    %add3A_344 = vector.broadcast %add3A_343 : i32 to vector<16xi32>
    %add3A_345 = arith.addi %mul3A_342, %add3A_344 : vector<16xi32>
    tpu.vector_store_idx %arg12[%add3A_345], %scan3A_314#4 : memref<1280xf32, #tpu.memory_space<vmem>>[vector<16xi32>], vector<16xf32>,
    %add3A_346 = arith.constant 80 : i32
    %add3A_347 = vector.broadcast %add3A_346 : i32 to vector<16xi32>
    %add3A_348 = arith.addi %add3A_347, %iota3A : vector<16xi32>
    %broadcast_in_dim3A_349 = arith.constant 0.000000e+00 : f32
    %broadcast_in_dim3A_350 = vector.broadcast %broadcast_in_dim3A_349 : f32 to vector<16xf32>
    %broadcast_in_dim3A_351 = arith.constant 0.000000e+00 : f32
    %broadcast_in_dim3A_352 = vector.broadcast %broadcast_in_dim3A_351 : f32 to vector<16xf32>
    %broadcast_in_dim3A_353 = arith.constant 0.000000e+00 : f32
    %broadcast_in_dim3A_354 = vector.broadcast %broadcast_in_dim3A_353 : f32 to vector<16xf32>
    %broadcast_in_dim3A_355 = arith.constant 0.000000e+00 : f32
    %broadcast_in_dim3A_356 = vector.broadcast %broadcast_in_dim3A_355 : f32 to vector<16xf32>
    %broadcast_in_dim3A_357 = arith.constant 0.000000e+00 : f32
    %broadcast_in_dim3A_358 = vector.broadcast %broadcast_in_dim3A_357 : f32 to vector<16xf32>
    %scan3A_359 = arith.constant 0 : i32
    %scan3A_360 = arith.constant 32 : i32
    %scan3A_361 = arith.addi %scan3A_359, %scan3A_360 : i32
    %scan3A_362 = arith.constant 1 : i32
    %scan3A_363:5 = scf.for %scan3A_1189 = %scan3A_359 to %scan3A_361 step %scan3A_362 iter_args(%scan3A_1190 = %broadcast_in_dim3A_350, %scan3A_1191 = %broadcast_in_dim3A_352, %scan3A_1192 = %broadcast_in_dim3A_354, %scan3A_1193 = %broadcast_in_dim3A_356, %scan3A_1194 = %broadcast_in_dim3A_358) -> (vector<16xf32>, vector<16xf32>, vector<16xf32>, vector<16xf32>, vector<16xf32>)  : i32 {
      %add3A_1195 = arith.constant 32 : i32
      %add3A_1196 = arith.addi %add3A_1195, %scan3A_1189 : i32
      %add3A_1197 = vector.broadcast %add3A_1196 : i32 to vector<16xi32>
      %add3A_1198 = arith.addi %broadcast_in_dim3A_14, %add3A_1197 : vector<16xi32>
      %gather3A = tpu.vector_load_idx %arg9[%add3A_348, %add3A_1198] : memref<160x128xi32, #tpu.memory_space<vmem>>[vector<16xi32>, vector<16xi32>], vector<16xi32>,
      %eq3A_1199 = arith.constant 0 : i32
      %eq3A_1200 = vector.broadcast %eq3A_1199 : i32 to vector<16xi32>
      %eq3A_1201 = arith.cmpi eq, %gather3A, %eq3A_1200 : vector<16xi32>
      %convert_element_type3A_1202 = arith.extui %eq3A_1201 : vector<16xi1> to vector<16xi32>
      %convert_element_type3A_1203 = arith.sitofp %convert_element_type3A_1202 : vector<16xi32> to vector<16xf32>
      %add3A_1204 = arith.addf %scan3A_1190, %convert_element_type3A_1203 : vector<16xf32>
      %eq3A_1205 = arith.constant 1 : i32
      %eq3A_1206 = vector.broadcast %eq3A_1205 : i32 to vector<16xi32>
      %eq3A_1207 = arith.cmpi eq, %gather3A, %eq3A_1206 : vector<16xi32>
      %convert_element_type3A_1208 = arith.extui %eq3A_1207 : vector<16xi1> to vector<16xi32>
      %convert_element_type3A_1209 = arith.sitofp %convert_element_type3A_1208 : vector<16xi32> to vector<16xf32>
      %add3A_1210 = arith.addf %scan3A_1191, %convert_element_type3A_1209 : vector<16xf32>
      %eq3A_1211 = arith.constant 2 : i32
      %eq3A_1212 = vector.broadcast %eq3A_1211 : i32 to vector<16xi32>
      %eq3A_1213 = arith.cmpi eq, %gather3A, %eq3A_1212 : vector<16xi32>
      %convert_element_type3A_1214 = arith.extui %eq3A_1213 : vector<16xi1> to vector<16xi32>
      %convert_element_type3A_1215 = arith.sitofp %convert_element_type3A_1214 : vector<16xi32> to vector<16xf32>
      %add3A_1216 = arith.addf %scan3A_1192, %convert_element_type3A_1215 : vector<16xf32>
      %eq3A_1217 = arith.constant 3 : i32
      %eq3A_1218 = vector.broadcast %eq3A_1217 : i32 to vector<16xi32>
      %eq3A_1219 = arith.cmpi eq, %gather3A, %eq3A_1218 : vector<16xi32>
      %convert_element_type3A_1220 = arith.extui %eq3A_1219 : vector<16xi1> to vector<16xi32>
      %convert_element_type3A_1221 = arith.sitofp %convert_element_type3A_1220 : vector<16xi32> to vector<16xf32>
      %add3A_1222 = arith.addf %scan3A_1193, %convert_element_type3A_1221 : vector<16xf32>
      %eq3A_1223 = arith.constant 4 : i32
      %eq3A_1224 = vector.broadcast %eq3A_1223 : i32 to vector<16xi32>
      %eq3A_1225 = arith.cmpi eq, %gather3A, %eq3A_1224 : vector<16xi32>
      %convert_element_type3A_1226 = arith.extui %eq3A_1225 : vector<16xi1> to vector<16xi32>
      %convert_element_type3A_1227 = arith.sitofp %convert_element_type3A_1226 : vector<16xi32> to vector<16xf32>
      %add3A_1228 = arith.addf %scan3A_1194, %convert_element_type3A_1227 : vector<16xf32>
      scf.yield %add3A_1204, %add3A_1210, %add3A_1216, %add3A_1222, %add3A_1228 : vector<16xf32>, vector<16xf32>, vector<16xf32>, vector<16xf32>, vector<16xf32>
    }
    %scan3A_364 = arith.constant 32 : i32
    %mul3A_365 = arith.constant 8 : i32
    %mul3A_366 = vector.broadcast %mul3A_365 : i32 to vector<16xi32>
    %mul3A_367 = arith.muli %add3A_348, %mul3A_366 : vector<16xi32>
    %add3A_368 = arith.constant 0 : i32
    %add3A_369 = vector.broadcast %add3A_368 : i32 to vector<16xi32>
    %add3A_370 = arith.addi %mul3A_367, %add3A_369 : vector<16xi32>
    tpu.vector_store_idx %arg12[%add3A_370], %scan3A_363#0 : memref<1280xf32, #tpu.memory_space<vmem>>[vector<16xi32>], vector<16xf32>,
    %mul3A_371 = arith.constant 8 : i32
    %mul3A_372 = vector.broadcast %mul3A_371 : i32 to vector<16xi32>
    %mul3A_373 = arith.muli %add3A_348, %mul3A_372 : vector<16xi32>
    %add3A_374 = arith.constant 1 : i32
    %add3A_375 = vector.broadcast %add3A_374 : i32 to vector<16xi32>
    %add3A_376 = arith.addi %mul3A_373, %add3A_375 : vector<16xi32>
    tpu.vector_store_idx %arg12[%add3A_376], %scan3A_363#1 : memref<1280xf32, #tpu.memory_space<vmem>>[vector<16xi32>], vector<16xf32>,
    %mul3A_377 = arith.constant 8 : i32
    %mul3A_378 = vector.broadcast %mul3A_377 : i32 to vector<16xi32>
    %mul3A_379 = arith.muli %add3A_348, %mul3A_378 : vector<16xi32>
    %add3A_380 = arith.constant 2 : i32
    %add3A_381 = vector.broadcast %add3A_380 : i32 to vector<16xi32>
    %add3A_382 = arith.addi %mul3A_379, %add3A_381 : vector<16xi32>
    tpu.vector_store_idx %arg12[%add3A_382], %scan3A_363#2 : memref<1280xf32, #tpu.memory_space<vmem>>[vector<16xi32>], vector<16xf32>,
    %mul3A_383 = arith.constant 8 : i32
    %mul3A_384 = vector.broadcast %mul3A_383 : i32 to vector<16xi32>
    %mul3A_385 = arith.muli %add3A_348, %mul3A_384 : vector<16xi32>
    %add3A_386 = arith.constant 3 : i32
    %add3A_387 = vector.broadcast %add3A_386 : i32 to vector<16xi32>
    %add3A_388 = arith.addi %mul3A_385, %add3A_387 : vector<16xi32>
    tpu.vector_store_idx %arg12[%add3A_388], %scan3A_363#3 : memref<1280xf32, #tpu.memory_space<vmem>>[vector<16xi32>], vector<16xf32>,
    %mul3A_389 = arith.constant 8 : i32
    %mul3A_390 = vector.broadcast %mul3A_389 : i32 to vector<16xi32>
    %mul3A_391 = arith.muli %add3A_348, %mul3A_390 : vector<16xi32>
    %add3A_392 = arith.constant 4 : i32
    %add3A_393 = vector.broadcast %add3A_392 : i32 to vector<16xi32>
    %add3A_394 = arith.addi %mul3A_391, %add3A_393 : vector<16xi32>
    tpu.vector_store_idx %arg12[%add3A_394], %scan3A_363#4 : memref<1280xf32, #tpu.memory_space<vmem>>[vector<16xi32>], vector<16xf32>,
    %add3A_395 = arith.constant 96 : i32
    %add3A_396 = vector.broadcast %add3A_395 : i32 to vector<16xi32>
    %add3A_397 = arith.addi %add3A_396, %iota3A : vector<16xi32>
    %broadcast_in_dim3A_398 = arith.constant 0.000000e+00 : f32
    %broadcast_in_dim3A_399 = vector.broadcast %broadcast_in_dim3A_398 : f32 to vector<16xf32>
    %broadcast_in_dim3A_400 = arith.constant 0.000000e+00 : f32
    %broadcast_in_dim3A_401 = vector.broadcast %broadcast_in_dim3A_400 : f32 to vector<16xf32>
    %broadcast_in_dim3A_402 = arith.constant 0.000000e+00 : f32
    %broadcast_in_dim3A_403 = vector.broadcast %broadcast_in_dim3A_402 : f32 to vector<16xf32>
    %broadcast_in_dim3A_404 = arith.constant 0.000000e+00 : f32
    %broadcast_in_dim3A_405 = vector.broadcast %broadcast_in_dim3A_404 : f32 to vector<16xf32>
    %broadcast_in_dim3A_406 = arith.constant 0.000000e+00 : f32
    %broadcast_in_dim3A_407 = vector.broadcast %broadcast_in_dim3A_406 : f32 to vector<16xf32>
    %scan3A_408 = arith.constant 0 : i32
    %scan3A_409 = arith.constant 32 : i32
    %scan3A_410 = arith.addi %scan3A_408, %scan3A_409 : i32
    %scan3A_411 = arith.constant 1 : i32
    %scan3A_412:5 = scf.for %scan3A_1189 = %scan3A_408 to %scan3A_410 step %scan3A_411 iter_args(%scan3A_1190 = %broadcast_in_dim3A_399, %scan3A_1191 = %broadcast_in_dim3A_401, %scan3A_1192 = %broadcast_in_dim3A_403, %scan3A_1193 = %broadcast_in_dim3A_405, %scan3A_1194 = %broadcast_in_dim3A_407) -> (vector<16xf32>, vector<16xf32>, vector<16xf32>, vector<16xf32>, vector<16xf32>)  : i32 {
      %add3A_1195 = arith.constant 32 : i32
      %add3A_1196 = arith.addi %add3A_1195, %scan3A_1189 : i32
      %add3A_1197 = vector.broadcast %add3A_1196 : i32 to vector<16xi32>
      %add3A_1198 = arith.addi %broadcast_in_dim3A_14, %add3A_1197 : vector<16xi32>
      %gather3A = tpu.vector_load_idx %arg9[%add3A_397, %add3A_1198] : memref<160x128xi32, #tpu.memory_space<vmem>>[vector<16xi32>, vector<16xi32>], vector<16xi32>,
      %eq3A_1199 = arith.constant 0 : i32
      %eq3A_1200 = vector.broadcast %eq3A_1199 : i32 to vector<16xi32>
      %eq3A_1201 = arith.cmpi eq, %gather3A, %eq3A_1200 : vector<16xi32>
      %convert_element_type3A_1202 = arith.extui %eq3A_1201 : vector<16xi1> to vector<16xi32>
      %convert_element_type3A_1203 = arith.sitofp %convert_element_type3A_1202 : vector<16xi32> to vector<16xf32>
      %add3A_1204 = arith.addf %scan3A_1190, %convert_element_type3A_1203 : vector<16xf32>
      %eq3A_1205 = arith.constant 1 : i32
      %eq3A_1206 = vector.broadcast %eq3A_1205 : i32 to vector<16xi32>
      %eq3A_1207 = arith.cmpi eq, %gather3A, %eq3A_1206 : vector<16xi32>
      %convert_element_type3A_1208 = arith.extui %eq3A_1207 : vector<16xi1> to vector<16xi32>
      %convert_element_type3A_1209 = arith.sitofp %convert_element_type3A_1208 : vector<16xi32> to vector<16xf32>
      %add3A_1210 = arith.addf %scan3A_1191, %convert_element_type3A_1209 : vector<16xf32>
      %eq3A_1211 = arith.constant 2 : i32
      %eq3A_1212 = vector.broadcast %eq3A_1211 : i32 to vector<16xi32>
      %eq3A_1213 = arith.cmpi eq, %gather3A, %eq3A_1212 : vector<16xi32>
      %convert_element_type3A_1214 = arith.extui %eq3A_1213 : vector<16xi1> to vector<16xi32>
      %convert_element_type3A_1215 = arith.sitofp %convert_element_type3A_1214 : vector<16xi32> to vector<16xf32>
      %add3A_1216 = arith.addf %scan3A_1192, %convert_element_type3A_1215 : vector<16xf32>
      %eq3A_1217 = arith.constant 3 : i32
      %eq3A_1218 = vector.broadcast %eq3A_1217 : i32 to vector<16xi32>
      %eq3A_1219 = arith.cmpi eq, %gather3A, %eq3A_1218 : vector<16xi32>
      %convert_element_type3A_1220 = arith.extui %eq3A_1219 : vector<16xi1> to vector<16xi32>
      %convert_element_type3A_1221 = arith.sitofp %convert_element_type3A_1220 : vector<16xi32> to vector<16xf32>
      %add3A_1222 = arith.addf %scan3A_1193, %convert_element_type3A_1221 : vector<16xf32>
      %eq3A_1223 = arith.constant 4 : i32
      %eq3A_1224 = vector.broadcast %eq3A_1223 : i32 to vector<16xi32>
      %eq3A_1225 = arith.cmpi eq, %gather3A, %eq3A_1224 : vector<16xi32>
      %convert_element_type3A_1226 = arith.extui %eq3A_1225 : vector<16xi1> to vector<16xi32>
      %convert_element_type3A_1227 = arith.sitofp %convert_element_type3A_1226 : vector<16xi32> to vector<16xf32>
      %add3A_1228 = arith.addf %scan3A_1194, %convert_element_type3A_1227 : vector<16xf32>
      scf.yield %add3A_1204, %add3A_1210, %add3A_1216, %add3A_1222, %add3A_1228 : vector<16xf32>, vector<16xf32>, vector<16xf32>, vector<16xf32>, vector<16xf32>
    }
    %scan3A_413 = arith.constant 32 : i32
    %mul3A_414 = arith.constant 8 : i32
    %mul3A_415 = vector.broadcast %mul3A_414 : i32 to vector<16xi32>
    %mul3A_416 = arith.muli %add3A_397, %mul3A_415 : vector<16xi32>
    %add3A_417 = arith.constant 0 : i32
    %add3A_418 = vector.broadcast %add3A_417 : i32 to vector<16xi32>
    %add3A_419 = arith.addi %mul3A_416, %add3A_418 : vector<16xi32>
    tpu.vector_store_idx %arg12[%add3A_419], %scan3A_412#0 : memref<1280xf32, #tpu.memory_space<vmem>>[vector<16xi32>], vector<16xf32>,
    %mul3A_420 = arith.constant 8 : i32
    %mul3A_421 = vector.broadcast %mul3A_420 : i32 to vector<16xi32>
    %mul3A_422 = arith.muli %add3A_397, %mul3A_421 : vector<16xi32>
    %add3A_423 = arith.constant 1 : i32
    %add3A_424 = vector.broadcast %add3A_423 : i32 to vector<16xi32>
    %add3A_425 = arith.addi %mul3A_422, %add3A_424 : vector<16xi32>
    tpu.vector_store_idx %arg12[%add3A_425], %scan3A_412#1 : memref<1280xf32, #tpu.memory_space<vmem>>[vector<16xi32>], vector<16xf32>,
    %mul3A_426 = arith.constant 8 : i32
    %mul3A_427 = vector.broadcast %mul3A_426 : i32 to vector<16xi32>
    %mul3A_428 = arith.muli %add3A_397, %mul3A_427 : vector<16xi32>
    %add3A_429 = arith.constant 2 : i32
    %add3A_430 = vector.broadcast %add3A_429 : i32 to vector<16xi32>
    %add3A_431 = arith.addi %mul3A_428, %add3A_430 : vector<16xi32>
    tpu.vector_store_idx %arg12[%add3A_431], %scan3A_412#2 : memref<1280xf32, #tpu.memory_space<vmem>>[vector<16xi32>], vector<16xf32>,
    %mul3A_432 = arith.constant 8 : i32
    %mul3A_433 = vector.broadcast %mul3A_432 : i32 to vector<16xi32>
    %mul3A_434 = arith.muli %add3A_397, %mul3A_433 : vector<16xi32>
    %add3A_435 = arith.constant 3 : i32
    %add3A_436 = vector.broadcast %add3A_435 : i32 to vector<16xi32>
    %add3A_437 = arith.addi %mul3A_434, %add3A_436 : vector<16xi32>
    tpu.vector_store_idx %arg12[%add3A_437], %scan3A_412#3 : memref<1280xf32, #tpu.memory_space<vmem>>[vector<16xi32>], vector<16xf32>,
    %mul3A_438 = arith.constant 8 : i32
    %mul3A_439 = vector.broadcast %mul3A_438 : i32 to vector<16xi32>
    %mul3A_440 = arith.muli %add3A_397, %mul3A_439 : vector<16xi32>
    %add3A_441 = arith.constant 4 : i32
    %add3A_442 = vector.broadcast %add3A_441 : i32 to vector<16xi32>
    %add3A_443 = arith.addi %mul3A_440, %add3A_442 : vector<16xi32>
    tpu.vector_store_idx %arg12[%add3A_443], %scan3A_412#4 : memref<1280xf32, #tpu.memory_space<vmem>>[vector<16xi32>], vector<16xf32>,
    %add3A_444 = arith.constant 112 : i32
    %add3A_445 = vector.broadcast %add3A_444 : i32 to vector<16xi32>
    %add3A_446 = arith.addi %add3A_445, %iota3A : vector<16xi32>
    %broadcast_in_dim3A_447 = arith.constant 0.000000e+00 : f32
    %broadcast_in_dim3A_448 = vector.broadcast %broadcast_in_dim3A_447 : f32 to vector<16xf32>
    %broadcast_in_dim3A_449 = arith.constant 0.000000e+00 : f32
    %broadcast_in_dim3A_450 = vector.broadcast %broadcast_in_dim3A_449 : f32 to vector<16xf32>
    %broadcast_in_dim3A_451 = arith.constant 0.000000e+00 : f32
    %broadcast_in_dim3A_452 = vector.broadcast %broadcast_in_dim3A_451 : f32 to vector<16xf32>
    %broadcast_in_dim3A_453 = arith.constant 0.000000e+00 : f32
    %broadcast_in_dim3A_454 = vector.broadcast %broadcast_in_dim3A_453 : f32 to vector<16xf32>
    %broadcast_in_dim3A_455 = arith.constant 0.000000e+00 : f32
    %broadcast_in_dim3A_456 = vector.broadcast %broadcast_in_dim3A_455 : f32 to vector<16xf32>
    %scan3A_457 = arith.constant 0 : i32
    %scan3A_458 = arith.constant 32 : i32
    %scan3A_459 = arith.addi %scan3A_457, %scan3A_458 : i32
    %scan3A_460 = arith.constant 1 : i32
    %scan3A_461:5 = scf.for %scan3A_1189 = %scan3A_457 to %scan3A_459 step %scan3A_460 iter_args(%scan3A_1190 = %broadcast_in_dim3A_448, %scan3A_1191 = %broadcast_in_dim3A_450, %scan3A_1192 = %broadcast_in_dim3A_452, %scan3A_1193 = %broadcast_in_dim3A_454, %scan3A_1194 = %broadcast_in_dim3A_456) -> (vector<16xf32>, vector<16xf32>, vector<16xf32>, vector<16xf32>, vector<16xf32>)  : i32 {
      %add3A_1195 = arith.constant 32 : i32
      %add3A_1196 = arith.addi %add3A_1195, %scan3A_1189 : i32
      %add3A_1197 = vector.broadcast %add3A_1196 : i32 to vector<16xi32>
      %add3A_1198 = arith.addi %broadcast_in_dim3A_14, %add3A_1197 : vector<16xi32>
      %gather3A = tpu.vector_load_idx %arg9[%add3A_446, %add3A_1198] : memref<160x128xi32, #tpu.memory_space<vmem>>[vector<16xi32>, vector<16xi32>], vector<16xi32>,
      %eq3A_1199 = arith.constant 0 : i32
      %eq3A_1200 = vector.broadcast %eq3A_1199 : i32 to vector<16xi32>
      %eq3A_1201 = arith.cmpi eq, %gather3A, %eq3A_1200 : vector<16xi32>
      %convert_element_type3A_1202 = arith.extui %eq3A_1201 : vector<16xi1> to vector<16xi32>
      %convert_element_type3A_1203 = arith.sitofp %convert_element_type3A_1202 : vector<16xi32> to vector<16xf32>
      %add3A_1204 = arith.addf %scan3A_1190, %convert_element_type3A_1203 : vector<16xf32>
      %eq3A_1205 = arith.constant 1 : i32
      %eq3A_1206 = vector.broadcast %eq3A_1205 : i32 to vector<16xi32>
      %eq3A_1207 = arith.cmpi eq, %gather3A, %eq3A_1206 : vector<16xi32>
      %convert_element_type3A_1208 = arith.extui %eq3A_1207 : vector<16xi1> to vector<16xi32>
      %convert_element_type3A_1209 = arith.sitofp %convert_element_type3A_1208 : vector<16xi32> to vector<16xf32>
      %add3A_1210 = arith.addf %scan3A_1191, %convert_element_type3A_1209 : vector<16xf32>
      %eq3A_1211 = arith.constant 2 : i32
      %eq3A_1212 = vector.broadcast %eq3A_1211 : i32 to vector<16xi32>
      %eq3A_1213 = arith.cmpi eq, %gather3A, %eq3A_1212 : vector<16xi32>
      %convert_element_type3A_1214 = arith.extui %eq3A_1213 : vector<16xi1> to vector<16xi32>
      %convert_element_type3A_1215 = arith.sitofp %convert_element_type3A_1214 : vector<16xi32> to vector<16xf32>
      %add3A_1216 = arith.addf %scan3A_1192, %convert_element_type3A_1215 : vector<16xf32>
      %eq3A_1217 = arith.constant 3 : i32
      %eq3A_1218 = vector.broadcast %eq3A_1217 : i32 to vector<16xi32>
      %eq3A_1219 = arith.cmpi eq, %gather3A, %eq3A_1218 : vector<16xi32>
      %convert_element_type3A_1220 = arith.extui %eq3A_1219 : vector<16xi1> to vector<16xi32>
      %convert_element_type3A_1221 = arith.sitofp %convert_element_type3A_1220 : vector<16xi32> to vector<16xf32>
      %add3A_1222 = arith.addf %scan3A_1193, %convert_element_type3A_1221 : vector<16xf32>
      %eq3A_1223 = arith.constant 4 : i32
      %eq3A_1224 = vector.broadcast %eq3A_1223 : i32 to vector<16xi32>
      %eq3A_1225 = arith.cmpi eq, %gather3A, %eq3A_1224 : vector<16xi32>
      %convert_element_type3A_1226 = arith.extui %eq3A_1225 : vector<16xi1> to vector<16xi32>
      %convert_element_type3A_1227 = arith.sitofp %convert_element_type3A_1226 : vector<16xi32> to vector<16xf32>
      %add3A_1228 = arith.addf %scan3A_1194, %convert_element_type3A_1227 : vector<16xf32>
      scf.yield %add3A_1204, %add3A_1210, %add3A_1216, %add3A_1222, %add3A_1228 : vector<16xf32>, vector<16xf32>, vector<16xf32>, vector<16xf32>, vector<16xf32>
    }
    %scan3A_462 = arith.constant 32 : i32
    %mul3A_463 = arith.constant 8 : i32
    %mul3A_464 = vector.broadcast %mul3A_463 : i32 to vector<16xi32>
    %mul3A_465 = arith.muli %add3A_446, %mul3A_464 : vector<16xi32>
    %add3A_466 = arith.constant 0 : i32
    %add3A_467 = vector.broadcast %add3A_466 : i32 to vector<16xi32>
    %add3A_468 = arith.addi %mul3A_465, %add3A_467 : vector<16xi32>
    tpu.vector_store_idx %arg12[%add3A_468], %scan3A_461#0 : memref<1280xf32, #tpu.memory_space<vmem>>[vector<16xi32>], vector<16xf32>,
    %mul3A_469 = arith.constant 8 : i32
    %mul3A_470 = vector.broadcast %mul3A_469 : i32 to vector<16xi32>
    %mul3A_471 = arith.muli %add3A_446, %mul3A_470 : vector<16xi32>
    %add3A_472 = arith.constant 1 : i32
    %add3A_473 = vector.broadcast %add3A_472 : i32 to vector<16xi32>
    %add3A_474 = arith.addi %mul3A_471, %add3A_473 : vector<16xi32>
    tpu.vector_store_idx %arg12[%add3A_474], %scan3A_461#1 : memref<1280xf32, #tpu.memory_space<vmem>>[vector<16xi32>], vector<16xf32>,
    %mul3A_475 = arith.constant 8 : i32
    %mul3A_476 = vector.broadcast %mul3A_475 : i32 to vector<16xi32>
    %mul3A_477 = arith.muli %add3A_446, %mul3A_476 : vector<16xi32>
    %add3A_478 = arith.constant 2 : i32
    %add3A_479 = vector.broadcast %add3A_478 : i32 to vector<16xi32>
    %add3A_480 = arith.addi %mul3A_477, %add3A_479 : vector<16xi32>
    tpu.vector_store_idx %arg12[%add3A_480], %scan3A_461#2 : memref<1280xf32, #tpu.memory_space<vmem>>[vector<16xi32>], vector<16xf32>,
    %mul3A_481 = arith.constant 8 : i32
    %mul3A_482 = vector.broadcast %mul3A_481 : i32 to vector<16xi32>
    %mul3A_483 = arith.muli %add3A_446, %mul3A_482 : vector<16xi32>
    %add3A_484 = arith.constant 3 : i32
    %add3A_485 = vector.broadcast %add3A_484 : i32 to vector<16xi32>
    %add3A_486 = arith.addi %mul3A_483, %add3A_485 : vector<16xi32>
    tpu.vector_store_idx %arg12[%add3A_486], %scan3A_461#3 : memref<1280xf32, #tpu.memory_space<vmem>>[vector<16xi32>], vector<16xf32>,
    %mul3A_487 = arith.constant 8 : i32
    %mul3A_488 = vector.broadcast %mul3A_487 : i32 to vector<16xi32>
    %mul3A_489 = arith.muli %add3A_446, %mul3A_488 : vector<16xi32>
    %add3A_490 = arith.constant 4 : i32
    %add3A_491 = vector.broadcast %add3A_490 : i32 to vector<16xi32>
    %add3A_492 = arith.addi %mul3A_489, %add3A_491 : vector<16xi32>
    tpu.vector_store_idx %arg12[%add3A_492], %scan3A_461#4 : memref<1280xf32, #tpu.memory_space<vmem>>[vector<16xi32>], vector<16xf32>,
    %add3A_493 = arith.constant 128 : i32
    %add3A_494 = vector.broadcast %add3A_493 : i32 to vector<16xi32>
    %add3A_495 = arith.addi %add3A_494, %iota3A : vector<16xi32>
    %broadcast_in_dim3A_496 = arith.constant 0.000000e+00 : f32
    %broadcast_in_dim3A_497 = vector.broadcast %broadcast_in_dim3A_496 : f32 to vector<16xf32>
    %broadcast_in_dim3A_498 = arith.constant 0.000000e+00 : f32
    %broadcast_in_dim3A_499 = vector.broadcast %broadcast_in_dim3A_498 : f32 to vector<16xf32>
    %broadcast_in_dim3A_500 = arith.constant 0.000000e+00 : f32
    %broadcast_in_dim3A_501 = vector.broadcast %broadcast_in_dim3A_500 : f32 to vector<16xf32>
    %broadcast_in_dim3A_502 = arith.constant 0.000000e+00 : f32
    %broadcast_in_dim3A_503 = vector.broadcast %broadcast_in_dim3A_502 : f32 to vector<16xf32>
    %broadcast_in_dim3A_504 = arith.constant 0.000000e+00 : f32
    %broadcast_in_dim3A_505 = vector.broadcast %broadcast_in_dim3A_504 : f32 to vector<16xf32>
    %scan3A_506 = arith.constant 0 : i32
    %scan3A_507 = arith.constant 32 : i32
    %scan3A_508 = arith.addi %scan3A_506, %scan3A_507 : i32
    %scan3A_509 = arith.constant 1 : i32
    %scan3A_510:5 = scf.for %scan3A_1189 = %scan3A_506 to %scan3A_508 step %scan3A_509 iter_args(%scan3A_1190 = %broadcast_in_dim3A_497, %scan3A_1191 = %broadcast_in_dim3A_499, %scan3A_1192 = %broadcast_in_dim3A_501, %scan3A_1193 = %broadcast_in_dim3A_503, %scan3A_1194 = %broadcast_in_dim3A_505) -> (vector<16xf32>, vector<16xf32>, vector<16xf32>, vector<16xf32>, vector<16xf32>)  : i32 {
      %add3A_1195 = arith.constant 32 : i32
      %add3A_1196 = arith.addi %add3A_1195, %scan3A_1189 : i32
      %add3A_1197 = vector.broadcast %add3A_1196 : i32 to vector<16xi32>
      %add3A_1198 = arith.addi %broadcast_in_dim3A_14, %add3A_1197 : vector<16xi32>
      %gather3A = tpu.vector_load_idx %arg9[%add3A_495, %add3A_1198] : memref<160x128xi32, #tpu.memory_space<vmem>>[vector<16xi32>, vector<16xi32>], vector<16xi32>,
      %eq3A_1199 = arith.constant 0 : i32
      %eq3A_1200 = vector.broadcast %eq3A_1199 : i32 to vector<16xi32>
      %eq3A_1201 = arith.cmpi eq, %gather3A, %eq3A_1200 : vector<16xi32>
      %convert_element_type3A_1202 = arith.extui %eq3A_1201 : vector<16xi1> to vector<16xi32>
      %convert_element_type3A_1203 = arith.sitofp %convert_element_type3A_1202 : vector<16xi32> to vector<16xf32>
      %add3A_1204 = arith.addf %scan3A_1190, %convert_element_type3A_1203 : vector<16xf32>
      %eq3A_1205 = arith.constant 1 : i32
      %eq3A_1206 = vector.broadcast %eq3A_1205 : i32 to vector<16xi32>
      %eq3A_1207 = arith.cmpi eq, %gather3A, %eq3A_1206 : vector<16xi32>
      %convert_element_type3A_1208 = arith.extui %eq3A_1207 : vector<16xi1> to vector<16xi32>
      %convert_element_type3A_1209 = arith.sitofp %convert_element_type3A_1208 : vector<16xi32> to vector<16xf32>
      %add3A_1210 = arith.addf %scan3A_1191, %convert_element_type3A_1209 : vector<16xf32>
      %eq3A_1211 = arith.constant 2 : i32
      %eq3A_1212 = vector.broadcast %eq3A_1211 : i32 to vector<16xi32>
      %eq3A_1213 = arith.cmpi eq, %gather3A, %eq3A_1212 : vector<16xi32>
      %convert_element_type3A_1214 = arith.extui %eq3A_1213 : vector<16xi1> to vector<16xi32>
      %convert_element_type3A_1215 = arith.sitofp %convert_element_type3A_1214 : vector<16xi32> to vector<16xf32>
      %add3A_1216 = arith.addf %scan3A_1192, %convert_element_type3A_1215 : vector<16xf32>
      %eq3A_1217 = arith.constant 3 : i32
      %eq3A_1218 = vector.broadcast %eq3A_1217 : i32 to vector<16xi32>
      %eq3A_1219 = arith.cmpi eq, %gather3A, %eq3A_1218 : vector<16xi32>
      %convert_element_type3A_1220 = arith.extui %eq3A_1219 : vector<16xi1> to vector<16xi32>
      %convert_element_type3A_1221 = arith.sitofp %convert_element_type3A_1220 : vector<16xi32> to vector<16xf32>
      %add3A_1222 = arith.addf %scan3A_1193, %convert_element_type3A_1221 : vector<16xf32>
      %eq3A_1223 = arith.constant 4 : i32
      %eq3A_1224 = vector.broadcast %eq3A_1223 : i32 to vector<16xi32>
      %eq3A_1225 = arith.cmpi eq, %gather3A, %eq3A_1224 : vector<16xi32>
      %convert_element_type3A_1226 = arith.extui %eq3A_1225 : vector<16xi1> to vector<16xi32>
      %convert_element_type3A_1227 = arith.sitofp %convert_element_type3A_1226 : vector<16xi32> to vector<16xf32>
      %add3A_1228 = arith.addf %scan3A_1194, %convert_element_type3A_1227 : vector<16xf32>
      scf.yield %add3A_1204, %add3A_1210, %add3A_1216, %add3A_1222, %add3A_1228 : vector<16xf32>, vector<16xf32>, vector<16xf32>, vector<16xf32>, vector<16xf32>
    }
    %scan3A_511 = arith.constant 32 : i32
    %mul3A_512 = arith.constant 8 : i32
    %mul3A_513 = vector.broadcast %mul3A_512 : i32 to vector<16xi32>
    %mul3A_514 = arith.muli %add3A_495, %mul3A_513 : vector<16xi32>
    %add3A_515 = arith.constant 0 : i32
    %add3A_516 = vector.broadcast %add3A_515 : i32 to vector<16xi32>
    %add3A_517 = arith.addi %mul3A_514, %add3A_516 : vector<16xi32>
    tpu.vector_store_idx %arg12[%add3A_517], %scan3A_510#0 : memref<1280xf32, #tpu.memory_space<vmem>>[vector<16xi32>], vector<16xf32>,
    %mul3A_518 = arith.constant 8 : i32
    %mul3A_519 = vector.broadcast %mul3A_518 : i32 to vector<16xi32>
    %mul3A_520 = arith.muli %add3A_495, %mul3A_519 : vector<16xi32>
    %add3A_521 = arith.constant 1 : i32
    %add3A_522 = vector.broadcast %add3A_521 : i32 to vector<16xi32>
    %add3A_523 = arith.addi %mul3A_520, %add3A_522 : vector<16xi32>
    tpu.vector_store_idx %arg12[%add3A_523], %scan3A_510#1 : memref<1280xf32, #tpu.memory_space<vmem>>[vector<16xi32>], vector<16xf32>,
    %mul3A_524 = arith.constant 8 : i32
    %mul3A_525 = vector.broadcast %mul3A_524 : i32 to vector<16xi32>
    %mul3A_526 = arith.muli %add3A_495, %mul3A_525 : vector<16xi32>
    %add3A_527 = arith.constant 2 : i32
    %add3A_528 = vector.broadcast %add3A_527 : i32 to vector<16xi32>
    %add3A_529 = arith.addi %mul3A_526, %add3A_528 : vector<16xi32>
    tpu.vector_store_idx %arg12[%add3A_529], %scan3A_510#2 : memref<1280xf32, #tpu.memory_space<vmem>>[vector<16xi32>], vector<16xf32>,
    %mul3A_530 = arith.constant 8 : i32
    %mul3A_531 = vector.broadcast %mul3A_530 : i32 to vector<16xi32>
    %mul3A_532 = arith.muli %add3A_495, %mul3A_531 : vector<16xi32>
    %add3A_533 = arith.constant 3 : i32
    %add3A_534 = vector.broadcast %add3A_533 : i32 to vector<16xi32>
    %add3A_535 = arith.addi %mul3A_532, %add3A_534 : vector<16xi32>
    tpu.vector_store_idx %arg12[%add3A_535], %scan3A_510#3 : memref<1280xf32, #tpu.memory_space<vmem>>[vector<16xi32>], vector<16xf32>,
    %mul3A_536 = arith.constant 8 : i32
    %mul3A_537 = vector.broadcast %mul3A_536 : i32 to vector<16xi32>
    %mul3A_538 = arith.muli %add3A_495, %mul3A_537 : vector<16xi32>
    %add3A_539 = arith.constant 4 : i32
    %add3A_540 = vector.broadcast %add3A_539 : i32 to vector<16xi32>
    %add3A_541 = arith.addi %mul3A_538, %add3A_540 : vector<16xi32>
    tpu.vector_store_idx %arg12[%add3A_541], %scan3A_510#4 : memref<1280xf32, #tpu.memory_space<vmem>>[vector<16xi32>], vector<16xf32>,
    %add3A_542 = arith.constant 144 : i32
    %add3A_543 = vector.broadcast %add3A_542 : i32 to vector<16xi32>
    %add3A_544 = arith.addi %add3A_543, %iota3A : vector<16xi32>
    %broadcast_in_dim3A_545 = arith.constant 0.000000e+00 : f32
    %broadcast_in_dim3A_546 = vector.broadcast %broadcast_in_dim3A_545 : f32 to vector<16xf32>
    %broadcast_in_dim3A_547 = arith.constant 0.000000e+00 : f32
    %broadcast_in_dim3A_548 = vector.broadcast %broadcast_in_dim3A_547 : f32 to vector<16xf32>
    %broadcast_in_dim3A_549 = arith.constant 0.000000e+00 : f32
    %broadcast_in_dim3A_550 = vector.broadcast %broadcast_in_dim3A_549 : f32 to vector<16xf32>
    %broadcast_in_dim3A_551 = arith.constant 0.000000e+00 : f32
    %broadcast_in_dim3A_552 = vector.broadcast %broadcast_in_dim3A_551 : f32 to vector<16xf32>
    %broadcast_in_dim3A_553 = arith.constant 0.000000e+00 : f32
    %broadcast_in_dim3A_554 = vector.broadcast %broadcast_in_dim3A_553 : f32 to vector<16xf32>
    %scan3A_555 = arith.constant 0 : i32
    %scan3A_556 = arith.constant 32 : i32
    %scan3A_557 = arith.addi %scan3A_555, %scan3A_556 : i32
    %scan3A_558 = arith.constant 1 : i32
    %scan3A_559:5 = scf.for %scan3A_1189 = %scan3A_555 to %scan3A_557 step %scan3A_558 iter_args(%scan3A_1190 = %broadcast_in_dim3A_546, %scan3A_1191 = %broadcast_in_dim3A_548, %scan3A_1192 = %broadcast_in_dim3A_550, %scan3A_1193 = %broadcast_in_dim3A_552, %scan3A_1194 = %broadcast_in_dim3A_554) -> (vector<16xf32>, vector<16xf32>, vector<16xf32>, vector<16xf32>, vector<16xf32>)  : i32 {
      %add3A_1195 = arith.constant 32 : i32
      %add3A_1196 = arith.addi %add3A_1195, %scan3A_1189 : i32
      %add3A_1197 = vector.broadcast %add3A_1196 : i32 to vector<16xi32>
      %add3A_1198 = arith.addi %broadcast_in_dim3A_14, %add3A_1197 : vector<16xi32>
      %gather3A = tpu.vector_load_idx %arg9[%add3A_544, %add3A_1198] : memref<160x128xi32, #tpu.memory_space<vmem>>[vector<16xi32>, vector<16xi32>], vector<16xi32>,
      %eq3A_1199 = arith.constant 0 : i32
      %eq3A_1200 = vector.broadcast %eq3A_1199 : i32 to vector<16xi32>
      %eq3A_1201 = arith.cmpi eq, %gather3A, %eq3A_1200 : vector<16xi32>
      %convert_element_type3A_1202 = arith.extui %eq3A_1201 : vector<16xi1> to vector<16xi32>
      %convert_element_type3A_1203 = arith.sitofp %convert_element_type3A_1202 : vector<16xi32> to vector<16xf32>
      %add3A_1204 = arith.addf %scan3A_1190, %convert_element_type3A_1203 : vector<16xf32>
      %eq3A_1205 = arith.constant 1 : i32
      %eq3A_1206 = vector.broadcast %eq3A_1205 : i32 to vector<16xi32>
      %eq3A_1207 = arith.cmpi eq, %gather3A, %eq3A_1206 : vector<16xi32>
      %convert_element_type3A_1208 = arith.extui %eq3A_1207 : vector<16xi1> to vector<16xi32>
      %convert_element_type3A_1209 = arith.sitofp %convert_element_type3A_1208 : vector<16xi32> to vector<16xf32>
      %add3A_1210 = arith.addf %scan3A_1191, %convert_element_type3A_1209 : vector<16xf32>
      %eq3A_1211 = arith.constant 2 : i32
      %eq3A_1212 = vector.broadcast %eq3A_1211 : i32 to vector<16xi32>
      %eq3A_1213 = arith.cmpi eq, %gather3A, %eq3A_1212 : vector<16xi32>
      %convert_element_type3A_1214 = arith.extui %eq3A_1213 : vector<16xi1> to vector<16xi32>
      %convert_element_type3A_1215 = arith.sitofp %convert_element_type3A_1214 : vector<16xi32> to vector<16xf32>
      %add3A_1216 = arith.addf %scan3A_1192, %convert_element_type3A_1215 : vector<16xf32>
      %eq3A_1217 = arith.constant 3 : i32
      %eq3A_1218 = vector.broadcast %eq3A_1217 : i32 to vector<16xi32>
      %eq3A_1219 = arith.cmpi eq, %gather3A, %eq3A_1218 : vector<16xi32>
      %convert_element_type3A_1220 = arith.extui %eq3A_1219 : vector<16xi1> to vector<16xi32>
      %convert_element_type3A_1221 = arith.sitofp %convert_element_type3A_1220 : vector<16xi32> to vector<16xf32>
      %add3A_1222 = arith.addf %scan3A_1193, %convert_element_type3A_1221 : vector<16xf32>
      %eq3A_1223 = arith.constant 4 : i32
      %eq3A_1224 = vector.broadcast %eq3A_1223 : i32 to vector<16xi32>
      %eq3A_1225 = arith.cmpi eq, %gather3A, %eq3A_1224 : vector<16xi32>
      %convert_element_type3A_1226 = arith.extui %eq3A_1225 : vector<16xi1> to vector<16xi32>
      %convert_element_type3A_1227 = arith.sitofp %convert_element_type3A_1226 : vector<16xi32> to vector<16xf32>
      %add3A_1228 = arith.addf %scan3A_1194, %convert_element_type3A_1227 : vector<16xf32>
      scf.yield %add3A_1204, %add3A_1210, %add3A_1216, %add3A_1222, %add3A_1228 : vector<16xf32>, vector<16xf32>, vector<16xf32>, vector<16xf32>, vector<16xf32>
    }
    %scan3A_560 = arith.constant 32 : i32
    %mul3A_561 = arith.constant 8 : i32
    %mul3A_562 = vector.broadcast %mul3A_561 : i32 to vector<16xi32>
    %mul3A_563 = arith.muli %add3A_544, %mul3A_562 : vector<16xi32>
    %add3A_564 = arith.constant 0 : i32
    %add3A_565 = vector.broadcast %add3A_564 : i32 to vector<16xi32>
    %add3A_566 = arith.addi %mul3A_563, %add3A_565 : vector<16xi32>
    tpu.vector_store_idx %arg12[%add3A_566], %scan3A_559#0 : memref<1280xf32, #tpu.memory_space<vmem>>[vector<16xi32>], vector<16xf32>,
    %mul3A_567 = arith.constant 8 : i32
    %mul3A_568 = vector.broadcast %mul3A_567 : i32 to vector<16xi32>
    %mul3A_569 = arith.muli %add3A_544, %mul3A_568 : vector<16xi32>
    %add3A_570 = arith.constant 1 : i32
    %add3A_571 = vector.broadcast %add3A_570 : i32 to vector<16xi32>
    %add3A_572 = arith.addi %mul3A_569, %add3A_571 : vector<16xi32>
    tpu.vector_store_idx %arg12[%add3A_572], %scan3A_559#1 : memref<1280xf32, #tpu.memory_space<vmem>>[vector<16xi32>], vector<16xf32>,
    %mul3A_573 = arith.constant 8 : i32
    %mul3A_574 = vector.broadcast %mul3A_573 : i32 to vector<16xi32>
    %mul3A_575 = arith.muli %add3A_544, %mul3A_574 : vector<16xi32>
    %add3A_576 = arith.constant 2 : i32
    %add3A_577 = vector.broadcast %add3A_576 : i32 to vector<16xi32>
    %add3A_578 = arith.addi %mul3A_575, %add3A_577 : vector<16xi32>
    tpu.vector_store_idx %arg12[%add3A_578], %scan3A_559#2 : memref<1280xf32, #tpu.memory_space<vmem>>[vector<16xi32>], vector<16xf32>,
    %mul3A_579 = arith.constant 8 : i32
    %mul3A_580 = vector.broadcast %mul3A_579 : i32 to vector<16xi32>
    %mul3A_581 = arith.muli %add3A_544, %mul3A_580 : vector<16xi32>
    %add3A_582 = arith.constant 3 : i32
    %add3A_583 = vector.broadcast %add3A_582 : i32 to vector<16xi32>
    %add3A_584 = arith.addi %mul3A_581, %add3A_583 : vector<16xi32>
    tpu.vector_store_idx %arg12[%add3A_584], %scan3A_559#3 : memref<1280xf32, #tpu.memory_space<vmem>>[vector<16xi32>], vector<16xf32>,
    %mul3A_585 = arith.constant 8 : i32
    %mul3A_586 = vector.broadcast %mul3A_585 : i32 to vector<16xi32>
    %mul3A_587 = arith.muli %add3A_544, %mul3A_586 : vector<16xi32>
    %add3A_588 = arith.constant 4 : i32
    %add3A_589 = vector.broadcast %add3A_588 : i32 to vector<16xi32>
    %add3A_590 = arith.addi %mul3A_587, %add3A_589 : vector<16xi32>
    tpu.vector_store_idx %arg12[%add3A_590], %scan3A_559#4 : memref<1280xf32, #tpu.memory_space<vmem>>[vector<16xi32>], vector<16xf32>,
    %add3A_591 = arith.constant 0 : i32
    %add3A_592 = arith.addi %mul3A_2, %add3A_591 : i32
    %mul3A_593 = arith.constant 8 : i32
    %mul3A_594 = arith.muli %add3A_592, %mul3A_593 : i32
    "tpu.region"() ({
      %run_scoped3A = tpu.sem_alloc : memref<!tpu.dma_semaphore, #tpu.memory_space<semaphore_mem>>
      %dma_start3A_1189 = tpu.memref_slice %arg7[%mul3A_594] : memref<81920xf32, #tpu.memory_space<hbm>> -> memref<1280xf32, #tpu.memory_space<hbm>>
      %dma_start3A_1190 = tpu.memref_slice %arg7[%mul3A_594] : memref<81920xf32, #tpu.memory_space<hbm>> -> memref<1280xf32, #tpu.memory_space<hbm>>
      tpu.enqueue_dma source(%arg12 : memref<1280xf32, #tpu.memory_space<vmem>>) target(%dma_start3A_1190 : memref<1280xf32, #tpu.memory_space<hbm>>) target_semaphore(%run_scoped3A : memref<!tpu.dma_semaphore, #tpu.memory_space<semaphore_mem>>)
      %dma_wait3A_1191 = tpu.memref_slice %arg7[%mul3A_594] : memref<81920xf32, #tpu.memory_space<hbm>> -> memref<1280xf32, #tpu.memory_space<hbm>>
      %dma_wait3A_1192 = tpu.memref_slice %arg7[%mul3A_594] : memref<81920xf32, #tpu.memory_space<hbm>> -> memref<1280xf32, #tpu.memory_space<hbm>>
      tpu.wait_dma2 semaphore(%run_scoped3A : memref<!tpu.dma_semaphore, #tpu.memory_space<semaphore_mem>>) src(%arg12 : memref<1280xf32, #tpu.memory_space<vmem>>) dst(%dma_wait3A_1192 : memref<1280xf32, #tpu.memory_space<hbm>>)
      tpu.yield
    }) : () -> ()
    %dma_start3A_595 = arith.constant 0 : i32
    %dma_start3A_596 = arith.constant 0 : i32
    %dma_start3A_597 = tpu.memref_slice %arg9[%dma_start3A_595, %dma_start3A_596] : memref<160x128xi32, #tpu.memory_space<vmem>> -> memref<128x128xi32, #tpu.memory_space<vmem>>
    %dma_start3A_598 = arith.constant 160 : i32
    %dma_start3A_599 = tpu.memref_slice %arg8[%dma_start3A_598] : memref<320xi32, #tpu.memory_space<vmem>> -> memref<128xi32, #tpu.memory_space<vmem>>
    %dma_start3A_600 = arith.constant 0 : i32
    %dma_start3A_601 = arith.constant 0 : i32
    %dma_start3A_602 = tpu.memref_slice %arg3[%dma_start3A_600, %dma_start3A_601] : memref<10000x128xi32, #tpu.memory_space<hbm>> -> memref<10000x128xi32, #tpu.memory_space<hbm>>
    tpu.enqueue_indirect_dma source(%dma_start3A_602 : memref<10000x128xi32, #tpu.memory_space<hbm>>) target(%dma_start3A_597 : memref<128x128xi32, #tpu.memory_space<vmem>>) offsets(%dma_start3A_599 : memref<128xi32, #tpu.memory_space<vmem>>) semaphore(%arg14 : memref<!tpu.dma_semaphore, #tpu.memory_space<semaphore_mem>>)
    %dma_start3A_603 = arith.constant 128 : i32
    %dma_start3A_604 = arith.constant 0 : i32
    %dma_start3A_605 = tpu.memref_slice %arg9[%dma_start3A_603, %dma_start3A_604] : memref<160x128xi32, #tpu.memory_space<vmem>> -> memref<32x128xi32, #tpu.memory_space<vmem>>
    %dma_start3A_606 = arith.constant 288 : i32
    %dma_start3A_607 = tpu.memref_slice %arg8[%dma_start3A_606] : memref<320xi32, #tpu.memory_space<vmem>> -> memref<32xi32, #tpu.memory_space<vmem>>
    %dma_start3A_608 = arith.constant 0 : i32
    %dma_start3A_609 = arith.constant 0 : i32
    %dma_start3A_610 = tpu.memref_slice %arg3[%dma_start3A_608, %dma_start3A_609] : memref<10000x128xi32, #tpu.memory_space<hbm>> -> memref<10000x128xi32, #tpu.memory_space<hbm>>
    tpu.enqueue_indirect_dma source(%dma_start3A_610 : memref<10000x128xi32, #tpu.memory_space<hbm>>) target(%dma_start3A_605 : memref<32x128xi32, #tpu.memory_space<vmem>>) offsets(%dma_start3A_607 : memref<32xi32, #tpu.memory_space<vmem>>) semaphore(%arg14 : memref<!tpu.dma_semaphore, #tpu.memory_space<semaphore_mem>>)
    %scan3A_611 = arith.constant 0 : i32
    %scan3A_612 = arith.constant 0 : i32
    %scan3A_613 = arith.constant 32 : i32
    %scan3A_614 = arith.addi %scan3A_612, %scan3A_613 : i32
    %scan3A_615 = arith.constant 1 : i32
    scf.for %scan3A_1189 = %scan3A_612 to %scan3A_614 step %scan3A_615  : i32 {
      %dma_wait3A_1190 = arith.constant 0 : i32
      %dma_wait3A_1191 = arith.constant 0 : i32
      %dma_wait3A_1192 = arith.constant 0 : i32
      %dma_wait3A_1193 = tpu.memref_slice %arg11[%dma_wait3A_1191, %dma_wait3A_1192] : memref<160x128xf32, #tpu.memory_space<vmem>> -> memref<128x128xf32, #tpu.memory_space<vmem>>
      %dma_wait3A_1194 = arith.constant 0 : i32
      %dma_wait3A_1195 = tpu.memref_slice %arg10[%dma_wait3A_1190, %dma_wait3A_1194] : memref<32x160xi32, #tpu.memory_space<vmem>> -> memref<1x128xi32, #tpu.memory_space<vmem>>
      %dma_wait3A_1196 = tpu.memref_squeeze %dma_wait3A_1195 : memref<1x128xi32, #tpu.memory_space<vmem>> -> memref<128xi32, #tpu.memory_space<vmem>>
      %dma_wait3A_1197 = arith.constant 0 : i32
      %dma_wait3A_1198 = arith.constant 0 : i32
      %dma_wait3A_1199 = tpu.memref_slice %arg13[%dma_wait3A_1197, %dma_wait3A_1198] : memref<10000x128xf32, #tpu.memory_space<vmem_shared>> -> memref<10000x128xf32, #tpu.memory_space<vmem_shared>>
      tpu.wait_indirect_dma semaphore(%arg16 : memref<!tpu.dma_semaphore, #tpu.memory_space<semaphore_mem>>) src(%dma_wait3A_1199 : memref<10000x128xf32, #tpu.memory_space<vmem_shared>>) dst(%dma_wait3A_1193 : memref<128x128xf32, #tpu.memory_space<vmem>>)
      %dma_wait3A_1200 = arith.constant 0 : i32
      %dma_wait3A_1201 = arith.constant 128 : i32
      %dma_wait3A_1202 = arith.constant 0 : i32
      %dma_wait3A_1203 = tpu.memref_slice %arg11[%dma_wait3A_1201, %dma_wait3A_1202] : memref<160x128xf32, #tpu.memory_space<vmem>> -> memref<32x128xf32, #tpu.memory_space<vmem>>
      %dma_wait3A_1204 = arith.constant 128 : i32
      %dma_wait3A_1205 = tpu.memref_slice %arg10[%dma_wait3A_1200, %dma_wait3A_1204] : memref<32x160xi32, #tpu.memory_space<vmem>> -> memref<1x32xi32, #tpu.memory_space<vmem>>
      %dma_wait3A_1206 = tpu.memref_squeeze %dma_wait3A_1205 : memref<1x32xi32, #tpu.memory_space<vmem>> -> memref<32xi32, #tpu.memory_space<vmem>>
      %dma_wait3A_1207 = arith.constant 0 : i32
      %dma_wait3A_1208 = arith.constant 0 : i32
      %dma_wait3A_1209 = tpu.memref_slice %arg13[%dma_wait3A_1207, %dma_wait3A_1208] : memref<10000x128xf32, #tpu.memory_space<vmem_shared>> -> memref<10000x128xf32, #tpu.memory_space<vmem_shared>>
      tpu.wait_indirect_dma semaphore(%arg16 : memref<!tpu.dma_semaphore, #tpu.memory_space<semaphore_mem>>) src(%dma_wait3A_1209 : memref<10000x128xf32, #tpu.memory_space<vmem_shared>>) dst(%dma_wait3A_1203 : memref<32x128xf32, #tpu.memory_space<vmem>>)
    }
    %scan3A_616 = arith.constant 32 : i32
    %add3A_617 = arith.constant 0 : i32
    %add3A_618 = arith.addi %mul3A_2, %add3A_617 : i32
    "tpu.region"() ({
      %run_scoped3A = tpu.sem_alloc : memref<!tpu.dma_semaphore, #tpu.memory_space<semaphore_mem>>
      %dma_start3A_1189 = arith.constant 0 : i32
      %dma_start3A_1190 = tpu.memref_slice %arg5[%add3A_618, %dma_start3A_1189] : memref<10240x128xf32, #tpu.memory_space<hbm>> -> memref<160x128xf32, #tpu.memory_space<hbm>>
      %dma_start3A_1191 = arith.constant 0 : i32
      %dma_start3A_1192 = tpu.memref_slice %arg5[%add3A_618, %dma_start3A_1191] : memref<10240x128xf32, #tpu.memory_space<hbm>> -> memref<160x128xf32, #tpu.memory_space<hbm>>
      tpu.enqueue_dma source(%arg11 : memref<160x128xf32, #tpu.memory_space<vmem>>) target(%dma_start3A_1192 : memref<160x128xf32, #tpu.memory_space<hbm>>) target_semaphore(%run_scoped3A : memref<!tpu.dma_semaphore, #tpu.memory_space<semaphore_mem>>)
      %dma_wait3A_1193 = arith.constant 0 : i32
      %dma_wait3A_1194 = tpu.memref_slice %arg5[%add3A_618, %dma_wait3A_1193] : memref<10240x128xf32, #tpu.memory_space<hbm>> -> memref<160x128xf32, #tpu.memory_space<hbm>>
      %dma_wait3A_1195 = arith.constant 0 : i32
      %dma_wait3A_1196 = tpu.memref_slice %arg5[%add3A_618, %dma_wait3A_1195] : memref<10240x128xf32, #tpu.memory_space<hbm>> -> memref<160x128xf32, #tpu.memory_space<hbm>>
      tpu.wait_dma2 semaphore(%run_scoped3A : memref<!tpu.dma_semaphore, #tpu.memory_space<semaphore_mem>>) src(%arg11 : memref<160x128xf32, #tpu.memory_space<vmem>>) dst(%dma_wait3A_1196 : memref<160x128xf32, #tpu.memory_space<hbm>>)
      tpu.yield
    }) : () -> ()
    %dma_wait3A_619 = arith.constant 0 : i32
    %dma_wait3A_620 = arith.constant 0 : i32
    %dma_wait3A_621 = tpu.memref_slice %arg9[%dma_wait3A_619, %dma_wait3A_620] : memref<160x128xi32, #tpu.memory_space<vmem>> -> memref<128x128xi32, #tpu.memory_space<vmem>>
    %dma_wait3A_622 = arith.constant 160 : i32
    %dma_wait3A_623 = tpu.memref_slice %arg8[%dma_wait3A_622] : memref<320xi32, #tpu.memory_space<vmem>> -> memref<128xi32, #tpu.memory_space<vmem>>
    %dma_wait3A_624 = arith.constant 0 : i32
    %dma_wait3A_625 = arith.constant 0 : i32
    %dma_wait3A_626 = tpu.memref_slice %arg3[%dma_wait3A_624, %dma_wait3A_625] : memref<10000x128xi32, #tpu.memory_space<hbm>> -> memref<10000x128xi32, #tpu.memory_space<hbm>>
    tpu.wait_indirect_dma semaphore(%arg14 : memref<!tpu.dma_semaphore, #tpu.memory_space<semaphore_mem>>) src(%dma_wait3A_626 : memref<10000x128xi32, #tpu.memory_space<hbm>>) dst(%dma_wait3A_621 : memref<128x128xi32, #tpu.memory_space<vmem>>)
    %dma_wait3A_627 = arith.constant 128 : i32
    %dma_wait3A_628 = arith.constant 0 : i32
    %dma_wait3A_629 = tpu.memref_slice %arg9[%dma_wait3A_627, %dma_wait3A_628] : memref<160x128xi32, #tpu.memory_space<vmem>> -> memref<32x128xi32, #tpu.memory_space<vmem>>
    %dma_wait3A_630 = arith.constant 288 : i32
    %dma_wait3A_631 = tpu.memref_slice %arg8[%dma_wait3A_630] : memref<320xi32, #tpu.memory_space<vmem>> -> memref<32xi32, #tpu.memory_space<vmem>>
    %dma_wait3A_632 = arith.constant 0 : i32
    %dma_wait3A_633 = arith.constant 0 : i32
    %dma_wait3A_634 = tpu.memref_slice %arg3[%dma_wait3A_632, %dma_wait3A_633] : memref<10000x128xi32, #tpu.memory_space<hbm>> -> memref<10000x128xi32, #tpu.memory_space<hbm>>
    tpu.wait_indirect_dma semaphore(%arg14 : memref<!tpu.dma_semaphore, #tpu.memory_space<semaphore_mem>>) src(%dma_wait3A_634 : memref<10000x128xi32, #tpu.memory_space<hbm>>) dst(%dma_wait3A_629 : memref<32x128xi32, #tpu.memory_space<vmem>>)
    %scan3A_635 = arith.constant 0 : i32
    %scan3A_636 = arith.constant 0 : i32
    %scan3A_637 = arith.constant 32 : i32
    %scan3A_638 = arith.addi %scan3A_636, %scan3A_637 : i32
    %scan3A_639 = arith.constant 1 : i32
    scf.for %scan3A_1189 = %scan3A_636 to %scan3A_638 step %scan3A_639  : i32 {
      %add3A_1190 = vector.broadcast %scan3A_1189 : i32 to vector<16xi32>
      %add3A_1191 = arith.addi %broadcast_in_dim3A_14, %add3A_1190 : vector<16xi32>
      %add3A_1192 = arith.constant 0 : i32
      %add3A_1193 = vector.broadcast %add3A_1192 : i32 to vector<16xi32>
      %add3A_1194 = arith.addi %add3A_1193, %iota3A : vector<16xi32>
      %gather3A = tpu.vector_load_idx %arg9[%add3A_1194, %add3A_1191] : memref<160x128xi32, #tpu.memory_space<vmem>>[vector<16xi32>, vector<16xi32>], vector<16xi32>,
      %swap3A = arith.index_cast %scan3A_1189 : i32 to index
      %swap3A_1195 = arith.constant 0 : index
      %swap3A_1196 = tpu.vector_load %arg10[%swap3A, %swap3A_1195] {strides = array<i32>} : memref<32x160xi32, #tpu.memory_space<vmem>>, vector<16xi32>,
      tpu.vector_store %arg10[%swap3A, %swap3A_1195], %gather3A {strides = array<i32>} : memref<32x160xi32, #tpu.memory_space<vmem>>, vector<16xi32>,
      %add3A_1197 = arith.constant 16 : i32
      %add3A_1198 = vector.broadcast %add3A_1197 : i32 to vector<16xi32>
      %add3A_1199 = arith.addi %add3A_1198, %iota3A : vector<16xi32>
      %gather3A_1200 = tpu.vector_load_idx %arg9[%add3A_1199, %add3A_1191] : memref<160x128xi32, #tpu.memory_space<vmem>>[vector<16xi32>, vector<16xi32>], vector<16xi32>,
      %swap3A_1201 = arith.index_cast %scan3A_1189 : i32 to index
      %swap3A_1202 = arith.constant 16 : index
      %swap3A_1203 = tpu.vector_load %arg10[%swap3A_1201, %swap3A_1202] {strides = array<i32>} : memref<32x160xi32, #tpu.memory_space<vmem>>, vector<16xi32>,
      tpu.vector_store %arg10[%swap3A_1201, %swap3A_1202], %gather3A_1200 {strides = array<i32>} : memref<32x160xi32, #tpu.memory_space<vmem>>, vector<16xi32>,
      %add3A_1204 = arith.constant 32 : i32
      %add3A_1205 = vector.broadcast %add3A_1204 : i32 to vector<16xi32>
      %add3A_1206 = arith.addi %add3A_1205, %iota3A : vector<16xi32>
      %gather3A_1207 = tpu.vector_load_idx %arg9[%add3A_1206, %add3A_1191] : memref<160x128xi32, #tpu.memory_space<vmem>>[vector<16xi32>, vector<16xi32>], vector<16xi32>,
      %swap3A_1208 = arith.index_cast %scan3A_1189 : i32 to index
      %swap3A_1209 = arith.constant 32 : index
      %swap3A_1210 = tpu.vector_load %arg10[%swap3A_1208, %swap3A_1209] {strides = array<i32>} : memref<32x160xi32, #tpu.memory_space<vmem>>, vector<16xi32>,
      tpu.vector_store %arg10[%swap3A_1208, %swap3A_1209], %gather3A_1207 {strides = array<i32>} : memref<32x160xi32, #tpu.memory_space<vmem>>, vector<16xi32>,
      %add3A_1211 = arith.constant 48 : i32
      %add3A_1212 = vector.broadcast %add3A_1211 : i32 to vector<16xi32>
      %add3A_1213 = arith.addi %add3A_1212, %iota3A : vector<16xi32>
      %gather3A_1214 = tpu.vector_load_idx %arg9[%add3A_1213, %add3A_1191] : memref<160x128xi32, #tpu.memory_space<vmem>>[vector<16xi32>, vector<16xi32>], vector<16xi32>,
      %swap3A_1215 = arith.index_cast %scan3A_1189 : i32 to index
      %swap3A_1216 = arith.constant 48 : index
      %swap3A_1217 = tpu.vector_load %arg10[%swap3A_1215, %swap3A_1216] {strides = array<i32>} : memref<32x160xi32, #tpu.memory_space<vmem>>, vector<16xi32>,
      tpu.vector_store %arg10[%swap3A_1215, %swap3A_1216], %gather3A_1214 {strides = array<i32>} : memref<32x160xi32, #tpu.memory_space<vmem>>, vector<16xi32>,
      %add3A_1218 = arith.constant 64 : i32
      %add3A_1219 = vector.broadcast %add3A_1218 : i32 to vector<16xi32>
      %add3A_1220 = arith.addi %add3A_1219, %iota3A : vector<16xi32>
      %gather3A_1221 = tpu.vector_load_idx %arg9[%add3A_1220, %add3A_1191] : memref<160x128xi32, #tpu.memory_space<vmem>>[vector<16xi32>, vector<16xi32>], vector<16xi32>,
      %swap3A_1222 = arith.index_cast %scan3A_1189 : i32 to index
      %swap3A_1223 = arith.constant 64 : index
      %swap3A_1224 = tpu.vector_load %arg10[%swap3A_1222, %swap3A_1223] {strides = array<i32>} : memref<32x160xi32, #tpu.memory_space<vmem>>, vector<16xi32>,
      tpu.vector_store %arg10[%swap3A_1222, %swap3A_1223], %gather3A_1221 {strides = array<i32>} : memref<32x160xi32, #tpu.memory_space<vmem>>, vector<16xi32>,
      %add3A_1225 = arith.constant 80 : i32
      %add3A_1226 = vector.broadcast %add3A_1225 : i32 to vector<16xi32>
      %add3A_1227 = arith.addi %add3A_1226, %iota3A : vector<16xi32>
      %gather3A_1228 = tpu.vector_load_idx %arg9[%add3A_1227, %add3A_1191] : memref<160x128xi32, #tpu.memory_space<vmem>>[vector<16xi32>, vector<16xi32>], vector<16xi32>,
      %swap3A_1229 = arith.index_cast %scan3A_1189 : i32 to index
      %swap3A_1230 = arith.constant 80 : index
      %swap3A_1231 = tpu.vector_load %arg10[%swap3A_1229, %swap3A_1230] {strides = array<i32>} : memref<32x160xi32, #tpu.memory_space<vmem>>, vector<16xi32>,
      tpu.vector_store %arg10[%swap3A_1229, %swap3A_1230], %gather3A_1228 {strides = array<i32>} : memref<32x160xi32, #tpu.memory_space<vmem>>, vector<16xi32>,
      %add3A_1232 = arith.constant 96 : i32
      %add3A_1233 = vector.broadcast %add3A_1232 : i32 to vector<16xi32>
      %add3A_1234 = arith.addi %add3A_1233, %iota3A : vector<16xi32>
      %gather3A_1235 = tpu.vector_load_idx %arg9[%add3A_1234, %add3A_1191] : memref<160x128xi32, #tpu.memory_space<vmem>>[vector<16xi32>, vector<16xi32>], vector<16xi32>,
      %swap3A_1236 = arith.index_cast %scan3A_1189 : i32 to index
      %swap3A_1237 = arith.constant 96 : index
      %swap3A_1238 = tpu.vector_load %arg10[%swap3A_1236, %swap3A_1237] {strides = array<i32>} : memref<32x160xi32, #tpu.memory_space<vmem>>, vector<16xi32>,
      tpu.vector_store %arg10[%swap3A_1236, %swap3A_1237], %gather3A_1235 {strides = array<i32>} : memref<32x160xi32, #tpu.memory_space<vmem>>, vector<16xi32>,
      %add3A_1239 = arith.constant 112 : i32
      %add3A_1240 = vector.broadcast %add3A_1239 : i32 to vector<16xi32>
      %add3A_1241 = arith.addi %add3A_1240, %iota3A : vector<16xi32>
      %gather3A_1242 = tpu.vector_load_idx %arg9[%add3A_1241, %add3A_1191] : memref<160x128xi32, #tpu.memory_space<vmem>>[vector<16xi32>, vector<16xi32>], vector<16xi32>,
      %swap3A_1243 = arith.index_cast %scan3A_1189 : i32 to index
      %swap3A_1244 = arith.constant 112 : index
      %swap3A_1245 = tpu.vector_load %arg10[%swap3A_1243, %swap3A_1244] {strides = array<i32>} : memref<32x160xi32, #tpu.memory_space<vmem>>, vector<16xi32>,
      tpu.vector_store %arg10[%swap3A_1243, %swap3A_1244], %gather3A_1242 {strides = array<i32>} : memref<32x160xi32, #tpu.memory_space<vmem>>, vector<16xi32>,
      %add3A_1246 = arith.constant 128 : i32
      %add3A_1247 = vector.broadcast %add3A_1246 : i32 to vector<16xi32>
      %add3A_1248 = arith.addi %add3A_1247, %iota3A : vector<16xi32>
      %gather3A_1249 = tpu.vector_load_idx %arg9[%add3A_1248, %add3A_1191] : memref<160x128xi32, #tpu.memory_space<vmem>>[vector<16xi32>, vector<16xi32>], vector<16xi32>,
      %swap3A_1250 = arith.index_cast %scan3A_1189 : i32 to index
      %swap3A_1251 = arith.constant 128 : index
      %swap3A_1252 = tpu.vector_load %arg10[%swap3A_1250, %swap3A_1251] {strides = array<i32>} : memref<32x160xi32, #tpu.memory_space<vmem>>, vector<16xi32>,
      tpu.vector_store %arg10[%swap3A_1250, %swap3A_1251], %gather3A_1249 {strides = array<i32>} : memref<32x160xi32, #tpu.memory_space<vmem>>, vector<16xi32>,
      %add3A_1253 = arith.constant 144 : i32
      %add3A_1254 = vector.broadcast %add3A_1253 : i32 to vector<16xi32>
      %add3A_1255 = arith.addi %add3A_1254, %iota3A : vector<16xi32>
      %gather3A_1256 = tpu.vector_load_idx %arg9[%add3A_1255, %add3A_1191] : memref<160x128xi32, #tpu.memory_space<vmem>>[vector<16xi32>, vector<16xi32>], vector<16xi32>,
      %swap3A_1257 = arith.index_cast %scan3A_1189 : i32 to index
      %swap3A_1258 = arith.constant 144 : index
      %swap3A_1259 = tpu.vector_load %arg10[%swap3A_1257, %swap3A_1258] {strides = array<i32>} : memref<32x160xi32, #tpu.memory_space<vmem>>, vector<16xi32>,
      tpu.vector_store %arg10[%swap3A_1257, %swap3A_1258], %gather3A_1256 {strides = array<i32>} : memref<32x160xi32, #tpu.memory_space<vmem>>, vector<16xi32>,
    }
    %scan3A_640 = arith.constant 32 : i32
    %dma_start3A_641 = arith.constant 0 : i32
    %dma_start3A_642 = arith.constant 0 : i32
    %dma_start3A_643 = tpu.memref_slice %arg11[%dma_start3A_641, %dma_start3A_642] : memref<160x128xf32, #tpu.memory_space<vmem>> -> memref<128x128xf32, #tpu.memory_space<vmem>>
    %dma_start3A_644 = arith.constant 160 : i32
    %dma_start3A_645 = tpu.memref_slice %arg8[%dma_start3A_644] : memref<320xi32, #tpu.memory_space<vmem>> -> memref<128xi32, #tpu.memory_space<vmem>>
    %dma_start3A_646 = arith.constant 0 : i32
    %dma_start3A_647 = arith.constant 0 : i32
    %dma_start3A_648 = tpu.memref_slice %arg13[%dma_start3A_646, %dma_start3A_647] : memref<10000x128xf32, #tpu.memory_space<vmem_shared>> -> memref<10000x128xf32, #tpu.memory_space<vmem_shared>>
    tpu.enqueue_indirect_dma source(%dma_start3A_648 : memref<10000x128xf32, #tpu.memory_space<vmem_shared>>) target(%dma_start3A_643 : memref<128x128xf32, #tpu.memory_space<vmem>>) offsets(%dma_start3A_645 : memref<128xi32, #tpu.memory_space<vmem>>) semaphore(%arg15 : memref<!tpu.dma_semaphore, #tpu.memory_space<semaphore_mem>>)
    %dma_wait3A_649 = arith.constant 0 : i32
    %dma_wait3A_650 = arith.constant 0 : i32
    %dma_wait3A_651 = tpu.memref_slice %arg11[%dma_wait3A_649, %dma_wait3A_650] : memref<160x128xf32, #tpu.memory_space<vmem>> -> memref<128x128xf32, #tpu.memory_space<vmem>>
    %dma_wait3A_652 = arith.constant 160 : i32
    %dma_wait3A_653 = tpu.memref_slice %arg8[%dma_wait3A_652] : memref<320xi32, #tpu.memory_space<vmem>> -> memref<128xi32, #tpu.memory_space<vmem>>
    %dma_wait3A_654 = arith.constant 0 : i32
    %dma_wait3A_655 = arith.constant 0 : i32
    %dma_wait3A_656 = tpu.memref_slice %arg13[%dma_wait3A_654, %dma_wait3A_655] : memref<10000x128xf32, #tpu.memory_space<vmem_shared>> -> memref<10000x128xf32, #tpu.memory_space<vmem_shared>>
    tpu.wait_indirect_dma semaphore(%arg15 : memref<!tpu.dma_semaphore, #tpu.memory_space<semaphore_mem>>) src(%dma_wait3A_656 : memref<10000x128xf32, #tpu.memory_space<vmem_shared>>) dst(%dma_wait3A_651 : memref<128x128xf32, #tpu.memory_space<vmem>>)
    %dma_start3A_657 = arith.constant 128 : i32
    %dma_start3A_658 = arith.constant 0 : i32
    %dma_start3A_659 = tpu.memref_slice %arg11[%dma_start3A_657, %dma_start3A_658] : memref<160x128xf32, #tpu.memory_space<vmem>> -> memref<32x128xf32, #tpu.memory_space<vmem>>
    %dma_start3A_660 = arith.constant 288 : i32
    %dma_start3A_661 = tpu.memref_slice %arg8[%dma_start3A_660] : memref<320xi32, #tpu.memory_space<vmem>> -> memref<32xi32, #tpu.memory_space<vmem>>
    %dma_start3A_662 = arith.constant 0 : i32
    %dma_start3A_663 = arith.constant 0 : i32
    %dma_start3A_664 = tpu.memref_slice %arg13[%dma_start3A_662, %dma_start3A_663] : memref<10000x128xf32, #tpu.memory_space<vmem_shared>> -> memref<10000x128xf32, #tpu.memory_space<vmem_shared>>
    tpu.enqueue_indirect_dma source(%dma_start3A_664 : memref<10000x128xf32, #tpu.memory_space<vmem_shared>>) target(%dma_start3A_659 : memref<32x128xf32, #tpu.memory_space<vmem>>) offsets(%dma_start3A_661 : memref<32xi32, #tpu.memory_space<vmem>>) semaphore(%arg15 : memref<!tpu.dma_semaphore, #tpu.memory_space<semaphore_mem>>)
    %dma_wait3A_665 = arith.constant 128 : i32
    %dma_wait3A_666 = arith.constant 0 : i32
    %dma_wait3A_667 = tpu.memref_slice %arg11[%dma_wait3A_665, %dma_wait3A_666] : memref<160x128xf32, #tpu.memory_space<vmem>> -> memref<32x128xf32, #tpu.memory_space<vmem>>
    %dma_wait3A_668 = arith.constant 288 : i32
    %dma_wait3A_669 = tpu.memref_slice %arg8[%dma_wait3A_668] : memref<320xi32, #tpu.memory_space<vmem>> -> memref<32xi32, #tpu.memory_space<vmem>>
    %dma_wait3A_670 = arith.constant 0 : i32
    %dma_wait3A_671 = arith.constant 0 : i32
    %dma_wait3A_672 = tpu.memref_slice %arg13[%dma_wait3A_670, %dma_wait3A_671] : memref<10000x128xf32, #tpu.memory_space<vmem_shared>> -> memref<10000x128xf32, #tpu.memory_space<vmem_shared>>
    tpu.wait_indirect_dma semaphore(%arg15 : memref<!tpu.dma_semaphore, #tpu.memory_space<semaphore_mem>>) src(%dma_wait3A_672 : memref<10000x128xf32, #tpu.memory_space<vmem_shared>>) dst(%dma_wait3A_667 : memref<32x128xf32, #tpu.memory_space<vmem>>)
    %add3A_673 = arith.constant 160 : i32
    %add3A_674 = arith.addi %mul3A_2, %add3A_673 : i32
    "tpu.region"() ({
      %run_scoped3A = tpu.sem_alloc : memref<!tpu.dma_semaphore, #tpu.memory_space<semaphore_mem>>
      %dma_start3A_1189 = arith.constant 0 : i32
      %dma_start3A_1190 = tpu.memref_slice %arg6[%add3A_674, %dma_start3A_1189] : memref<10240x128xf32, #tpu.memory_space<hbm>> -> memref<160x128xf32, #tpu.memory_space<hbm>>
      %dma_start3A_1191 = arith.constant 0 : i32
      %dma_start3A_1192 = tpu.memref_slice %arg6[%add3A_674, %dma_start3A_1191] : memref<10240x128xf32, #tpu.memory_space<hbm>> -> memref<160x128xf32, #tpu.memory_space<hbm>>
      tpu.enqueue_dma source(%arg11 : memref<160x128xf32, #tpu.memory_space<vmem>>) target(%dma_start3A_1192 : memref<160x128xf32, #tpu.memory_space<hbm>>) target_semaphore(%run_scoped3A : memref<!tpu.dma_semaphore, #tpu.memory_space<semaphore_mem>>)
      %dma_wait3A_1193 = arith.constant 0 : i32
      %dma_wait3A_1194 = tpu.memref_slice %arg6[%add3A_674, %dma_wait3A_1193] : memref<10240x128xf32, #tpu.memory_space<hbm>> -> memref<160x128xf32, #tpu.memory_space<hbm>>
      %dma_wait3A_1195 = arith.constant 0 : i32
      %dma_wait3A_1196 = tpu.memref_slice %arg6[%add3A_674, %dma_wait3A_1195] : memref<10240x128xf32, #tpu.memory_space<hbm>> -> memref<160x128xf32, #tpu.memory_space<hbm>>
      tpu.wait_dma2 semaphore(%run_scoped3A : memref<!tpu.dma_semaphore, #tpu.memory_space<semaphore_mem>>) src(%arg11 : memref<160x128xf32, #tpu.memory_space<vmem>>) dst(%dma_wait3A_1196 : memref<160x128xf32, #tpu.memory_space<hbm>>)
      tpu.yield
    }) : () -> ()
    %scan3A_675 = arith.constant 0 : i32
    %scan3A_676 = arith.constant 0 : i32
    %scan3A_677 = arith.constant 160 : i32
    %scan3A_678 = arith.addi %scan3A_676, %scan3A_677 : i32
    %scan3A_679 = arith.constant 1 : i32
    scf.for %scan3A_1189 = %scan3A_676 to %scan3A_678 step %scan3A_679  : i32 {
      %swap3A = arith.index_cast %scan3A_1189 : i32 to index
      %swap3A_1190 = arith.constant 0 : index
      %swap3A_1191 = tpu.vector_load %arg11[%swap3A, %swap3A_1190] {strides = array<i32>} : memref<160x128xf32, #tpu.memory_space<vmem>>, vector<16xf32>,
      tpu.vector_store %arg11[%swap3A, %swap3A_1190], %broadcast_in_dim3A_12 {strides = array<i32>} : memref<160x128xf32, #tpu.memory_space<vmem>>, vector<16xf32>,
      %swap3A_1192 = arith.index_cast %scan3A_1189 : i32 to index
      %swap3A_1193 = arith.constant 16 : index
      %swap3A_1194 = tpu.vector_load %arg11[%swap3A_1192, %swap3A_1193] {strides = array<i32>} : memref<160x128xf32, #tpu.memory_space<vmem>>, vector<16xf32>,
      tpu.vector_store %arg11[%swap3A_1192, %swap3A_1193], %broadcast_in_dim3A_12 {strides = array<i32>} : memref<160x128xf32, #tpu.memory_space<vmem>>, vector<16xf32>,
      %swap3A_1195 = arith.index_cast %scan3A_1189 : i32 to index
      %swap3A_1196 = arith.constant 32 : index
      %swap3A_1197 = tpu.vector_load %arg11[%swap3A_1195, %swap3A_1196] {strides = array<i32>} : memref<160x128xf32, #tpu.memory_space<vmem>>, vector<16xf32>,
      tpu.vector_store %arg11[%swap3A_1195, %swap3A_1196], %broadcast_in_dim3A_12 {strides = array<i32>} : memref<160x128xf32, #tpu.memory_space<vmem>>, vector<16xf32>,
      %swap3A_1198 = arith.index_cast %scan3A_1189 : i32 to index
      %swap3A_1199 = arith.constant 48 : index
      %swap3A_1200 = tpu.vector_load %arg11[%swap3A_1198, %swap3A_1199] {strides = array<i32>} : memref<160x128xf32, #tpu.memory_space<vmem>>, vector<16xf32>,
      tpu.vector_store %arg11[%swap3A_1198, %swap3A_1199], %broadcast_in_dim3A_12 {strides = array<i32>} : memref<160x128xf32, #tpu.memory_space<vmem>>, vector<16xf32>,
      %swap3A_1201 = arith.index_cast %scan3A_1189 : i32 to index
      %swap3A_1202 = arith.constant 64 : index
      %swap3A_1203 = tpu.vector_load %arg11[%swap3A_1201, %swap3A_1202] {strides = array<i32>} : memref<160x128xf32, #tpu.memory_space<vmem>>, vector<16xf32>,
      tpu.vector_store %arg11[%swap3A_1201, %swap3A_1202], %broadcast_in_dim3A_12 {strides = array<i32>} : memref<160x128xf32, #tpu.memory_space<vmem>>, vector<16xf32>,
      %swap3A_1204 = arith.index_cast %scan3A_1189 : i32 to index
      %swap3A_1205 = arith.constant 80 : index
      %swap3A_1206 = tpu.vector_load %arg11[%swap3A_1204, %swap3A_1205] {strides = array<i32>} : memref<160x128xf32, #tpu.memory_space<vmem>>, vector<16xf32>,
      tpu.vector_store %arg11[%swap3A_1204, %swap3A_1205], %broadcast_in_dim3A_12 {strides = array<i32>} : memref<160x128xf32, #tpu.memory_space<vmem>>, vector<16xf32>,
      %swap3A_1207 = arith.index_cast %scan3A_1189 : i32 to index
      %swap3A_1208 = arith.constant 96 : index
      %swap3A_1209 = tpu.vector_load %arg11[%swap3A_1207, %swap3A_1208] {strides = array<i32>} : memref<160x128xf32, #tpu.memory_space<vmem>>, vector<16xf32>,
      tpu.vector_store %arg11[%swap3A_1207, %swap3A_1208], %broadcast_in_dim3A_12 {strides = array<i32>} : memref<160x128xf32, #tpu.memory_space<vmem>>, vector<16xf32>,
      %swap3A_1210 = arith.index_cast %scan3A_1189 : i32 to index
      %swap3A_1211 = arith.constant 112 : index
      %swap3A_1212 = tpu.vector_load %arg11[%swap3A_1210, %swap3A_1211] {strides = array<i32>} : memref<160x128xf32, #tpu.memory_space<vmem>>, vector<16xf32>,
      tpu.vector_store %arg11[%swap3A_1210, %swap3A_1211], %broadcast_in_dim3A_12 {strides = array<i32>} : memref<160x128xf32, #tpu.memory_space<vmem>>, vector<16xf32>,
    }
    %scan3A_680 = arith.constant 160 : i32
    %scan3A_681 = arith.constant 0 : i32
    %scan3A_682 = arith.constant 0 : i32
    %scan3A_683 = arith.constant 32 : i32
    %scan3A_684 = arith.addi %scan3A_682, %scan3A_683 : i32
    %scan3A_685 = arith.constant 1 : i32
    scf.for %scan3A_1189 = %scan3A_682 to %scan3A_684 step %scan3A_685  : i32 {
      %dma_start3A_1190 = arith.constant 0 : i32
      %dma_start3A_1191 = arith.constant 0 : i32
      %dma_start3A_1192 = tpu.memref_slice %arg11[%dma_start3A_1190, %dma_start3A_1191] : memref<160x128xf32, #tpu.memory_space<vmem>> -> memref<128x128xf32, #tpu.memory_space<vmem>>
      %dma_start3A_1193 = arith.constant 0 : i32
      %dma_start3A_1194 = tpu.memref_slice %arg10[%scan3A_1189, %dma_start3A_1193] : memref<32x160xi32, #tpu.memory_space<vmem>> -> memref<1x128xi32, #tpu.memory_space<vmem>>
      %dma_start3A_1195 = tpu.memref_squeeze %dma_start3A_1194 : memref<1x128xi32, #tpu.memory_space<vmem>> -> memref<128xi32, #tpu.memory_space<vmem>>
      %dma_start3A_1196 = arith.constant 0 : i32
      %dma_start3A_1197 = arith.constant 0 : i32
      %dma_start3A_1198 = tpu.memref_slice %arg13[%dma_start3A_1196, %dma_start3A_1197] : memref<10000x128xf32, #tpu.memory_space<vmem_shared>> -> memref<10000x128xf32, #tpu.memory_space<vmem_shared>>
      tpu.enqueue_indirect_dma source(%dma_start3A_1198 : memref<10000x128xf32, #tpu.memory_space<vmem_shared>>) target(%dma_start3A_1192 : memref<128x128xf32, #tpu.memory_space<vmem>>) offsets(%dma_start3A_1195 : memref<128xi32, #tpu.memory_space<vmem>>) semaphore(%arg16 : memref<!tpu.dma_semaphore, #tpu.memory_space<semaphore_mem>>) {add = true}
      %dma_start3A_1199 = arith.constant 128 : i32
      %dma_start3A_1200 = arith.constant 0 : i32
      %dma_start3A_1201 = tpu.memref_slice %arg11[%dma_start3A_1199, %dma_start3A_1200] : memref<160x128xf32, #tpu.memory_space<vmem>> -> memref<32x128xf32, #tpu.memory_space<vmem>>
      %dma_start3A_1202 = arith.constant 128 : i32
      %dma_start3A_1203 = tpu.memref_slice %arg10[%scan3A_1189, %dma_start3A_1202] : memref<32x160xi32, #tpu.memory_space<vmem>> -> memref<1x32xi32, #tpu.memory_space<vmem>>
      %dma_start3A_1204 = tpu.memref_squeeze %dma_start3A_1203 : memref<1x32xi32, #tpu.memory_space<vmem>> -> memref<32xi32, #tpu.memory_space<vmem>>
      %dma_start3A_1205 = arith.constant 0 : i32
      %dma_start3A_1206 = arith.constant 0 : i32
      %dma_start3A_1207 = tpu.memref_slice %arg13[%dma_start3A_1205, %dma_start3A_1206] : memref<10000x128xf32, #tpu.memory_space<vmem_shared>> -> memref<10000x128xf32, #tpu.memory_space<vmem_shared>>
      tpu.enqueue_indirect_dma source(%dma_start3A_1207 : memref<10000x128xf32, #tpu.memory_space<vmem_shared>>) target(%dma_start3A_1201 : memref<32x128xf32, #tpu.memory_space<vmem>>) offsets(%dma_start3A_1204 : memref<32xi32, #tpu.memory_space<vmem>>) semaphore(%arg16 : memref<!tpu.dma_semaphore, #tpu.memory_space<semaphore_mem>>) {add = true}
    }
    %scan3A_686 = arith.constant 32 : i32
    %add3A_687 = arith.constant 0 : i32
    %add3A_688 = vector.broadcast %add3A_687 : i32 to vector<16xi32>
    %add3A_689 = arith.addi %add3A_688, %iota3A : vector<16xi32>
    %broadcast_in_dim3A_690 = arith.constant 0.000000e+00 : f32
    %broadcast_in_dim3A_691 = vector.broadcast %broadcast_in_dim3A_690 : f32 to vector<16xf32>
    %broadcast_in_dim3A_692 = arith.constant 0.000000e+00 : f32
    %broadcast_in_dim3A_693 = vector.broadcast %broadcast_in_dim3A_692 : f32 to vector<16xf32>
    %broadcast_in_dim3A_694 = arith.constant 0.000000e+00 : f32
    %broadcast_in_dim3A_695 = vector.broadcast %broadcast_in_dim3A_694 : f32 to vector<16xf32>
    %broadcast_in_dim3A_696 = arith.constant 0.000000e+00 : f32
    %broadcast_in_dim3A_697 = vector.broadcast %broadcast_in_dim3A_696 : f32 to vector<16xf32>
    %broadcast_in_dim3A_698 = arith.constant 0.000000e+00 : f32
    %broadcast_in_dim3A_699 = vector.broadcast %broadcast_in_dim3A_698 : f32 to vector<16xf32>
    %scan3A_700 = arith.constant 0 : i32
    %scan3A_701 = arith.constant 32 : i32
    %scan3A_702 = arith.addi %scan3A_700, %scan3A_701 : i32
    %scan3A_703 = arith.constant 1 : i32
    %scan3A_704:5 = scf.for %scan3A_1189 = %scan3A_700 to %scan3A_702 step %scan3A_703 iter_args(%scan3A_1190 = %broadcast_in_dim3A_691, %scan3A_1191 = %broadcast_in_dim3A_693, %scan3A_1192 = %broadcast_in_dim3A_695, %scan3A_1193 = %broadcast_in_dim3A_697, %scan3A_1194 = %broadcast_in_dim3A_699) -> (vector<16xf32>, vector<16xf32>, vector<16xf32>, vector<16xf32>, vector<16xf32>)  : i32 {
      %add3A_1195 = arith.constant 32 : i32
      %add3A_1196 = arith.addi %add3A_1195, %scan3A_1189 : i32
      %add3A_1197 = vector.broadcast %add3A_1196 : i32 to vector<16xi32>
      %add3A_1198 = arith.addi %broadcast_in_dim3A_14, %add3A_1197 : vector<16xi32>
      %gather3A = tpu.vector_load_idx %arg9[%add3A_689, %add3A_1198] : memref<160x128xi32, #tpu.memory_space<vmem>>[vector<16xi32>, vector<16xi32>], vector<16xi32>,
      %eq3A_1199 = arith.constant 0 : i32
      %eq3A_1200 = vector.broadcast %eq3A_1199 : i32 to vector<16xi32>
      %eq3A_1201 = arith.cmpi eq, %gather3A, %eq3A_1200 : vector<16xi32>
      %convert_element_type3A_1202 = arith.extui %eq3A_1201 : vector<16xi1> to vector<16xi32>
      %convert_element_type3A_1203 = arith.sitofp %convert_element_type3A_1202 : vector<16xi32> to vector<16xf32>
      %add3A_1204 = arith.addf %scan3A_1190, %convert_element_type3A_1203 : vector<16xf32>
      %eq3A_1205 = arith.constant 1 : i32
      %eq3A_1206 = vector.broadcast %eq3A_1205 : i32 to vector<16xi32>
      %eq3A_1207 = arith.cmpi eq, %gather3A, %eq3A_1206 : vector<16xi32>
      %convert_element_type3A_1208 = arith.extui %eq3A_1207 : vector<16xi1> to vector<16xi32>
      %convert_element_type3A_1209 = arith.sitofp %convert_element_type3A_1208 : vector<16xi32> to vector<16xf32>
      %add3A_1210 = arith.addf %scan3A_1191, %convert_element_type3A_1209 : vector<16xf32>
      %eq3A_1211 = arith.constant 2 : i32
      %eq3A_1212 = vector.broadcast %eq3A_1211 : i32 to vector<16xi32>
      %eq3A_1213 = arith.cmpi eq, %gather3A, %eq3A_1212 : vector<16xi32>
      %convert_element_type3A_1214 = arith.extui %eq3A_1213 : vector<16xi1> to vector<16xi32>
      %convert_element_type3A_1215 = arith.sitofp %convert_element_type3A_1214 : vector<16xi32> to vector<16xf32>
      %add3A_1216 = arith.addf %scan3A_1192, %convert_element_type3A_1215 : vector<16xf32>
      %eq3A_1217 = arith.constant 3 : i32
      %eq3A_1218 = vector.broadcast %eq3A_1217 : i32 to vector<16xi32>
      %eq3A_1219 = arith.cmpi eq, %gather3A, %eq3A_1218 : vector<16xi32>
      %convert_element_type3A_1220 = arith.extui %eq3A_1219 : vector<16xi1> to vector<16xi32>
      %convert_element_type3A_1221 = arith.sitofp %convert_element_type3A_1220 : vector<16xi32> to vector<16xf32>
      %add3A_1222 = arith.addf %scan3A_1193, %convert_element_type3A_1221 : vector<16xf32>
      %eq3A_1223 = arith.constant 4 : i32
      %eq3A_1224 = vector.broadcast %eq3A_1223 : i32 to vector<16xi32>
      %eq3A_1225 = arith.cmpi eq, %gather3A, %eq3A_1224 : vector<16xi32>
      %convert_element_type3A_1226 = arith.extui %eq3A_1225 : vector<16xi1> to vector<16xi32>
      %convert_element_type3A_1227 = arith.sitofp %convert_element_type3A_1226 : vector<16xi32> to vector<16xf32>
      %add3A_1228 = arith.addf %scan3A_1194, %convert_element_type3A_1227 : vector<16xf32>
      scf.yield %add3A_1204, %add3A_1210, %add3A_1216, %add3A_1222, %add3A_1228 : vector<16xf32>, vector<16xf32>, vector<16xf32>, vector<16xf32>, vector<16xf32>
    }
    %scan3A_705 = arith.constant 32 : i32
    %mul3A_706 = arith.constant 8 : i32
    %mul3A_707 = vector.broadcast %mul3A_706 : i32 to vector<16xi32>
    %mul3A_708 = arith.muli %add3A_689, %mul3A_707 : vector<16xi32>
    %add3A_709 = arith.constant 0 : i32
    %add3A_710 = vector.broadcast %add3A_709 : i32 to vector<16xi32>
    %add3A_711 = arith.addi %mul3A_708, %add3A_710 : vector<16xi32>
    tpu.vector_store_idx %arg12[%add3A_711], %scan3A_704#0 : memref<1280xf32, #tpu.memory_space<vmem>>[vector<16xi32>], vector<16xf32>,
    %mul3A_712 = arith.constant 8 : i32
    %mul3A_713 = vector.broadcast %mul3A_712 : i32 to vector<16xi32>
    %mul3A_714 = arith.muli %add3A_689, %mul3A_713 : vector<16xi32>
    %add3A_715 = arith.constant 1 : i32
    %add3A_716 = vector.broadcast %add3A_715 : i32 to vector<16xi32>
    %add3A_717 = arith.addi %mul3A_714, %add3A_716 : vector<16xi32>
    tpu.vector_store_idx %arg12[%add3A_717], %scan3A_704#1 : memref<1280xf32, #tpu.memory_space<vmem>>[vector<16xi32>], vector<16xf32>,
    %mul3A_718 = arith.constant 8 : i32
    %mul3A_719 = vector.broadcast %mul3A_718 : i32 to vector<16xi32>
    %mul3A_720 = arith.muli %add3A_689, %mul3A_719 : vector<16xi32>
    %add3A_721 = arith.constant 2 : i32
    %add3A_722 = vector.broadcast %add3A_721 : i32 to vector<16xi32>
    %add3A_723 = arith.addi %mul3A_720, %add3A_722 : vector<16xi32>
    tpu.vector_store_idx %arg12[%add3A_723], %scan3A_704#2 : memref<1280xf32, #tpu.memory_space<vmem>>[vector<16xi32>], vector<16xf32>,
    %mul3A_724 = arith.constant 8 : i32
    %mul3A_725 = vector.broadcast %mul3A_724 : i32 to vector<16xi32>
    %mul3A_726 = arith.muli %add3A_689, %mul3A_725 : vector<16xi32>
    %add3A_727 = arith.constant 3 : i32
    %add3A_728 = vector.broadcast %add3A_727 : i32 to vector<16xi32>
    %add3A_729 = arith.addi %mul3A_726, %add3A_728 : vector<16xi32>
    tpu.vector_store_idx %arg12[%add3A_729], %scan3A_704#3 : memref<1280xf32, #tpu.memory_space<vmem>>[vector<16xi32>], vector<16xf32>,
    %mul3A_730 = arith.constant 8 : i32
    %mul3A_731 = vector.broadcast %mul3A_730 : i32 to vector<16xi32>
    %mul3A_732 = arith.muli %add3A_689, %mul3A_731 : vector<16xi32>
    %add3A_733 = arith.constant 4 : i32
    %add3A_734 = vector.broadcast %add3A_733 : i32 to vector<16xi32>
    %add3A_735 = arith.addi %mul3A_732, %add3A_734 : vector<16xi32>
    tpu.vector_store_idx %arg12[%add3A_735], %scan3A_704#4 : memref<1280xf32, #tpu.memory_space<vmem>>[vector<16xi32>], vector<16xf32>,
    %add3A_736 = arith.constant 16 : i32
    %add3A_737 = vector.broadcast %add3A_736 : i32 to vector<16xi32>
    %add3A_738 = arith.addi %add3A_737, %iota3A : vector<16xi32>
    %broadcast_in_dim3A_739 = arith.constant 0.000000e+00 : f32
    %broadcast_in_dim3A_740 = vector.broadcast %broadcast_in_dim3A_739 : f32 to vector<16xf32>
    %broadcast_in_dim3A_741 = arith.constant 0.000000e+00 : f32
    %broadcast_in_dim3A_742 = vector.broadcast %broadcast_in_dim3A_741 : f32 to vector<16xf32>
    %broadcast_in_dim3A_743 = arith.constant 0.000000e+00 : f32
    %broadcast_in_dim3A_744 = vector.broadcast %broadcast_in_dim3A_743 : f32 to vector<16xf32>
    %broadcast_in_dim3A_745 = arith.constant 0.000000e+00 : f32
    %broadcast_in_dim3A_746 = vector.broadcast %broadcast_in_dim3A_745 : f32 to vector<16xf32>
    %broadcast_in_dim3A_747 = arith.constant 0.000000e+00 : f32
    %broadcast_in_dim3A_748 = vector.broadcast %broadcast_in_dim3A_747 : f32 to vector<16xf32>
    %scan3A_749 = arith.constant 0 : i32
    %scan3A_750 = arith.constant 32 : i32
    %scan3A_751 = arith.addi %scan3A_749, %scan3A_750 : i32
    %scan3A_752 = arith.constant 1 : i32
    %scan3A_753:5 = scf.for %scan3A_1189 = %scan3A_749 to %scan3A_751 step %scan3A_752 iter_args(%scan3A_1190 = %broadcast_in_dim3A_740, %scan3A_1191 = %broadcast_in_dim3A_742, %scan3A_1192 = %broadcast_in_dim3A_744, %scan3A_1193 = %broadcast_in_dim3A_746, %scan3A_1194 = %broadcast_in_dim3A_748) -> (vector<16xf32>, vector<16xf32>, vector<16xf32>, vector<16xf32>, vector<16xf32>)  : i32 {
      %add3A_1195 = arith.constant 32 : i32
      %add3A_1196 = arith.addi %add3A_1195, %scan3A_1189 : i32
      %add3A_1197 = vector.broadcast %add3A_1196 : i32 to vector<16xi32>
      %add3A_1198 = arith.addi %broadcast_in_dim3A_14, %add3A_1197 : vector<16xi32>
      %gather3A = tpu.vector_load_idx %arg9[%add3A_738, %add3A_1198] : memref<160x128xi32, #tpu.memory_space<vmem>>[vector<16xi32>, vector<16xi32>], vector<16xi32>,
      %eq3A_1199 = arith.constant 0 : i32
      %eq3A_1200 = vector.broadcast %eq3A_1199 : i32 to vector<16xi32>
      %eq3A_1201 = arith.cmpi eq, %gather3A, %eq3A_1200 : vector<16xi32>
      %convert_element_type3A_1202 = arith.extui %eq3A_1201 : vector<16xi1> to vector<16xi32>
      %convert_element_type3A_1203 = arith.sitofp %convert_element_type3A_1202 : vector<16xi32> to vector<16xf32>
      %add3A_1204 = arith.addf %scan3A_1190, %convert_element_type3A_1203 : vector<16xf32>
      %eq3A_1205 = arith.constant 1 : i32
      %eq3A_1206 = vector.broadcast %eq3A_1205 : i32 to vector<16xi32>
      %eq3A_1207 = arith.cmpi eq, %gather3A, %eq3A_1206 : vector<16xi32>
      %convert_element_type3A_1208 = arith.extui %eq3A_1207 : vector<16xi1> to vector<16xi32>
      %convert_element_type3A_1209 = arith.sitofp %convert_element_type3A_1208 : vector<16xi32> to vector<16xf32>
      %add3A_1210 = arith.addf %scan3A_1191, %convert_element_type3A_1209 : vector<16xf32>
      %eq3A_1211 = arith.constant 2 : i32
      %eq3A_1212 = vector.broadcast %eq3A_1211 : i32 to vector<16xi32>
      %eq3A_1213 = arith.cmpi eq, %gather3A, %eq3A_1212 : vector<16xi32>
      %convert_element_type3A_1214 = arith.extui %eq3A_1213 : vector<16xi1> to vector<16xi32>
      %convert_element_type3A_1215 = arith.sitofp %convert_element_type3A_1214 : vector<16xi32> to vector<16xf32>
      %add3A_1216 = arith.addf %scan3A_1192, %convert_element_type3A_1215 : vector<16xf32>
      %eq3A_1217 = arith.constant 3 : i32
      %eq3A_1218 = vector.broadcast %eq3A_1217 : i32 to vector<16xi32>
      %eq3A_1219 = arith.cmpi eq, %gather3A, %eq3A_1218 : vector<16xi32>
      %convert_element_type3A_1220 = arith.extui %eq3A_1219 : vector<16xi1> to vector<16xi32>
      %convert_element_type3A_1221 = arith.sitofp %convert_element_type3A_1220 : vector<16xi32> to vector<16xf32>
      %add3A_1222 = arith.addf %scan3A_1193, %convert_element_type3A_1221 : vector<16xf32>
      %eq3A_1223 = arith.constant 4 : i32
      %eq3A_1224 = vector.broadcast %eq3A_1223 : i32 to vector<16xi32>
      %eq3A_1225 = arith.cmpi eq, %gather3A, %eq3A_1224 : vector<16xi32>
      %convert_element_type3A_1226 = arith.extui %eq3A_1225 : vector<16xi1> to vector<16xi32>
      %convert_element_type3A_1227 = arith.sitofp %convert_element_type3A_1226 : vector<16xi32> to vector<16xf32>
      %add3A_1228 = arith.addf %scan3A_1194, %convert_element_type3A_1227 : vector<16xf32>
      scf.yield %add3A_1204, %add3A_1210, %add3A_1216, %add3A_1222, %add3A_1228 : vector<16xf32>, vector<16xf32>, vector<16xf32>, vector<16xf32>, vector<16xf32>
    }
    %scan3A_754 = arith.constant 32 : i32
    %mul3A_755 = arith.constant 8 : i32
    %mul3A_756 = vector.broadcast %mul3A_755 : i32 to vector<16xi32>
    %mul3A_757 = arith.muli %add3A_738, %mul3A_756 : vector<16xi32>
    %add3A_758 = arith.constant 0 : i32
    %add3A_759 = vector.broadcast %add3A_758 : i32 to vector<16xi32>
    %add3A_760 = arith.addi %mul3A_757, %add3A_759 : vector<16xi32>
    tpu.vector_store_idx %arg12[%add3A_760], %scan3A_753#0 : memref<1280xf32, #tpu.memory_space<vmem>>[vector<16xi32>], vector<16xf32>,
    %mul3A_761 = arith.constant 8 : i32
    %mul3A_762 = vector.broadcast %mul3A_761 : i32 to vector<16xi32>
    %mul3A_763 = arith.muli %add3A_738, %mul3A_762 : vector<16xi32>
    %add3A_764 = arith.constant 1 : i32
    %add3A_765 = vector.broadcast %add3A_764 : i32 to vector<16xi32>
    %add3A_766 = arith.addi %mul3A_763, %add3A_765 : vector<16xi32>
    tpu.vector_store_idx %arg12[%add3A_766], %scan3A_753#1 : memref<1280xf32, #tpu.memory_space<vmem>>[vector<16xi32>], vector<16xf32>,
    %mul3A_767 = arith.constant 8 : i32
    %mul3A_768 = vector.broadcast %mul3A_767 : i32 to vector<16xi32>
    %mul3A_769 = arith.muli %add3A_738, %mul3A_768 : vector<16xi32>
    %add3A_770 = arith.constant 2 : i32
    %add3A_771 = vector.broadcast %add3A_770 : i32 to vector<16xi32>
    %add3A_772 = arith.addi %mul3A_769, %add3A_771 : vector<16xi32>
    tpu.vector_store_idx %arg12[%add3A_772], %scan3A_753#2 : memref<1280xf32, #tpu.memory_space<vmem>>[vector<16xi32>], vector<16xf32>,
    %mul3A_773 = arith.constant 8 : i32
    %mul3A_774 = vector.broadcast %mul3A_773 : i32 to vector<16xi32>
    %mul3A_775 = arith.muli %add3A_738, %mul3A_774 : vector<16xi32>
    %add3A_776 = arith.constant 3 : i32
    %add3A_777 = vector.broadcast %add3A_776 : i32 to vector<16xi32>
    %add3A_778 = arith.addi %mul3A_775, %add3A_777 : vector<16xi32>
    tpu.vector_store_idx %arg12[%add3A_778], %scan3A_753#3 : memref<1280xf32, #tpu.memory_space<vmem>>[vector<16xi32>], vector<16xf32>,
    %mul3A_779 = arith.constant 8 : i32
    %mul3A_780 = vector.broadcast %mul3A_779 : i32 to vector<16xi32>
    %mul3A_781 = arith.muli %add3A_738, %mul3A_780 : vector<16xi32>
    %add3A_782 = arith.constant 4 : i32
    %add3A_783 = vector.broadcast %add3A_782 : i32 to vector<16xi32>
    %add3A_784 = arith.addi %mul3A_781, %add3A_783 : vector<16xi32>
    tpu.vector_store_idx %arg12[%add3A_784], %scan3A_753#4 : memref<1280xf32, #tpu.memory_space<vmem>>[vector<16xi32>], vector<16xf32>,
    %add3A_785 = arith.constant 32 : i32
    %add3A_786 = vector.broadcast %add3A_785 : i32 to vector<16xi32>
    %add3A_787 = arith.addi %add3A_786, %iota3A : vector<16xi32>
    %broadcast_in_dim3A_788 = arith.constant 0.000000e+00 : f32
    %broadcast_in_dim3A_789 = vector.broadcast %broadcast_in_dim3A_788 : f32 to vector<16xf32>
    %broadcast_in_dim3A_790 = arith.constant 0.000000e+00 : f32
    %broadcast_in_dim3A_791 = vector.broadcast %broadcast_in_dim3A_790 : f32 to vector<16xf32>
    %broadcast_in_dim3A_792 = arith.constant 0.000000e+00 : f32
    %broadcast_in_dim3A_793 = vector.broadcast %broadcast_in_dim3A_792 : f32 to vector<16xf32>
    %broadcast_in_dim3A_794 = arith.constant 0.000000e+00 : f32
    %broadcast_in_dim3A_795 = vector.broadcast %broadcast_in_dim3A_794 : f32 to vector<16xf32>
    %broadcast_in_dim3A_796 = arith.constant 0.000000e+00 : f32
    %broadcast_in_dim3A_797 = vector.broadcast %broadcast_in_dim3A_796 : f32 to vector<16xf32>
    %scan3A_798 = arith.constant 0 : i32
    %scan3A_799 = arith.constant 32 : i32
    %scan3A_800 = arith.addi %scan3A_798, %scan3A_799 : i32
    %scan3A_801 = arith.constant 1 : i32
    %scan3A_802:5 = scf.for %scan3A_1189 = %scan3A_798 to %scan3A_800 step %scan3A_801 iter_args(%scan3A_1190 = %broadcast_in_dim3A_789, %scan3A_1191 = %broadcast_in_dim3A_791, %scan3A_1192 = %broadcast_in_dim3A_793, %scan3A_1193 = %broadcast_in_dim3A_795, %scan3A_1194 = %broadcast_in_dim3A_797) -> (vector<16xf32>, vector<16xf32>, vector<16xf32>, vector<16xf32>, vector<16xf32>)  : i32 {
      %add3A_1195 = arith.constant 32 : i32
      %add3A_1196 = arith.addi %add3A_1195, %scan3A_1189 : i32
      %add3A_1197 = vector.broadcast %add3A_1196 : i32 to vector<16xi32>
      %add3A_1198 = arith.addi %broadcast_in_dim3A_14, %add3A_1197 : vector<16xi32>
      %gather3A = tpu.vector_load_idx %arg9[%add3A_787, %add3A_1198] : memref<160x128xi32, #tpu.memory_space<vmem>>[vector<16xi32>, vector<16xi32>], vector<16xi32>,
      %eq3A_1199 = arith.constant 0 : i32
      %eq3A_1200 = vector.broadcast %eq3A_1199 : i32 to vector<16xi32>
      %eq3A_1201 = arith.cmpi eq, %gather3A, %eq3A_1200 : vector<16xi32>
      %convert_element_type3A_1202 = arith.extui %eq3A_1201 : vector<16xi1> to vector<16xi32>
      %convert_element_type3A_1203 = arith.sitofp %convert_element_type3A_1202 : vector<16xi32> to vector<16xf32>
      %add3A_1204 = arith.addf %scan3A_1190, %convert_element_type3A_1203 : vector<16xf32>
      %eq3A_1205 = arith.constant 1 : i32
      %eq3A_1206 = vector.broadcast %eq3A_1205 : i32 to vector<16xi32>
      %eq3A_1207 = arith.cmpi eq, %gather3A, %eq3A_1206 : vector<16xi32>
      %convert_element_type3A_1208 = arith.extui %eq3A_1207 : vector<16xi1> to vector<16xi32>
      %convert_element_type3A_1209 = arith.sitofp %convert_element_type3A_1208 : vector<16xi32> to vector<16xf32>
      %add3A_1210 = arith.addf %scan3A_1191, %convert_element_type3A_1209 : vector<16xf32>
      %eq3A_1211 = arith.constant 2 : i32
      %eq3A_1212 = vector.broadcast %eq3A_1211 : i32 to vector<16xi32>
      %eq3A_1213 = arith.cmpi eq, %gather3A, %eq3A_1212 : vector<16xi32>
      %convert_element_type3A_1214 = arith.extui %eq3A_1213 : vector<16xi1> to vector<16xi32>
      %convert_element_type3A_1215 = arith.sitofp %convert_element_type3A_1214 : vector<16xi32> to vector<16xf32>
      %add3A_1216 = arith.addf %scan3A_1192, %convert_element_type3A_1215 : vector<16xf32>
      %eq3A_1217 = arith.constant 3 : i32
      %eq3A_1218 = vector.broadcast %eq3A_1217 : i32 to vector<16xi32>
      %eq3A_1219 = arith.cmpi eq, %gather3A, %eq3A_1218 : vector<16xi32>
      %convert_element_type3A_1220 = arith.extui %eq3A_1219 : vector<16xi1> to vector<16xi32>
      %convert_element_type3A_1221 = arith.sitofp %convert_element_type3A_1220 : vector<16xi32> to vector<16xf32>
      %add3A_1222 = arith.addf %scan3A_1193, %convert_element_type3A_1221 : vector<16xf32>
      %eq3A_1223 = arith.constant 4 : i32
      %eq3A_1224 = vector.broadcast %eq3A_1223 : i32 to vector<16xi32>
      %eq3A_1225 = arith.cmpi eq, %gather3A, %eq3A_1224 : vector<16xi32>
      %convert_element_type3A_1226 = arith.extui %eq3A_1225 : vector<16xi1> to vector<16xi32>
      %convert_element_type3A_1227 = arith.sitofp %convert_element_type3A_1226 : vector<16xi32> to vector<16xf32>
      %add3A_1228 = arith.addf %scan3A_1194, %convert_element_type3A_1227 : vector<16xf32>
      scf.yield %add3A_1204, %add3A_1210, %add3A_1216, %add3A_1222, %add3A_1228 : vector<16xf32>, vector<16xf32>, vector<16xf32>, vector<16xf32>, vector<16xf32>
    }
    %scan3A_803 = arith.constant 32 : i32
    %mul3A_804 = arith.constant 8 : i32
    %mul3A_805 = vector.broadcast %mul3A_804 : i32 to vector<16xi32>
    %mul3A_806 = arith.muli %add3A_787, %mul3A_805 : vector<16xi32>
    %add3A_807 = arith.constant 0 : i32
    %add3A_808 = vector.broadcast %add3A_807 : i32 to vector<16xi32>
    %add3A_809 = arith.addi %mul3A_806, %add3A_808 : vector<16xi32>
    tpu.vector_store_idx %arg12[%add3A_809], %scan3A_802#0 : memref<1280xf32, #tpu.memory_space<vmem>>[vector<16xi32>], vector<16xf32>,
    %mul3A_810 = arith.constant 8 : i32
    %mul3A_811 = vector.broadcast %mul3A_810 : i32 to vector<16xi32>
    %mul3A_812 = arith.muli %add3A_787, %mul3A_811 : vector<16xi32>
    %add3A_813 = arith.constant 1 : i32
    %add3A_814 = vector.broadcast %add3A_813 : i32 to vector<16xi32>
    %add3A_815 = arith.addi %mul3A_812, %add3A_814 : vector<16xi32>
    tpu.vector_store_idx %arg12[%add3A_815], %scan3A_802#1 : memref<1280xf32, #tpu.memory_space<vmem>>[vector<16xi32>], vector<16xf32>,
    %mul3A_816 = arith.constant 8 : i32
    %mul3A_817 = vector.broadcast %mul3A_816 : i32 to vector<16xi32>
    %mul3A_818 = arith.muli %add3A_787, %mul3A_817 : vector<16xi32>
    %add3A_819 = arith.constant 2 : i32
    %add3A_820 = vector.broadcast %add3A_819 : i32 to vector<16xi32>
    %add3A_821 = arith.addi %mul3A_818, %add3A_820 : vector<16xi32>
    tpu.vector_store_idx %arg12[%add3A_821], %scan3A_802#2 : memref<1280xf32, #tpu.memory_space<vmem>>[vector<16xi32>], vector<16xf32>,
    %mul3A_822 = arith.constant 8 : i32
    %mul3A_823 = vector.broadcast %mul3A_822 : i32 to vector<16xi32>
    %mul3A_824 = arith.muli %add3A_787, %mul3A_823 : vector<16xi32>
    %add3A_825 = arith.constant 3 : i32
    %add3A_826 = vector.broadcast %add3A_825 : i32 to vector<16xi32>
    %add3A_827 = arith.addi %mul3A_824, %add3A_826 : vector<16xi32>
    tpu.vector_store_idx %arg12[%add3A_827], %scan3A_802#3 : memref<1280xf32, #tpu.memory_space<vmem>>[vector<16xi32>], vector<16xf32>,
    %mul3A_828 = arith.constant 8 : i32
    %mul3A_829 = vector.broadcast %mul3A_828 : i32 to vector<16xi32>
    %mul3A_830 = arith.muli %add3A_787, %mul3A_829 : vector<16xi32>
    %add3A_831 = arith.constant 4 : i32
    %add3A_832 = vector.broadcast %add3A_831 : i32 to vector<16xi32>
    %add3A_833 = arith.addi %mul3A_830, %add3A_832 : vector<16xi32>
    tpu.vector_store_idx %arg12[%add3A_833], %scan3A_802#4 : memref<1280xf32, #tpu.memory_space<vmem>>[vector<16xi32>], vector<16xf32>,
    %add3A_834 = arith.constant 48 : i32
    %add3A_835 = vector.broadcast %add3A_834 : i32 to vector<16xi32>
    %add3A_836 = arith.addi %add3A_835, %iota3A : vector<16xi32>
    %broadcast_in_dim3A_837 = arith.constant 0.000000e+00 : f32
    %broadcast_in_dim3A_838 = vector.broadcast %broadcast_in_dim3A_837 : f32 to vector<16xf32>
    %broadcast_in_dim3A_839 = arith.constant 0.000000e+00 : f32
    %broadcast_in_dim3A_840 = vector.broadcast %broadcast_in_dim3A_839 : f32 to vector<16xf32>
    %broadcast_in_dim3A_841 = arith.constant 0.000000e+00 : f32
    %broadcast_in_dim3A_842 = vector.broadcast %broadcast_in_dim3A_841 : f32 to vector<16xf32>
    %broadcast_in_dim3A_843 = arith.constant 0.000000e+00 : f32
    %broadcast_in_dim3A_844 = vector.broadcast %broadcast_in_dim3A_843 : f32 to vector<16xf32>
    %broadcast_in_dim3A_845 = arith.constant 0.000000e+00 : f32
    %broadcast_in_dim3A_846 = vector.broadcast %broadcast_in_dim3A_845 : f32 to vector<16xf32>
    %scan3A_847 = arith.constant 0 : i32
    %scan3A_848 = arith.constant 32 : i32
    %scan3A_849 = arith.addi %scan3A_847, %scan3A_848 : i32
    %scan3A_850 = arith.constant 1 : i32
    %scan3A_851:5 = scf.for %scan3A_1189 = %scan3A_847 to %scan3A_849 step %scan3A_850 iter_args(%scan3A_1190 = %broadcast_in_dim3A_838, %scan3A_1191 = %broadcast_in_dim3A_840, %scan3A_1192 = %broadcast_in_dim3A_842, %scan3A_1193 = %broadcast_in_dim3A_844, %scan3A_1194 = %broadcast_in_dim3A_846) -> (vector<16xf32>, vector<16xf32>, vector<16xf32>, vector<16xf32>, vector<16xf32>)  : i32 {
      %add3A_1195 = arith.constant 32 : i32
      %add3A_1196 = arith.addi %add3A_1195, %scan3A_1189 : i32
      %add3A_1197 = vector.broadcast %add3A_1196 : i32 to vector<16xi32>
      %add3A_1198 = arith.addi %broadcast_in_dim3A_14, %add3A_1197 : vector<16xi32>
      %gather3A = tpu.vector_load_idx %arg9[%add3A_836, %add3A_1198] : memref<160x128xi32, #tpu.memory_space<vmem>>[vector<16xi32>, vector<16xi32>], vector<16xi32>,
      %eq3A_1199 = arith.constant 0 : i32
      %eq3A_1200 = vector.broadcast %eq3A_1199 : i32 to vector<16xi32>
      %eq3A_1201 = arith.cmpi eq, %gather3A, %eq3A_1200 : vector<16xi32>
      %convert_element_type3A_1202 = arith.extui %eq3A_1201 : vector<16xi1> to vector<16xi32>
      %convert_element_type3A_1203 = arith.sitofp %convert_element_type3A_1202 : vector<16xi32> to vector<16xf32>
      %add3A_1204 = arith.addf %scan3A_1190, %convert_element_type3A_1203 : vector<16xf32>
      %eq3A_1205 = arith.constant 1 : i32
      %eq3A_1206 = vector.broadcast %eq3A_1205 : i32 to vector<16xi32>
      %eq3A_1207 = arith.cmpi eq, %gather3A, %eq3A_1206 : vector<16xi32>
      %convert_element_type3A_1208 = arith.extui %eq3A_1207 : vector<16xi1> to vector<16xi32>
      %convert_element_type3A_1209 = arith.sitofp %convert_element_type3A_1208 : vector<16xi32> to vector<16xf32>
      %add3A_1210 = arith.addf %scan3A_1191, %convert_element_type3A_1209 : vector<16xf32>
      %eq3A_1211 = arith.constant 2 : i32
      %eq3A_1212 = vector.broadcast %eq3A_1211 : i32 to vector<16xi32>
      %eq3A_1213 = arith.cmpi eq, %gather3A, %eq3A_1212 : vector<16xi32>
      %convert_element_type3A_1214 = arith.extui %eq3A_1213 : vector<16xi1> to vector<16xi32>
      %convert_element_type3A_1215 = arith.sitofp %convert_element_type3A_1214 : vector<16xi32> to vector<16xf32>
      %add3A_1216 = arith.addf %scan3A_1192, %convert_element_type3A_1215 : vector<16xf32>
      %eq3A_1217 = arith.constant 3 : i32
      %eq3A_1218 = vector.broadcast %eq3A_1217 : i32 to vector<16xi32>
      %eq3A_1219 = arith.cmpi eq, %gather3A, %eq3A_1218 : vector<16xi32>
      %convert_element_type3A_1220 = arith.extui %eq3A_1219 : vector<16xi1> to vector<16xi32>
      %convert_element_type3A_1221 = arith.sitofp %convert_element_type3A_1220 : vector<16xi32> to vector<16xf32>
      %add3A_1222 = arith.addf %scan3A_1193, %convert_element_type3A_1221 : vector<16xf32>
      %eq3A_1223 = arith.constant 4 : i32
      %eq3A_1224 = vector.broadcast %eq3A_1223 : i32 to vector<16xi32>
      %eq3A_1225 = arith.cmpi eq, %gather3A, %eq3A_1224 : vector<16xi32>
      %convert_element_type3A_1226 = arith.extui %eq3A_1225 : vector<16xi1> to vector<16xi32>
      %convert_element_type3A_1227 = arith.sitofp %convert_element_type3A_1226 : vector<16xi32> to vector<16xf32>
      %add3A_1228 = arith.addf %scan3A_1194, %convert_element_type3A_1227 : vector<16xf32>
      scf.yield %add3A_1204, %add3A_1210, %add3A_1216, %add3A_1222, %add3A_1228 : vector<16xf32>, vector<16xf32>, vector<16xf32>, vector<16xf32>, vector<16xf32>
    }
    %scan3A_852 = arith.constant 32 : i32
    %mul3A_853 = arith.constant 8 : i32
    %mul3A_854 = vector.broadcast %mul3A_853 : i32 to vector<16xi32>
    %mul3A_855 = arith.muli %add3A_836, %mul3A_854 : vector<16xi32>
    %add3A_856 = arith.constant 0 : i32
    %add3A_857 = vector.broadcast %add3A_856 : i32 to vector<16xi32>
    %add3A_858 = arith.addi %mul3A_855, %add3A_857 : vector<16xi32>
    tpu.vector_store_idx %arg12[%add3A_858], %scan3A_851#0 : memref<1280xf32, #tpu.memory_space<vmem>>[vector<16xi32>], vector<16xf32>,
    %mul3A_859 = arith.constant 8 : i32
    %mul3A_860 = vector.broadcast %mul3A_859 : i32 to vector<16xi32>
    %mul3A_861 = arith.muli %add3A_836, %mul3A_860 : vector<16xi32>
    %add3A_862 = arith.constant 1 : i32
    %add3A_863 = vector.broadcast %add3A_862 : i32 to vector<16xi32>
    %add3A_864 = arith.addi %mul3A_861, %add3A_863 : vector<16xi32>
    tpu.vector_store_idx %arg12[%add3A_864], %scan3A_851#1 : memref<1280xf32, #tpu.memory_space<vmem>>[vector<16xi32>], vector<16xf32>,
    %mul3A_865 = arith.constant 8 : i32
    %mul3A_866 = vector.broadcast %mul3A_865 : i32 to vector<16xi32>
    %mul3A_867 = arith.muli %add3A_836, %mul3A_866 : vector<16xi32>
    %add3A_868 = arith.constant 2 : i32
    %add3A_869 = vector.broadcast %add3A_868 : i32 to vector<16xi32>
    %add3A_870 = arith.addi %mul3A_867, %add3A_869 : vector<16xi32>
    tpu.vector_store_idx %arg12[%add3A_870], %scan3A_851#2 : memref<1280xf32, #tpu.memory_space<vmem>>[vector<16xi32>], vector<16xf32>,
    %mul3A_871 = arith.constant 8 : i32
    %mul3A_872 = vector.broadcast %mul3A_871 : i32 to vector<16xi32>
    %mul3A_873 = arith.muli %add3A_836, %mul3A_872 : vector<16xi32>
    %add3A_874 = arith.constant 3 : i32
    %add3A_875 = vector.broadcast %add3A_874 : i32 to vector<16xi32>
    %add3A_876 = arith.addi %mul3A_873, %add3A_875 : vector<16xi32>
    tpu.vector_store_idx %arg12[%add3A_876], %scan3A_851#3 : memref<1280xf32, #tpu.memory_space<vmem>>[vector<16xi32>], vector<16xf32>,
    %mul3A_877 = arith.constant 8 : i32
    %mul3A_878 = vector.broadcast %mul3A_877 : i32 to vector<16xi32>
    %mul3A_879 = arith.muli %add3A_836, %mul3A_878 : vector<16xi32>
    %add3A_880 = arith.constant 4 : i32
    %add3A_881 = vector.broadcast %add3A_880 : i32 to vector<16xi32>
    %add3A_882 = arith.addi %mul3A_879, %add3A_881 : vector<16xi32>
    tpu.vector_store_idx %arg12[%add3A_882], %scan3A_851#4 : memref<1280xf32, #tpu.memory_space<vmem>>[vector<16xi32>], vector<16xf32>,
    %add3A_883 = arith.constant 64 : i32
    %add3A_884 = vector.broadcast %add3A_883 : i32 to vector<16xi32>
    %add3A_885 = arith.addi %add3A_884, %iota3A : vector<16xi32>
    %broadcast_in_dim3A_886 = arith.constant 0.000000e+00 : f32
    %broadcast_in_dim3A_887 = vector.broadcast %broadcast_in_dim3A_886 : f32 to vector<16xf32>
    %broadcast_in_dim3A_888 = arith.constant 0.000000e+00 : f32
    %broadcast_in_dim3A_889 = vector.broadcast %broadcast_in_dim3A_888 : f32 to vector<16xf32>
    %broadcast_in_dim3A_890 = arith.constant 0.000000e+00 : f32
    %broadcast_in_dim3A_891 = vector.broadcast %broadcast_in_dim3A_890 : f32 to vector<16xf32>
    %broadcast_in_dim3A_892 = arith.constant 0.000000e+00 : f32
    %broadcast_in_dim3A_893 = vector.broadcast %broadcast_in_dim3A_892 : f32 to vector<16xf32>
    %broadcast_in_dim3A_894 = arith.constant 0.000000e+00 : f32
    %broadcast_in_dim3A_895 = vector.broadcast %broadcast_in_dim3A_894 : f32 to vector<16xf32>
    %scan3A_896 = arith.constant 0 : i32
    %scan3A_897 = arith.constant 32 : i32
    %scan3A_898 = arith.addi %scan3A_896, %scan3A_897 : i32
    %scan3A_899 = arith.constant 1 : i32
    %scan3A_900:5 = scf.for %scan3A_1189 = %scan3A_896 to %scan3A_898 step %scan3A_899 iter_args(%scan3A_1190 = %broadcast_in_dim3A_887, %scan3A_1191 = %broadcast_in_dim3A_889, %scan3A_1192 = %broadcast_in_dim3A_891, %scan3A_1193 = %broadcast_in_dim3A_893, %scan3A_1194 = %broadcast_in_dim3A_895) -> (vector<16xf32>, vector<16xf32>, vector<16xf32>, vector<16xf32>, vector<16xf32>)  : i32 {
      %add3A_1195 = arith.constant 32 : i32
      %add3A_1196 = arith.addi %add3A_1195, %scan3A_1189 : i32
      %add3A_1197 = vector.broadcast %add3A_1196 : i32 to vector<16xi32>
      %add3A_1198 = arith.addi %broadcast_in_dim3A_14, %add3A_1197 : vector<16xi32>
      %gather3A = tpu.vector_load_idx %arg9[%add3A_885, %add3A_1198] : memref<160x128xi32, #tpu.memory_space<vmem>>[vector<16xi32>, vector<16xi32>], vector<16xi32>,
      %eq3A_1199 = arith.constant 0 : i32
      %eq3A_1200 = vector.broadcast %eq3A_1199 : i32 to vector<16xi32>
      %eq3A_1201 = arith.cmpi eq, %gather3A, %eq3A_1200 : vector<16xi32>
      %convert_element_type3A_1202 = arith.extui %eq3A_1201 : vector<16xi1> to vector<16xi32>
      %convert_element_type3A_1203 = arith.sitofp %convert_element_type3A_1202 : vector<16xi32> to vector<16xf32>
      %add3A_1204 = arith.addf %scan3A_1190, %convert_element_type3A_1203 : vector<16xf32>
      %eq3A_1205 = arith.constant 1 : i32
      %eq3A_1206 = vector.broadcast %eq3A_1205 : i32 to vector<16xi32>
      %eq3A_1207 = arith.cmpi eq, %gather3A, %eq3A_1206 : vector<16xi32>
      %convert_element_type3A_1208 = arith.extui %eq3A_1207 : vector<16xi1> to vector<16xi32>
      %convert_element_type3A_1209 = arith.sitofp %convert_element_type3A_1208 : vector<16xi32> to vector<16xf32>
      %add3A_1210 = arith.addf %scan3A_1191, %convert_element_type3A_1209 : vector<16xf32>
      %eq3A_1211 = arith.constant 2 : i32
      %eq3A_1212 = vector.broadcast %eq3A_1211 : i32 to vector<16xi32>
      %eq3A_1213 = arith.cmpi eq, %gather3A, %eq3A_1212 : vector<16xi32>
      %convert_element_type3A_1214 = arith.extui %eq3A_1213 : vector<16xi1> to vector<16xi32>
      %convert_element_type3A_1215 = arith.sitofp %convert_element_type3A_1214 : vector<16xi32> to vector<16xf32>
      %add3A_1216 = arith.addf %scan3A_1192, %convert_element_type3A_1215 : vector<16xf32>
      %eq3A_1217 = arith.constant 3 : i32
      %eq3A_1218 = vector.broadcast %eq3A_1217 : i32 to vector<16xi32>
      %eq3A_1219 = arith.cmpi eq, %gather3A, %eq3A_1218 : vector<16xi32>
      %convert_element_type3A_1220 = arith.extui %eq3A_1219 : vector<16xi1> to vector<16xi32>
      %convert_element_type3A_1221 = arith.sitofp %convert_element_type3A_1220 : vector<16xi32> to vector<16xf32>
      %add3A_1222 = arith.addf %scan3A_1193, %convert_element_type3A_1221 : vector<16xf32>
      %eq3A_1223 = arith.constant 4 : i32
      %eq3A_1224 = vector.broadcast %eq3A_1223 : i32 to vector<16xi32>
      %eq3A_1225 = arith.cmpi eq, %gather3A, %eq3A_1224 : vector<16xi32>
      %convert_element_type3A_1226 = arith.extui %eq3A_1225 : vector<16xi1> to vector<16xi32>
      %convert_element_type3A_1227 = arith.sitofp %convert_element_type3A_1226 : vector<16xi32> to vector<16xf32>
      %add3A_1228 = arith.addf %scan3A_1194, %convert_element_type3A_1227 : vector<16xf32>
      scf.yield %add3A_1204, %add3A_1210, %add3A_1216, %add3A_1222, %add3A_1228 : vector<16xf32>, vector<16xf32>, vector<16xf32>, vector<16xf32>, vector<16xf32>
    }
    %scan3A_901 = arith.constant 32 : i32
    %mul3A_902 = arith.constant 8 : i32
    %mul3A_903 = vector.broadcast %mul3A_902 : i32 to vector<16xi32>
    %mul3A_904 = arith.muli %add3A_885, %mul3A_903 : vector<16xi32>
    %add3A_905 = arith.constant 0 : i32
    %add3A_906 = vector.broadcast %add3A_905 : i32 to vector<16xi32>
    %add3A_907 = arith.addi %mul3A_904, %add3A_906 : vector<16xi32>
    tpu.vector_store_idx %arg12[%add3A_907], %scan3A_900#0 : memref<1280xf32, #tpu.memory_space<vmem>>[vector<16xi32>], vector<16xf32>,
    %mul3A_908 = arith.constant 8 : i32
    %mul3A_909 = vector.broadcast %mul3A_908 : i32 to vector<16xi32>
    %mul3A_910 = arith.muli %add3A_885, %mul3A_909 : vector<16xi32>
    %add3A_911 = arith.constant 1 : i32
    %add3A_912 = vector.broadcast %add3A_911 : i32 to vector<16xi32>
    %add3A_913 = arith.addi %mul3A_910, %add3A_912 : vector<16xi32>
    tpu.vector_store_idx %arg12[%add3A_913], %scan3A_900#1 : memref<1280xf32, #tpu.memory_space<vmem>>[vector<16xi32>], vector<16xf32>,
    %mul3A_914 = arith.constant 8 : i32
    %mul3A_915 = vector.broadcast %mul3A_914 : i32 to vector<16xi32>
    %mul3A_916 = arith.muli %add3A_885, %mul3A_915 : vector<16xi32>
    %add3A_917 = arith.constant 2 : i32
    %add3A_918 = vector.broadcast %add3A_917 : i32 to vector<16xi32>
    %add3A_919 = arith.addi %mul3A_916, %add3A_918 : vector<16xi32>
    tpu.vector_store_idx %arg12[%add3A_919], %scan3A_900#2 : memref<1280xf32, #tpu.memory_space<vmem>>[vector<16xi32>], vector<16xf32>,
    %mul3A_920 = arith.constant 8 : i32
    %mul3A_921 = vector.broadcast %mul3A_920 : i32 to vector<16xi32>
    %mul3A_922 = arith.muli %add3A_885, %mul3A_921 : vector<16xi32>
    %add3A_923 = arith.constant 3 : i32
    %add3A_924 = vector.broadcast %add3A_923 : i32 to vector<16xi32>
    %add3A_925 = arith.addi %mul3A_922, %add3A_924 : vector<16xi32>
    tpu.vector_store_idx %arg12[%add3A_925], %scan3A_900#3 : memref<1280xf32, #tpu.memory_space<vmem>>[vector<16xi32>], vector<16xf32>,
    %mul3A_926 = arith.constant 8 : i32
    %mul3A_927 = vector.broadcast %mul3A_926 : i32 to vector<16xi32>
    %mul3A_928 = arith.muli %add3A_885, %mul3A_927 : vector<16xi32>
    %add3A_929 = arith.constant 4 : i32
    %add3A_930 = vector.broadcast %add3A_929 : i32 to vector<16xi32>
    %add3A_931 = arith.addi %mul3A_928, %add3A_930 : vector<16xi32>
    tpu.vector_store_idx %arg12[%add3A_931], %scan3A_900#4 : memref<1280xf32, #tpu.memory_space<vmem>>[vector<16xi32>], vector<16xf32>,
    %add3A_932 = arith.constant 80 : i32
    %add3A_933 = vector.broadcast %add3A_932 : i32 to vector<16xi32>
    %add3A_934 = arith.addi %add3A_933, %iota3A : vector<16xi32>
    %broadcast_in_dim3A_935 = arith.constant 0.000000e+00 : f32
    %broadcast_in_dim3A_936 = vector.broadcast %broadcast_in_dim3A_935 : f32 to vector<16xf32>
    %broadcast_in_dim3A_937 = arith.constant 0.000000e+00 : f32
    %broadcast_in_dim3A_938 = vector.broadcast %broadcast_in_dim3A_937 : f32 to vector<16xf32>
    %broadcast_in_dim3A_939 = arith.constant 0.000000e+00 : f32
    %broadcast_in_dim3A_940 = vector.broadcast %broadcast_in_dim3A_939 : f32 to vector<16xf32>
    %broadcast_in_dim3A_941 = arith.constant 0.000000e+00 : f32
    %broadcast_in_dim3A_942 = vector.broadcast %broadcast_in_dim3A_941 : f32 to vector<16xf32>
    %broadcast_in_dim3A_943 = arith.constant 0.000000e+00 : f32
    %broadcast_in_dim3A_944 = vector.broadcast %broadcast_in_dim3A_943 : f32 to vector<16xf32>
    %scan3A_945 = arith.constant 0 : i32
    %scan3A_946 = arith.constant 32 : i32
    %scan3A_947 = arith.addi %scan3A_945, %scan3A_946 : i32
    %scan3A_948 = arith.constant 1 : i32
    %scan3A_949:5 = scf.for %scan3A_1189 = %scan3A_945 to %scan3A_947 step %scan3A_948 iter_args(%scan3A_1190 = %broadcast_in_dim3A_936, %scan3A_1191 = %broadcast_in_dim3A_938, %scan3A_1192 = %broadcast_in_dim3A_940, %scan3A_1193 = %broadcast_in_dim3A_942, %scan3A_1194 = %broadcast_in_dim3A_944) -> (vector<16xf32>, vector<16xf32>, vector<16xf32>, vector<16xf32>, vector<16xf32>)  : i32 {
      %add3A_1195 = arith.constant 32 : i32
      %add3A_1196 = arith.addi %add3A_1195, %scan3A_1189 : i32
      %add3A_1197 = vector.broadcast %add3A_1196 : i32 to vector<16xi32>
      %add3A_1198 = arith.addi %broadcast_in_dim3A_14, %add3A_1197 : vector<16xi32>
      %gather3A = tpu.vector_load_idx %arg9[%add3A_934, %add3A_1198] : memref<160x128xi32, #tpu.memory_space<vmem>>[vector<16xi32>, vector<16xi32>], vector<16xi32>,
      %eq3A_1199 = arith.constant 0 : i32
      %eq3A_1200 = vector.broadcast %eq3A_1199 : i32 to vector<16xi32>
      %eq3A_1201 = arith.cmpi eq, %gather3A, %eq3A_1200 : vector<16xi32>
      %convert_element_type3A_1202 = arith.extui %eq3A_1201 : vector<16xi1> to vector<16xi32>
      %convert_element_type3A_1203 = arith.sitofp %convert_element_type3A_1202 : vector<16xi32> to vector<16xf32>
      %add3A_1204 = arith.addf %scan3A_1190, %convert_element_type3A_1203 : vector<16xf32>
      %eq3A_1205 = arith.constant 1 : i32
      %eq3A_1206 = vector.broadcast %eq3A_1205 : i32 to vector<16xi32>
      %eq3A_1207 = arith.cmpi eq, %gather3A, %eq3A_1206 : vector<16xi32>
      %convert_element_type3A_1208 = arith.extui %eq3A_1207 : vector<16xi1> to vector<16xi32>
      %convert_element_type3A_1209 = arith.sitofp %convert_element_type3A_1208 : vector<16xi32> to vector<16xf32>
      %add3A_1210 = arith.addf %scan3A_1191, %convert_element_type3A_1209 : vector<16xf32>
      %eq3A_1211 = arith.constant 2 : i32
      %eq3A_1212 = vector.broadcast %eq3A_1211 : i32 to vector<16xi32>
      %eq3A_1213 = arith.cmpi eq, %gather3A, %eq3A_1212 : vector<16xi32>
      %convert_element_type3A_1214 = arith.extui %eq3A_1213 : vector<16xi1> to vector<16xi32>
      %convert_element_type3A_1215 = arith.sitofp %convert_element_type3A_1214 : vector<16xi32> to vector<16xf32>
      %add3A_1216 = arith.addf %scan3A_1192, %convert_element_type3A_1215 : vector<16xf32>
      %eq3A_1217 = arith.constant 3 : i32
      %eq3A_1218 = vector.broadcast %eq3A_1217 : i32 to vector<16xi32>
      %eq3A_1219 = arith.cmpi eq, %gather3A, %eq3A_1218 : vector<16xi32>
      %convert_element_type3A_1220 = arith.extui %eq3A_1219 : vector<16xi1> to vector<16xi32>
      %convert_element_type3A_1221 = arith.sitofp %convert_element_type3A_1220 : vector<16xi32> to vector<16xf32>
      %add3A_1222 = arith.addf %scan3A_1193, %convert_element_type3A_1221 : vector<16xf32>
      %eq3A_1223 = arith.constant 4 : i32
      %eq3A_1224 = vector.broadcast %eq3A_1223 : i32 to vector<16xi32>
      %eq3A_1225 = arith.cmpi eq, %gather3A, %eq3A_1224 : vector<16xi32>
      %convert_element_type3A_1226 = arith.extui %eq3A_1225 : vector<16xi1> to vector<16xi32>
      %convert_element_type3A_1227 = arith.sitofp %convert_element_type3A_1226 : vector<16xi32> to vector<16xf32>
      %add3A_1228 = arith.addf %scan3A_1194, %convert_element_type3A_1227 : vector<16xf32>
      scf.yield %add3A_1204, %add3A_1210, %add3A_1216, %add3A_1222, %add3A_1228 : vector<16xf32>, vector<16xf32>, vector<16xf32>, vector<16xf32>, vector<16xf32>
    }
    %scan3A_950 = arith.constant 32 : i32
    %mul3A_951 = arith.constant 8 : i32
    %mul3A_952 = vector.broadcast %mul3A_951 : i32 to vector<16xi32>
    %mul3A_953 = arith.muli %add3A_934, %mul3A_952 : vector<16xi32>
    %add3A_954 = arith.constant 0 : i32
    %add3A_955 = vector.broadcast %add3A_954 : i32 to vector<16xi32>
    %add3A_956 = arith.addi %mul3A_953, %add3A_955 : vector<16xi32>
    tpu.vector_store_idx %arg12[%add3A_956], %scan3A_949#0 : memref<1280xf32, #tpu.memory_space<vmem>>[vector<16xi32>], vector<16xf32>,
    %mul3A_957 = arith.constant 8 : i32
    %mul3A_958 = vector.broadcast %mul3A_957 : i32 to vector<16xi32>
    %mul3A_959 = arith.muli %add3A_934, %mul3A_958 : vector<16xi32>
    %add3A_960 = arith.constant 1 : i32
    %add3A_961 = vector.broadcast %add3A_960 : i32 to vector<16xi32>
    %add3A_962 = arith.addi %mul3A_959, %add3A_961 : vector<16xi32>
    tpu.vector_store_idx %arg12[%add3A_962], %scan3A_949#1 : memref<1280xf32, #tpu.memory_space<vmem>>[vector<16xi32>], vector<16xf32>,
    %mul3A_963 = arith.constant 8 : i32
    %mul3A_964 = vector.broadcast %mul3A_963 : i32 to vector<16xi32>
    %mul3A_965 = arith.muli %add3A_934, %mul3A_964 : vector<16xi32>
    %add3A_966 = arith.constant 2 : i32
    %add3A_967 = vector.broadcast %add3A_966 : i32 to vector<16xi32>
    %add3A_968 = arith.addi %mul3A_965, %add3A_967 : vector<16xi32>
    tpu.vector_store_idx %arg12[%add3A_968], %scan3A_949#2 : memref<1280xf32, #tpu.memory_space<vmem>>[vector<16xi32>], vector<16xf32>,
    %mul3A_969 = arith.constant 8 : i32
    %mul3A_970 = vector.broadcast %mul3A_969 : i32 to vector<16xi32>
    %mul3A_971 = arith.muli %add3A_934, %mul3A_970 : vector<16xi32>
    %add3A_972 = arith.constant 3 : i32
    %add3A_973 = vector.broadcast %add3A_972 : i32 to vector<16xi32>
    %add3A_974 = arith.addi %mul3A_971, %add3A_973 : vector<16xi32>
    tpu.vector_store_idx %arg12[%add3A_974], %scan3A_949#3 : memref<1280xf32, #tpu.memory_space<vmem>>[vector<16xi32>], vector<16xf32>,
    %mul3A_975 = arith.constant 8 : i32
    %mul3A_976 = vector.broadcast %mul3A_975 : i32 to vector<16xi32>
    %mul3A_977 = arith.muli %add3A_934, %mul3A_976 : vector<16xi32>
    %add3A_978 = arith.constant 4 : i32
    %add3A_979 = vector.broadcast %add3A_978 : i32 to vector<16xi32>
    %add3A_980 = arith.addi %mul3A_977, %add3A_979 : vector<16xi32>
    tpu.vector_store_idx %arg12[%add3A_980], %scan3A_949#4 : memref<1280xf32, #tpu.memory_space<vmem>>[vector<16xi32>], vector<16xf32>,
    %add3A_981 = arith.constant 96 : i32
    %add3A_982 = vector.broadcast %add3A_981 : i32 to vector<16xi32>
    %add3A_983 = arith.addi %add3A_982, %iota3A : vector<16xi32>
    %broadcast_in_dim3A_984 = arith.constant 0.000000e+00 : f32
    %broadcast_in_dim3A_985 = vector.broadcast %broadcast_in_dim3A_984 : f32 to vector<16xf32>
    %broadcast_in_dim3A_986 = arith.constant 0.000000e+00 : f32
    %broadcast_in_dim3A_987 = vector.broadcast %broadcast_in_dim3A_986 : f32 to vector<16xf32>
    %broadcast_in_dim3A_988 = arith.constant 0.000000e+00 : f32
    %broadcast_in_dim3A_989 = vector.broadcast %broadcast_in_dim3A_988 : f32 to vector<16xf32>
    %broadcast_in_dim3A_990 = arith.constant 0.000000e+00 : f32
    %broadcast_in_dim3A_991 = vector.broadcast %broadcast_in_dim3A_990 : f32 to vector<16xf32>
    %broadcast_in_dim3A_992 = arith.constant 0.000000e+00 : f32
    %broadcast_in_dim3A_993 = vector.broadcast %broadcast_in_dim3A_992 : f32 to vector<16xf32>
    %scan3A_994 = arith.constant 0 : i32
    %scan3A_995 = arith.constant 32 : i32
    %scan3A_996 = arith.addi %scan3A_994, %scan3A_995 : i32
    %scan3A_997 = arith.constant 1 : i32
    %scan3A_998:5 = scf.for %scan3A_1189 = %scan3A_994 to %scan3A_996 step %scan3A_997 iter_args(%scan3A_1190 = %broadcast_in_dim3A_985, %scan3A_1191 = %broadcast_in_dim3A_987, %scan3A_1192 = %broadcast_in_dim3A_989, %scan3A_1193 = %broadcast_in_dim3A_991, %scan3A_1194 = %broadcast_in_dim3A_993) -> (vector<16xf32>, vector<16xf32>, vector<16xf32>, vector<16xf32>, vector<16xf32>)  : i32 {
      %add3A_1195 = arith.constant 32 : i32
      %add3A_1196 = arith.addi %add3A_1195, %scan3A_1189 : i32
      %add3A_1197 = vector.broadcast %add3A_1196 : i32 to vector<16xi32>
      %add3A_1198 = arith.addi %broadcast_in_dim3A_14, %add3A_1197 : vector<16xi32>
      %gather3A = tpu.vector_load_idx %arg9[%add3A_983, %add3A_1198] : memref<160x128xi32, #tpu.memory_space<vmem>>[vector<16xi32>, vector<16xi32>], vector<16xi32>,
      %eq3A_1199 = arith.constant 0 : i32
      %eq3A_1200 = vector.broadcast %eq3A_1199 : i32 to vector<16xi32>
      %eq3A_1201 = arith.cmpi eq, %gather3A, %eq3A_1200 : vector<16xi32>
      %convert_element_type3A_1202 = arith.extui %eq3A_1201 : vector<16xi1> to vector<16xi32>
      %convert_element_type3A_1203 = arith.sitofp %convert_element_type3A_1202 : vector<16xi32> to vector<16xf32>
      %add3A_1204 = arith.addf %scan3A_1190, %convert_element_type3A_1203 : vector<16xf32>
      %eq3A_1205 = arith.constant 1 : i32
      %eq3A_1206 = vector.broadcast %eq3A_1205 : i32 to vector<16xi32>
      %eq3A_1207 = arith.cmpi eq, %gather3A, %eq3A_1206 : vector<16xi32>
      %convert_element_type3A_1208 = arith.extui %eq3A_1207 : vector<16xi1> to vector<16xi32>
      %convert_element_type3A_1209 = arith.sitofp %convert_element_type3A_1208 : vector<16xi32> to vector<16xf32>
      %add3A_1210 = arith.addf %scan3A_1191, %convert_element_type3A_1209 : vector<16xf32>
      %eq3A_1211 = arith.constant 2 : i32
      %eq3A_1212 = vector.broadcast %eq3A_1211 : i32 to vector<16xi32>
      %eq3A_1213 = arith.cmpi eq, %gather3A, %eq3A_1212 : vector<16xi32>
      %convert_element_type3A_1214 = arith.extui %eq3A_1213 : vector<16xi1> to vector<16xi32>
      %convert_element_type3A_1215 = arith.sitofp %convert_element_type3A_1214 : vector<16xi32> to vector<16xf32>
      %add3A_1216 = arith.addf %scan3A_1192, %convert_element_type3A_1215 : vector<16xf32>
      %eq3A_1217 = arith.constant 3 : i32
      %eq3A_1218 = vector.broadcast %eq3A_1217 : i32 to vector<16xi32>
      %eq3A_1219 = arith.cmpi eq, %gather3A, %eq3A_1218 : vector<16xi32>
      %convert_element_type3A_1220 = arith.extui %eq3A_1219 : vector<16xi1> to vector<16xi32>
      %convert_element_type3A_1221 = arith.sitofp %convert_element_type3A_1220 : vector<16xi32> to vector<16xf32>
      %add3A_1222 = arith.addf %scan3A_1193, %convert_element_type3A_1221 : vector<16xf32>
      %eq3A_1223 = arith.constant 4 : i32
      %eq3A_1224 = vector.broadcast %eq3A_1223 : i32 to vector<16xi32>
      %eq3A_1225 = arith.cmpi eq, %gather3A, %eq3A_1224 : vector<16xi32>
      %convert_element_type3A_1226 = arith.extui %eq3A_1225 : vector<16xi1> to vector<16xi32>
      %convert_element_type3A_1227 = arith.sitofp %convert_element_type3A_1226 : vector<16xi32> to vector<16xf32>
      %add3A_1228 = arith.addf %scan3A_1194, %convert_element_type3A_1227 : vector<16xf32>
      scf.yield %add3A_1204, %add3A_1210, %add3A_1216, %add3A_1222, %add3A_1228 : vector<16xf32>, vector<16xf32>, vector<16xf32>, vector<16xf32>, vector<16xf32>
    }
    %scan3A_999 = arith.constant 32 : i32
    %mul3A_1000 = arith.constant 8 : i32
    %mul3A_1001 = vector.broadcast %mul3A_1000 : i32 to vector<16xi32>
    %mul3A_1002 = arith.muli %add3A_983, %mul3A_1001 : vector<16xi32>
    %add3A_1003 = arith.constant 0 : i32
    %add3A_1004 = vector.broadcast %add3A_1003 : i32 to vector<16xi32>
    %add3A_1005 = arith.addi %mul3A_1002, %add3A_1004 : vector<16xi32>
    tpu.vector_store_idx %arg12[%add3A_1005], %scan3A_998#0 : memref<1280xf32, #tpu.memory_space<vmem>>[vector<16xi32>], vector<16xf32>,
    %mul3A_1006 = arith.constant 8 : i32
    %mul3A_1007 = vector.broadcast %mul3A_1006 : i32 to vector<16xi32>
    %mul3A_1008 = arith.muli %add3A_983, %mul3A_1007 : vector<16xi32>
    %add3A_1009 = arith.constant 1 : i32
    %add3A_1010 = vector.broadcast %add3A_1009 : i32 to vector<16xi32>
    %add3A_1011 = arith.addi %mul3A_1008, %add3A_1010 : vector<16xi32>
    tpu.vector_store_idx %arg12[%add3A_1011], %scan3A_998#1 : memref<1280xf32, #tpu.memory_space<vmem>>[vector<16xi32>], vector<16xf32>,
    %mul3A_1012 = arith.constant 8 : i32
    %mul3A_1013 = vector.broadcast %mul3A_1012 : i32 to vector<16xi32>
    %mul3A_1014 = arith.muli %add3A_983, %mul3A_1013 : vector<16xi32>
    %add3A_1015 = arith.constant 2 : i32
    %add3A_1016 = vector.broadcast %add3A_1015 : i32 to vector<16xi32>
    %add3A_1017 = arith.addi %mul3A_1014, %add3A_1016 : vector<16xi32>
    tpu.vector_store_idx %arg12[%add3A_1017], %scan3A_998#2 : memref<1280xf32, #tpu.memory_space<vmem>>[vector<16xi32>], vector<16xf32>,
    %mul3A_1018 = arith.constant 8 : i32
    %mul3A_1019 = vector.broadcast %mul3A_1018 : i32 to vector<16xi32>
    %mul3A_1020 = arith.muli %add3A_983, %mul3A_1019 : vector<16xi32>
    %add3A_1021 = arith.constant 3 : i32
    %add3A_1022 = vector.broadcast %add3A_1021 : i32 to vector<16xi32>
    %add3A_1023 = arith.addi %mul3A_1020, %add3A_1022 : vector<16xi32>
    tpu.vector_store_idx %arg12[%add3A_1023], %scan3A_998#3 : memref<1280xf32, #tpu.memory_space<vmem>>[vector<16xi32>], vector<16xf32>,
    %mul3A_1024 = arith.constant 8 : i32
    %mul3A_1025 = vector.broadcast %mul3A_1024 : i32 to vector<16xi32>
    %mul3A_1026 = arith.muli %add3A_983, %mul3A_1025 : vector<16xi32>
    %add3A_1027 = arith.constant 4 : i32
    %add3A_1028 = vector.broadcast %add3A_1027 : i32 to vector<16xi32>
    %add3A_1029 = arith.addi %mul3A_1026, %add3A_1028 : vector<16xi32>
    tpu.vector_store_idx %arg12[%add3A_1029], %scan3A_998#4 : memref<1280xf32, #tpu.memory_space<vmem>>[vector<16xi32>], vector<16xf32>,
    %add3A_1030 = arith.constant 112 : i32
    %add3A_1031 = vector.broadcast %add3A_1030 : i32 to vector<16xi32>
    %add3A_1032 = arith.addi %add3A_1031, %iota3A : vector<16xi32>
    %broadcast_in_dim3A_1033 = arith.constant 0.000000e+00 : f32
    %broadcast_in_dim3A_1034 = vector.broadcast %broadcast_in_dim3A_1033 : f32 to vector<16xf32>
    %broadcast_in_dim3A_1035 = arith.constant 0.000000e+00 : f32
    %broadcast_in_dim3A_1036 = vector.broadcast %broadcast_in_dim3A_1035 : f32 to vector<16xf32>
    %broadcast_in_dim3A_1037 = arith.constant 0.000000e+00 : f32
    %broadcast_in_dim3A_1038 = vector.broadcast %broadcast_in_dim3A_1037 : f32 to vector<16xf32>
    %broadcast_in_dim3A_1039 = arith.constant 0.000000e+00 : f32
    %broadcast_in_dim3A_1040 = vector.broadcast %broadcast_in_dim3A_1039 : f32 to vector<16xf32>
    %broadcast_in_dim3A_1041 = arith.constant 0.000000e+00 : f32
    %broadcast_in_dim3A_1042 = vector.broadcast %broadcast_in_dim3A_1041 : f32 to vector<16xf32>
    %scan3A_1043 = arith.constant 0 : i32
    %scan3A_1044 = arith.constant 32 : i32
    %scan3A_1045 = arith.addi %scan3A_1043, %scan3A_1044 : i32
    %scan3A_1046 = arith.constant 1 : i32
    %scan3A_1047:5 = scf.for %scan3A_1189 = %scan3A_1043 to %scan3A_1045 step %scan3A_1046 iter_args(%scan3A_1190 = %broadcast_in_dim3A_1034, %scan3A_1191 = %broadcast_in_dim3A_1036, %scan3A_1192 = %broadcast_in_dim3A_1038, %scan3A_1193 = %broadcast_in_dim3A_1040, %scan3A_1194 = %broadcast_in_dim3A_1042) -> (vector<16xf32>, vector<16xf32>, vector<16xf32>, vector<16xf32>, vector<16xf32>)  : i32 {
      %add3A_1195 = arith.constant 32 : i32
      %add3A_1196 = arith.addi %add3A_1195, %scan3A_1189 : i32
      %add3A_1197 = vector.broadcast %add3A_1196 : i32 to vector<16xi32>
      %add3A_1198 = arith.addi %broadcast_in_dim3A_14, %add3A_1197 : vector<16xi32>
      %gather3A = tpu.vector_load_idx %arg9[%add3A_1032, %add3A_1198] : memref<160x128xi32, #tpu.memory_space<vmem>>[vector<16xi32>, vector<16xi32>], vector<16xi32>,
      %eq3A_1199 = arith.constant 0 : i32
      %eq3A_1200 = vector.broadcast %eq3A_1199 : i32 to vector<16xi32>
      %eq3A_1201 = arith.cmpi eq, %gather3A, %eq3A_1200 : vector<16xi32>
      %convert_element_type3A_1202 = arith.extui %eq3A_1201 : vector<16xi1> to vector<16xi32>
      %convert_element_type3A_1203 = arith.sitofp %convert_element_type3A_1202 : vector<16xi32> to vector<16xf32>
      %add3A_1204 = arith.addf %scan3A_1190, %convert_element_type3A_1203 : vector<16xf32>
      %eq3A_1205 = arith.constant 1 : i32
      %eq3A_1206 = vector.broadcast %eq3A_1205 : i32 to vector<16xi32>
      %eq3A_1207 = arith.cmpi eq, %gather3A, %eq3A_1206 : vector<16xi32>
      %convert_element_type3A_1208 = arith.extui %eq3A_1207 : vector<16xi1> to vector<16xi32>
      %convert_element_type3A_1209 = arith.sitofp %convert_element_type3A_1208 : vector<16xi32> to vector<16xf32>
      %add3A_1210 = arith.addf %scan3A_1191, %convert_element_type3A_1209 : vector<16xf32>
      %eq3A_1211 = arith.constant 2 : i32
      %eq3A_1212 = vector.broadcast %eq3A_1211 : i32 to vector<16xi32>
      %eq3A_1213 = arith.cmpi eq, %gather3A, %eq3A_1212 : vector<16xi32>
      %convert_element_type3A_1214 = arith.extui %eq3A_1213 : vector<16xi1> to vector<16xi32>
      %convert_element_type3A_1215 = arith.sitofp %convert_element_type3A_1214 : vector<16xi32> to vector<16xf32>
      %add3A_1216 = arith.addf %scan3A_1192, %convert_element_type3A_1215 : vector<16xf32>
      %eq3A_1217 = arith.constant 3 : i32
      %eq3A_1218 = vector.broadcast %eq3A_1217 : i32 to vector<16xi32>
      %eq3A_1219 = arith.cmpi eq, %gather3A, %eq3A_1218 : vector<16xi32>
      %convert_element_type3A_1220 = arith.extui %eq3A_1219 : vector<16xi1> to vector<16xi32>
      %convert_element_type3A_1221 = arith.sitofp %convert_element_type3A_1220 : vector<16xi32> to vector<16xf32>
      %add3A_1222 = arith.addf %scan3A_1193, %convert_element_type3A_1221 : vector<16xf32>
      %eq3A_1223 = arith.constant 4 : i32
      %eq3A_1224 = vector.broadcast %eq3A_1223 : i32 to vector<16xi32>
      %eq3A_1225 = arith.cmpi eq, %gather3A, %eq3A_1224 : vector<16xi32>
      %convert_element_type3A_1226 = arith.extui %eq3A_1225 : vector<16xi1> to vector<16xi32>
      %convert_element_type3A_1227 = arith.sitofp %convert_element_type3A_1226 : vector<16xi32> to vector<16xf32>
      %add3A_1228 = arith.addf %scan3A_1194, %convert_element_type3A_1227 : vector<16xf32>
      scf.yield %add3A_1204, %add3A_1210, %add3A_1216, %add3A_1222, %add3A_1228 : vector<16xf32>, vector<16xf32>, vector<16xf32>, vector<16xf32>, vector<16xf32>
    }
    %scan3A_1048 = arith.constant 32 : i32
    %mul3A_1049 = arith.constant 8 : i32
    %mul3A_1050 = vector.broadcast %mul3A_1049 : i32 to vector<16xi32>
    %mul3A_1051 = arith.muli %add3A_1032, %mul3A_1050 : vector<16xi32>
    %add3A_1052 = arith.constant 0 : i32
    %add3A_1053 = vector.broadcast %add3A_1052 : i32 to vector<16xi32>
    %add3A_1054 = arith.addi %mul3A_1051, %add3A_1053 : vector<16xi32>
    tpu.vector_store_idx %arg12[%add3A_1054], %scan3A_1047#0 : memref<1280xf32, #tpu.memory_space<vmem>>[vector<16xi32>], vector<16xf32>,
    %mul3A_1055 = arith.constant 8 : i32
    %mul3A_1056 = vector.broadcast %mul3A_1055 : i32 to vector<16xi32>
    %mul3A_1057 = arith.muli %add3A_1032, %mul3A_1056 : vector<16xi32>
    %add3A_1058 = arith.constant 1 : i32
    %add3A_1059 = vector.broadcast %add3A_1058 : i32 to vector<16xi32>
    %add3A_1060 = arith.addi %mul3A_1057, %add3A_1059 : vector<16xi32>
    tpu.vector_store_idx %arg12[%add3A_1060], %scan3A_1047#1 : memref<1280xf32, #tpu.memory_space<vmem>>[vector<16xi32>], vector<16xf32>,
    %mul3A_1061 = arith.constant 8 : i32
    %mul3A_1062 = vector.broadcast %mul3A_1061 : i32 to vector<16xi32>
    %mul3A_1063 = arith.muli %add3A_1032, %mul3A_1062 : vector<16xi32>
    %add3A_1064 = arith.constant 2 : i32
    %add3A_1065 = vector.broadcast %add3A_1064 : i32 to vector<16xi32>
    %add3A_1066 = arith.addi %mul3A_1063, %add3A_1065 : vector<16xi32>
    tpu.vector_store_idx %arg12[%add3A_1066], %scan3A_1047#2 : memref<1280xf32, #tpu.memory_space<vmem>>[vector<16xi32>], vector<16xf32>,
    %mul3A_1067 = arith.constant 8 : i32
    %mul3A_1068 = vector.broadcast %mul3A_1067 : i32 to vector<16xi32>
    %mul3A_1069 = arith.muli %add3A_1032, %mul3A_1068 : vector<16xi32>
    %add3A_1070 = arith.constant 3 : i32
    %add3A_1071 = vector.broadcast %add3A_1070 : i32 to vector<16xi32>
    %add3A_1072 = arith.addi %mul3A_1069, %add3A_1071 : vector<16xi32>
    tpu.vector_store_idx %arg12[%add3A_1072], %scan3A_1047#3 : memref<1280xf32, #tpu.memory_space<vmem>>[vector<16xi32>], vector<16xf32>,
    %mul3A_1073 = arith.constant 8 : i32
    %mul3A_1074 = vector.broadcast %mul3A_1073 : i32 to vector<16xi32>
    %mul3A_1075 = arith.muli %add3A_1032, %mul3A_1074 : vector<16xi32>
    %add3A_1076 = arith.constant 4 : i32
    %add3A_1077 = vector.broadcast %add3A_1076 : i32 to vector<16xi32>
    %add3A_1078 = arith.addi %mul3A_1075, %add3A_1077 : vector<16xi32>
    tpu.vector_store_idx %arg12[%add3A_1078], %scan3A_1047#4 : memref<1280xf32, #tpu.memory_space<vmem>>[vector<16xi32>], vector<16xf32>,
    %add3A_1079 = arith.constant 128 : i32
    %add3A_1080 = vector.broadcast %add3A_1079 : i32 to vector<16xi32>
    %add3A_1081 = arith.addi %add3A_1080, %iota3A : vector<16xi32>
    %broadcast_in_dim3A_1082 = arith.constant 0.000000e+00 : f32
    %broadcast_in_dim3A_1083 = vector.broadcast %broadcast_in_dim3A_1082 : f32 to vector<16xf32>
    %broadcast_in_dim3A_1084 = arith.constant 0.000000e+00 : f32
    %broadcast_in_dim3A_1085 = vector.broadcast %broadcast_in_dim3A_1084 : f32 to vector<16xf32>
    %broadcast_in_dim3A_1086 = arith.constant 0.000000e+00 : f32
    %broadcast_in_dim3A_1087 = vector.broadcast %broadcast_in_dim3A_1086 : f32 to vector<16xf32>
    %broadcast_in_dim3A_1088 = arith.constant 0.000000e+00 : f32
    %broadcast_in_dim3A_1089 = vector.broadcast %broadcast_in_dim3A_1088 : f32 to vector<16xf32>
    %broadcast_in_dim3A_1090 = arith.constant 0.000000e+00 : f32
    %broadcast_in_dim3A_1091 = vector.broadcast %broadcast_in_dim3A_1090 : f32 to vector<16xf32>
    %scan3A_1092 = arith.constant 0 : i32
    %scan3A_1093 = arith.constant 32 : i32
    %scan3A_1094 = arith.addi %scan3A_1092, %scan3A_1093 : i32
    %scan3A_1095 = arith.constant 1 : i32
    %scan3A_1096:5 = scf.for %scan3A_1189 = %scan3A_1092 to %scan3A_1094 step %scan3A_1095 iter_args(%scan3A_1190 = %broadcast_in_dim3A_1083, %scan3A_1191 = %broadcast_in_dim3A_1085, %scan3A_1192 = %broadcast_in_dim3A_1087, %scan3A_1193 = %broadcast_in_dim3A_1089, %scan3A_1194 = %broadcast_in_dim3A_1091) -> (vector<16xf32>, vector<16xf32>, vector<16xf32>, vector<16xf32>, vector<16xf32>)  : i32 {
      %add3A_1195 = arith.constant 32 : i32
      %add3A_1196 = arith.addi %add3A_1195, %scan3A_1189 : i32
      %add3A_1197 = vector.broadcast %add3A_1196 : i32 to vector<16xi32>
      %add3A_1198 = arith.addi %broadcast_in_dim3A_14, %add3A_1197 : vector<16xi32>
      %gather3A = tpu.vector_load_idx %arg9[%add3A_1081, %add3A_1198] : memref<160x128xi32, #tpu.memory_space<vmem>>[vector<16xi32>, vector<16xi32>], vector<16xi32>,
      %eq3A_1199 = arith.constant 0 : i32
      %eq3A_1200 = vector.broadcast %eq3A_1199 : i32 to vector<16xi32>
      %eq3A_1201 = arith.cmpi eq, %gather3A, %eq3A_1200 : vector<16xi32>
      %convert_element_type3A_1202 = arith.extui %eq3A_1201 : vector<16xi1> to vector<16xi32>
      %convert_element_type3A_1203 = arith.sitofp %convert_element_type3A_1202 : vector<16xi32> to vector<16xf32>
      %add3A_1204 = arith.addf %scan3A_1190, %convert_element_type3A_1203 : vector<16xf32>
      %eq3A_1205 = arith.constant 1 : i32
      %eq3A_1206 = vector.broadcast %eq3A_1205 : i32 to vector<16xi32>
      %eq3A_1207 = arith.cmpi eq, %gather3A, %eq3A_1206 : vector<16xi32>
      %convert_element_type3A_1208 = arith.extui %eq3A_1207 : vector<16xi1> to vector<16xi32>
      %convert_element_type3A_1209 = arith.sitofp %convert_element_type3A_1208 : vector<16xi32> to vector<16xf32>
      %add3A_1210 = arith.addf %scan3A_1191, %convert_element_type3A_1209 : vector<16xf32>
      %eq3A_1211 = arith.constant 2 : i32
      %eq3A_1212 = vector.broadcast %eq3A_1211 : i32 to vector<16xi32>
      %eq3A_1213 = arith.cmpi eq, %gather3A, %eq3A_1212 : vector<16xi32>
      %convert_element_type3A_1214 = arith.extui %eq3A_1213 : vector<16xi1> to vector<16xi32>
      %convert_element_type3A_1215 = arith.sitofp %convert_element_type3A_1214 : vector<16xi32> to vector<16xf32>
      %add3A_1216 = arith.addf %scan3A_1192, %convert_element_type3A_1215 : vector<16xf32>
      %eq3A_1217 = arith.constant 3 : i32
      %eq3A_1218 = vector.broadcast %eq3A_1217 : i32 to vector<16xi32>
      %eq3A_1219 = arith.cmpi eq, %gather3A, %eq3A_1218 : vector<16xi32>
      %convert_element_type3A_1220 = arith.extui %eq3A_1219 : vector<16xi1> to vector<16xi32>
      %convert_element_type3A_1221 = arith.sitofp %convert_element_type3A_1220 : vector<16xi32> to vector<16xf32>
      %add3A_1222 = arith.addf %scan3A_1193, %convert_element_type3A_1221 : vector<16xf32>
      %eq3A_1223 = arith.constant 4 : i32
      %eq3A_1224 = vector.broadcast %eq3A_1223 : i32 to vector<16xi32>
      %eq3A_1225 = arith.cmpi eq, %gather3A, %eq3A_1224 : vector<16xi32>
      %convert_element_type3A_1226 = arith.extui %eq3A_1225 : vector<16xi1> to vector<16xi32>
      %convert_element_type3A_1227 = arith.sitofp %convert_element_type3A_1226 : vector<16xi32> to vector<16xf32>
      %add3A_1228 = arith.addf %scan3A_1194, %convert_element_type3A_1227 : vector<16xf32>
      scf.yield %add3A_1204, %add3A_1210, %add3A_1216, %add3A_1222, %add3A_1228 : vector<16xf32>, vector<16xf32>, vector<16xf32>, vector<16xf32>, vector<16xf32>
    }
    %scan3A_1097 = arith.constant 32 : i32
    %mul3A_1098 = arith.constant 8 : i32
    %mul3A_1099 = vector.broadcast %mul3A_1098 : i32 to vector<16xi32>
    %mul3A_1100 = arith.muli %add3A_1081, %mul3A_1099 : vector<16xi32>
    %add3A_1101 = arith.constant 0 : i32
    %add3A_1102 = vector.broadcast %add3A_1101 : i32 to vector<16xi32>
    %add3A_1103 = arith.addi %mul3A_1100, %add3A_1102 : vector<16xi32>
    tpu.vector_store_idx %arg12[%add3A_1103], %scan3A_1096#0 : memref<1280xf32, #tpu.memory_space<vmem>>[vector<16xi32>], vector<16xf32>,
    %mul3A_1104 = arith.constant 8 : i32
    %mul3A_1105 = vector.broadcast %mul3A_1104 : i32 to vector<16xi32>
    %mul3A_1106 = arith.muli %add3A_1081, %mul3A_1105 : vector<16xi32>
    %add3A_1107 = arith.constant 1 : i32
    %add3A_1108 = vector.broadcast %add3A_1107 : i32 to vector<16xi32>
    %add3A_1109 = arith.addi %mul3A_1106, %add3A_1108 : vector<16xi32>
    tpu.vector_store_idx %arg12[%add3A_1109], %scan3A_1096#1 : memref<1280xf32, #tpu.memory_space<vmem>>[vector<16xi32>], vector<16xf32>,
    %mul3A_1110 = arith.constant 8 : i32
    %mul3A_1111 = vector.broadcast %mul3A_1110 : i32 to vector<16xi32>
    %mul3A_1112 = arith.muli %add3A_1081, %mul3A_1111 : vector<16xi32>
    %add3A_1113 = arith.constant 2 : i32
    %add3A_1114 = vector.broadcast %add3A_1113 : i32 to vector<16xi32>
    %add3A_1115 = arith.addi %mul3A_1112, %add3A_1114 : vector<16xi32>
    tpu.vector_store_idx %arg12[%add3A_1115], %scan3A_1096#2 : memref<1280xf32, #tpu.memory_space<vmem>>[vector<16xi32>], vector<16xf32>,
    %mul3A_1116 = arith.constant 8 : i32
    %mul3A_1117 = vector.broadcast %mul3A_1116 : i32 to vector<16xi32>
    %mul3A_1118 = arith.muli %add3A_1081, %mul3A_1117 : vector<16xi32>
    %add3A_1119 = arith.constant 3 : i32
    %add3A_1120 = vector.broadcast %add3A_1119 : i32 to vector<16xi32>
    %add3A_1121 = arith.addi %mul3A_1118, %add3A_1120 : vector<16xi32>
    tpu.vector_store_idx %arg12[%add3A_1121], %scan3A_1096#3 : memref<1280xf32, #tpu.memory_space<vmem>>[vector<16xi32>], vector<16xf32>,
    %mul3A_1122 = arith.constant 8 : i32
    %mul3A_1123 = vector.broadcast %mul3A_1122 : i32 to vector<16xi32>
    %mul3A_1124 = arith.muli %add3A_1081, %mul3A_1123 : vector<16xi32>
    %add3A_1125 = arith.constant 4 : i32
    %add3A_1126 = vector.broadcast %add3A_1125 : i32 to vector<16xi32>
    %add3A_1127 = arith.addi %mul3A_1124, %add3A_1126 : vector<16xi32>
    tpu.vector_store_idx %arg12[%add3A_1127], %scan3A_1096#4 : memref<1280xf32, #tpu.memory_space<vmem>>[vector<16xi32>], vector<16xf32>,
    %add3A_1128 = arith.constant 144 : i32
    %add3A_1129 = vector.broadcast %add3A_1128 : i32 to vector<16xi32>
    %add3A_1130 = arith.addi %add3A_1129, %iota3A : vector<16xi32>
    %broadcast_in_dim3A_1131 = arith.constant 0.000000e+00 : f32
    %broadcast_in_dim3A_1132 = vector.broadcast %broadcast_in_dim3A_1131 : f32 to vector<16xf32>
    %broadcast_in_dim3A_1133 = arith.constant 0.000000e+00 : f32
    %broadcast_in_dim3A_1134 = vector.broadcast %broadcast_in_dim3A_1133 : f32 to vector<16xf32>
    %broadcast_in_dim3A_1135 = arith.constant 0.000000e+00 : f32
    %broadcast_in_dim3A_1136 = vector.broadcast %broadcast_in_dim3A_1135 : f32 to vector<16xf32>
    %broadcast_in_dim3A_1137 = arith.constant 0.000000e+00 : f32
    %broadcast_in_dim3A_1138 = vector.broadcast %broadcast_in_dim3A_1137 : f32 to vector<16xf32>
    %broadcast_in_dim3A_1139 = arith.constant 0.000000e+00 : f32
    %broadcast_in_dim3A_1140 = vector.broadcast %broadcast_in_dim3A_1139 : f32 to vector<16xf32>
    %scan3A_1141 = arith.constant 0 : i32
    %scan3A_1142 = arith.constant 32 : i32
    %scan3A_1143 = arith.addi %scan3A_1141, %scan3A_1142 : i32
    %scan3A_1144 = arith.constant 1 : i32
    %scan3A_1145:5 = scf.for %scan3A_1189 = %scan3A_1141 to %scan3A_1143 step %scan3A_1144 iter_args(%scan3A_1190 = %broadcast_in_dim3A_1132, %scan3A_1191 = %broadcast_in_dim3A_1134, %scan3A_1192 = %broadcast_in_dim3A_1136, %scan3A_1193 = %broadcast_in_dim3A_1138, %scan3A_1194 = %broadcast_in_dim3A_1140) -> (vector<16xf32>, vector<16xf32>, vector<16xf32>, vector<16xf32>, vector<16xf32>)  : i32 {
      %add3A_1195 = arith.constant 32 : i32
      %add3A_1196 = arith.addi %add3A_1195, %scan3A_1189 : i32
      %add3A_1197 = vector.broadcast %add3A_1196 : i32 to vector<16xi32>
      %add3A_1198 = arith.addi %broadcast_in_dim3A_14, %add3A_1197 : vector<16xi32>
      %gather3A = tpu.vector_load_idx %arg9[%add3A_1130, %add3A_1198] : memref<160x128xi32, #tpu.memory_space<vmem>>[vector<16xi32>, vector<16xi32>], vector<16xi32>,
      %eq3A_1199 = arith.constant 0 : i32
      %eq3A_1200 = vector.broadcast %eq3A_1199 : i32 to vector<16xi32>
      %eq3A_1201 = arith.cmpi eq, %gather3A, %eq3A_1200 : vector<16xi32>
      %convert_element_type3A_1202 = arith.extui %eq3A_1201 : vector<16xi1> to vector<16xi32>
      %convert_element_type3A_1203 = arith.sitofp %convert_element_type3A_1202 : vector<16xi32> to vector<16xf32>
      %add3A_1204 = arith.addf %scan3A_1190, %convert_element_type3A_1203 : vector<16xf32>
      %eq3A_1205 = arith.constant 1 : i32
      %eq3A_1206 = vector.broadcast %eq3A_1205 : i32 to vector<16xi32>
      %eq3A_1207 = arith.cmpi eq, %gather3A, %eq3A_1206 : vector<16xi32>
      %convert_element_type3A_1208 = arith.extui %eq3A_1207 : vector<16xi1> to vector<16xi32>
      %convert_element_type3A_1209 = arith.sitofp %convert_element_type3A_1208 : vector<16xi32> to vector<16xf32>
      %add3A_1210 = arith.addf %scan3A_1191, %convert_element_type3A_1209 : vector<16xf32>
      %eq3A_1211 = arith.constant 2 : i32
      %eq3A_1212 = vector.broadcast %eq3A_1211 : i32 to vector<16xi32>
      %eq3A_1213 = arith.cmpi eq, %gather3A, %eq3A_1212 : vector<16xi32>
      %convert_element_type3A_1214 = arith.extui %eq3A_1213 : vector<16xi1> to vector<16xi32>
      %convert_element_type3A_1215 = arith.sitofp %convert_element_type3A_1214 : vector<16xi32> to vector<16xf32>
      %add3A_1216 = arith.addf %scan3A_1192, %convert_element_type3A_1215 : vector<16xf32>
      %eq3A_1217 = arith.constant 3 : i32
      %eq3A_1218 = vector.broadcast %eq3A_1217 : i32 to vector<16xi32>
      %eq3A_1219 = arith.cmpi eq, %gather3A, %eq3A_1218 : vector<16xi32>
      %convert_element_type3A_1220 = arith.extui %eq3A_1219 : vector<16xi1> to vector<16xi32>
      %convert_element_type3A_1221 = arith.sitofp %convert_element_type3A_1220 : vector<16xi32> to vector<16xf32>
      %add3A_1222 = arith.addf %scan3A_1193, %convert_element_type3A_1221 : vector<16xf32>
      %eq3A_1223 = arith.constant 4 : i32
      %eq3A_1224 = vector.broadcast %eq3A_1223 : i32 to vector<16xi32>
      %eq3A_1225 = arith.cmpi eq, %gather3A, %eq3A_1224 : vector<16xi32>
      %convert_element_type3A_1226 = arith.extui %eq3A_1225 : vector<16xi1> to vector<16xi32>
      %convert_element_type3A_1227 = arith.sitofp %convert_element_type3A_1226 : vector<16xi32> to vector<16xf32>
      %add3A_1228 = arith.addf %scan3A_1194, %convert_element_type3A_1227 : vector<16xf32>
      scf.yield %add3A_1204, %add3A_1210, %add3A_1216, %add3A_1222, %add3A_1228 : vector<16xf32>, vector<16xf32>, vector<16xf32>, vector<16xf32>, vector<16xf32>
    }
    %scan3A_1146 = arith.constant 32 : i32
    %mul3A_1147 = arith.constant 8 : i32
    %mul3A_1148 = vector.broadcast %mul3A_1147 : i32 to vector<16xi32>
    %mul3A_1149 = arith.muli %add3A_1130, %mul3A_1148 : vector<16xi32>
    %add3A_1150 = arith.constant 0 : i32
    %add3A_1151 = vector.broadcast %add3A_1150 : i32 to vector<16xi32>
    %add3A_1152 = arith.addi %mul3A_1149, %add3A_1151 : vector<16xi32>
    tpu.vector_store_idx %arg12[%add3A_1152], %scan3A_1145#0 : memref<1280xf32, #tpu.memory_space<vmem>>[vector<16xi32>], vector<16xf32>,
    %mul3A_1153 = arith.constant 8 : i32
    %mul3A_1154 = vector.broadcast %mul3A_1153 : i32 to vector<16xi32>
    %mul3A_1155 = arith.muli %add3A_1130, %mul3A_1154 : vector<16xi32>
    %add3A_1156 = arith.constant 1 : i32
    %add3A_1157 = vector.broadcast %add3A_1156 : i32 to vector<16xi32>
    %add3A_1158 = arith.addi %mul3A_1155, %add3A_1157 : vector<16xi32>
    tpu.vector_store_idx %arg12[%add3A_1158], %scan3A_1145#1 : memref<1280xf32, #tpu.memory_space<vmem>>[vector<16xi32>], vector<16xf32>,
    %mul3A_1159 = arith.constant 8 : i32
    %mul3A_1160 = vector.broadcast %mul3A_1159 : i32 to vector<16xi32>
    %mul3A_1161 = arith.muli %add3A_1130, %mul3A_1160 : vector<16xi32>
    %add3A_1162 = arith.constant 2 : i32
    %add3A_1163 = vector.broadcast %add3A_1162 : i32 to vector<16xi32>
    %add3A_1164 = arith.addi %mul3A_1161, %add3A_1163 : vector<16xi32>
    tpu.vector_store_idx %arg12[%add3A_1164], %scan3A_1145#2 : memref<1280xf32, #tpu.memory_space<vmem>>[vector<16xi32>], vector<16xf32>,
    %mul3A_1165 = arith.constant 8 : i32
    %mul3A_1166 = vector.broadcast %mul3A_1165 : i32 to vector<16xi32>
    %mul3A_1167 = arith.muli %add3A_1130, %mul3A_1166 : vector<16xi32>
    %add3A_1168 = arith.constant 3 : i32
    %add3A_1169 = vector.broadcast %add3A_1168 : i32 to vector<16xi32>
    %add3A_1170 = arith.addi %mul3A_1167, %add3A_1169 : vector<16xi32>
    tpu.vector_store_idx %arg12[%add3A_1170], %scan3A_1145#3 : memref<1280xf32, #tpu.memory_space<vmem>>[vector<16xi32>], vector<16xf32>,
    %mul3A_1171 = arith.constant 8 : i32
    %mul3A_1172 = vector.broadcast %mul3A_1171 : i32 to vector<16xi32>
    %mul3A_1173 = arith.muli %add3A_1130, %mul3A_1172 : vector<16xi32>
    %add3A_1174 = arith.constant 4 : i32
    %add3A_1175 = vector.broadcast %add3A_1174 : i32 to vector<16xi32>
    %add3A_1176 = arith.addi %mul3A_1173, %add3A_1175 : vector<16xi32>
    tpu.vector_store_idx %arg12[%add3A_1176], %scan3A_1145#4 : memref<1280xf32, #tpu.memory_space<vmem>>[vector<16xi32>], vector<16xf32>,
    %add3A_1177 = arith.constant 160 : i32
    %add3A_1178 = arith.addi %mul3A_2, %add3A_1177 : i32
    %mul3A_1179 = arith.constant 8 : i32
    %mul3A_1180 = arith.muli %add3A_1178, %mul3A_1179 : i32
    "tpu.region"() ({
      %run_scoped3A = tpu.sem_alloc : memref<!tpu.dma_semaphore, #tpu.memory_space<semaphore_mem>>
      %dma_start3A_1189 = tpu.memref_slice %arg7[%mul3A_1180] : memref<81920xf32, #tpu.memory_space<hbm>> -> memref<1280xf32, #tpu.memory_space<hbm>>
      %dma_start3A_1190 = tpu.memref_slice %arg7[%mul3A_1180] : memref<81920xf32, #tpu.memory_space<hbm>> -> memref<1280xf32, #tpu.memory_space<hbm>>
      tpu.enqueue_dma source(%arg12 : memref<1280xf32, #tpu.memory_space<vmem>>) target(%dma_start3A_1190 : memref<1280xf32, #tpu.memory_space<hbm>>) target_semaphore(%run_scoped3A : memref<!tpu.dma_semaphore, #tpu.memory_space<semaphore_mem>>)
      %dma_wait3A_1191 = tpu.memref_slice %arg7[%mul3A_1180] : memref<81920xf32, #tpu.memory_space<hbm>> -> memref<1280xf32, #tpu.memory_space<hbm>>
      %dma_wait3A_1192 = tpu.memref_slice %arg7[%mul3A_1180] : memref<81920xf32, #tpu.memory_space<hbm>> -> memref<1280xf32, #tpu.memory_space<hbm>>
      tpu.wait_dma2 semaphore(%run_scoped3A : memref<!tpu.dma_semaphore, #tpu.memory_space<semaphore_mem>>) src(%arg12 : memref<1280xf32, #tpu.memory_space<vmem>>) dst(%dma_wait3A_1192 : memref<1280xf32, #tpu.memory_space<hbm>>)
      tpu.yield
    }) : () -> ()
    %scan3A_1181 = arith.constant 0 : i32
    %scan3A_1182 = arith.constant 0 : i32
    %scan3A_1183 = arith.constant 32 : i32
    %scan3A_1184 = arith.addi %scan3A_1182, %scan3A_1183 : i32
    %scan3A_1185 = arith.constant 1 : i32
    scf.for %scan3A_1189 = %scan3A_1182 to %scan3A_1184 step %scan3A_1185  : i32 {
      %dma_wait3A_1190 = arith.constant 0 : i32
      %dma_wait3A_1191 = arith.constant 0 : i32
      %dma_wait3A_1192 = arith.constant 0 : i32
      %dma_wait3A_1193 = tpu.memref_slice %arg11[%dma_wait3A_1191, %dma_wait3A_1192] : memref<160x128xf32, #tpu.memory_space<vmem>> -> memref<128x128xf32, #tpu.memory_space<vmem>>
      %dma_wait3A_1194 = arith.constant 0 : i32
      %dma_wait3A_1195 = tpu.memref_slice %arg10[%dma_wait3A_1190, %dma_wait3A_1194] : memref<32x160xi32, #tpu.memory_space<vmem>> -> memref<1x128xi32, #tpu.memory_space<vmem>>
      %dma_wait3A_1196 = tpu.memref_squeeze %dma_wait3A_1195 : memref<1x128xi32, #tpu.memory_space<vmem>> -> memref<128xi32, #tpu.memory_space<vmem>>
      %dma_wait3A_1197 = arith.constant 0 : i32
      %dma_wait3A_1198 = arith.constant 0 : i32
      %dma_wait3A_1199 = tpu.memref_slice %arg13[%dma_wait3A_1197, %dma_wait3A_1198] : memref<10000x128xf32, #tpu.memory_space<vmem_shared>> -> memref<10000x128xf32, #tpu.memory_space<vmem_shared>>
      tpu.wait_indirect_dma semaphore(%arg16 : memref<!tpu.dma_semaphore, #tpu.memory_space<semaphore_mem>>) src(%dma_wait3A_1199 : memref<10000x128xf32, #tpu.memory_space<vmem_shared>>) dst(%dma_wait3A_1193 : memref<128x128xf32, #tpu.memory_space<vmem>>)
      %dma_wait3A_1200 = arith.constant 0 : i32
      %dma_wait3A_1201 = arith.constant 128 : i32
      %dma_wait3A_1202 = arith.constant 0 : i32
      %dma_wait3A_1203 = tpu.memref_slice %arg11[%dma_wait3A_1201, %dma_wait3A_1202] : memref<160x128xf32, #tpu.memory_space<vmem>> -> memref<32x128xf32, #tpu.memory_space<vmem>>
      %dma_wait3A_1204 = arith.constant 128 : i32
      %dma_wait3A_1205 = tpu.memref_slice %arg10[%dma_wait3A_1200, %dma_wait3A_1204] : memref<32x160xi32, #tpu.memory_space<vmem>> -> memref<1x32xi32, #tpu.memory_space<vmem>>
      %dma_wait3A_1206 = tpu.memref_squeeze %dma_wait3A_1205 : memref<1x32xi32, #tpu.memory_space<vmem>> -> memref<32xi32, #tpu.memory_space<vmem>>
      %dma_wait3A_1207 = arith.constant 0 : i32
      %dma_wait3A_1208 = arith.constant 0 : i32
      %dma_wait3A_1209 = tpu.memref_slice %arg13[%dma_wait3A_1207, %dma_wait3A_1208] : memref<10000x128xf32, #tpu.memory_space<vmem_shared>> -> memref<10000x128xf32, #tpu.memory_space<vmem_shared>>
      tpu.wait_indirect_dma semaphore(%arg16 : memref<!tpu.dma_semaphore, #tpu.memory_space<semaphore_mem>>) src(%dma_wait3A_1209 : memref<10000x128xf32, #tpu.memory_space<vmem_shared>>) dst(%dma_wait3A_1203 : memref<32x128xf32, #tpu.memory_space<vmem>>)
    }
    %scan3A_1186 = arith.constant 32 : i32
    %add3A_1187 = arith.constant 160 : i32
    %add3A_1188 = arith.addi %mul3A_2, %add3A_1187 : i32
    "tpu.region"() ({
      %run_scoped3A = tpu.sem_alloc : memref<!tpu.dma_semaphore, #tpu.memory_space<semaphore_mem>>
      %dma_start3A_1189 = arith.constant 0 : i32
      %dma_start3A_1190 = tpu.memref_slice %arg5[%add3A_1188, %dma_start3A_1189] : memref<10240x128xf32, #tpu.memory_space<hbm>> -> memref<160x128xf32, #tpu.memory_space<hbm>>
      %dma_start3A_1191 = arith.constant 0 : i32
      %dma_start3A_1192 = tpu.memref_slice %arg5[%add3A_1188, %dma_start3A_1191] : memref<10240x128xf32, #tpu.memory_space<hbm>> -> memref<160x128xf32, #tpu.memory_space<hbm>>
      tpu.enqueue_dma source(%arg11 : memref<160x128xf32, #tpu.memory_space<vmem>>) target(%dma_start3A_1192 : memref<160x128xf32, #tpu.memory_space<hbm>>) target_semaphore(%run_scoped3A : memref<!tpu.dma_semaphore, #tpu.memory_space<semaphore_mem>>)
      %dma_wait3A_1193 = arith.constant 0 : i32
      %dma_wait3A_1194 = tpu.memref_slice %arg5[%add3A_1188, %dma_wait3A_1193] : memref<10240x128xf32, #tpu.memory_space<hbm>> -> memref<160x128xf32, #tpu.memory_space<hbm>>
      %dma_wait3A_1195 = arith.constant 0 : i32
      %dma_wait3A_1196 = tpu.memref_slice %arg5[%add3A_1188, %dma_wait3A_1195] : memref<10240x128xf32, #tpu.memory_space<hbm>> -> memref<160x128xf32, #tpu.memory_space<hbm>>
      tpu.wait_dma2 semaphore(%run_scoped3A : memref<!tpu.dma_semaphore, #tpu.memory_space<semaphore_mem>>) src(%arg11 : memref<160x128xf32, #tpu.memory_space<vmem>>) dst(%dma_wait3A_1196 : memref<160x128xf32, #tpu.memory_space<hbm>>)
      tpu.yield
    }) : () -> ()
    return
  }
}

module attributes {stable_mosaic.version = 14 : i64} {
  func.func @_tc_body(%arg0: i32, %arg1: memref<2000x128xf32, #tpu.memory_space<vmem>>, %arg2: memref<2000x128xf32, #tpu.memory_space<vmem>>, %arg3: memref<2000x8xf32, #tpu.memory_space<vmem>>, %arg4: memref<5x128xf32, #tpu.memory_space<vmem>>, %arg5: memref<256x128xf32, #tpu.memory_space<vmem>>, %arg6: memref<1x128xf32, #tpu.memory_space<vmem>>, %arg7: memref<2000x128xf32, #tpu.memory_space<vmem>>) attributes {dimension_semantics = [#tpu.dimension_semantics<arbitrary>], iteration_bounds = array<i64: 5>, scalar_prefetch = 0 : i64, scratch_operands = 0 : i64, tpu.core_type = #tpu.core_type<tc>, window_params = [{transform_indices = @transform_0, window_bounds = array<i64: 2000, 128>}, {transform_indices = @transform_1, window_bounds = array<i64: 2000, 128>}, {transform_indices = @transform_2, window_bounds = array<i64: 2000, 8>}, {pipeline_mode = #tpu.pipeline_mode<synchronous>, transform_indices = @transform_3, window_bounds = array<i64: 5, 128>}, {pipeline_mode = #tpu.pipeline_mode<synchronous>, transform_indices = @transform_4, window_bounds = array<i64: 256, 128>}, {pipeline_mode = #tpu.pipeline_mode<synchronous>, transform_indices = @transform_5, window_bounds = array<i64: 1, 128>}, {transform_indices = @transform_6, window_bounds = array<i64: 2000, 128>}]} {
    %broadcast_in_dim3A = arith.constant 0.000000e+00 : f32
    %broadcast_in_dim3A_0 = vector.broadcast %broadcast_in_dim3A : f32 to vector<2000x128xf32>
    %get3A = arith.constant 0 : index
    %get3A_1 = arith.constant 0 : index
    %get3A_2 = vector.load %arg3[%get3A, %get3A_1] : memref<2000x8xf32, #tpu.memory_space<vmem>>, vector<2000x1xf32>
    %get3A_3 = arith.constant 0 : index
    %get3A_4 = arith.constant 0 : index
    %get3A_5 = vector.load %arg4[%get3A_3, %get3A_4] : memref<5x128xf32, #tpu.memory_space<vmem>>, vector<1x128xf32>
    %mul3A = vector.broadcast %get3A_2 : vector<2000x1xf32> to vector<2000x128xf32>
    %mul3A_6 = vector.broadcast %get3A_5 : vector<1x128xf32> to vector<2000x128xf32>
    %mul3A_7 = arith.mulf %mul3A, %mul3A_6 : vector<2000x128xf32>
    %add3A = arith.addf %broadcast_in_dim3A_0, %mul3A_7 : vector<2000x128xf32>
    %get3A_8 = arith.constant 0 : index
    %get3A_9 = arith.constant 1 : index
    %get3A_10 = vector.load %arg3[%get3A_8, %get3A_9] : memref<2000x8xf32, #tpu.memory_space<vmem>>, vector<2000x1xf32>
    %get3A_11 = arith.constant 1 : index
    %get3A_12 = arith.constant 0 : index
    %get3A_13 = vector.load %arg4[%get3A_11, %get3A_12] : memref<5x128xf32, #tpu.memory_space<vmem>>, vector<1x128xf32>
    %mul3A_14 = vector.broadcast %get3A_10 : vector<2000x1xf32> to vector<2000x128xf32>
    %mul3A_15 = vector.broadcast %get3A_13 : vector<1x128xf32> to vector<2000x128xf32>
    %mul3A_16 = arith.mulf %mul3A_14, %mul3A_15 : vector<2000x128xf32>
    %add3A_17 = arith.addf %add3A, %mul3A_16 : vector<2000x128xf32>
    %get3A_18 = arith.constant 0 : index
    %get3A_19 = arith.constant 2 : index
    %get3A_20 = vector.load %arg3[%get3A_18, %get3A_19] : memref<2000x8xf32, #tpu.memory_space<vmem>>, vector<2000x1xf32>
    %get3A_21 = arith.constant 2 : index
    %get3A_22 = arith.constant 0 : index
    %get3A_23 = vector.load %arg4[%get3A_21, %get3A_22] : memref<5x128xf32, #tpu.memory_space<vmem>>, vector<1x128xf32>
    %mul3A_24 = vector.broadcast %get3A_20 : vector<2000x1xf32> to vector<2000x128xf32>
    %mul3A_25 = vector.broadcast %get3A_23 : vector<1x128xf32> to vector<2000x128xf32>
    %mul3A_26 = arith.mulf %mul3A_24, %mul3A_25 : vector<2000x128xf32>
    %add3A_27 = arith.addf %add3A_17, %mul3A_26 : vector<2000x128xf32>
    %get3A_28 = arith.constant 0 : index
    %get3A_29 = arith.constant 3 : index
    %get3A_30 = vector.load %arg3[%get3A_28, %get3A_29] : memref<2000x8xf32, #tpu.memory_space<vmem>>, vector<2000x1xf32>
    %get3A_31 = arith.constant 3 : index
    %get3A_32 = arith.constant 0 : index
    %get3A_33 = vector.load %arg4[%get3A_31, %get3A_32] : memref<5x128xf32, #tpu.memory_space<vmem>>, vector<1x128xf32>
    %mul3A_34 = vector.broadcast %get3A_30 : vector<2000x1xf32> to vector<2000x128xf32>
    %mul3A_35 = vector.broadcast %get3A_33 : vector<1x128xf32> to vector<2000x128xf32>
    %mul3A_36 = arith.mulf %mul3A_34, %mul3A_35 : vector<2000x128xf32>
    %add3A_37 = arith.addf %add3A_27, %mul3A_36 : vector<2000x128xf32>
    %get3A_38 = arith.constant 0 : index
    %get3A_39 = arith.constant 4 : index
    %get3A_40 = vector.load %arg3[%get3A_38, %get3A_39] : memref<2000x8xf32, #tpu.memory_space<vmem>>, vector<2000x1xf32>
    %get3A_41 = arith.constant 4 : index
    %get3A_42 = arith.constant 0 : index
    %get3A_43 = vector.load %arg4[%get3A_41, %get3A_42] : memref<5x128xf32, #tpu.memory_space<vmem>>, vector<1x128xf32>
    %mul3A_44 = vector.broadcast %get3A_40 : vector<2000x1xf32> to vector<2000x128xf32>
    %mul3A_45 = vector.broadcast %get3A_43 : vector<1x128xf32> to vector<2000x128xf32>
    %mul3A_46 = arith.mulf %mul3A_44, %mul3A_45 : vector<2000x128xf32>
    %add3A_47 = arith.addf %add3A_37, %mul3A_46 : vector<2000x128xf32>
    %get3A_48 = arith.constant 0 : index
    %get3A_49 = arith.constant 0 : index
    %get3A_50 = vector.load %arg2[%get3A_48, %get3A_49] : memref<2000x128xf32, #tpu.memory_space<vmem>>, vector<2000x128xf32>
    %add3A_51 = arith.addf %get3A_50, %add3A_47 : vector<2000x128xf32>
    %mul3A_52 = arith.constant 3.125000e-02 : f32
    %mul3A_53 = vector.broadcast %mul3A_52 : f32 to vector<2000x128xf32>
    %mul3A_54 = arith.mulf %add3A_51, %mul3A_53 : vector<2000x128xf32>
    %get3A_55 = arith.constant 0 : index
    %get3A_56 = arith.constant 0 : index
    %get3A_57 = vector.load %arg1[%get3A_55, %get3A_56] : memref<2000x128xf32, #tpu.memory_space<vmem>>, vector<2000x128xf32>
    %get3A_58 = arith.constant 0 : index
    %get3A_59 = arith.constant 0 : index
    %get3A_60 = vector.load %arg5[%get3A_58, %get3A_59] : memref<256x128xf32, #tpu.memory_space<vmem>>, vector<128x128xf32>
    %dot_general3A = arith.constant dense<0.000000e+00> : vector<2000x128xf32>
    %dot_general3A_61 = tpu.matmul %get3A_57, %get3A_60, %dot_general3A {dimension_numbers = #tpu.dot_dimension_numbers<[1], [0], [0], [1], [0, 0, 1, 1], [], []>, transpose_lhs_hint = false} : vector<2000x128xf32>, vector<128x128xf32>, vector<2000x128xf32> -> vector<2000x128xf32>
    %get3A_62 = arith.constant 128 : index
    %get3A_63 = arith.constant 0 : index
    %get3A_64 = vector.load %arg5[%get3A_62, %get3A_63] : memref<256x128xf32, #tpu.memory_space<vmem>>, vector<128x128xf32>
    %dot_general3A_65 = arith.constant dense<0.000000e+00> : vector<2000x128xf32>
    %dot_general3A_66 = tpu.matmul %mul3A_54, %get3A_64, %dot_general3A_65 {dimension_numbers = #tpu.dot_dimension_numbers<[1], [0], [0], [1], [0, 0, 1, 1], [], []>, transpose_lhs_hint = false} : vector<2000x128xf32>, vector<128x128xf32>, vector<2000x128xf32> -> vector<2000x128xf32>
    %add3A_67 = arith.addf %dot_general3A_61, %dot_general3A_66 : vector<2000x128xf32>
    %get3A_68 = arith.constant 0 : index
    %get3A_69 = arith.constant 0 : index
    %get3A_70 = vector.load %arg6[%get3A_68, %get3A_69] : memref<1x128xf32, #tpu.memory_space<vmem>>, vector<1x128xf32>
    %add3A_71 = vector.broadcast %get3A_70 : vector<1x128xf32> to vector<2000x128xf32>
    %add3A_72 = arith.addf %add3A_67, %add3A_71 : vector<2000x128xf32>
    %max3A = arith.constant 0.000000e+00 : f32
    %max3A_73 = vector.broadcast %max3A : f32 to vector<2000x128xf32>
    %max3A_74 = arith.maximumf %add3A_72, %max3A_73 : vector<2000x128xf32>
    %swap3A = arith.constant 0 : index
    %swap3A_75 = arith.constant 0 : index
    %swap3A_76 = vector.load %arg7[%swap3A, %swap3A_75] : memref<2000x128xf32, #tpu.memory_space<vmem>>, vector<2000x128xf32>
    tpu.vector_store %arg7[%swap3A, %swap3A_75], %max3A_74 {strides = array<i32>} : memref<2000x128xf32, #tpu.memory_space<vmem>>, vector<2000x128xf32>,
    return
  }
  func.func @transform_0(%arg0: i32) -> (i32, i32) {
    %c0_i32 = arith.constant 0 : i32
    %c0_i32_0 = arith.constant 0 : i32
    return %arg0, %c0_i32 : i32, i32
  }
  func.func @transform_1(%arg0: i32) -> (i32, i32) {
    %c0_i32 = arith.constant 0 : i32
    %c0_i32_0 = arith.constant 0 : i32
    return %arg0, %c0_i32 : i32, i32
  }
  func.func @transform_2(%arg0: i32) -> (i32, i32) {
    %c0_i32 = arith.constant 0 : i32
    %c0_i32_0 = arith.constant 0 : i32
    return %arg0, %c0_i32 : i32, i32
  }
  func.func @transform_3(%arg0: i32) -> (i32, i32) {
    %c0_i32 = arith.constant 0 : i32
    %c0_i32_0 = arith.constant 0 : i32
    %c0_i32_1 = arith.constant 0 : i32
    return %c0_i32, %c0_i32_0 : i32, i32
  }
  func.func @transform_4(%arg0: i32) -> (i32, i32) {
    %c0_i32 = arith.constant 0 : i32
    %c0_i32_0 = arith.constant 0 : i32
    %c0_i32_1 = arith.constant 0 : i32
    return %c0_i32, %c0_i32_0 : i32, i32
  }
  func.func @transform_5(%arg0: i32) -> (i32, i32) {
    %c0_i32 = arith.constant 0 : i32
    %c0_i32_0 = arith.constant 0 : i32
    %c0_i32_1 = arith.constant 0 : i32
    return %c0_i32, %c0_i32_0 : i32, i32
  }
  func.func @transform_6(%arg0: i32) -> (i32, i32) {
    %c0_i32 = arith.constant 0 : i32
    %c0_i32_0 = arith.constant 0 : i32
    return %arg0, %c0_i32 : i32, i32
  }
}

</mosaic_0001>

<sc_bundles>
// kernel: kernel.4.cloned.1.call-start
scs
__scs_entry_jumppad:
0x0: {  	(pc) =	sbr.rel $0x88, $3  }
0x1: {  	(tag) =	ssettag $0x0;
	lr =	simm.s32 $0x1  }
0x2: {  	[smem:$0x3F9A] =	sst lr;
	_ =	strace $0xD0000000  }
0x3: {  	_ = 	snop  }
0x4: {  	_ = 	snop  }
0x5: {  	_ = 	snop  }
0x6: {  	_ = 	snop  }
0x7: {  	_ = 	snop  }
__scs_overlays_trampoline_lowered:
0x8: {  	[smem:$0x3FA9] =	sst s0  }
0x9: {  	[smem:$0x3FAA] =	sst s1  }
0xa: {  	[smem:$0x3FAB] =	sst s2  }
0xb: {  	[smem:$0x3FAC] =	sst s3  }
0xc: {  	[smem:$0x3FAD] =	sst s4  }
0xd: {  	[smem:$0x3FAE] =	sst s5  }
0xe: {  	[smem:$0x3FAF] =	sst s6  }
0xf: {  	[smem:$0x3FB0] =	sst s7  }
0x10: {  	[smem:$0x3FB1] =	sst s8  }
0x11: {  	[smem:$0x3FB2] =	sst s9;
	s0 =	simm.s32 @!p0 $0x0  }
0x12: {  	s1 =	sld [smem:$0x3F98];
	s0 =	simm.s32 @p0 $0x1  }
0x13: {  	[smem:$0x3FB3] =	sst s0;
	s0 =	simm.s32 @!p1 $0x0  }
0x14: {  	s2 =	sld [smem:$0x3F97];
	s0 =	simm.s32 @p1 $0x1  }
0x15: {  	[smem:$0x3FB4] =	sst s0;
	s0 =	simm.s32 @!p2 $0x0  }
0x16: {  	s3 =	sld [smem:$0x3FDB];
	s0 =	simm.s32 @p2 $0x1  }
0x17: {  	s4 =	simm.s32 $0x1BF5;
	[smem:$0x3FB6] =	sst s0  }
0x18: {  	s0 =	sld [smem:$0x3F99];
	_ =	swait.ge [sflag:s4], $0x0  }
0x19: {  	s7 =	sld [smem:$0x3F9A]  }
0x1a: {  	s8 =	sadd.s32 $0xFFFFE003, lr  }
0x1b: {  	s9 =	sadd.s32 $0xFFFFFEF7, lr;
	s5 =	simm.s32 $0xFFFFFFFF;
	p2 =	slt.u32 s8, $0xFFFFF086  }
0x1c: {  	p1 =	slt.u32 s9, $0xF7A;
	s5 =	simm.s32 @!p2 $0x0  }
0x1d: {  	s5 =	simm.s32 @p1 $0x1;
	p0 =	seq.s32 s7, s2  }
0x1e: {  	s7 =	smul.u32 @!p0 $0xF7A, s2;
	p2 =	seq.s32 @!p0 s5, $0x0  }
0x1f: {  	s9 =	smul.u32 $0xF7A, s1;
	s8 =	simm.s32 @!p0 $0x1BF5;
	p2 =	por !p2, p0  }
0x20: {  	[sflag:s8] =	ssyncset.s32 @!p0 $0xFFFFF086;
	s6 =	sadd.s32 @!p0 s3, s7;
	s7 =	simm.s32 @!p0 $0x108  }
0x21: {  	s3 =	sadd.s32 s3, s9;
	s6 =	sadd.s32 @!p0 $0x88, s6;
	s7 =	simm.s32 @p2 $0x1082  }
0x22: {  	[simem:s7], [sflag:s8] =	dma.local @!p0 [hbm:s6], $0xF7A  }
0x23: {  	s9 =	sor.u32 $0xD0000000, s2;
	s6 =	simm.s32 $0x108;
	_ =	swait.ge @!p0 [sflag:s8], $0x0  }
0x24: {  	s3 =	sadd.s32 $0x88, s3;
	s6 =	simm.s32 @!p1 $0x1082;
	[sflag:s4] =	ssyncset.s32 $0xFFFFF086  }
0x25: {  	[simem:s6], [sflag:s4] =	dma.local [hbm:s3], $0xF7A  }
0x26: {  	[smem:$0x3F9A] =	sst s1;
	(tag) =	ssettag s2;
	_ =	strace s9  }
0x27: {  	s1 =	sld [smem:$0x3FAA]  }
0x28: {  	s2 =	sld [smem:$0x3FAB]  }
0x29: {  	s4 =	sld [smem:$0x3FAD]  }
0x2a: {  	p0 =	seq.s32 s5, $0x0;
	s5 =	sld [smem:$0x3FAE]  }
0x2b: {  	s6 =	sld [smem:$0x3FAF]  }
0x2c: {  	s7 =	sld [smem:$0x3FB0]  }
0x2d: {  	s3 =	simm.s32 $0x108;
	s8 =	sld [smem:$0x3FB1]  }
0x2e: {  	s3 =	simm.s32 @!p0 $0x1082;
	s9 =	sld [smem:$0x3FB2]  }
0x2f: {  	lr =	sadd.s32 s0, s3;
	s0 =	sld [smem:$0x3FA9]  }
0x30: {  	s3 =	sld [smem:$0x3FAC]  }
0x31: {  	[smem:$0x3FB5] =	sst s10  }
0x32: {  	s10 =	sld [smem:$0x3FB3];
	_ =	sdelay $0x3  }
0x33: {  	p0 =	seq.s32 s10, $0x1;
	s10 =	sld [smem:$0x3FB5];
	_ =	sdelay $0x3  }
0x34: {  	[smem:$0x3FB5] =	sst s10  }
0x35: {  	s10 =	sld [smem:$0x3FB4];
	_ =	sdelay $0x3  }
0x36: {  	p1 =	seq.s32 s10, $0x1;
	s10 =	sld [smem:$0x3FB5];
	_ =	sdelay $0x3  }
0x37: {  	[smem:$0x3FB5] =	sst s10  }
0x38: {  	s10 =	sld [smem:$0x3FB6]  }
0x39: {  	_ = 	snop;
	(pc) =	sbr.ind lr, $3  }
0x3a: {  	_ = 	snop  }
0x3b: {  	_ = 	snop  }
0x3c: {  	p2 =	seq.s32 s10, $0x1;
	s10 =	sld [smem:$0x3FB5]  }
0x3d: {  	_ =	shalt  }
0x3e: {  	_ =	shalt  }
0x3f: {  	_ =	shalt  }
0x40: {  	_ =	shalt  }
0x41: {  	_ =	shalt  }
0x42: {  	_ =	shalt  }
0x43: {  	_ =	shalt  }
0x44: {  	_ =	shalt  }
0x45: {  	_ =	shalt  }
0x46: {  	_ =	shalt  }
0x47: {  	_ =	shalt  }
0x48: {  	_ =	shalt  }
0x49: {  	_ =	shalt  }
0x4a: {  	_ =	shalt  }
0x4b: {  	_ =	shalt  }
0x4c: {  	_ =	shalt  }
0x4d: {  	_ =	shalt  }
0x4e: {  	_ =	shalt  }
0x4f: {  	_ =	shalt  }
0x50: {  	_ =	shalt  }
0x51: {  	_ =	shalt  }
0x52: {  	_ =	shalt  }
0x53: {  	_ =	shalt  }
0x54: {  	_ =	shalt  }
0x55: {  	_ =	shalt  }
0x56: {  	_ =	shalt  }
0x57: {  	_ =	shalt  }
0x58: {  	_ =	shalt  }
0x59: {  	_ =	shalt  }
0x5a: {  	_ =	shalt  }
0x5b: {  	_ =	shalt  }
0x5c: {  	_ =	shalt  }
0x5d: {  	_ =	shalt  }
0x5e: {  	_ =	shalt  }
0x5f: {  	_ =	shalt  }
0x60: {  	_ =	shalt  }
0x61: {  	_ =	shalt  }
0x62: {  	_ =	shalt  }
0x63: {  	_ =	shalt  }
0x64: {  	_ =	shalt  }
0x65: {  	_ =	shalt  }
0x66: {  	_ =	shalt  }
0x67: {  	_ =	shalt  }
0x68: {  	_ =	shalt  }
0x69: {  	_ =	shalt  }
0x6a: {  	_ =	shalt  }
0x6b: {  	_ =	shalt  }
0x6c: {  	_ =	shalt  }
0x6d: {  	_ =	shalt  }
0x6e: {  	_ =	shalt  }
0x6f: {  	_ =	shalt  }
0x70: {  	_ =	shalt  }
0x71: {  	_ =	shalt  }
0x72: {  	_ =	shalt  }
0x73: {  	_ =	shalt  }
0x74: {  	_ =	shalt  }
0x75: {  	_ =	shalt  }
0x76: {  	_ =	shalt  }
0x77: {  	_ =	shalt  }
0x78: {  	_ =	shalt  }
0x79: {  	_ =	shalt  }
0x7a: {  	_ =	shalt  }
0x7b: {  	_ =	shalt  }
0x7c: {  	_ =	shalt  }
0x7d: {  	_ =	shalt  }
0x7e: {  	_ =	shalt  }
0x7f: {  	_ =	shalt  }
0x80: {  	_ =	shalt  }
0x81: {  	_ =	shalt  }
0x82: {  	_ =	shalt  }
0x83: {  	_ =	shalt  }
0x84: {  	_ =	shalt  }
0x85: {  	_ =	shalt  }
0x86: {  	_ =	shalt  }
0x87: {  	_ =	shalt  }
.Lfunc_end0:
.L_simem_size_0:
called_computation_lowered:
.L_overlay_start_0:
0x88: {  	s2 =	sld [smem:$0x3FD9]  }
0x89: {  	s3 =	sld [smem:$0x3FFE];
	_ =	sdelay $0x1  }
0x8a: {  	s1 =	srdreg.scid  }
0x8b: {  	s0 =	sand.u32 $0x1, s1  }
0x8c: {  	s17 =	sshll.u32 s0, $0xA;
	s2 =	sadd.s32 s3, s2  }
0x8d: {  	s2 =	sadd.s32 s2, s17  }
0x8e: {  	[smem:$0x3FC1] =	sst s2  }
0x8f: {  	_ = 	snop  }
0x90: {  	s2 =	sld [smem:$0x3FC6]  }
0x91: {  	s18 =	sld [smem:$0x3FD0];
	(tm) =	ssettm $0x1  }
0x92: {  	s4 =	sld [smem:$0x3FFB];
	_ =	sdelay $0x3  }
0x93: {  	_ =	strace s4  }
0x94: {  	s4 =	sld [smem:$0x3FFC];
	_ =	sdelay $0x3  }
0x95: {  	_ =	strace s4  }
0x96: {  	s4 =	sld [smem:$0x3FFD];
	_ =	sdelay $0x3  }
0x97: {  	_ =	strace s4  }
0x98: {  	_ =	strace $0x8FFFFFFF  }
0x99: {  	s19 =	sld [smem:$0x3FDB];
	_ =	sdelay $0x1  }
0x9a: {  	s5 =	simm.s32 $_scs_section_size  }
0x9b: {  	s6 =	simm.s32 $_size__tile_overlayer_lowered;
	s7 =	simm.s32 $_tile_overlayer_lowered  }
0x9c: {  	s22 =	simm.s32 $0x1BFF;
	s21 =	sshll.u32 s7, $0x1;
	s4 =	sadd.s32 s5, s19  }
0x9d: {  	s8 =	simm.s32 $0x0;
	s20 =	sshll.u32 s6, $0x1;
	s6 =	sadd.s32 s21, s4  }
0x9e: {  	[timem:s8], [sflag:s22] =	dma.local [hbm:s6], s20  }
0x9f: {  	_ =	swait.ge [sflag:s22], s20  }
0xa0: {  	s5 =	ssub.s32 $0x0, s20;
	[sflag:s22] =	ssyncset.done $0x0  }
0xa1: {  	[sflag:s22] =	ssyncadd.s32 s5;
	_ =	sdelay $0x1  }
0xa2: {  	s23 =	simm.s32 $0x1B8B  }
0xa3: {  	_ =	swait.ge [sflag:s23], $0x1  }
0xa4: {  	[sflag:s23] =	ssyncset.done $0x0  }
0xa5: {  	s25 =	simm.s32 $0x1B8E;
	s24 =	sld [smem:$0x3FFE];
	[sflag:s23] =	ssyncadd.s32 $0xFFFFFFFF  }
0xa6: {  	s26 =	simm.s32 $execute0_lowered;
	[smem:$0x3FD2] =	sst s25  }
0xa7: {  	s6 =	sshll.u32 s26, $0x1;
	_ =	strace $0x80000046;
	[dreg:$0x1] =	wrdreg $0xFFFFFFFF  }
0xa8: {  	s28 =	simm.s32 $_size_execute0_lowered;
	s4 =	sadd.s32 s4, s6;
	[dreg:$0x0] =	wrdreg $0x0  }
0xa9: {  	s6 =	sshll.u32 s28, $0x1;
	[dreg:$0x2] =	wrdreg s4  }
0xaa: {  	[dreg:$0x3] =	wrdreg s6  }
0xab: {  	[dreg:$0x4] =	wrdreg $0xC0  }
0xac: {  	_ =	task [dreg:s8], $0x5FFFF  }
0xad: {  	[dreg:$0x1] =	wrdreg $0xFFFFFFFF  }
0xae: {  	[dreg:$0x0] =	wrdreg $0x60  }
0xaf: {  	[dreg:$0x2] =	wrdreg s24  }
0xb0: {  	[dreg:$0x3] =	wrdreg s18  }
0xb1: {  	[dreg:$0x4] =	wrdreg s2  }
0xb2: {  	[dreg:$0x5] =	wrdreg $0xC6800  }
0xb3: {  	[dreg:$0x6] =	wrdreg $0x9  }
0xb4: {  	_ =	task.clear_ibuf [dreg:s8], $0x7FFFF;
	_ =	strace $0x90000046  }
0xb5: {  	s29 =	simm.s32 $0x9;
	_ =	strace $0x80000048  }
0xb6: {  	_ =	swait.ge [sflag:s29], $0x1  }
0xb7: {  	[sflag:s29] =	ssyncadd.s32 $0xFFFFFFFF  }
0xb8: {  	_ =	strace $0x90000048  }
0xb9: {  	_ =	sfence  }
0xba: {  	s30 =	sld [smem:$0x0];
	_ =	sdelay $0x2  }
0xbb: {  	s31 =	sshll.u32 s1, $0xD;
	s1 =	sshrl.u32 s1, $0x2  }
0xbc: {  	s3 =	sand.u32 $0x4000, s31;
	s1 =	sadd.s32 s1, s30  }
0xbd: {  	s0 =	sor.u32 s3, s0;
	s1 =	sshll.u32 s1, $0x11  }
0xbe: {  	s0 =	sor.u32 s1, s0  }
0xbf: {  	s0 =	sadd.s32 $0x8F2B, s0  }
0xc0: {  	[sflag:s0] =	ssyncadd.remote.s32 $0x1  }
0xc1: {  	_ =	sfence.sel $0xFFFF  }
0xc2: {  	[dreg:$0x0] =	wrdreg $0xFFFFFFFF;
	(pc) =	sbr.abs _section_cstart, $3  }
0xc3: {  	[dreg:$0x1] =	wrdreg $0xFFFFFFFF  }
0xc4: {  	_ =	task.clear_ibuf [dreg:s8], $0x2FFFF;
	_ =	strace $0x9FFFFFFF  }
0xc5: {  	(tm) =	ssettm $0x7FFFFFFF  }
tec
execute0_lowered:
.L_overlay_start_1:
0x0: {  	(tag) =	ssettag $0x1  }
0x1: {  	s0 =	rddreg [dreg:$0x0]  }
0x2: {  	s1 =	rddreg [dreg:$0x1];
	s2 =	srdreg.scid  }
0x3: {  	s18 =	stileid.u32;
	s5 =	rddreg [dreg:$0x2]  }
0x4: {  	v7 =	vlaneseq.u32;
	s3 =	rddreg [dreg:$0x3];
	s19 =	simm.s32 $0x80;
	s20 =	simm.s32 $0x180  }
0x5: {  	s21 =	simm.s32 $0x20;
	s23 =	simm.s32 $0x4;
	s28 =	simm.s32 $0xB180;
	v0 =	vmul.u32 $0x80, v7  }
0x6: {  	v11 =	vimm.f32 $0.0e+00;
	s29 =	simm.s32 $0xC180;
	s30 =	simm.s32 $0xA0;
	s31 =	simm.s32 $0x120  }
0x7: {  	v12 =	vimm.s32 $0x0;
	s2 =	sand.u32 $0x1, s2;
	s4 =	sshll.u32 s18, $0x1;
	s9 =	smul.u32 $0x4E000, s18;
	v7 =	vmul.u32 $0x8, v7;
	v1 =	vor.u32 $0x800, v0  }
0x8: {  	s14 =	sadd.s32 $0x4200, s0;
	s12 =	sadd.s32 $0x2C200, s0;
	s11 =	smul.u32 $0x2700, s18;
	v2 =	vor.u32 $0x1000, v0;
	v3 =	vor.u32 $0x1800, v0;
	v4 =	vor.u32 $0x2000, v0  }
0x9: {  	s24 =	sshll.u32 s18, $0x6;
	s17 =	sadd.s32 $0x138000, s3;
	p0 =	sne.s32 s18, $0xF;
	v5 =	vor.u32 $0x2800, v0;
	v6 =	vor.u32 $0x3000, v0;
	v8 =	vor.u32 $0x3800, v0  }
0xa: {  	s18 =	simm.s32 $0x5;
	s6 =	sor.u32 s2, s4;
	s4 =	simm.s32 $0x0;
	v9 =	vor.u32 $0x4000, v0;
	v10 =	vor.u32 $0x4800, v0;
	v13 =	vor.u32 $0x1, v7  }
0xb: {  	s2 =	ssub.s32 $0x2, s2;
	s17 =	sshrl.u32 @!p0 s17, $0x3;
	s7 =	smul.u32 $0x140, s6;
	v21 =	vor.u32 $0x84, v7;
	v22 =	vor.u32 $0x100, v7;
	v23 =	vor.u32 $0x101, v7  }
0xc: {  	[smem:$0x7FF] =	sst s4;
	s10 =	sshrl.u32 s2, $0x1;
	s9 =	sshrl.u32 s9, $0x2;
	v24 =	vor.u32 $0x102, v7;
	v25 =	vor.u32 $0x103, v7;
	v26 =	vor.u32 $0x104, v7  }
0xd: {  	s25 =	sadd.s32 s5, s11;
	s6 =	smul.u32 $0x1400, s6;
	s5 =	sadd.s32 $0x27000, s5;
	v27 =	vor.u32 $0x180, v7;
	v28 =	vor.u32 $0x181, v7;
	v29 =	vor.u32 $0x182, v7  }
0xe: {  	v30 =	vor.u32 $0x183, v7;
	v31 =	vor.u32 $0x184, v7;
	v32 =	vor.u32 $0x200, v7;
	_ =	strace $0x80000047;
	s2 =	ssub.s32 s2, s10;
	[dreg:$0x5] =	wrdreg s25  }
0xf: {  	v33 =	vor.u32 $0x201, v7;
	v34 =	vor.u32 $0x202, v7;
	[tilespmem:$0x1FF80] =	vst v13;
	s16 =	sadd.s32 s9, s3;
	v13 =	vor.u32 $0x2, v7;
	s9 =	sor.u32 $0x1C04, s24;
	[dreg:$0x7] =	wrdreg s5  }
0x10: {  	v35 =	vor.u32 $0x203, v7;
	v36 =	vor.u32 $0x204, v7;
	s24 =	simm.s32 $0x1;
	s25 =	simm.s32 $0x7180;
	s8 =	sshrl.u32 s7, $0x3;
	[tilespmem:$0x1FF90] =	vst v13;
	v13 =	vor.u32 $0x3, v7  }
0x11: {  	v37 =	vor.u32 $0x280, v7;
	v38 =	vor.u32 $0x281, v7;
	[dreg:$0x6] =	wrdreg s9;
	s26 =	sadd.s32 $0xA0, s7;
	s9 =	sadd.s32 s12, s6;
	[tilespmem:$0x1FFA0] =	vst v13;
	v13 =	vor.u32 $0x4, v7  }
0x12: {  	v39 =	vor.u32 $0x282, v7;
	v40 =	vor.u32 $0x283, v7;
	s11 =	sadd.s32 s14, s6;
	s16 =	sshrl.u32 s16, $0x3;
	s8 =	sadd.s32 s8, s0;
	[tilespmem:$0x1FFB0] =	vst v13;
	v13 =	vor.u32 $0x80, v7  }
0x13: {  	v41 =	vor.u32 $0x284, v7;
	v42 =	vor.u32 $0x300, v7;
	s0 =	sadd.s32 $0x1A00, s0;
	s15 =	sshll.u32 s26, $0x4;
	s8 =	sadd.s32 $0x1400, s8;
	[tilespmem:$0x1FFC0] =	vst v13;
	v13 =	vor.u32 $0x81, v7  }
0x14: {  	v43 =	vor.u32 $0x301, v7;
	v44 =	vor.u32 $0x302, v7;
	s10 =	sadd.s32 s0, s7;
	s12 =	sadd.s32 s12, s15;
	s13 =	sadd.s32 s0, s26;
	[tilespmem:$0x1FFD0] =	vst v13;
	v13 =	vor.u32 $0x82, v7  }
0x15: {  	v45 =	vor.u32 $0x303, v7;
	v46 =	vor.u32 $0x304, v7;
	s14 =	sadd.s32 s14, s15;
	s15 =	smax.u32 s2, $0x1;
	s26 =	simm.s32 $0x2;
	[tilespmem:$0x1FFE0] =	vst v13;
	v13 =	vor.u32 $0x83, v7  }
0x16: {  	v47 =	vor.u32 $0x380, v7;
	v48 =	vor.u32 $0x381, v7;
	v49 =	vor.u32 $0x382, v7;
	s2 =	simm.s32 $0x3;
	s0 =	simm.s32 $0x0;
	[dreg:$0x8] =	wrdreg s8;
	[tilespmem:$0x1FFF0] =	vst v13  }
.LBB2_1:
0x17: {  	s5 =	rddreg [dreg:$0x5]  }
0x18: {  	s6 =	rddreg [dreg:$0x6]  }
0x19: {  	[spmem:s16], [sflag:s6] =	dma.local [hbm:s5], $0x2700  }
0x1a: {  	s5 =	simm.s32 @!p0 $0x1FC5;
	s6 =	rddreg [dreg:$0x7]  }
0x1b: {  	[spmem:s17], [sflag:s5] =	dma.local @!p0 [hbm:s6], $0x100  }
0x1c: {  	s5 =	simm.s32 @!p0 $0x5  }
0x1d: {  	_ =	swait.ge @!p0 [sflag:s5], $0x100  }
0x1e: {  	[sflag:s5] =	ssyncset.done @!p0 $0x0  }
0x1f: {  	s8 =	rddreg [dreg:$0x8];
	[sflag:s5] =	ssyncadd.s32 @!p0 $0xFFFFFF00  }
0x20: {  	[tilespmem:s4], [sflag:$0x5] =	stream.linear.gather [hbm4b:s8+s4], $0x140, $0x38;
	[tilespmem:$0x1FF00] =	vst v63  }
0x21: {  	_ =	swait.ge [sflag:s18], $0x140  }
0x22: {  	[sflag:s18] =	ssyncset.done $0x0  }
0x23: {  	[sflag:s18] =	ssyncadd.s32 $0xFFFFFEC0  }
0x24: {  	[tilespmem:s20], [sflag:$0x1] =	stream.indirect.gather [hbm4b:s1+s19], $0x80, s4, s19, $0xb8;
	[tilespmem:$0x1FF00] =	vst v63  }
0x25: {  	s22 =	simm.s32 $0x4180  }
0x26: {  	[tilespmem:s22], [sflag:$0x1] =	stream.indirect.gather [hbm4b:s1+s21], $0x80, s19, s21, $0xb8;
	[tilespmem:$0x1FF00] =	vst v63  }
0x27: {  	_ =	swait.ge [sflag:s23], $0x2700  }
0x28: {  	v13 =	vmov s4;
	[sflag:s23] =	ssyncset.done $0x0  }
0x29: {  	v13 =	vand.u32 $0x7F, v13;
	[sflag:s23] =	ssyncadd.s32 $0xFFFFD900  }
0x2a: {  	v13 =	vbroadcast v13, $0x0;
	[bflag:$0x0] =	sbarrier.arrive $0xFFFF  }
0x2b: {  	_ =	swait.ge [sflag:s24], $0x4000  }
0x2c: {  	v14 =	vor.u32 v0, v13;
	[sflag:s24] =	ssyncset.done $0x0  }
0x2d: {  	[sflag:s24] =	ssyncadd.s32 $0xFFFFC000  }
0x2e: {  	_ =	swait.ge [sflag:s24], $0x1000  }
0x2f: {  	[sflag:s24] =	ssyncset.done $0x0  }
0x30: {  	[sflag:s24] =	ssyncadd.s32 $0xFFFFF000  }
0x31: {  	v14 =	vld.idx.msk [tilespmem:v14+s20+$0x0], $0xffff  }
0x32: {  	v15 =	vor.u32 v1, v13;
	_ =	sdelay $0x1  }
0x33: {  	s7 =	sand.u32 $0x380, s4;
	s6 =	sand.u32 $0x1800, s4  }
0x34: {  	s22 =	sor.u32 s7, s6  }
0x35: {  	[tilespmem:s22+$0x5180] =	vst v14  }
0x36: {  	v14 =	vld.idx.msk [tilespmem:v15+s20+$0x0], $0xffff  }
0x37: {  	v15 =	vor.u32 v2, v13;
	_ =	sdelay $0x3  }
0x38: {  	[tilespmem:s22+$0x5190] =	vst v14  }
0x39: {  	v14 =	vld.idx.msk [tilespmem:v15+s20+$0x0], $0xffff  }
0x3a: {  	v15 =	vor.u32 v3, v13;
	_ =	sdelay $0x3  }
0x3b: {  	[tilespmem:s22+$0x51A0] =	vst v14  }
0x3c: {  	v14 =	vld.idx.msk [tilespmem:v15+s20+$0x0], $0xffff  }
0x3d: {  	v15 =	vor.u32 v4, v13;
	_ =	sdelay $0x3  }
0x3e: {  	[tilespmem:s22+$0x51B0] =	vst v14  }
0x3f: {  	v14 =	vld.idx.msk [tilespmem:v15+s20+$0x0], $0xffff  }
0x40: {  	v15 =	vor.u32 v5, v13;
	_ =	sdelay $0x3  }
0x41: {  	[tilespmem:s22+$0x51C0] =	vst v14  }
0x42: {  	v14 =	vld.idx.msk [tilespmem:v15+s20+$0x0], $0xffff  }
0x43: {  	v15 =	vor.u32 v6, v13;
	_ =	sdelay $0x3  }
0x44: {  	[tilespmem:s22+$0x51D0] =	vst v14  }
0x45: {  	v14 =	vld.idx.msk [tilespmem:v15+s20+$0x0], $0xffff  }
0x46: {  	v15 =	vor.u32 v8, v13;
	_ =	sdelay $0x3  }
0x47: {  	[tilespmem:s22+$0x51E0] =	vst v14  }
0x48: {  	v14 =	vld.idx.msk [tilespmem:v15+s20+$0x0], $0xffff  }
0x49: {  	v15 =	vor.u32 v9, v13;
	_ =	sdelay $0x3  }
0x4a: {  	[tilespmem:s22+$0x51F0] =	vst v14  }
0x4b: {  	v14 =	vld.idx.msk [tilespmem:v15+s20+$0x0], $0xffff  }
0x4c: {  	v13 =	vor.u32 v10, v13;
	_ =	sdelay $0x1  }
0x4d: {  	s8 =	simm.s32 $0x1  }
0x4e: {  	s5 =	simm.s32 $0x0;
	s7 =	simm.s32 $0x2;
	s6 =	simm.s32 $0x0;
	v15 =	vmov s8  }
.LBB2_2:
0x4f: {  	p1 =	sne.s32 s7, $0x1F;
	v15 =	vand.u32 $0x7F, v15;
	[tilespmem:s22+$0x5580] =	vst v14  }
0x50: {  	v15 =	vbroadcast v15, $0x0;
	v13 =	vld.idx.msk [tilespmem:v13+s20+$0x0], $0xffff;
	_ =	sdelay $0x1  }
0x51: {  	v14 =	vor.u32 v0, v15;
	_ =	sdelay $0x3  }
0x52: {  	[tilespmem:s22+$0x5590] =	vst v13  }
0x53: {  	v13 =	vld.idx.msk [tilespmem:v14+s20+$0x0], $0xffff;
	_ =	sdelay $0x1  }
0x54: {  	v14 =	vor.u32 v1, v15  }
0x55: {  	s5 =	sadd.s32 $0x80, s5;
	s6 =	sadd.s32 $0x100, s6  }
0x56: {  	s8 =	sand.u32 $0x380, s5;
	s22 =	sand.u32 $0x1800, s6  }
0x57: {  	s22 =	sor.u32 s8, s22  }
0x58: {  	[tilespmem:s22+$0x5180] =	vst v13  }
0x59: {  	v13 =	vld.idx.msk [tilespmem:v14+s20+$0x0], $0xffff;
	_ =	sdelay $0x1  }
0x5a: {  	v14 =	vor.u32 v2, v15;
	_ =	sdelay $0x3  }
0x5b: {  	[tilespmem:s22+$0x5190] =	vst v13  }
0x5c: {  	v13 =	vld.idx.msk [tilespmem:v14+s20+$0x0], $0xffff;
	_ =	sdelay $0x1  }
0x5d: {  	v14 =	vor.u32 v3, v15;
	_ =	sdelay $0x3  }
0x5e: {  	[tilespmem:s22+$0x51A0] =	vst v13  }
0x5f: {  	v13 =	vld.idx.msk [tilespmem:v14+s20+$0x0], $0xffff;
	_ =	sdelay $0x1  }
0x60: {  	v14 =	vor.u32 v4, v15;
	_ =	sdelay $0x3  }
0x61: {  	[tilespmem:s22+$0x51B0] =	vst v13  }
0x62: {  	v13 =	vld.idx.msk [tilespmem:v14+s20+$0x0], $0xffff;
	_ =	sdelay $0x1  }
0x63: {  	v14 =	vor.u32 v5, v15;
	_ =	sdelay $0x3  }
0x64: {  	[tilespmem:s22+$0x51C0] =	vst v13  }
0x65: {  	v13 =	vld.idx.msk [tilespmem:v14+s20+$0x0], $0xffff;
	_ =	sdelay $0x1  }
0x66: {  	v14 =	vor.u32 v6, v15;
	_ =	sdelay $0x3  }
0x67: {  	[tilespmem:s22+$0x51D0] =	vst v13  }
0x68: {  	v13 =	vld.idx.msk [tilespmem:v14+s20+$0x0], $0xffff;
	_ =	sdelay $0x1  }
0x69: {  	v14 =	vor.u32 v8, v15;
	_ =	sdelay $0x3  }
0x6a: {  	[tilespmem:s22+$0x51E0] =	vst v13  }
0x6b: {  	v13 =	vld.idx.msk [tilespmem:v14+s20+$0x0], $0xffff;
	_ =	sdelay $0x1  }
0x6c: {  	v14 =	vor.u32 v9, v15;
	_ =	sdelay $0x3  }
0x6d: {  	[tilespmem:s22+$0x51F0] =	vst v13  }
0x6e: {  	v14 =	vld.idx.msk [tilespmem:v14+s20+$0x0], $0xffff  }
.Ltmp0:
0x6f: {  	(pc) =	sbr.rel @p1 .LBB2_2-.Ltmp0, $2  }
0x70: {  	v13 =	vor.u32 v10, v15;
	_ =	sdelay $0x2  }
0x71: {  	v15 =	vmov s7;
	s7 =	sadd.s32 $0x1, s7  }
0x72: {  	_ =	sdelay $0x1  }
0x73: {  	v15 =	vand.u32 $0x7F, v15  }
0x74: {  	[tilespmem:s22+$0x5580] =	vst v14;
	v14 =	vbroadcast v15, $0x0  }
0x75: {  	v13 =	vld.idx.msk [tilespmem:v13+s20+$0x0], $0xffff  }
0x76: {  	v15 =	vor.u32 v0, v14;
	_ =	sdelay $0x3  }
0x77: {  	[tilespmem:s22+$0x5590] =	vst v13  }
0x78: {  	v13 =	vld.idx.msk [tilespmem:v15+s20+$0x0], $0xffff  }
0x79: {  	v15 =	vor.u32 v1, v14  }
0x7a: {  	s5 =	sadd.s32 $0x80, s5;
	s6 =	sadd.s32 $0x100, s6  }
0x7b: {  	s6 =	sand.u32 $0x1800, s6;
	s5 =	sand.u32 $0x380, s5  }
0x7c: {  	s5 =	sor.u32 s5, s6  }
0x7d: {  	[tilespmem:s5+$0x5180] =	vst v13  }
0x7e: {  	v13 =	vld.idx.msk [tilespmem:v15+s20+$0x0], $0xffff  }
0x7f: {  	v15 =	vor.u32 v2, v14;
	_ =	sdelay $0x3  }
0x80: {  	[tilespmem:s5+$0x5190] =	vst v13  }
0x81: {  	v13 =	vld.idx.msk [tilespmem:v15+s20+$0x0], $0xffff  }
0x82: {  	v15 =	vor.u32 v3, v14;
	_ =	sdelay $0x3  }
0x83: {  	[tilespmem:s5+$0x51A0] =	vst v13  }
0x84: {  	v13 =	vld.idx.msk [tilespmem:v15+s20+$0x0], $0xffff  }
0x85: {  	v15 =	vor.u32 v4, v14;
	_ =	sdelay $0x3  }
0x86: {  	[tilespmem:s5+$0x51B0] =	vst v13  }
0x87: {  	v13 =	vld.idx.msk [tilespmem:v15+s20+$0x0], $0xffff  }
0x88: {  	v15 =	vor.u32 v5, v14;
	_ =	sdelay $0x3  }
0x89: {  	[tilespmem:s5+$0x51C0] =	vst v13  }
0x8a: {  	v13 =	vld.idx.msk [tilespmem:v15+s20+$0x0], $0xffff  }
0x8b: {  	v15 =	vor.u32 v6, v14;
	_ =	sdelay $0x3  }
0x8c: {  	[tilespmem:s5+$0x51D0] =	vst v13  }
0x8d: {  	v13 =	vld.idx.msk [tilespmem:v15+s20+$0x0], $0xffff  }
0x8e: {  	v15 =	vor.u32 v8, v14;
	_ =	sdelay $0x3  }
0x8f: {  	[tilespmem:s5+$0x51E0] =	vst v13  }
0x90: {  	v13 =	vld.idx.msk [tilespmem:v15+s20+$0x0], $0xffff  }
0x91: {  	v15 =	vor.u32 v9, v14;
	_ =	sdelay $0x3  }
0x92: {  	[tilespmem:s5+$0x51F0] =	vst v13  }
0x93: {  	v13 =	vld.idx.msk [tilespmem:v15+s20+$0x0], $0xffff  }
0x94: {  	v14 =	vor.u32 v10, v14;
	_ =	sdelay $0x3  }
0x95: {  	[tilespmem:s5+$0x5580] =	vst v13  }
0x96: {  	v13 =	vld.idx.msk [tilespmem:v14+s20+$0x0], $0xffff;
	_ =	sdelay $0x4  }
0x97: {  	[tilespmem:s5+$0x5590] =	vst v13;
	s5 =	simm.s32 $0x0  }
0x98: {  	[tilespmem:s25], [sflag:$0x2] =	stream.indirect.gather [spmem:s3], $0x80, s5, s19, $0xb8;
	[tilespmem:$0x1FF00] =	vst v63  }
0x99: {  	_ =	swait.ge [sflag:s26], $0x4000  }
0x9a: {  	[sflag:s26] =	ssyncset.done $0x0  }
0x9b: {  	[sflag:s26] =	ssyncadd.s32 $0xFFFFC000  }
0x9c: {  	[tilespmem:s28], [sflag:$0x2] =	stream.indirect.gather [spmem:s3], $0x80, s19, s21, $0xb8;
	[tilespmem:$0x1FF00] =	vst v63  }
0x9d: {  	_ =	swait.ge [sflag:s26], $0x1000  }
0x9e: {  	[sflag:s26] =	ssyncset.done $0x0  }
0x9f: {  	[sflag:s26] =	ssyncadd.s32 $0xFFFFF000  }
0xa0: {  	[hbm4b:s9+s5] =	stream.linear.scatter [tilespmem:s25], [sflag:$0x5], $0x5000, $0x38;
	[tilespmem:$0x1FF00] =	vst v63  }
0xa1: {  	_ =	swait.ge [sflag:s18], $0x5000  }
0xa2: {  	[sflag:s18] =	ssyncset.done $0x0  }
0xa3: {  	s7 =	simm.s32 $0x200;
	s6 =	simm.s32 $0x0;
	[sflag:s18] =	ssyncadd.s32 $0xFFFFB000  }
.LBB2_4:
0xa4: {  	p1 =	sne.s32 s7, $0x13E00;
	[tilespmem:s6+$0x71F0] =	vst v11  }
0xa5: {  	[tilespmem:s6+$0x7180] =	vst v11  }
0xa6: {  	[tilespmem:s6+$0x7190] =	vst v11  }
.Ltmp1:
0xa7: {  	[tilespmem:s6+$0x71A0] =	vst v11;
	(pc) =	sbr.rel @p1 .LBB2_4-.Ltmp1, $4  }
0xa8: {  	[tilespmem:s6+$0x71B0] =	vst v11  }
0xa9: {  	[tilespmem:s6+$0x71C0] =	vst v11  }
0xaa: {  	[tilespmem:s6+$0x71D0] =	vst v11  }
0xab: {  	[tilespmem:s6+$0x71E0] =	vst v11;
	s6 =	sshra.s32 s7, $0x2;
	s7 =	sadd.s32 $0x200, s7  }
0xac: {  	[tilespmem:s6+$0x71F0] =	vst v11  }
0xad: {  	[tilespmem:s6+$0x7180] =	vst v11  }
0xae: {  	[tilespmem:s6+$0x7190] =	vst v11  }
0xaf: {  	[tilespmem:s6+$0x71A0] =	vst v11  }
0xb0: {  	[tilespmem:s6+$0x71B0] =	vst v11  }
0xb1: {  	[tilespmem:s6+$0x71C0] =	vst v11;
	s7 =	sand.u32 $0x1800, s5;
	s22 =	sand.u32 $0x380, s5  }
0xb2: {  	[tilespmem:s6+$0x71D0] =	vst v11;
	s7 =	sor.u32 s22, s7  }
0xb3: {  	[tilespmem:s6+$0x71E0] =	vst v11;
	s6 =	simm.s32 $0x100;
	s22 =	simm.s32 $0x80;
	s5 =	sadd.s32 $0x5180, s7  }
0xb4: {  	[tilespmem:s25], [sflag:$0x3] =	stream.indirect.gather.add.f32 [spmem:s3], $0x80, s5, s19, $0xb8;
	[tilespmem:$0x1FF00] =	vst v63  }
.LBB2_6:
0xb5: {  	s8 =	sand.u32 $0x1800, s6  }
0xb6: {  	s7 =	sadd.s32 $0x5580, s7;
	s5 =	simm.s32 $0x20;
	p1 =	sne.s32 s6, $0x1F00  }
0xb7: {  	[tilespmem:s28], [sflag:$0x3] =	stream.indirect.gather.add.f32 [spmem:s3], $0x80, s7, s5, $0xb8;
	[tilespmem:$0x1FF00] =	vst v63  }
.Ltmp2:
0xb8: {  	_ = 	snop;
	(pc) =	sbr.rel @p1 .LBB2_6-.Ltmp2, $4  }
0xb9: {  	s6 =	sadd.s32 $0x100, s6;
	s7 =	sand.u32 $0x380, s22  }
0xba: {  	s7 =	sor.u32 s7, s8  }
0xbb: {  	s22 =	sadd.s32 $0x80, s22;
	s8 =	sadd.s32 $0x5180, s7  }
0xbc: {  	[tilespmem:s25], [sflag:$0x3] =	stream.indirect.gather.add.f32 [spmem:s3], $0x80, s8, s19, $0xb8;
	[tilespmem:$0x1FF00] =	vst v63  }
0xbd: {  	v13 =	vmov s5  }
0xbe: {  	v13 =	vand.u32 $0x7F, v13  }
0xbf: {  	v13 =	vbroadcast v13, $0x0;
	_ =	sdelay $0x1  }
0xc0: {  	v13 =	vor.u32 v0, v13  }
0xc1: {  	s6 =	simm.s32 $0x21  }
0xc2: {  	v14 =	vmov s6  }
0xc3: {  	s8 =	sadd.s32 $0x5580, s7;
	v14 =	vand.u32 $0x7F, v14  }
0xc4: {  	[tilespmem:s28], [sflag:$0x3] =	stream.indirect.gather.add.f32 [spmem:s3], $0x80, s8, s5, $0xb8;
	v14 =	vbroadcast v14, $0x0;
	[tilespmem:$0x1FF00] =	vst v63  }
0xc5: {  	v13 =	vld.idx.msk [tilespmem:v13+s20+$0x0], $0xffff  }
0xc6: {  	v14 =	vor.u32 v0, v14;
	_ =	sdelay $0x1  }
0xc7: {  	v50 =	vimm.f32 $0.0e+00;
	s22 =	simm.s32 $0x22;
	v51 =	vimm.f32 $0.0e+00;
	v52 =	vimm.f32 $0.0e+00  }
0xc8: {  	v53 =	vimm.f32 $0.0e+00;
	v54 =	vimm.f32 $0.0e+00;
	v15 =	vmov s22;
	s5 =	simm.s32 $0x23  }
.LBB2_8:
0xc9: {  	p1 =	sne.s32 s5, $0x3F;
	v15 =	vand.u32 $0x7F, v15;
	vm0 =	veq.s32 v13, $0x0;
	vm1 =	veq.s32 v13, $0x4;
	v16 =	vmovc v13  }
0xca: {  	v15 =	vbroadcast v15, $0x0;
	v13 =	vld.idx.msk [tilespmem:v14+s20+$0x0], $0xffff;
	vm2 =	veq.s32 v16, $0x1;
	v14 =	vsel vm1, $0x3F800000, v12  }
.Ltmp3:
0xcb: {  	vm1 =	veq.s32 v16, $0x2;
	vm3 =	veq.s32 v16, $0x3;
	v50 =	vadd.f32 v14, v50;
	(pc) =	sbr.rel @p1 .LBB2_8-.Ltmp3, $4  }
0xcc: {  	v16 =	vsel vm2, $0x3F800000, v12;
	v14 =	vor.u32 v0, v15;
	v15 =	vsel vm0, $0x3F800000, v12  }
0xcd: {  	v17 =	vsel vm3, $0x3F800000, v12;
	v51 =	vadd.f32 v15, v51;
	v15 =	vsel vm1, $0x3F800000, v12  }
0xce: {  	v52 =	vadd.f32 v16, v52;
	v53 =	vadd.f32 v15, v53  }
0xcf: {  	v54 =	vadd.f32 v17, v54;
	v15 =	vmov s5;
	s5 =	sadd.s32 $0x1, s5  }
0xd0: {  	v15 =	vand.u32 $0x7F, v15  }
0xd1: {  	v15 =	vbroadcast v15, $0x0;
	_ =	sdelay $0x1  }
0xd2: {  	v15 =	vor.u32 v0, v15;
	_ =	sdelay $0x3  }
0xd3: {  	v14 =	vld.idx.msk [tilespmem:v14+s20+$0x0], $0xffff  }
0xd4: {  	v15 =	vld.idx.msk [tilespmem:v15+s20+$0x0], $0xffff  }
0xd5: {  	vm0 =	veq.s32 v13, $0x0;
	vm1 =	veq.s32 v13, $0x4;
	vm2 =	veq.s32 v13, $0x1  }
0xd6: {  	vm15 =	veq.s32 v13, $0x2;
	vm3 =	veq.s32 v13, $0x3;
	s5 =	simm.s32 $0x20;
	v16 =	vsel vm1, $0x3F800000, v12  }
0xd7: {  	v17 =	vsel vm2, $0x3F800000, v12;
	v18 =	vsel vm15, $0x3F800000, v12;
	v58 =	vmov s5  }
0xd8: {  	v13 =	vadd.f32 v16, v50;
	v17 =	vadd.f32 v17, v52;
	vm7 =	veq.s32 v14, $0x4  }
0xd9: {  	vm11 =	veq.s32 v15, $0x0;
	vm12 =	veq.s32 v15, $0x4;
	vm13 =	veq.s32 v15, $0x1  }
0xda: {  	vm14 =	veq.s32 v15, $0x2;
	vm15 =	veq.s32 v15, $0x3;
	v15 =	vand.u32 $0x7F, v58  }
0xdb: {  	vm8 =	veq.s32 v14, $0x1;
	v62 =	vsel vm7, $0x3F800000, v12;
	v15 =	vbroadcast v15, $0x0  }
0xdc: {  	v16 =	vsel vm0, $0x3F800000, v12;
	v63 =	vsel vm8, $0x3F800000, v12;
	v13 =	vadd.f32 v62, v13  }
0xdd: {  	v19 =	vld [tilespmem:$0x1FF80];
	v17 =	vadd.f32 v63, v17;
	v63 =	vor.u32 v1, v15;
	v15 =	vsel vm12, $0x3F800000, v12  }
0xde: {  	v16 =	vadd.f32 v16, v51;
	vm6 =	veq.s32 v14, $0x0;
	v13 =	vadd.f32 v15, v13;
	v15 =	vld [tilespmem:$0x1FF90]  }
0xdf: {  	vm9 =	veq.s32 v14, $0x2;
	vm10 =	veq.s32 v14, $0x3;
	v14 =	vsel vm6, $0x3F800000, v12  }
0xe0: {  	v18 =	vadd.f32 v18, v53;
	v14 =	vadd.f32 v14, v16  }
0xe1: {  	v61 =	vsel vm3, $0x3F800000, v12;
	v16 =	vsel vm9, $0x3F800000, v12;
	v59 =	vsel vm11, $0x3F800000, v12  }
0xe2: {  	v16 =	vadd.f32 v16, v18;
	v60 =	vsel vm13, $0x3F800000, v12;
	v14 =	vadd.f32 v59, v14  }
0xe3: {  	v50 =	vadd.f32 v61, v54;
	v61 =	vsel vm14, $0x3F800000, v12;
	v17 =	vadd.f32 v60, v17  }
0xe4: {  	v16 =	vadd.f32 v61, v16;
	[tilespmem:v7+s29+$0x0] =	vst.idx.msk $0xffff, v14  }
0xe5: {  	[tilespmem:v19+s29+$0x0] =	vst.idx.msk $0xffff, v17  }
0xe6: {  	[tilespmem:v15+s29+$0x0] =	vst.idx.msk $0xffff, v16;
	v15 =	vld [tilespmem:$0x1FFA0];
	_ =	sdelay $0x2  }
0xe7: {  	v56 =	vsel vm10, $0x3F800000, v12  }
0xe8: {  	v57 =	vadd.f32 v56, v50  }
0xe9: {  	v62 =	vsel vm15, $0x3F800000, v12  }
0xea: {  	v18 =	vadd.f32 v62, v57;
	_ =	sdelay $0x1  }
0xeb: {  	[tilespmem:v15+s29+$0x0] =	vst.idx.msk $0xffff, v18;
	v15 =	vld [tilespmem:$0x1FFB0];
	_ =	sdelay $0x4  }
0xec: {  	s8 =	simm.s32 $0x21  }
0xed: {  	v14 =	vmov s8  }
0xee: {  	v14 =	vand.u32 $0x7F, v14  }
0xef: {  	v14 =	vbroadcast v14, $0x0;
	[tilespmem:v15+s29+$0x0] =	vst.idx.msk $0xffff, v13  }
0xf0: {  	v13 =	vld.idx.msk [tilespmem:v63+s20+$0x0], $0xffff  }
0xf1: {  	v14 =	vor.u32 v1, v14;
	_ =	sdelay $0x1  }
0xf2: {  	s22 =	simm.s32 $0x22;
	v52 =	vimm.f32 $0.0e+00;
	v53 =	vimm.f32 $0.0e+00;
	v54 =	vimm.f32 $0.0e+00  }
0xf3: {  	s5 =	simm.s32 $0x23;
	v51 =	vimm.f32 $0.0e+00;
	v50 =	vimm.f32 $0.0e+00;
	v15 =	vmov s22  }
.LBB2_10:
0xf4: {  	p1 =	sne.s32 s5, $0x3F;
	v15 =	vand.u32 $0x7F, v15;
	vm0 =	veq.s32 v13, $0x0;
	vm1 =	veq.s32 v13, $0x4;
	v16 =	vmovc v13  }
0xf5: {  	v15 =	vbroadcast v15, $0x0;
	v13 =	vld.idx.msk [tilespmem:v14+s20+$0x0], $0xffff;
	vm2 =	veq.s32 v16, $0x1;
	v14 =	vsel vm1, $0x3F800000, v12  }
.Ltmp4:
0xf6: {  	vm1 =	veq.s32 v16, $0x2;
	vm3 =	veq.s32 v16, $0x3;
	v50 =	vadd.f32 v14, v50;
	(pc) =	sbr.rel @p1 .LBB2_10-.Ltmp4, $4  }
0xf7: {  	v16 =	vsel vm2, $0x3F800000, v12;
	v14 =	vor.u32 v1, v15;
	v15 =	vsel vm0, $0x3F800000, v12  }
0xf8: {  	v17 =	vsel vm3, $0x3F800000, v12;
	v51 =	vadd.f32 v15, v51;
	v15 =	vsel vm1, $0x3F800000, v12  }
0xf9: {  	v52 =	vadd.f32 v16, v52;
	v53 =	vadd.f32 v15, v53  }
0xfa: {  	v54 =	vadd.f32 v17, v54;
	v15 =	vmov s5;
	s5 =	sadd.s32 $0x1, s5  }
0xfb: {  	v15 =	vand.u32 $0x7F, v15  }
0xfc: {  	v15 =	vbroadcast v15, $0x0;
	_ =	sdelay $0x1  }
0xfd: {  	v15 =	vor.u32 v1, v15;
	_ =	sdelay $0x3  }
0xfe: {  	vm0 =	veq.s32 v13, $0x0;
	vm1 =	veq.s32 v13, $0x4;
	v14 =	vld.idx.msk [tilespmem:v14+s20+$0x0], $0xffff  }
0xff: {  	vm2 =	veq.s32 v13, $0x1;
	vm15 =	veq.s32 v13, $0x2;
	vm3 =	veq.s32 v13, $0x3;
	v15 =	vld.idx.msk [tilespmem:v15+s20+$0x0], $0xffff  }
0x100: {  	s5 =	simm.s32 $0x20;
	v16 =	vsel vm1, $0x3F800000, v12;
	v17 =	vsel vm2, $0x3F800000, v12;
	v18 =	vsel vm15, $0x3F800000, v12  }
0x101: {  	v60 =	vsel vm3, $0x3F800000, v12;
	v57 =	vmov s5;
	v13 =	vadd.f32 v16, v50  }
0x102: {  	v16 =	vsel vm0, $0x3F800000, v12;
	v17 =	vadd.f32 v17, v52;
	v50 =	vadd.f32 v60, v54  }
0x103: {  	vm7 =	veq.s32 v14, $0x4;
	vm8 =	veq.s32 v14, $0x1;
	vm10 =	veq.s32 v14, $0x3  }
0x104: {  	vm11 =	veq.s32 v15, $0x0;
	vm12 =	veq.s32 v15, $0x4;
	vm13 =	veq.s32 v15, $0x1  }
0x105: {  	vm14 =	veq.s32 v15, $0x2;
	vm15 =	veq.s32 v15, $0x3;
	v15 =	vand.u32 $0x7F, v57  }
0x106: {  	v61 =	vsel vm7, $0x3F800000, v12;
	v62 =	vsel vm8, $0x3F800000, v12;
	v15 =	vbroadcast v15, $0x0  }
0x107: {  	v19 =	vld [tilespmem:$0x1FFC0];
	v63 =	vsel vm10, $0x3F800000, v12;
	v13 =	vadd.f32 v61, v13;
	v17 =	vadd.f32 v62, v17  }
0x108: {  	v56 =	vadd.f32 v63, v50;
	v63 =	vld [tilespmem:$0x1FFD0];
	v62 =	vor.u32 v2, v15;
	v15 =	vsel vm12, $0x3F800000, v12  }
0x109: {  	v16 =	vadd.f32 v16, v51;
	vm6 =	veq.s32 v14, $0x0;
	v13 =	vadd.f32 v15, v13;
	v15 =	vld [tilespmem:$0x1FFE0]  }
0x10a: {  	vm9 =	veq.s32 v14, $0x2;
	v14 =	vsel vm6, $0x3F800000, v12  }
0x10b: {  	v18 =	vadd.f32 v18, v53;
	v14 =	vadd.f32 v14, v16  }
0x10c: {  	v16 =	vsel vm9, $0x3F800000, v12;
	v58 =	vsel vm11, $0x3F800000, v12  }
0x10d: {  	v16 =	vadd.f32 v16, v18;
	v59 =	vsel vm13, $0x3F800000, v12;
	v14 =	vadd.f32 v58, v14  }
0x10e: {  	v60 =	vsel vm14, $0x3F800000, v12;
	v17 =	vadd.f32 v59, v17  }
0x10f: {  	v16 =	vadd.f32 v60, v16;
	[tilespmem:v19+s29+$0x0] =	vst.idx.msk $0xffff, v14  }
0x110: {  	[tilespmem:v63+s29+$0x0] =	vst.idx.msk $0xffff, v17  }
0x111: {  	[tilespmem:v15+s29+$0x0] =	vst.idx.msk $0xffff, v16;
	v15 =	vld [tilespmem:$0x1FFF0];
	_ =	sdelay $0x4  }
0x112: {  	v61 =	vsel vm15, $0x3F800000, v12  }
0x113: {  	s8 =	simm.s32 $0x21;
	v18 =	vadd.f32 v61, v56  }
0x114: {  	v14 =	vmov s8  }
0x115: {  	v14 =	vand.u32 $0x7F, v14;
	[tilespmem:v15+s29+$0x0] =	vst.idx.msk $0xffff, v18  }
0x116: {  	v14 =	vbroadcast v14, $0x0;
	[tilespmem:v21+s29+$0x0] =	vst.idx.msk $0xffff, v13  }
0x117: {  	v13 =	vld.idx.msk [tilespmem:v62+s20+$0x0], $0xffff  }
0x118: {  	v14 =	vor.u32 v2, v14;
	_ =	sdelay $0x1  }
0x119: {  	s22 =	simm.s32 $0x22;
	v52 =	vimm.f32 $0.0e+00;
	v53 =	vimm.f32 $0.0e+00;
	v54 =	vimm.f32 $0.0e+00  }
0x11a: {  	s5 =	simm.s32 $0x23;
	v51 =	vimm.f32 $0.0e+00;
	v50 =	vimm.f32 $0.0e+00;
	v15 =	vmov s22  }
.LBB2_12:
0x11b: {  	p1 =	sne.s32 s5, $0x3F;
	v15 =	vand.u32 $0x7F, v15;
	vm0 =	veq.s32 v13, $0x0;
	vm1 =	veq.s32 v13, $0x4;
	v16 =	vmovc v13  }
0x11c: {  	v15 =	vbroadcast v15, $0x0;
	v13 =	vld.idx.msk [tilespmem:v14+s20+$0x0], $0xffff;
	vm2 =	veq.s32 v16, $0x1;
	v14 =	vsel vm1, $0x3F800000, v12  }
.Ltmp5:
0x11d: {  	vm1 =	veq.s32 v16, $0x2;
	vm3 =	veq.s32 v16, $0x3;
	v50 =	vadd.f32 v14, v50;
	(pc) =	sbr.rel @p1 .LBB2_12-.Ltmp5, $4  }
0x11e: {  	v16 =	vsel vm2, $0x3F800000, v12;
	v14 =	vor.u32 v2, v15;
	v15 =	vsel vm0, $0x3F800000, v12  }
0x11f: {  	v17 =	vsel vm3, $0x3F800000, v12;
	v51 =	vadd.f32 v15, v51;
	v15 =	vsel vm1, $0x3F800000, v12  }
0x120: {  	v52 =	vadd.f32 v16, v52;
	v53 =	vadd.f32 v15, v53  }
0x121: {  	v54 =	vadd.f32 v17, v54;
	v15 =	vmov s5;
	s5 =	sadd.s32 $0x1, s5  }
0x122: {  	v15 =	vand.u32 $0x7F, v15  }
0x123: {  	v15 =	vbroadcast v15, $0x0;
	_ =	sdelay $0x1  }
0x124: {  	vm0 =	veq.s32 v13, $0x0;
	v15 =	vor.u32 v2, v15  }
0x125: {  	vm1 =	veq.s32 v13, $0x4;
	v14 =	vld.idx.msk [tilespmem:v14+s20+$0x0], $0xffff;
	vm2 =	veq.s32 v13, $0x1;
	vm15 =	veq.s32 v13, $0x2  }
0x126: {  	vm3 =	veq.s32 v13, $0x3;
	v16 =	vsel vm1, $0x3F800000, v12;
	v17 =	vsel vm2, $0x3F800000, v12  }
0x127: {  	v18 =	vsel vm15, $0x3F800000, v12;
	v61 =	vsel vm3, $0x3F800000, v12;
	v13 =	vadd.f32 v16, v50  }
0x128: {  	s5 =	simm.s32 $0x20;
	v16 =	vsel vm0, $0x3F800000, v12;
	v17 =	vadd.f32 v17, v52;
	v18 =	vadd.f32 v18, v53  }
0x129: {  	v58 =	vmov s5;
	v50 =	vadd.f32 v61, v54;
	v16 =	vadd.f32 v16, v51;
	v15 =	vld.idx.msk [tilespmem:v15+s20+$0x0], $0xffff  }
0x12a: {  	vm6 =	veq.s32 v14, $0x0;
	vm7 =	veq.s32 v14, $0x4;
	vm8 =	veq.s32 v14, $0x1  }
0x12b: {  	vm9 =	veq.s32 v14, $0x2;
	vm10 =	veq.s32 v14, $0x3;
	v62 =	vsel vm7, $0x3F800000, v12  }
0x12c: {  	v14 =	vsel vm6, $0x3F800000, v12;
	v63 =	vsel vm8, $0x3F800000, v12;
	v56 =	vsel vm10, $0x3F800000, v12  }
0x12d: {  	v13 =	vadd.f32 v62, v13;
	v14 =	vadd.f32 v14, v16;
	v16 =	vsel vm9, $0x3F800000, v12  }
0x12e: {  	v17 =	vadd.f32 v63, v17;
	v16 =	vadd.f32 v16, v18;
	vm11 =	veq.s32 v15, $0x0  }
0x12f: {  	vm12 =	veq.s32 v15, $0x4;
	vm13 =	veq.s32 v15, $0x1;
	vm14 =	veq.s32 v15, $0x2  }
0x130: {  	vm15 =	veq.s32 v15, $0x3;
	v15 =	vand.u32 $0x7F, v58;
	v59 =	vsel vm11, $0x3F800000, v12  }
0x131: {  	v60 =	vsel vm13, $0x3F800000, v12;
	v15 =	vbroadcast v15, $0x0;
	v14 =	vadd.f32 v59, v14  }
0x132: {  	v57 =	vadd.f32 v56, v50;
	v61 =	vsel vm14, $0x3F800000, v12;
	v17 =	vadd.f32 v60, v17  }
0x133: {  	v62 =	vsel vm15, $0x3F800000, v12;
	v16 =	vadd.f32 v61, v16;
	v63 =	vor.u32 v3, v15;
	[tilespmem:v22+s29+$0x0] =	vst.idx.msk $0xffff, v14  }
0x134: {  	s8 =	simm.s32 $0x21;
	v18 =	vadd.f32 v62, v57;
	v15 =	vsel vm12, $0x3F800000, v12;
	[tilespmem:v23+s29+$0x0] =	vst.idx.msk $0xffff, v17  }
0x135: {  	v14 =	vmov s8;
	v13 =	vadd.f32 v15, v13;
	[tilespmem:v24+s29+$0x0] =	vst.idx.msk $0xffff, v16  }
0x136: {  	v14 =	vand.u32 $0x7F, v14;
	[tilespmem:v25+s29+$0x0] =	vst.idx.msk $0xffff, v18  }
0x137: {  	v14 =	vbroadcast v14, $0x0;
	[tilespmem:v26+s29+$0x0] =	vst.idx.msk $0xffff, v13  }
0x138: {  	v13 =	vld.idx.msk [tilespmem:v63+s20+$0x0], $0xffff  }
0x139: {  	v14 =	vor.u32 v3, v14;
	_ =	sdelay $0x1  }
0x13a: {  	s22 =	simm.s32 $0x22;
	v52 =	vimm.f32 $0.0e+00;
	v53 =	vimm.f32 $0.0e+00;
	v54 =	vimm.f32 $0.0e+00  }
0x13b: {  	s5 =	simm.s32 $0x23;
	v51 =	vimm.f32 $0.0e+00;
	v50 =	vimm.f32 $0.0e+00;
	v15 =	vmov s22  }
.LBB2_14:
0x13c: {  	p1 =	sne.s32 s5, $0x3F;
	v15 =	vand.u32 $0x7F, v15;
	vm0 =	veq.s32 v13, $0x0;
	vm1 =	veq.s32 v13, $0x4;
	v16 =	vmovc v13  }
0x13d: {  	v15 =	vbroadcast v15, $0x0;
	v13 =	vld.idx.msk [tilespmem:v14+s20+$0x0], $0xffff;
	vm2 =	veq.s32 v16, $0x1;
	v14 =	vsel vm1, $0x3F800000, v12  }
.Ltmp6:
0x13e: {  	vm1 =	veq.s32 v16, $0x2;
	vm3 =	veq.s32 v16, $0x3;
	v50 =	vadd.f32 v14, v50;
	(pc) =	sbr.rel @p1 .LBB2_14-.Ltmp6, $4  }
0x13f: {  	v16 =	vsel vm2, $0x3F800000, v12;
	v14 =	vor.u32 v3, v15;
	v15 =	vsel vm0, $0x3F800000, v12  }
0x140: {  	v17 =	vsel vm3, $0x3F800000, v12;
	v51 =	vadd.f32 v15, v51;
	v15 =	vsel vm1, $0x3F800000, v12  }
0x141: {  	v52 =	vadd.f32 v16, v52;
	v53 =	vadd.f32 v15, v53  }
0x142: {  	v54 =	vadd.f32 v17, v54;
	v15 =	vmov s5;
	s5 =	sadd.s32 $0x1, s5  }
0x143: {  	v15 =	vand.u32 $0x7F, v15  }
0x144: {  	v15 =	vbroadcast v15, $0x0;
	_ =	sdelay $0x1  }
0x145: {  	vm0 =	veq.s32 v13, $0x0;
	v15 =	vor.u32 v3, v15  }
0x146: {  	vm1 =	veq.s32 v13, $0x4;
	v14 =	vld.idx.msk [tilespmem:v14+s20+$0x0], $0xffff;
	vm2 =	veq.s32 v13, $0x1;
	vm15 =	veq.s32 v13, $0x2  }
0x147: {  	vm3 =	veq.s32 v13, $0x3;
	v16 =	vsel vm1, $0x3F800000, v12;
	v17 =	vsel vm2, $0x3F800000, v12  }
0x148: {  	v18 =	vsel vm15, $0x3F800000, v12;
	v61 =	vsel vm3, $0x3F800000, v12;
	v13 =	vadd.f32 v16, v50  }
0x149: {  	s5 =	simm.s32 $0x20;
	v16 =	vsel vm0, $0x3F800000, v12;
	v17 =	vadd.f32 v17, v52;
	v18 =	vadd.f32 v18, v53  }
0x14a: {  	v58 =	vmov s5;
	v50 =	vadd.f32 v61, v54;
	v16 =	vadd.f32 v16, v51;
	v15 =	vld.idx.msk [tilespmem:v15+s20+$0x0], $0xffff  }
0x14b: {  	vm6 =	veq.s32 v14, $0x0;
	vm7 =	veq.s32 v14, $0x4;
	vm8 =	veq.s32 v14, $0x1  }
0x14c: {  	vm9 =	veq.s32 v14, $0x2;
	vm10 =	veq.s32 v14, $0x3;
	v62 =	vsel vm7, $0x3F800000, v12  }
0x14d: {  	v14 =	vsel vm6, $0x3F800000, v12;
	v63 =	vsel vm8, $0x3F800000, v12;
	v56 =	vsel vm10, $0x3F800000, v12  }
0x14e: {  	v13 =	vadd.f32 v62, v13;
	v14 =	vadd.f32 v14, v16;
	v16 =	vsel vm9, $0x3F800000, v12  }
0x14f: {  	v17 =	vadd.f32 v63, v17;
	v16 =	vadd.f32 v16, v18;
	vm11 =	veq.s32 v15, $0x0  }
0x150: {  	vm12 =	veq.s32 v15, $0x4;
	vm13 =	veq.s32 v15, $0x1;
	vm14 =	veq.s32 v15, $0x2  }
0x151: {  	vm15 =	veq.s32 v15, $0x3;
	v15 =	vand.u32 $0x7F, v58;
	v59 =	vsel vm11, $0x3F800000, v12  }
0x152: {  	v60 =	vsel vm13, $0x3F800000, v12;
	v15 =	vbroadcast v15, $0x0;
	v14 =	vadd.f32 v59, v14  }
0x153: {  	v57 =	vadd.f32 v56, v50;
	v61 =	vsel vm14, $0x3F800000, v12;
	v17 =	vadd.f32 v60, v17  }
0x154: {  	v62 =	vsel vm15, $0x3F800000, v12;
	v16 =	vadd.f32 v61, v16;
	v63 =	vor.u32 v4, v15;
	[tilespmem:v27+s29+$0x0] =	vst.idx.msk $0xffff, v14  }
0x155: {  	s8 =	simm.s32 $0x21;
	v18 =	vadd.f32 v62, v57;
	v15 =	vsel vm12, $0x3F800000, v12;
	[tilespmem:v28+s29+$0x0] =	vst.idx.msk $0xffff, v17  }
0x156: {  	v14 =	vmov s8;
	v13 =	vadd.f32 v15, v13;
	[tilespmem:v29+s29+$0x0] =	vst.idx.msk $0xffff, v16  }
0x157: {  	v14 =	vand.u32 $0x7F, v14;
	[tilespmem:v30+s29+$0x0] =	vst.idx.msk $0xffff, v18  }
0x158: {  	v14 =	vbroadcast v14, $0x0;
	[tilespmem:v31+s29+$0x0] =	vst.idx.msk $0xffff, v13  }
0x159: {  	v13 =	vld.idx.msk [tilespmem:v63+s20+$0x0], $0xffff  }
0x15a: {  	v14 =	vor.u32 v4, v14;
	_ =	sdelay $0x1  }
0x15b: {  	s22 =	simm.s32 $0x22;
	v52 =	vimm.f32 $0.0e+00;
	v53 =	vimm.f32 $0.0e+00;
	v54 =	vimm.f32 $0.0e+00  }
0x15c: {  	s5 =	simm.s32 $0x23;
	v51 =	vimm.f32 $0.0e+00;
	v50 =	vimm.f32 $0.0e+00;
	v15 =	vmov s22  }
.LBB2_16:
0x15d: {  	p1 =	sne.s32 s5, $0x3F;
	v15 =	vand.u32 $0x7F, v15;
	vm0 =	veq.s32 v13, $0x0;
	vm1 =	veq.s32 v13, $0x4;
	v16 =	vmovc v13  }
0x15e: {  	v15 =	vbroadcast v15, $0x0;
	v13 =	vld.idx.msk [tilespmem:v14+s20+$0x0], $0xffff;
	vm2 =	veq.s32 v16, $0x1;
	v14 =	vsel vm1, $0x3F800000, v12  }
.Ltmp7:
0x15f: {  	vm1 =	veq.s32 v16, $0x2;
	vm3 =	veq.s32 v16, $0x3;
	v50 =	vadd.f32 v14, v50;
	(pc) =	sbr.rel @p1 .LBB2_16-.Ltmp7, $4  }
0x160: {  	v16 =	vsel vm2, $0x3F800000, v12;
	v14 =	vor.u32 v4, v15;
	v15 =	vsel vm0, $0x3F800000, v12  }
0x161: {  	v17 =	vsel vm3, $0x3F800000, v12;
	v51 =	vadd.f32 v15, v51;
	v15 =	vsel vm1, $0x3F800000, v12  }
0x162: {  	v52 =	vadd.f32 v16, v52;
	v53 =	vadd.f32 v15, v53  }
0x163: {  	v54 =	vadd.f32 v17, v54;
	v15 =	vmov s5;
	s5 =	sadd.s32 $0x1, s5  }
0x164: {  	v15 =	vand.u32 $0x7F, v15  }
0x165: {  	v15 =	vbroadcast v15, $0x0;
	_ =	sdelay $0x1  }
0x166: {  	vm0 =	veq.s32 v13, $0x0;
	v15 =	vor.u32 v4, v15  }
0x167: {  	vm1 =	veq.s32 v13, $0x4;
	v14 =	vld.idx.msk [tilespmem:v14+s20+$0x0], $0xffff;
	vm2 =	veq.s32 v13, $0x1;
	vm15 =	veq.s32 v13, $0x2  }
0x168: {  	vm3 =	veq.s32 v13, $0x3;
	v16 =	vsel vm1, $0x3F800000, v12;
	v17 =	vsel vm2, $0x3F800000, v12  }
0x169: {  	v18 =	vsel vm15, $0x3F800000, v12;
	v61 =	vsel vm3, $0x3F800000, v12;
	v13 =	vadd.f32 v16, v50  }
0x16a: {  	s5 =	simm.s32 $0x20;
	v16 =	vsel vm0, $0x3F800000, v12;
	v17 =	vadd.f32 v17, v52;
	v18 =	vadd.f32 v18, v53  }
0x16b: {  	v58 =	vmov s5;
	v50 =	vadd.f32 v61, v54;
	v16 =	vadd.f32 v16, v51;
	v15 =	vld.idx.msk [tilespmem:v15+s20+$0x0], $0xffff  }
0x16c: {  	vm6 =	veq.s32 v14, $0x0;
	vm7 =	veq.s32 v14, $0x4;
	vm8 =	veq.s32 v14, $0x1  }
0x16d: {  	vm9 =	veq.s32 v14, $0x2;
	vm10 =	veq.s32 v14, $0x3;
	v62 =	vsel vm7, $0x3F800000, v12  }
0x16e: {  	v14 =	vsel vm6, $0x3F800000, v12;
	v63 =	vsel vm8, $0x3F800000, v12;
	v56 =	vsel vm10, $0x3F800000, v12  }
0x16f: {  	v13 =	vadd.f32 v62, v13;
	v14 =	vadd.f32 v14, v16;
	v16 =	vsel vm9, $0x3F800000, v12  }
0x170: {  	v17 =	vadd.f32 v63, v17;
	v16 =	vadd.f32 v16, v18;
	vm11 =	veq.s32 v15, $0x0  }
0x171: {  	vm12 =	veq.s32 v15, $0x4;
	vm13 =	veq.s32 v15, $0x1;
	vm14 =	veq.s32 v15, $0x2  }
0x172: {  	vm15 =	veq.s32 v15, $0x3;
	v15 =	vand.u32 $0x7F, v58;
	v59 =	vsel vm11, $0x3F800000, v12  }
0x173: {  	v60 =	vsel vm13, $0x3F800000, v12;
	v15 =	vbroadcast v15, $0x0;
	v14 =	vadd.f32 v59, v14  }
0x174: {  	v57 =	vadd.f32 v56, v50;
	v61 =	vsel vm14, $0x3F800000, v12;
	v17 =	vadd.f32 v60, v17  }
0x175: {  	v62 =	vsel vm15, $0x3F800000, v12;
	v16 =	vadd.f32 v61, v16;
	v63 =	vor.u32 v5, v15;
	[tilespmem:v32+s29+$0x0] =	vst.idx.msk $0xffff, v14  }
0x176: {  	s8 =	simm.s32 $0x21;
	v18 =	vadd.f32 v62, v57;
	v15 =	vsel vm12, $0x3F800000, v12;
	[tilespmem:v33+s29+$0x0] =	vst.idx.msk $0xffff, v17  }
0x177: {  	v14 =	vmov s8;
	v13 =	vadd.f32 v15, v13;
	[tilespmem:v34+s29+$0x0] =	vst.idx.msk $0xffff, v16  }
0x178: {  	v14 =	vand.u32 $0x7F, v14;
	[tilespmem:v35+s29+$0x0] =	vst.idx.msk $0xffff, v18  }
0x179: {  	v14 =	vbroadcast v14, $0x0;
	[tilespmem:v36+s29+$0x0] =	vst.idx.msk $0xffff, v13  }
0x17a: {  	v13 =	vld.idx.msk [tilespmem:v63+s20+$0x0], $0xffff  }
0x17b: {  	v14 =	vor.u32 v5, v14;
	_ =	sdelay $0x1  }
0x17c: {  	s22 =	simm.s32 $0x22;
	v52 =	vimm.f32 $0.0e+00;
	v53 =	vimm.f32 $0.0e+00;
	v54 =	vimm.f32 $0.0e+00  }
0x17d: {  	s5 =	simm.s32 $0x23;
	v51 =	vimm.f32 $0.0e+00;
	v50 =	vimm.f32 $0.0e+00;
	v15 =	vmov s22  }
.LBB2_18:
0x17e: {  	p1 =	sne.s32 s5, $0x3F;
	v15 =	vand.u32 $0x7F, v15;
	vm0 =	veq.s32 v13, $0x0;
	vm1 =	veq.s32 v13, $0x4;
	v16 =	vmovc v13  }
0x17f: {  	v15 =	vbroadcast v15, $0x0;
	v13 =	vld.idx.msk [tilespmem:v14+s20+$0x0], $0xffff;
	vm2 =	veq.s32 v16, $0x1;
	v14 =	vsel vm1, $0x3F800000, v12  }
.Ltmp8:
0x180: {  	vm1 =	veq.s32 v16, $0x2;
	vm3 =	veq.s32 v16, $0x3;
	v50 =	vadd.f32 v14, v50;
	(pc) =	sbr.rel @p1 .LBB2_18-.Ltmp8, $4  }
0x181: {  	v16 =	vsel vm2, $0x3F800000, v12;
	v14 =	vor.u32 v5, v15;
	v15 =	vsel vm0, $0x3F800000, v12  }
0x182: {  	v17 =	vsel vm3, $0x3F800000, v12;
	v51 =	vadd.f32 v15, v51;
	v15 =	vsel vm1, $0x3F800000, v12  }
0x183: {  	v52 =	vadd.f32 v16, v52;
	v53 =	vadd.f32 v15, v53  }
0x184: {  	v54 =	vadd.f32 v17, v54;
	v15 =	vmov s5;
	s5 =	sadd.s32 $0x1, s5  }
0x185: {  	v15 =	vand.u32 $0x7F, v15  }
0x186: {  	v15 =	vbroadcast v15, $0x0;
	_ =	sdelay $0x1  }
0x187: {  	vm0 =	veq.s32 v13, $0x0;
	v15 =	vor.u32 v5, v15  }
0x188: {  	vm1 =	veq.s32 v13, $0x4;
	v14 =	vld.idx.msk [tilespmem:v14+s20+$0x0], $0xffff;
	vm2 =	veq.s32 v13, $0x1;
	vm15 =	veq.s32 v13, $0x2  }
0x189: {  	vm3 =	veq.s32 v13, $0x3;
	v16 =	vsel vm1, $0x3F800000, v12;
	v17 =	vsel vm2, $0x3F800000, v12  }
0x18a: {  	v18 =	vsel vm15, $0x3F800000, v12;
	v61 =	vsel vm3, $0x3F800000, v12;
	v13 =	vadd.f32 v16, v50  }
0x18b: {  	s5 =	simm.s32 $0x20;
	v16 =	vsel vm0, $0x3F800000, v12;
	v17 =	vadd.f32 v17, v52;
	v18 =	vadd.f32 v18, v53  }
0x18c: {  	v58 =	vmov s5;
	v50 =	vadd.f32 v61, v54;
	v16 =	vadd.f32 v16, v51;
	v15 =	vld.idx.msk [tilespmem:v15+s20+$0x0], $0xffff  }
0x18d: {  	vm6 =	veq.s32 v14, $0x0;
	vm7 =	veq.s32 v14, $0x4;
	vm8 =	veq.s32 v14, $0x1  }
0x18e: {  	vm9 =	veq.s32 v14, $0x2;
	vm10 =	veq.s32 v14, $0x3;
	v62 =	vsel vm7, $0x3F800000, v12  }
0x18f: {  	v14 =	vsel vm6, $0x3F800000, v12;
	v63 =	vsel vm8, $0x3F800000, v12;
	v56 =	vsel vm10, $0x3F800000, v12  }
0x190: {  	v13 =	vadd.f32 v62, v13;
	v14 =	vadd.f32 v14, v16;
	v16 =	vsel vm9, $0x3F800000, v12  }
0x191: {  	v17 =	vadd.f32 v63, v17;
	v16 =	vadd.f32 v16, v18;
	vm11 =	veq.s32 v15, $0x0  }
0x192: {  	vm12 =	veq.s32 v15, $0x4;
	vm13 =	veq.s32 v15, $0x1;
	vm14 =	veq.s32 v15, $0x2  }
0x193: {  	vm15 =	veq.s32 v15, $0x3;
	v15 =	vand.u32 $0x7F, v58;
	v59 =	vsel vm11, $0x3F800000, v12  }
0x194: {  	v60 =	vsel vm13, $0x3F800000, v12;
	v15 =	vbroadcast v15, $0x0;
	v14 =	vadd.f32 v59, v14  }
0x195: {  	v57 =	vadd.f32 v56, v50;
	v61 =	vsel vm14, $0x3F800000, v12;
	v17 =	vadd.f32 v60, v17  }
0x196: {  	v62 =	vsel vm15, $0x3F800000, v12;
	v16 =	vadd.f32 v61, v16;
	v63 =	vor.u32 v6, v15;
	[tilespmem:v37+s29+$0x0] =	vst.idx.msk $0xffff, v14  }
0x197: {  	s8 =	simm.s32 $0x21;
	v18 =	vadd.f32 v62, v57;
	v15 =	vsel vm12, $0x3F800000, v12;
	[tilespmem:v38+s29+$0x0] =	vst.idx.msk $0xffff, v17  }
0x198: {  	v14 =	vmov s8;
	v13 =	vadd.f32 v15, v13;
	[tilespmem:v39+s29+$0x0] =	vst.idx.msk $0xffff, v16  }
0x199: {  	v14 =	vand.u32 $0x7F, v14;
	[tilespmem:v40+s29+$0x0] =	vst.idx.msk $0xffff, v18  }
0x19a: {  	v14 =	vbroadcast v14, $0x0;
	[tilespmem:v41+s29+$0x0] =	vst.idx.msk $0xffff, v13  }
0x19b: {  	v13 =	vld.idx.msk [tilespmem:v63+s20+$0x0], $0xffff  }
0x19c: {  	v14 =	vor.u32 v6, v14;
	_ =	sdelay $0x1  }
0x19d: {  	s22 =	simm.s32 $0x22;
	v52 =	vimm.f32 $0.0e+00;
	v53 =	vimm.f32 $0.0e+00;
	v54 =	vimm.f32 $0.0e+00  }
0x19e: {  	s5 =	simm.s32 $0x23;
	v51 =	vimm.f32 $0.0e+00;
	v50 =	vimm.f32 $0.0e+00;
	v15 =	vmov s22  }
.LBB2_20:
0x19f: {  	p1 =	sne.s32 s5, $0x3F;
	v15 =	vand.u32 $0x7F, v15;
	vm0 =	veq.s32 v13, $0x0;
	vm1 =	veq.s32 v13, $0x4;
	v16 =	vmovc v13  }
0x1a0: {  	v15 =	vbroadcast v15, $0x0;
	v13 =	vld.idx.msk [tilespmem:v14+s20+$0x0], $0xffff;
	vm2 =	veq.s32 v16, $0x1;
	v14 =	vsel vm1, $0x3F800000, v12  }
.Ltmp9:
0x1a1: {  	vm1 =	veq.s32 v16, $0x2;
	vm3 =	veq.s32 v16, $0x3;
	v50 =	vadd.f32 v14, v50;
	(pc) =	sbr.rel @p1 .LBB2_20-.Ltmp9, $4  }
0x1a2: {  	v16 =	vsel vm2, $0x3F800000, v12;
	v14 =	vor.u32 v6, v15;
	v15 =	vsel vm0, $0x3F800000, v12  }
0x1a3: {  	v17 =	vsel vm3, $0x3F800000, v12;
	v51 =	vadd.f32 v15, v51;
	v15 =	vsel vm1, $0x3F800000, v12  }
0x1a4: {  	v52 =	vadd.f32 v16, v52;
	v53 =	vadd.f32 v15, v53  }
0x1a5: {  	v54 =	vadd.f32 v17, v54;
	v15 =	vmov s5;
	s5 =	sadd.s32 $0x1, s5  }
0x1a6: {  	v15 =	vand.u32 $0x7F, v15  }
0x1a7: {  	v15 =	vbroadcast v15, $0x0;
	_ =	sdelay $0x1  }
0x1a8: {  	vm0 =	veq.s32 v13, $0x0;
	v15 =	vor.u32 v6, v15  }
0x1a9: {  	vm1 =	veq.s32 v13, $0x4;
	v14 =	vld.idx.msk [tilespmem:v14+s20+$0x0], $0xffff;
	vm2 =	veq.s32 v13, $0x1;
	vm15 =	veq.s32 v13, $0x2  }
0x1aa: {  	vm3 =	veq.s32 v13, $0x3;
	v16 =	vsel vm1, $0x3F800000, v12;
	v17 =	vsel vm2, $0x3F800000, v12  }
0x1ab: {  	v18 =	vsel vm15, $0x3F800000, v12;
	v61 =	vsel vm3, $0x3F800000, v12;
	v13 =	vadd.f32 v16, v50  }
0x1ac: {  	s5 =	simm.s32 $0x20;
	v16 =	vsel vm0, $0x3F800000, v12;
	v17 =	vadd.f32 v17, v52;
	v18 =	vadd.f32 v18, v53  }
0x1ad: {  	v58 =	vmov s5;
	v50 =	vadd.f32 v61, v54;
	v16 =	vadd.f32 v16, v51;
	v15 =	vld.idx.msk [tilespmem:v15+s20+$0x0], $0xffff  }
0x1ae: {  	vm6 =	veq.s32 v14, $0x0;
	vm7 =	veq.s32 v14, $0x4;
	vm8 =	veq.s32 v14, $0x1  }
0x1af: {  	vm9 =	veq.s32 v14, $0x2;
	vm10 =	veq.s32 v14, $0x3;
	v62 =	vsel vm7, $0x3F800000, v12  }
0x1b0: {  	v14 =	vsel vm6, $0x3F800000, v12;
	v63 =	vsel vm8, $0x3F800000, v12;
	v56 =	vsel vm10, $0x3F800000, v12  }
0x1b1: {  	v13 =	vadd.f32 v62, v13;
	v14 =	vadd.f32 v14, v16;
	v16 =	vsel vm9, $0x3F800000, v12  }
0x1b2: {  	v17 =	vadd.f32 v63, v17;
	v16 =	vadd.f32 v16, v18;
	vm11 =	veq.s32 v15, $0x0  }
0x1b3: {  	vm12 =	veq.s32 v15, $0x4;
	vm13 =	veq.s32 v15, $0x1;
	vm14 =	veq.s32 v15, $0x2  }
0x1b4: {  	vm15 =	veq.s32 v15, $0x3;
	v15 =	vand.u32 $0x7F, v58;
	v59 =	vsel vm11, $0x3F800000, v12  }
0x1b5: {  	v60 =	vsel vm13, $0x3F800000, v12;
	v15 =	vbroadcast v15, $0x0;
	v14 =	vadd.f32 v59, v14  }
0x1b6: {  	v57 =	vadd.f32 v56, v50;
	v61 =	vsel vm14, $0x3F800000, v12;
	v17 =	vadd.f32 v60, v17  }
0x1b7: {  	v62 =	vsel vm15, $0x3F800000, v12;
	v16 =	vadd.f32 v61, v16;
	v63 =	vor.u32 v8, v15;
	[tilespmem:v42+s29+$0x0] =	vst.idx.msk $0xffff, v14  }
0x1b8: {  	s8 =	simm.s32 $0x21;
	v18 =	vadd.f32 v62, v57;
	v15 =	vsel vm12, $0x3F800000, v12;
	[tilespmem:v43+s29+$0x0] =	vst.idx.msk $0xffff, v17  }
0x1b9: {  	v14 =	vmov s8;
	v13 =	vadd.f32 v15, v13;
	[tilespmem:v44+s29+$0x0] =	vst.idx.msk $0xffff, v16  }
0x1ba: {  	v14 =	vand.u32 $0x7F, v14;
	[tilespmem:v45+s29+$0x0] =	vst.idx.msk $0xffff, v18  }
0x1bb: {  	v14 =	vbroadcast v14, $0x0;
	[tilespmem:v46+s29+$0x0] =	vst.idx.msk $0xffff, v13  }
0x1bc: {  	v13 =	vld.idx.msk [tilespmem:v63+s20+$0x0], $0xffff  }
0x1bd: {  	v14 =	vor.u32 v8, v14;
	_ =	sdelay $0x1  }
0x1be: {  	s22 =	simm.s32 $0x22;
	v52 =	vimm.f32 $0.0e+00;
	v53 =	vimm.f32 $0.0e+00;
	v54 =	vimm.f32 $0.0e+00  }
0x1bf: {  	s5 =	simm.s32 $0x23;
	v51 =	vimm.f32 $0.0e+00;
	v50 =	vimm.f32 $0.0e+00;
	v15 =	vmov s22  }
.LBB2_22:
0x1c0: {  	p1 =	sne.s32 s5, $0x3F;
	v15 =	vand.u32 $0x7F, v15;
	vm0 =	veq.s32 v13, $0x0;
	vm1 =	veq.s32 v13, $0x4;
	v16 =	vmovc v13  }
0x1c1: {  	v15 =	vbroadcast v15, $0x0;
	v13 =	vld.idx.msk [tilespmem:v14+s20+$0x0], $0xffff;
	vm2 =	veq.s32 v16, $0x1;
	v14 =	vsel vm1, $0x3F800000, v12  }
.Ltmp10:
0x1c2: {  	vm1 =	veq.s32 v16, $0x2;
	vm3 =	veq.s32 v16, $0x3;
	v50 =	vadd.f32 v14, v50;
	(pc) =	sbr.rel @p1 .LBB2_22-.Ltmp10, $4  }
0x1c3: {  	v16 =	vsel vm2, $0x3F800000, v12;
	v14 =	vor.u32 v8, v15;
	v15 =	vsel vm0, $0x3F800000, v12  }
0x1c4: {  	v17 =	vsel vm3, $0x3F800000, v12;
	v51 =	vadd.f32 v15, v51;
	v15 =	vsel vm1, $0x3F800000, v12  }
0x1c5: {  	v52 =	vadd.f32 v16, v52;
	v53 =	vadd.f32 v15, v53  }
0x1c6: {  	v54 =	vadd.f32 v17, v54;
	v15 =	vmov s5;
	s5 =	sadd.s32 $0x1, s5  }
0x1c7: {  	_ = 	snop  }
0x1c8: {  	v15 =	vand.u32 $0x7F, v15  }
0x1c9: {  	v15 =	vbroadcast v15, $0x0  }
0x1ca: {  	vm0 =	veq.s32 v13, $0x4;
	vm1 =	veq.s32 v13, $0x0  }
0x1cb: {  	v14 =	vld.idx.msk [tilespmem:v14+s20+$0x0], $0xffff;
	vm2 =	veq.s32 v13, $0x1;
	vm15 =	veq.s32 v13, $0x2;
	v15 =	vor.u32 v8, v15  }
0x1cc: {  	vm3 =	veq.s32 v13, $0x3;
	v16 =	vsel vm0, $0x3F800000, v12;
	v13 =	vsel vm1, $0x3F800000, v12  }
0x1cd: {  	v17 =	vsel vm2, $0x3F800000, v12;
	v18 =	vsel vm15, $0x3F800000, v12;
	v16 =	vadd.f32 v16, v50  }
0x1ce: {  	v63 =	vsel vm3, $0x3F800000, v12;
	v13 =	vadd.f32 v13, v51;
	v17 =	vadd.f32 v17, v52  }
0x1cf: {  	v18 =	vadd.f32 v18, v53;
	v50 =	vadd.f32 v63, v54  }
0x1d0: {  	v51 =	vor.u32 $0x384, v7;
	vm6 =	veq.s32 v14, $0x4;
	vm7 =	veq.s32 v14, $0x0;
	v15 =	vld.idx.msk [tilespmem:v15+s20+$0x0], $0xffff  }
0x1d1: {  	vm8 =	veq.s32 v14, $0x1;
	vm9 =	veq.s32 v14, $0x2;
	vm10 =	veq.s32 v14, $0x3  }
0x1d2: {  	v55 =	vsel vm6, $0x3F800000, v12;
	v14 =	vsel vm7, $0x3F800000, v12;
	v56 =	vsel vm8, $0x3F800000, v12  }
0x1d3: {  	v57 =	vsel vm10, $0x3F800000, v12;
	v13 =	vadd.f32 v14, v13;
	v14 =	vsel vm9, $0x3F800000, v12  }
0x1d4: {  	v17 =	vadd.f32 v56, v17;
	v58 =	vadd.f32 v57, v50;
	v50 =	vor.u32 $0x383, v7  }
0x1d5: {  	s5 =	simm.s32 $0x20;
	vm11 =	veq.s32 v15, $0x0;
	vm12 =	veq.s32 v15, $0x4;
	vm13 =	veq.s32 v15, $0x1  }
0x1d6: {  	vm14 =	veq.s32 v15, $0x2;
	vm15 =	veq.s32 v15, $0x3;
	v15 =	vmov s5  }
0x1d7: {  	v14 =	vadd.f32 v14, v18;
	v59 =	vsel vm11, $0x3F800000, v12;
	v15 =	vand.u32 $0x7F, v15  }
0x1d8: {  	v60 =	vsel vm13, $0x3F800000, v12;
	v13 =	vadd.f32 v59, v13;
	v15 =	vbroadcast v15, $0x0  }
0x1d9: {  	v16 =	vadd.f32 v55, v16;
	v61 =	vsel vm14, $0x3F800000, v12;
	v17 =	vadd.f32 v60, v17  }
0x1da: {  	v62 =	vsel vm15, $0x3F800000, v12;
	v14 =	vadd.f32 v61, v14;
	[tilespmem:v47+s29+$0x0] =	vst.idx.msk $0xffff, v13;
	v13 =	vor.u32 v9, v15  }
0x1db: {  	s8 =	simm.s32 $0x21;
	v63 =	vsel vm12, $0x3F800000, v12;
	v18 =	vadd.f32 v62, v58;
	[tilespmem:v48+s29+$0x0] =	vst.idx.msk $0xffff, v17  }
0x1dc: {  	v16 =	vadd.f32 v63, v16;
	v15 =	vmov s8;
	[tilespmem:v49+s29+$0x0] =	vst.idx.msk $0xffff, v14  }
0x1dd: {  	v15 =	vand.u32 $0x7F, v15;
	[tilespmem:v50+s29+$0x0] =	vst.idx.msk $0xffff, v18  }
0x1de: {  	v14 =	vbroadcast v15, $0x0;
	[tilespmem:v51+s29+$0x0] =	vst.idx.msk $0xffff, v16  }
0x1df: {  	v13 =	vld.idx.msk [tilespmem:v13+s20+$0x0], $0xffff  }
0x1e0: {  	v14 =	vor.u32 v9, v14;
	_ =	sdelay $0x1  }
0x1e1: {  	s22 =	simm.s32 $0x22;
	v52 =	vimm.f32 $0.0e+00;
	v53 =	vimm.f32 $0.0e+00;
	v54 =	vimm.f32 $0.0e+00  }
0x1e2: {  	v55 =	vimm.f32 $0.0e+00;
	v56 =	vimm.f32 $0.0e+00;
	s5 =	simm.s32 $0x23;
	v15 =	vmov s22  }
.LBB2_24:
0x1e3: {  	p1 =	sne.s32 s5, $0x3F;
	v15 =	vand.u32 $0x7F, v15;
	vm0 =	veq.s32 v13, $0x0;
	vm1 =	veq.s32 v13, $0x4;
	v16 =	vmovc v13  }
0x1e4: {  	v15 =	vbroadcast v15, $0x0;
	v13 =	vld.idx.msk [tilespmem:v14+s20+$0x0], $0xffff;
	vm2 =	veq.s32 v16, $0x1;
	v14 =	vsel vm1, $0x3F800000, v12  }
.Ltmp11:
0x1e5: {  	vm1 =	veq.s32 v16, $0x2;
	vm3 =	veq.s32 v16, $0x3;
	v52 =	vadd.f32 v14, v52;
	(pc) =	sbr.rel @p1 .LBB2_24-.Ltmp11, $4  }
0x1e6: {  	v16 =	vsel vm2, $0x3F800000, v12;
	v14 =	vor.u32 v9, v15;
	v15 =	vsel vm0, $0x3F800000, v12  }
0x1e7: {  	v17 =	vsel vm3, $0x3F800000, v12;
	v53 =	vadd.f32 v15, v53;
	v15 =	vsel vm1, $0x3F800000, v12  }
0x1e8: {  	v54 =	vadd.f32 v16, v54;
	v55 =	vadd.f32 v15, v55  }
0x1e9: {  	v56 =	vadd.f32 v17, v56;
	v15 =	vmov s5;
	s5 =	sadd.s32 $0x1, s5  }
0x1ea: {  	_ =	sdelay $0x1  }
0x1eb: {  	v15 =	vand.u32 $0x7F, v15;
	vm0 =	veq.s32 v13, $0x4;
	vm1 =	veq.s32 v13, $0x0  }
0x1ec: {  	vm2 =	veq.s32 v13, $0x1;
	vm15 =	veq.s32 v13, $0x2;
	v15 =	vbroadcast v15, $0x0  }
0x1ed: {  	v14 =	vld.idx.msk [tilespmem:v14+s20+$0x0], $0xffff;
	vm3 =	veq.s32 v13, $0x3;
	v16 =	vsel vm0, $0x3F800000, v12;
	v13 =	vsel vm1, $0x3F800000, v12  }
0x1ee: {  	v17 =	vsel vm2, $0x3F800000, v12;
	v18 =	vsel vm15, $0x3F800000, v12;
	v15 =	vor.u32 v9, v15  }
0x1ef: {  	s5 =	simm.s32 $0x20;
	v63 =	vsel vm3, $0x3F800000, v12;
	v16 =	vadd.f32 v16, v52;
	v13 =	vadd.f32 v13, v53  }
0x1f0: {  	v61 =	vmov s5;
	v17 =	vadd.f32 v17, v54;
	v18 =	vadd.f32 v18, v55  }
0x1f1: {  	v52 =	vadd.f32 v63, v56;
	v55 =	vor.u32 $0x400, v7;
	v53 =	vor.u32 $0x402, v7  }
0x1f2: {  	v54 =	vor.u32 $0x403, v7;
	vm6 =	veq.s32 v14, $0x4;
	vm7 =	veq.s32 v14, $0x0  }
0x1f3: {  	vm8 =	veq.s32 v14, $0x1;
	vm9 =	veq.s32 v14, $0x2;
	vm10 =	veq.s32 v14, $0x3;
	v15 =	vld.idx.msk [tilespmem:v15+s20+$0x0], $0xffff  }
0x1f4: {  	v56 =	vsel vm6, $0x3F800000, v12;
	v14 =	vsel vm7, $0x3F800000, v12;
	v57 =	vsel vm8, $0x3F800000, v12  }
0x1f5: {  	v58 =	vsel vm10, $0x3F800000, v12;
	v16 =	vadd.f32 v56, v16;
	v13 =	vadd.f32 v14, v13  }
0x1f6: {  	v14 =	vsel vm9, $0x3F800000, v12;
	v17 =	vadd.f32 v57, v17;
	v56 =	vand.u32 $0x7F, v61  }
0x1f7: {  	v14 =	vadd.f32 v14, v18;
	v18 =	vadd.f32 v58, v52;
	v52 =	vor.u32 $0x401, v7  }
0x1f8: {  	v58 =	vbroadcast v56, $0x0;
	v56 =	vor.u32 $0x404, v7;
	vm11 =	veq.s32 v15, $0x0  }
0x1f9: {  	vm12 =	veq.s32 v15, $0x4;
	vm13 =	veq.s32 v15, $0x1;
	v59 =	vsel vm11, $0x3F800000, v12  }
0x1fa: {  	vm14 =	veq.s32 v15, $0x2;
	v60 =	vsel vm13, $0x3F800000, v12;
	v13 =	vadd.f32 v59, v13  }
0x1fb: {  	vm15 =	veq.s32 v15, $0x3;
	v57 =	vsel vm14, $0x3F800000, v12;
	v17 =	vadd.f32 v60, v17  }
0x1fc: {  	v15 =	vsel vm15, $0x3F800000, v12;
	v14 =	vadd.f32 v57, v14;
	[tilespmem:v55+s29+$0x0] =	vst.idx.msk $0xffff, v13;
	v13 =	vor.u32 v10, v58  }
0x1fd: {  	s8 =	simm.s32 $0x21;
	v63 =	vsel vm12, $0x3F800000, v12;
	v15 =	vadd.f32 v15, v18;
	[tilespmem:v52+s29+$0x0] =	vst.idx.msk $0xffff, v17  }
0x1fe: {  	v62 =	vmov s8;
	v16 =	vadd.f32 v63, v16;
	[tilespmem:v53+s29+$0x0] =	vst.idx.msk $0xffff, v14  }
0x1ff: {  	v17 =	vand.u32 $0x7F, v62;
	[tilespmem:v54+s29+$0x0] =	vst.idx.msk $0xffff, v15  }
0x200: {  	v14 =	vbroadcast v17, $0x0;
	[tilespmem:v56+s29+$0x0] =	vst.idx.msk $0xffff, v16  }
0x201: {  	v13 =	vld.idx.msk [tilespmem:v13+s20+$0x0], $0xffff  }
0x202: {  	v14 =	vor.u32 v10, v14;
	_ =	sdelay $0x1  }
0x203: {  	s22 =	simm.s32 $0x22;
	v61 =	vimm.f32 $0.0e+00;
	v57 =	vimm.f32 $0.0e+00;
	v59 =	vimm.f32 $0.0e+00  }
0x204: {  	s5 =	simm.s32 $0x23;
	v60 =	vimm.f32 $0.0e+00;
	v58 =	vimm.f32 $0.0e+00;
	v15 =	vmov s22  }
.LBB2_26:
0x205: {  	p1 =	sne.s32 s5, $0x3F;
	v15 =	vand.u32 $0x7F, v15;
	vm0 =	veq.s32 v13, $0x0;
	vm1 =	veq.s32 v13, $0x4;
	v16 =	vmovc v13  }
0x206: {  	v15 =	vbroadcast v15, $0x0;
	v13 =	vld.idx.msk [tilespmem:v14+s20+$0x0], $0xffff;
	vm2 =	veq.s32 v16, $0x1;
	v14 =	vsel vm1, $0x3F800000, v12  }
.Ltmp12:
0x207: {  	vm1 =	veq.s32 v16, $0x2;
	vm3 =	veq.s32 v16, $0x3;
	v57 =	vadd.f32 v14, v57;
	(pc) =	sbr.rel @p1 .LBB2_26-.Ltmp12, $4  }
0x208: {  	v16 =	vsel vm2, $0x3F800000, v12;
	v14 =	vor.u32 v10, v15;
	v15 =	vsel vm0, $0x3F800000, v12  }
0x209: {  	v17 =	vsel vm3, $0x3F800000, v12;
	v58 =	vadd.f32 v15, v58;
	v15 =	vsel vm1, $0x3F800000, v12  }
0x20a: {  	v59 =	vadd.f32 v16, v59;
	v60 =	vadd.f32 v15, v60  }
0x20b: {  	v61 =	vadd.f32 v17, v61;
	v15 =	vmov s5;
	s5 =	sadd.s32 $0x1, s5  }
0x20c: {  	_ = 	snop  }
0x20d: {  	v15 =	vand.u32 $0x7F, v15  }
0x20e: {  	v15 =	vbroadcast v15, $0x0  }
0x20f: {  	vm0 =	veq.s32 v13, $0x0;
	vm1 =	veq.s32 v13, $0x4;
	vm2 =	veq.s32 v13, $0x1  }
0x210: {  	v14 =	vld.idx.msk [tilespmem:v14+s20+$0x0], $0xffff;
	vm15 =	veq.s32 v13, $0x2;
	vm3 =	veq.s32 v13, $0x3;
	v15 =	vor.u32 v10, v15  }
0x211: {  	v16 =	vsel vm1, $0x3F800000, v12;
	v62 =	vsel vm0, $0x3F800000, v12;
	v17 =	vsel vm2, $0x3F800000, v12  }
0x212: {  	v18 =	vsel vm15, $0x3F800000, v12;
	v13 =	vadd.f32 v16, v57;
	v16 =	vadd.f32 v62, v58  }
0x213: {  	v63 =	vsel vm3, $0x3F800000, v12;
	v17 =	vadd.f32 v17, v59;
	v18 =	vadd.f32 v18, v60  }
0x214: {  	v57 =	vadd.f32 v63, v61;
	v58 =	vor.u32 $0x481, v7;
	v59 =	vor.u32 $0x482, v7  }
0x215: {  	vm6 =	veq.s32 v14, $0x0;
	vm7 =	veq.s32 v14, $0x4;
	vm8 =	veq.s32 v14, $0x1;
	v15 =	vld.idx.msk [tilespmem:v15+s20+$0x0], $0xffff  }
0x216: {  	vm9 =	veq.s32 v14, $0x2;
	vm10 =	veq.s32 v14, $0x3;
	v60 =	vsel vm7, $0x3F800000, v12  }
0x217: {  	v14 =	vsel vm6, $0x3F800000, v12;
	v61 =	vsel vm8, $0x3F800000, v12;
	v62 =	vsel vm9, $0x3F800000, v12  }
0x218: {  	v63 =	vsel vm10, $0x3F800000, v12;
	v13 =	vadd.f32 v60, v13;
	v14 =	vadd.f32 v14, v16  }
0x219: {  	v16 =	vadd.f32 v62, v18;
	v18 =	vadd.f32 v63, v57;
	v57 =	vor.u32 $0x480, v7  }
0x21a: {  	v17 =	vadd.f32 v61, v17;
	v61 =	vor.u32 $0x484, v7;
	vm11 =	veq.s32 v15, $0x0  }
0x21b: {  	vm12 =	veq.s32 v15, $0x1;
	vm13 =	veq.s32 v15, $0x2;
	v60 =	vsel vm11, $0x3F800000, v12  }
0x21c: {  	v19 =	vsel vm12, $0x3F800000, v12;
	v14 =	vadd.f32 v60, v14;
	v60 =	vor.u32 $0x483, v7  }
0x21d: {  	vm14 =	veq.s32 v15, $0x3;
	v62 =	vsel vm13, $0x3F800000, v12;
	v17 =	vadd.f32 v19, v17  }
0x21e: {  	vm15 =	veq.s32 v15, $0x4;
	v15 =	vadd.f32 v62, v16;
	[tilespmem:v57+s29+$0x0] =	vst.idx.msk $0xffff, v14;
	v14 =	vsel vm14, $0x3F800000, v12  }
0x21f: {  	v63 =	vsel vm15, $0x3F800000, v12;
	v14 =	vadd.f32 v14, v18;
	[tilespmem:v58+s29+$0x0] =	vst.idx.msk $0xffff, v17  }
0x220: {  	v13 =	vadd.f32 v63, v13;
	[tilespmem:v59+s29+$0x0] =	vst.idx.msk $0xffff, v15  }
0x221: {  	[tilespmem:v60+s29+$0x0] =	vst.idx.msk $0xffff, v14  }
0x222: {  	[tilespmem:v61+s29+$0x0] =	vst.idx.msk $0xffff, v13  }
0x223: {  	[hbm4b:s10+s4] =	stream.linear.scatter [tilespmem:s29], [sflag:$0x5], $0x500, $0x38;
	[tilespmem:$0x1FF00] =	vst v63  }
0x224: {  	_ =	swait.ge [sflag:s18], $0x500  }
0x225: {  	[sflag:s18] =	ssyncset.done $0x0  }
0x226: {  	[sflag:s18] =	ssyncadd.s32 $0xFFFFFB00  }
0x227: {  	[tilespmem:s20], [sflag:$0x1] =	stream.indirect.gather [hbm4b:s1+s19], $0x80, s30, s19, $0xb8;
	[tilespmem:$0x1FF00] =	vst v63  }
0x228: {  	s5 =	simm.s32 $0x20;
	s6 =	simm.s32 $0x4180  }
0x229: {  	[tilespmem:s6], [sflag:$0x1] =	stream.indirect.gather [hbm4b:s1+s5], $0x80, s31, s5, $0xb8;
	[tilespmem:$0x1FF00] =	vst v63  }
0x22a: {  	_ =	swait.ge [sflag:s2], $0x4000  }
0x22b: {  	[sflag:s2] =	ssyncset.done $0x0  }
0x22c: {  	[sflag:s2] =	ssyncadd.s32 $0xFFFFC000  }
0x22d: {  	_ =	swait.ge [sflag:s2], $0x1000  }
0x22e: {  	s5 =	simm.s32 $0x1F;
	[sflag:s2] =	ssyncset.done $0x0  }
.LBB2_28:
0x22f: {  	p1 =	sne.s32 s5, $0x1;
	s5 =	sadd.s32 $0xFFFFFFFF, s5;
	[sflag:s2] =	ssyncadd.s32 $0xFFFFF000  }
.Ltmp13:
0x230: {  	_ =	swait.ge [sflag:s2], $0x4000;
	(pc) =	sbr.rel @p1 .LBB2_28-.Ltmp13, $4  }
0x231: {  	[sflag:s2] =	ssyncset.done $0x0  }
0x232: {  	[sflag:s2] =	ssyncadd.s32 $0xFFFFC000  }
0x233: {  	_ =	swait.ge [sflag:s2], $0x1000  }
0x234: {  	[sflag:s2] =	ssyncset.done $0x0  }
0x235: {  	[sflag:s2] =	ssyncadd.s32 $0xFFFFF000;
	s22 =	simm.s32 $0x0  }
0x236: {  	[hbm4b:s11+s22] =	stream.linear.scatter [tilespmem:s25], [sflag:$0x5], $0x5000, $0x38;
	[tilespmem:$0x1FF00] =	vst v63  }
0x237: {  	v13 =	vmov s22;
	_ =	swait.ge [sflag:s18], $0x5000  }
0x238: {  	v13 =	vand.u32 $0x7F, v13;
	[sflag:s18] =	ssyncset.done $0x0  }
0x239: {  	v13 =	vbroadcast v13, $0x0;
	[sflag:s18] =	ssyncadd.s32 $0xFFFFB000  }
0x23a: {  	_ =	swait.ge [sflag:s24], $0x4000  }
0x23b: {  	v14 =	vor.u32 v0, v13;
	[sflag:s24] =	ssyncset.done $0x0  }
0x23c: {  	[sflag:s24] =	ssyncadd.s32 $0xFFFFC000  }
0x23d: {  	_ =	swait.ge [sflag:s24], $0x1000  }
0x23e: {  	[sflag:s24] =	ssyncset.done $0x0  }
0x23f: {  	[sflag:s24] =	ssyncadd.s32 $0xFFFFF000  }
0x240: {  	v14 =	vld.idx.msk [tilespmem:v14+s20+$0x0], $0xffff  }
0x241: {  	v15 =	vor.u32 v1, v13;
	_ =	sdelay $0x1  }
0x242: {  	s5 =	sand.u32 $0x1800, s22;
	s6 =	sand.u32 $0x380, s22  }
0x243: {  	s5 =	sor.u32 s6, s5  }
0x244: {  	[tilespmem:s5+$0x5180] =	vst v14  }
0x245: {  	v14 =	vld.idx.msk [tilespmem:v15+s20+$0x0], $0xffff  }
0x246: {  	v15 =	vor.u32 v2, v13;
	_ =	sdelay $0x3  }
0x247: {  	[tilespmem:s5+$0x5190] =	vst v14  }
0x248: {  	v14 =	vld.idx.msk [tilespmem:v15+s20+$0x0], $0xffff  }
0x249: {  	v15 =	vor.u32 v3, v13;
	_ =	sdelay $0x3  }
0x24a: {  	[tilespmem:s5+$0x51A0] =	vst v14  }
0x24b: {  	v14 =	vld.idx.msk [tilespmem:v15+s20+$0x0], $0xffff  }
0x24c: {  	v15 =	vor.u32 v4, v13;
	_ =	sdelay $0x3  }
0x24d: {  	[tilespmem:s5+$0x51B0] =	vst v14  }
0x24e: {  	v14 =	vld.idx.msk [tilespmem:v15+s20+$0x0], $0xffff  }
0x24f: {  	v15 =	vor.u32 v5, v13;
	_ =	sdelay $0x3  }
0x250: {  	[tilespmem:s5+$0x51C0] =	vst v14  }
0x251: {  	v14 =	vld.idx.msk [tilespmem:v15+s20+$0x0], $0xffff  }
0x252: {  	v15 =	vor.u32 v6, v13;
	_ =	sdelay $0x3  }
0x253: {  	[tilespmem:s5+$0x51D0] =	vst v14  }
0x254: {  	v14 =	vld.idx.msk [tilespmem:v15+s20+$0x0], $0xffff  }
0x255: {  	v15 =	vor.u32 v8, v13;
	_ =	sdelay $0x3  }
0x256: {  	[tilespmem:s5+$0x51E0] =	vst v14  }
0x257: {  	v14 =	vld.idx.msk [tilespmem:v15+s20+$0x0], $0xffff  }
0x258: {  	v15 =	vor.u32 v9, v13;
	_ =	sdelay $0x3  }
0x259: {  	[tilespmem:s5+$0x51F0] =	vst v14  }
0x25a: {  	v14 =	vld.idx.msk [tilespmem:v15+s20+$0x0], $0xffff  }
0x25b: {  	v13 =	vor.u32 v10, v13;
	_ =	sdelay $0x1  }
0x25c: {  	s8 =	simm.s32 $0x1  }
0x25d: {  	s7 =	simm.s32 $0x2;
	s6 =	simm.s32 $0x0;
	v15 =	vmov s8  }
.LBB2_30:
0x25e: {  	p1 =	sne.s32 s7, $0x1F;
	v15 =	vand.u32 $0x7F, v15;
	[tilespmem:s5+$0x5580] =	vst v14  }
0x25f: {  	v15 =	vbroadcast v15, $0x0;
	v13 =	vld.idx.msk [tilespmem:v13+s20+$0x0], $0xffff;
	_ =	sdelay $0x1  }
0x260: {  	v14 =	vor.u32 v0, v15;
	_ =	sdelay $0x3  }
0x261: {  	[tilespmem:s5+$0x5590] =	vst v13  }
0x262: {  	v13 =	vld.idx.msk [tilespmem:v14+s20+$0x0], $0xffff;
	_ =	sdelay $0x1  }
0x263: {  	v14 =	vor.u32 v1, v15  }
0x264: {  	s22 =	sadd.s32 $0x80, s22;
	s6 =	sadd.s32 $0x100, s6  }
0x265: {  	s8 =	sand.u32 $0x380, s22;
	s5 =	sand.u32 $0x1800, s6  }
0x266: {  	s5 =	sor.u32 s8, s5  }
0x267: {  	[tilespmem:s5+$0x5180] =	vst v13  }
0x268: {  	v13 =	vld.idx.msk [tilespmem:v14+s20+$0x0], $0xffff;
	_ =	sdelay $0x1  }
0x269: {  	v14 =	vor.u32 v2, v15;
	_ =	sdelay $0x3  }
0x26a: {  	[tilespmem:s5+$0x5190] =	vst v13  }
0x26b: {  	v13 =	vld.idx.msk [tilespmem:v14+s20+$0x0], $0xffff;
	_ =	sdelay $0x1  }
0x26c: {  	v14 =	vor.u32 v3, v15;
	_ =	sdelay $0x3  }
0x26d: {  	[tilespmem:s5+$0x51A0] =	vst v13  }
0x26e: {  	v13 =	vld.idx.msk [tilespmem:v14+s20+$0x0], $0xffff;
	_ =	sdelay $0x1  }
0x26f: {  	v14 =	vor.u32 v4, v15;
	_ =	sdelay $0x3  }
0x270: {  	[tilespmem:s5+$0x51B0] =	vst v13  }
0x271: {  	v13 =	vld.idx.msk [tilespmem:v14+s20+$0x0], $0xffff;
	_ =	sdelay $0x1  }
0x272: {  	v14 =	vor.u32 v5, v15;
	_ =	sdelay $0x3  }
0x273: {  	[tilespmem:s5+$0x51C0] =	vst v13  }
0x274: {  	v13 =	vld.idx.msk [tilespmem:v14+s20+$0x0], $0xffff;
	_ =	sdelay $0x1  }
0x275: {  	v14 =	vor.u32 v6, v15;
	_ =	sdelay $0x3  }
0x276: {  	[tilespmem:s5+$0x51D0] =	vst v13  }
0x277: {  	v13 =	vld.idx.msk [tilespmem:v14+s20+$0x0], $0xffff;
	_ =	sdelay $0x1  }
0x278: {  	v14 =	vor.u32 v8, v15;
	_ =	sdelay $0x3  }
0x279: {  	[tilespmem:s5+$0x51E0] =	vst v13  }
0x27a: {  	v13 =	vld.idx.msk [tilespmem:v14+s20+$0x0], $0xffff;
	_ =	sdelay $0x1  }
0x27b: {  	v14 =	vor.u32 v9, v15;
	_ =	sdelay $0x3  }
0x27c: {  	[tilespmem:s5+$0x51F0] =	vst v13  }
0x27d: {  	v14 =	vld.idx.msk [tilespmem:v14+s20+$0x0], $0xffff  }
.Ltmp14:
0x27e: {  	(pc) =	sbr.rel @p1 .LBB2_30-.Ltmp14, $2  }
0x27f: {  	v13 =	vor.u32 v10, v15;
	_ =	sdelay $0x2  }
0x280: {  	v15 =	vmov s7;
	s7 =	sadd.s32 $0x1, s7  }
0x281: {  	_ =	sdelay $0x1  }
0x282: {  	v15 =	vand.u32 $0x7F, v15  }
0x283: {  	[tilespmem:s5+$0x5580] =	vst v14;
	v14 =	vbroadcast v15, $0x0  }
0x284: {  	v13 =	vld.idx.msk [tilespmem:v13+s20+$0x0], $0xffff  }
0x285: {  	v15 =	vor.u32 v0, v14;
	_ =	sdelay $0x3  }
0x286: {  	[tilespmem:s5+$0x5590] =	vst v13  }
0x287: {  	v13 =	vld.idx.msk [tilespmem:v15+s20+$0x0], $0xffff  }
0x288: {  	v15 =	vor.u32 v1, v14  }
0x289: {  	s22 =	sadd.s32 $0x80, s22;
	s6 =	sadd.s32 $0x100, s6  }
0x28a: {  	s6 =	sand.u32 $0x1800, s6;
	s5 =	sand.u32 $0x380, s22  }
0x28b: {  	s5 =	sor.u32 s5, s6  }
0x28c: {  	[tilespmem:s5+$0x5180] =	vst v13  }
0x28d: {  	v13 =	vld.idx.msk [tilespmem:v15+s20+$0x0], $0xffff  }
0x28e: {  	v15 =	vor.u32 v2, v14;
	_ =	sdelay $0x3  }
0x28f: {  	[tilespmem:s5+$0x5190] =	vst v13  }
0x290: {  	v13 =	vld.idx.msk [tilespmem:v15+s20+$0x0], $0xffff  }
0x291: {  	v15 =	vor.u32 v3, v14;
	_ =	sdelay $0x3  }
0x292: {  	[tilespmem:s5+$0x51A0] =	vst v13  }
0x293: {  	v13 =	vld.idx.msk [tilespmem:v15+s20+$0x0], $0xffff  }
0x294: {  	v15 =	vor.u32 v4, v14;
	_ =	sdelay $0x3  }
0x295: {  	[tilespmem:s5+$0x51B0] =	vst v13  }
0x296: {  	v13 =	vld.idx.msk [tilespmem:v15+s20+$0x0], $0xffff  }
0x297: {  	v15 =	vor.u32 v5, v14;
	_ =	sdelay $0x3  }
0x298: {  	[tilespmem:s5+$0x51C0] =	vst v13  }
0x299: {  	v13 =	vld.idx.msk [tilespmem:v15+s20+$0x0], $0xffff  }
0x29a: {  	v15 =	vor.u32 v6, v14;
	_ =	sdelay $0x3  }
0x29b: {  	[tilespmem:s5+$0x51D0] =	vst v13  }
0x29c: {  	v13 =	vld.idx.msk [tilespmem:v15+s20+$0x0], $0xffff  }
0x29d: {  	v15 =	vor.u32 v8, v14;
	_ =	sdelay $0x3  }
0x29e: {  	[tilespmem:s5+$0x51E0] =	vst v13  }
0x29f: {  	v13 =	vld.idx.msk [tilespmem:v15+s20+$0x0], $0xffff  }
0x2a0: {  	v15 =	vor.u32 v9, v14;
	_ =	sdelay $0x3  }
0x2a1: {  	[tilespmem:s5+$0x51F0] =	vst v13  }
0x2a2: {  	v13 =	vld.idx.msk [tilespmem:v15+s20+$0x0], $0xffff  }
0x2a3: {  	v14 =	vor.u32 v10, v14;
	_ =	sdelay $0x3  }
0x2a4: {  	[tilespmem:s5+$0x5580] =	vst v13  }
0x2a5: {  	v13 =	vld.idx.msk [tilespmem:v14+s20+$0x0], $0xffff;
	_ =	sdelay $0x4  }
0x2a6: {  	[tilespmem:s5+$0x5590] =	vst v13  }
0x2a7: {  	[tilespmem:s25], [sflag:$0x2] =	stream.indirect.gather [spmem:s3], $0x80, s30, s19, $0xb8;
	[tilespmem:$0x1FF00] =	vst v63  }
0x2a8: {  	_ =	swait.ge [sflag:s26], $0x4000  }
0x2a9: {  	[sflag:s26] =	ssyncset.done $0x0  }
0x2aa: {  	[sflag:s26] =	ssyncadd.s32 $0xFFFFC000  }
0x2ab: {  	[tilespmem:s28], [sflag:$0x2] =	stream.indirect.gather [spmem:s3], $0x80, s31, s21, $0xb8;
	[tilespmem:$0x1FF00] =	vst v63  }
0x2ac: {  	_ =	swait.ge [sflag:s26], $0x1000  }
0x2ad: {  	[sflag:s26] =	ssyncset.done $0x0  }
0x2ae: {  	s5 =	simm.s32 $0x0;
	[sflag:s26] =	ssyncadd.s32 $0xFFFFF000  }
0x2af: {  	[hbm4b:s12+s5] =	stream.linear.scatter [tilespmem:s25], [sflag:$0x5], $0x5000, $0x38;
	[tilespmem:$0x1FF00] =	vst v63  }
0x2b0: {  	_ =	swait.ge [sflag:s18], $0x5000  }
0x2b1: {  	[sflag:s18] =	ssyncset.done $0x0  }
0x2b2: {  	s7 =	simm.s32 $0x200;
	s6 =	simm.s32 $0x0;
	[sflag:s18] =	ssyncadd.s32 $0xFFFFB000  }
.LBB2_32:
0x2b3: {  	p1 =	sne.s32 s7, $0x13E00;
	[tilespmem:s6+$0x71F0] =	vst v11  }
0x2b4: {  	[tilespmem:s6+$0x7180] =	vst v11  }
0x2b5: {  	[tilespmem:s6+$0x7190] =	vst v11  }
.Ltmp15:
0x2b6: {  	[tilespmem:s6+$0x71A0] =	vst v11;
	(pc) =	sbr.rel @p1 .LBB2_32-.Ltmp15, $4  }
0x2b7: {  	[tilespmem:s6+$0x71B0] =	vst v11  }
0x2b8: {  	[tilespmem:s6+$0x71C0] =	vst v11  }
0x2b9: {  	[tilespmem:s6+$0x71D0] =	vst v11  }
0x2ba: {  	[tilespmem:s6+$0x71E0] =	vst v11;
	s6 =	sshra.s32 s7, $0x2;
	s7 =	sadd.s32 $0x200, s7  }
0x2bb: {  	[tilespmem:s6+$0x71F0] =	vst v11  }
0x2bc: {  	[tilespmem:s6+$0x7180] =	vst v11  }
0x2bd: {  	[tilespmem:s6+$0x7190] =	vst v11  }
0x2be: {  	[tilespmem:s6+$0x71A0] =	vst v11  }
0x2bf: {  	[tilespmem:s6+$0x71B0] =	vst v11  }
0x2c0: {  	[tilespmem:s6+$0x71C0] =	vst v11;
	s7 =	sand.u32 $0x1800, s5;
	s22 =	sand.u32 $0x380, s5  }
0x2c1: {  	[tilespmem:s6+$0x71D0] =	vst v11;
	s7 =	sor.u32 s22, s7  }
0x2c2: {  	[tilespmem:s6+$0x71E0] =	vst v11;
	s6 =	simm.s32 $0x100;
	s22 =	simm.s32 $0x80;
	s5 =	sadd.s32 $0x5180, s7  }
0x2c3: {  	[tilespmem:s25], [sflag:$0x3] =	stream.indirect.gather.add.f32 [spmem:s3], $0x80, s5, s19, $0xb8;
	[tilespmem:$0x1FF00] =	vst v63  }
.LBB2_34:
0x2c4: {  	s8 =	sand.u32 $0x1800, s6  }
0x2c5: {  	s7 =	sadd.s32 $0x5580, s7;
	s5 =	simm.s32 $0x20;
	p1 =	sne.s32 s6, $0x1F00  }
0x2c6: {  	[tilespmem:s28], [sflag:$0x3] =	stream.indirect.gather.add.f32 [spmem:s3], $0x80, s7, s5, $0xb8;
	[tilespmem:$0x1FF00] =	vst v63  }
.Ltmp16:
0x2c7: {  	_ = 	snop;
	(pc) =	sbr.rel @p1 .LBB2_34-.Ltmp16, $4  }
0x2c8: {  	s6 =	sadd.s32 $0x100, s6;
	s7 =	sand.u32 $0x380, s22  }
0x2c9: {  	s7 =	sor.u32 s7, s8  }
0x2ca: {  	s22 =	sadd.s32 $0x80, s22;
	s8 =	sadd.s32 $0x5180, s7  }
0x2cb: {  	[tilespmem:s25], [sflag:$0x3] =	stream.indirect.gather.add.f32 [spmem:s3], $0x80, s8, s19, $0xb8;
	[tilespmem:$0x1FF00] =	vst v63  }
0x2cc: {  	v13 =	vmov s5  }
0x2cd: {  	v13 =	vand.u32 $0x7F, v13  }
0x2ce: {  	v13 =	vbroadcast v13, $0x0;
	_ =	sdelay $0x1  }
0x2cf: {  	v13 =	vor.u32 v0, v13  }
0x2d0: {  	s6 =	simm.s32 $0x21  }
0x2d1: {  	v14 =	vmov s6  }
0x2d2: {  	s8 =	sadd.s32 $0x5580, s7;
	v14 =	vand.u32 $0x7F, v14  }
0x2d3: {  	[tilespmem:s28], [sflag:$0x3] =	stream.indirect.gather.add.f32 [spmem:s3], $0x80, s8, s5, $0xb8;
	v14 =	vbroadcast v14, $0x0;
	[tilespmem:$0x1FF00] =	vst v63  }
0x2d4: {  	v16 =	vld.idx.msk [tilespmem:v13+s20+$0x0], $0xffff  }
0x2d5: {  	v17 =	vor.u32 v0, v14;
	_ =	sdelay $0x1  }
0x2d6: {  	v62 =	vimm.f32 $0.0e+00;
	s22 =	simm.s32 $0x22;
	v63 =	vimm.f32 $0.0e+00;
	v15 =	vimm.f32 $0.0e+00  }
0x2d7: {  	v18 =	vmov s22;
	s5 =	simm.s32 $0x23;
	v14 =	vimm.f32 $0.0e+00;
	v13 =	vimm.f32 $0.0e+00  }
.LBB2_36:
0x2d8: {  	p1 =	sne.s32 s5, $0x3F;
	v18 =	vand.u32 $0x7F, v18;
	vm0 =	veq.s32 v16, $0x0;
	vm1 =	veq.s32 v16, $0x4;
	v19 =	vmovc v16  }
0x2d9: {  	v18 =	vbroadcast v18, $0x0;
	v16 =	vld.idx.msk [tilespmem:v17+s20+$0x0], $0xffff;
	vm2 =	veq.s32 v19, $0x1;
	v17 =	vsel vm1, $0x3F800000, v12  }
.Ltmp17:
0x2da: {  	vm1 =	veq.s32 v19, $0x2;
	vm3 =	veq.s32 v19, $0x3;
	v62 =	vadd.f32 v17, v62;
	(pc) =	sbr.rel @p1 .LBB2_36-.Ltmp17, $4  }
0x2db: {  	v19 =	vsel vm2, $0x3F800000, v12;
	v17 =	vor.u32 v0, v18;
	v18 =	vsel vm0, $0x3F800000, v12  }
0x2dc: {  	v20 =	vsel vm3, $0x3F800000, v12;
	v63 =	vadd.f32 v18, v63;
	v18 =	vsel vm1, $0x3F800000, v12  }
0x2dd: {  	v13 =	vadd.f32 v19, v13;
	v14 =	vadd.f32 v18, v14  }
0x2de: {  	v15 =	vadd.f32 v20, v15;
	v18 =	vmov s5;
	s5 =	sadd.s32 $0x1, s5  }
0x2df: {  	v18 =	vand.u32 $0x7F, v18  }
0x2e0: {  	v18 =	vbroadcast v18, $0x0;
	_ =	sdelay $0x1  }
0x2e1: {  	v18 =	vor.u32 v0, v18  }
0x2e2: {  	v17 =	vld.idx.msk [tilespmem:v17+s20+$0x0], $0xffff  }
0x2e3: {  	vm0 =	veq.s32 v16, $0x0;
	vm1 =	veq.s32 v16, $0x4  }
0x2e4: {  	vm2 =	veq.s32 v16, $0x1;
	vm15 =	veq.s32 v16, $0x2;
	v19 =	vsel vm1, $0x3F800000, v12  }
0x2e5: {  	vm3 =	veq.s32 v16, $0x3;
	v20 =	vsel vm2, $0x3F800000, v12;
	v16 =	vadd.f32 v19, v62  }
0x2e6: {  	v19 =	vsel vm0, $0x3F800000, v12;
	v62 =	vsel vm15, $0x3F800000, v12;
	v13 =	vadd.f32 v20, v13;
	v18 =	vld.idx.msk [tilespmem:v18+s20+$0x0], $0xffff  }
0x2e7: {  	v19 =	vadd.f32 v19, v63;
	v14 =	vadd.f32 v62, v14;
	vm6 =	veq.s32 v17, $0x0  }
0x2e8: {  	vm7 =	veq.s32 v17, $0x4;
	vm8 =	veq.s32 v17, $0x1;
	vm9 =	veq.s32 v17, $0x2  }
0x2e9: {  	vm10 =	veq.s32 v17, $0x3;
	v20 =	vsel vm7, $0x3F800000, v12;
	v17 =	vsel vm6, $0x3F800000, v12  }
0x2ea: {  	v16 =	vadd.f32 v20, v16;
	v20 =	vsel vm8, $0x3F800000, v12;
	v17 =	vadd.f32 v17, v19  }
0x2eb: {  	v19 =	vsel vm9, $0x3F800000, v12;
	v13 =	vadd.f32 v20, v13;
	vm11 =	veq.s32 v18, $0x0  }
0x2ec: {  	v14 =	vadd.f32 v19, v14;
	vm14 =	veq.s32 v18, $0x2;
	v20 =	vsel vm11, $0x3F800000, v12  }
0x2ed: {  	v17 =	vadd.f32 v20, v17;
	v20 =	vsel vm14, $0x3F800000, v12  }
0x2ee: {  	v14 =	vadd.f32 v20, v14;
	v20 =	vld [tilespmem:$0x1FF80];
	_ =	sdelay $0x2  }
0x2ef: {  	s5 =	simm.s32 $0x20  }
0x2f0: {  	v19 =	vmov s5;
	vm12 =	veq.s32 v18, $0x4;
	vm13 =	veq.s32 v18, $0x1  }
0x2f1: {  	vm15 =	veq.s32 v18, $0x3;
	v18 =	vand.u32 $0x7F, v19;
	v19 =	vsel vm13, $0x3F800000, v12  }
0x2f2: {  	s8 =	simm.s32 $0x21;
	v13 =	vadd.f32 v19, v13  }
0x2f3: {  	[tilespmem:v7+s29+$0x0] =	vst.idx.msk $0xffff, v17;
	v17 =	vmov s8  }
0x2f4: {  	[tilespmem:v20+s29+$0x0] =	vst.idx.msk $0xffff, v13;
	v13 =	vand.u32 $0x7F, v17;
	v17 =	vld [tilespmem:$0x1FF90];
	_ =	sdelay $0x7  }
0x2f5: {  	[tilespmem:v17+s29+$0x0] =	vst.idx.msk $0xffff, v14;
	v14 =	vld [tilespmem:$0x1FFA0]  }
0x2f6: {  	v63 =	vsel vm3, $0x3F800000, v12  }
0x2f7: {  	v15 =	vadd.f32 v63, v15  }
0x2f8: {  	v62 =	vsel vm10, $0x3F800000, v12  }
0x2f9: {  	v15 =	vadd.f32 v62, v15  }
0x2fa: {  	v62 =	vsel vm15, $0x3F800000, v12  }
0x2fb: {  	v15 =	vadd.f32 v62, v15;
	_ =	sdelay $0x1  }
0x2fc: {  	[tilespmem:v14+s29+$0x0] =	vst.idx.msk $0xffff, v15;
	v14 =	vld [tilespmem:$0x1FFB0];
	_ =	sdelay $0x1  }
0x2fd: {  	v18 =	vbroadcast v18, $0x0;
	_ =	sdelay $0x1  }
0x2fe: {  	v19 =	vor.u32 v1, v18  }
0x2ff: {  	v18 =	vsel vm12, $0x3F800000, v12  }
0x300: {  	v16 =	vadd.f32 v18, v16;
	_ =	sdelay $0x1  }
0x301: {  	v13 =	vbroadcast v13, $0x0;
	[tilespmem:v14+s29+$0x0] =	vst.idx.msk $0xffff, v16  }
0x302: {  	v16 =	vld.idx.msk [tilespmem:v19+s20+$0x0], $0xffff  }
0x303: {  	v17 =	vor.u32 v1, v13  }
0x304: {  	s22 =	simm.s32 $0x22  }
0x305: {  	v63 =	vimm.f32 $0.0e+00;
	v62 =	vimm.f32 $0.0e+00;
	v18 =	vmov s22  }
0x306: {  	s5 =	simm.s32 $0x23;
	v13 =	vimm.f32 $0.0e+00;
	v15 =	vimm.f32 $0.0e+00;
	v14 =	vimm.f32 $0.0e+00  }
.LBB2_38:
0x307: {  	p1 =	sne.s32 s5, $0x3F;
	v18 =	vand.u32 $0x7F, v18;
	vm0 =	veq.s32 v16, $0x0;
	vm1 =	veq.s32 v16, $0x4;
	v19 =	vmovc v16  }
0x308: {  	v18 =	vbroadcast v18, $0x0;
	v16 =	vld.idx.msk [tilespmem:v17+s20+$0x0], $0xffff;
	vm2 =	veq.s32 v19, $0x1;
	v17 =	vsel vm1, $0x3F800000, v12  }
.Ltmp18:
0x309: {  	vm1 =	veq.s32 v19, $0x2;
	vm3 =	veq.s32 v19, $0x3;
	v62 =	vadd.f32 v17, v62;
	(pc) =	sbr.rel @p1 .LBB2_38-.Ltmp18, $4  }
0x30a: {  	v19 =	vsel vm2, $0x3F800000, v12;
	v17 =	vor.u32 v1, v18;
	v18 =	vsel vm0, $0x3F800000, v12  }
0x30b: {  	v20 =	vsel vm3, $0x3F800000, v12;
	v13 =	vadd.f32 v18, v13;
	v18 =	vsel vm1, $0x3F800000, v12  }
0x30c: {  	v14 =	vadd.f32 v19, v14;
	v15 =	vadd.f32 v18, v15  }
0x30d: {  	v63 =	vadd.f32 v20, v63;
	v18 =	vmov s5;
	s5 =	sadd.s32 $0x1, s5  }
0x30e: {  	_ =	sdelay $0x1  }
0x30f: {  	v18 =	vand.u32 $0x7F, v18  }
0x310: {  	v18 =	vbroadcast v18, $0x0  }
0x311: {  	vm0 =	veq.s32 v16, $0x0;
	vm1 =	veq.s32 v16, $0x4;
	v17 =	vld.idx.msk [tilespmem:v17+s20+$0x0], $0xffff  }
0x312: {  	vm2 =	veq.s32 v16, $0x1;
	vm15 =	veq.s32 v16, $0x2;
	v18 =	vor.u32 v1, v18  }
0x313: {  	vm3 =	veq.s32 v16, $0x3;
	v19 =	vsel vm1, $0x3F800000, v12;
	v20 =	vsel vm2, $0x3F800000, v12  }
0x314: {  	v16 =	vadd.f32 v19, v62;
	v19 =	vsel vm0, $0x3F800000, v12;
	v62 =	vsel vm3, $0x3F800000, v12  }
0x315: {  	v14 =	vadd.f32 v20, v14;
	v13 =	vadd.f32 v19, v13;
	v19 =	vsel vm15, $0x3F800000, v12  }
0x316: {  	v15 =	vadd.f32 v19, v15;
	v19 =	vadd.f32 v62, v63;
	vm6 =	veq.s32 v17, $0x0  }
0x317: {  	vm7 =	veq.s32 v17, $0x4;
	vm8 =	veq.s32 v17, $0x1;
	vm9 =	veq.s32 v17, $0x2;
	v18 =	vld.idx.msk [tilespmem:v18+s20+$0x0], $0xffff  }
0x318: {  	vm10 =	veq.s32 v17, $0x3;
	v20 =	vsel vm7, $0x3F800000, v12;
	v17 =	vsel vm6, $0x3F800000, v12  }
0x319: {  	v62 =	vsel vm10, $0x3F800000, v12;
	v16 =	vadd.f32 v20, v16;
	v20 =	vsel vm8, $0x3F800000, v12  }
0x31a: {  	v13 =	vadd.f32 v17, v13;
	v17 =	vsel vm9, $0x3F800000, v12;
	v14 =	vadd.f32 v20, v14  }
0x31b: {  	s5 =	simm.s32 $0x20;
	v15 =	vadd.f32 v17, v15;
	v17 =	vadd.f32 v62, v19  }
0x31c: {  	v19 =	vmov s5;
	vm11 =	veq.s32 v18, $0x0;
	vm12 =	veq.s32 v18, $0x4  }
0x31d: {  	vm13 =	veq.s32 v18, $0x1;
	vm14 =	veq.s32 v18, $0x2;
	vm15 =	veq.s32 v18, $0x3  }
0x31e: {  	v18 =	vand.u32 $0x7F, v19;
	v20 =	vsel vm11, $0x3F800000, v12;
	v19 =	vsel vm13, $0x3F800000, v12  }
0x31f: {  	v13 =	vadd.f32 v20, v13;
	v20 =	vsel vm14, $0x3F800000, v12;
	v14 =	vadd.f32 v19, v14;
	v19 =	vld [tilespmem:$0x1FFC0]  }
0x320: {  	v15 =	vadd.f32 v20, v15;
	v20 =	vld [tilespmem:$0x1FFD0];
	_ =	sdelay $0x4  }
0x321: {  	v18 =	vbroadcast v18, $0x0;
	_ =	sdelay $0x1  }
0x322: {  	[tilespmem:v19+s29+$0x0] =	vst.idx.msk $0xffff, v13;
	v19 =	vor.u32 v2, v18;
	v18 =	vsel vm12, $0x3F800000, v12  }
0x323: {  	[tilespmem:v20+s29+$0x0] =	vst.idx.msk $0xffff, v14;
	v14 =	vadd.f32 v18, v16;
	v16 =	vld [tilespmem:$0x1FFE0];
	_ =	sdelay $0x7  }
0x324: {  	[tilespmem:v16+s29+$0x0] =	vst.idx.msk $0xffff, v15;
	v15 =	vld [tilespmem:$0x1FFF0];
	_ =	sdelay $0x4  }
0x325: {  	v62 =	vsel vm15, $0x3F800000, v12  }
0x326: {  	s8 =	simm.s32 $0x21;
	v17 =	vadd.f32 v62, v17  }
0x327: {  	v13 =	vmov s8  }
0x328: {  	v13 =	vand.u32 $0x7F, v13;
	[tilespmem:v15+s29+$0x0] =	vst.idx.msk $0xffff, v17  }
0x329: {  	v13 =	vbroadcast v13, $0x0;
	[tilespmem:v21+s29+$0x0] =	vst.idx.msk $0xffff, v14  }
0x32a: {  	v16 =	vld.idx.msk [tilespmem:v19+s20+$0x0], $0xffff  }
0x32b: {  	v17 =	vor.u32 v2, v13  }
0x32c: {  	s22 =	simm.s32 $0x22  }
0x32d: {  	v63 =	vimm.f32 $0.0e+00;
	v62 =	vimm.f32 $0.0e+00;
	v18 =	vmov s22  }
0x32e: {  	s5 =	simm.s32 $0x23;
	v13 =	vimm.f32 $0.0e+00;
	v15 =	vimm.f32 $0.0e+00;
	v14 =	vimm.f32 $0.0e+00  }
.LBB2_40:
0x32f: {  	p1 =	sne.s32 s5, $0x3F;
	v18 =	vand.u32 $0x7F, v18;
	vm0 =	veq.s32 v16, $0x0;
	vm1 =	veq.s32 v16, $0x4;
	v19 =	vmovc v16  }
0x330: {  	v18 =	vbroadcast v18, $0x0;
	v16 =	vld.idx.msk [tilespmem:v17+s20+$0x0], $0xffff;
	vm2 =	veq.s32 v19, $0x1;
	v17 =	vsel vm1, $0x3F800000, v12  }
.Ltmp19:
0x331: {  	vm1 =	veq.s32 v19, $0x2;
	vm3 =	veq.s32 v19, $0x3;
	v62 =	vadd.f32 v17, v62;
	(pc) =	sbr.rel @p1 .LBB2_40-.Ltmp19, $4  }
0x332: {  	v19 =	vsel vm2, $0x3F800000, v12;
	v17 =	vor.u32 v2, v18;
	v18 =	vsel vm0, $0x3F800000, v12  }
0x333: {  	v20 =	vsel vm3, $0x3F800000, v12;
	v13 =	vadd.f32 v18, v13;
	v18 =	vsel vm1, $0x3F800000, v12  }
0x334: {  	v14 =	vadd.f32 v19, v14;
	v15 =	vadd.f32 v18, v15  }
0x335: {  	v63 =	vadd.f32 v20, v63;
	v18 =	vmov s5;
	s5 =	sadd.s32 $0x1, s5  }
0x336: {  	_ = 	snop  }
0x337: {  	v18 =	vand.u32 $0x7F, v18  }
0x338: {  	v18 =	vbroadcast v18, $0x0;
	_ =	sdelay $0x1  }
0x339: {  	vm0 =	veq.s32 v16, $0x0;
	vm1 =	veq.s32 v16, $0x4;
	v17 =	vld.idx.msk [tilespmem:v17+s20+$0x0], $0xffff;
	v18 =	vor.u32 v2, v18  }
0x33a: {  	vm2 =	veq.s32 v16, $0x1;
	vm15 =	veq.s32 v16, $0x2;
	v19 =	vsel vm1, $0x3F800000, v12  }
0x33b: {  	vm3 =	veq.s32 v16, $0x3;
	v16 =	vadd.f32 v19, v62;
	v19 =	vsel vm0, $0x3F800000, v12  }
0x33c: {  	v20 =	vsel vm2, $0x3F800000, v12;
	v13 =	vadd.f32 v19, v13;
	v19 =	vsel vm15, $0x3F800000, v12  }
0x33d: {  	v62 =	vsel vm3, $0x3F800000, v12;
	v14 =	vadd.f32 v20, v14;
	v15 =	vadd.f32 v19, v15  }
0x33e: {  	v19 =	vadd.f32 v62, v63;
	vm6 =	veq.s32 v17, $0x0;
	vm7 =	veq.s32 v17, $0x4;
	v18 =	vld.idx.msk [tilespmem:v18+s20+$0x0], $0xffff  }
0x33f: {  	vm8 =	veq.s32 v17, $0x1;
	vm9 =	veq.s32 v17, $0x2;
	v20 =	vsel vm7, $0x3F800000, v12  }
0x340: {  	vm10 =	veq.s32 v17, $0x3;
	v17 =	vsel vm6, $0x3F800000, v12;
	v16 =	vadd.f32 v20, v16  }
0x341: {  	v20 =	vsel vm8, $0x3F800000, v12;
	v13 =	vadd.f32 v17, v13;
	v17 =	vsel vm9, $0x3F800000, v12  }
0x342: {  	s5 =	simm.s32 $0x20;
	v62 =	vsel vm10, $0x3F800000, v12;
	v14 =	vadd.f32 v20, v14;
	v15 =	vadd.f32 v17, v15  }
0x343: {  	v17 =	vadd.f32 v62, v19;
	v19 =	vmov s5;
	vm11 =	veq.s32 v18, $0x0  }
0x344: {  	vm12 =	veq.s32 v18, $0x4;
	vm13 =	veq.s32 v18, $0x1;
	vm14 =	veq.s32 v18, $0x2  }
0x345: {  	vm15 =	veq.s32 v18, $0x3;
	v18 =	vand.u32 $0x7F, v19;
	v20 =	vsel vm11, $0x3F800000, v12  }
0x346: {  	v19 =	vsel vm13, $0x3F800000, v12;
	v18 =	vbroadcast v18, $0x0;
	v13 =	vadd.f32 v20, v13  }
0x347: {  	v20 =	vsel vm14, $0x3F800000, v12;
	v14 =	vadd.f32 v19, v14  }
0x348: {  	v62 =	vsel vm15, $0x3F800000, v12;
	v15 =	vadd.f32 v20, v15;
	v19 =	vor.u32 v3, v18;
	[tilespmem:v22+s29+$0x0] =	vst.idx.msk $0xffff, v13  }
0x349: {  	s8 =	simm.s32 $0x21;
	v17 =	vadd.f32 v62, v17;
	v18 =	vsel vm12, $0x3F800000, v12;
	[tilespmem:v23+s29+$0x0] =	vst.idx.msk $0xffff, v14  }
0x34a: {  	v13 =	vmov s8;
	v14 =	vadd.f32 v18, v16;
	[tilespmem:v24+s29+$0x0] =	vst.idx.msk $0xffff, v15  }
0x34b: {  	v13 =	vand.u32 $0x7F, v13;
	[tilespmem:v25+s29+$0x0] =	vst.idx.msk $0xffff, v17  }
0x34c: {  	v13 =	vbroadcast v13, $0x0;
	[tilespmem:v26+s29+$0x0] =	vst.idx.msk $0xffff, v14  }
0x34d: {  	v16 =	vld.idx.msk [tilespmem:v19+s20+$0x0], $0xffff  }
0x34e: {  	v17 =	vor.u32 v3, v13  }
0x34f: {  	s22 =	simm.s32 $0x22  }
0x350: {  	v63 =	vimm.f32 $0.0e+00;
	v62 =	vimm.f32 $0.0e+00;
	v18 =	vmov s22  }
0x351: {  	s5 =	simm.s32 $0x23;
	v15 =	vimm.f32 $0.0e+00;
	v13 =	vimm.f32 $0.0e+00;
	v14 =	vimm.f32 $0.0e+00  }
.LBB2_42:
0x352: {  	p1 =	sne.s32 s5, $0x3F;
	v18 =	vand.u32 $0x7F, v18;
	vm0 =	veq.s32 v16, $0x0;
	vm1 =	veq.s32 v16, $0x4;
	v19 =	vmovc v16  }
0x353: {  	v18 =	vbroadcast v18, $0x0;
	v16 =	vld.idx.msk [tilespmem:v17+s20+$0x0], $0xffff;
	vm2 =	veq.s32 v19, $0x1;
	v17 =	vsel vm1, $0x3F800000, v12  }
.Ltmp20:
0x354: {  	vm1 =	veq.s32 v19, $0x2;
	vm3 =	veq.s32 v19, $0x3;
	v62 =	vadd.f32 v17, v62;
	(pc) =	sbr.rel @p1 .LBB2_42-.Ltmp20, $4  }
0x355: {  	v19 =	vsel vm2, $0x3F800000, v12;
	v17 =	vor.u32 v3, v18;
	v18 =	vsel vm0, $0x3F800000, v12  }
0x356: {  	v20 =	vsel vm3, $0x3F800000, v12;
	v13 =	vadd.f32 v18, v13;
	v18 =	vsel vm1, $0x3F800000, v12  }
0x357: {  	v14 =	vadd.f32 v19, v14;
	v15 =	vadd.f32 v18, v15  }
0x358: {  	v63 =	vadd.f32 v20, v63;
	v18 =	vmov s5;
	s5 =	sadd.s32 $0x1, s5  }
0x359: {  	_ = 	snop  }
0x35a: {  	v18 =	vand.u32 $0x7F, v18  }
0x35b: {  	v18 =	vbroadcast v18, $0x0;
	_ =	sdelay $0x1  }
0x35c: {  	vm0 =	veq.s32 v16, $0x0;
	vm1 =	veq.s32 v16, $0x4;
	v17 =	vld.idx.msk [tilespmem:v17+s20+$0x0], $0xffff;
	v18 =	vor.u32 v3, v18  }
0x35d: {  	vm2 =	veq.s32 v16, $0x1;
	vm15 =	veq.s32 v16, $0x2;
	v19 =	vsel vm1, $0x3F800000, v12  }
0x35e: {  	vm3 =	veq.s32 v16, $0x3;
	v16 =	vadd.f32 v19, v62;
	v19 =	vsel vm0, $0x3F800000, v12  }
0x35f: {  	v20 =	vsel vm2, $0x3F800000, v12;
	v13 =	vadd.f32 v19, v13;
	v19 =	vsel vm15, $0x3F800000, v12  }
0x360: {  	v62 =	vsel vm3, $0x3F800000, v12;
	v14 =	vadd.f32 v20, v14;
	v15 =	vadd.f32 v19, v15  }
0x361: {  	v19 =	vadd.f32 v62, v63;
	vm6 =	veq.s32 v17, $0x0;
	vm7 =	veq.s32 v17, $0x4;
	v18 =	vld.idx.msk [tilespmem:v18+s20+$0x0], $0xffff  }
0x362: {  	vm8 =	veq.s32 v17, $0x1;
	vm9 =	veq.s32 v17, $0x2;
	v20 =	vsel vm7, $0x3F800000, v12  }
0x363: {  	vm10 =	veq.s32 v17, $0x3;
	v17 =	vsel vm6, $0x3F800000, v12;
	v16 =	vadd.f32 v20, v16  }
0x364: {  	v20 =	vsel vm8, $0x3F800000, v12;
	v13 =	vadd.f32 v17, v13;
	v17 =	vsel vm9, $0x3F800000, v12  }
0x365: {  	s5 =	simm.s32 $0x20;
	v62 =	vsel vm10, $0x3F800000, v12;
	v14 =	vadd.f32 v20, v14;
	v15 =	vadd.f32 v17, v15  }
0x366: {  	v17 =	vadd.f32 v62, v19;
	v19 =	vmov s5;
	vm11 =	veq.s32 v18, $0x0  }
0x367: {  	vm12 =	veq.s32 v18, $0x4;
	vm13 =	veq.s32 v18, $0x1;
	vm14 =	veq.s32 v18, $0x2  }
0x368: {  	vm15 =	veq.s32 v18, $0x3;
	v18 =	vand.u32 $0x7F, v19;
	v20 =	vsel vm11, $0x3F800000, v12  }
0x369: {  	v19 =	vsel vm13, $0x3F800000, v12;
	v18 =	vbroadcast v18, $0x0;
	v13 =	vadd.f32 v20, v13  }
0x36a: {  	v20 =	vsel vm14, $0x3F800000, v12;
	v14 =	vadd.f32 v19, v14  }
0x36b: {  	v62 =	vsel vm15, $0x3F800000, v12;
	v15 =	vadd.f32 v20, v15;
	v19 =	vor.u32 v4, v18;
	[tilespmem:v27+s29+$0x0] =	vst.idx.msk $0xffff, v13  }
0x36c: {  	s8 =	simm.s32 $0x21;
	v17 =	vadd.f32 v62, v17;
	v18 =	vsel vm12, $0x3F800000, v12;
	[tilespmem:v28+s29+$0x0] =	vst.idx.msk $0xffff, v14  }
0x36d: {  	v13 =	vmov s8;
	v14 =	vadd.f32 v18, v16;
	[tilespmem:v29+s29+$0x0] =	vst.idx.msk $0xffff, v15  }
0x36e: {  	v13 =	vand.u32 $0x7F, v13;
	[tilespmem:v30+s29+$0x0] =	vst.idx.msk $0xffff, v17  }
0x36f: {  	v13 =	vbroadcast v13, $0x0;
	[tilespmem:v31+s29+$0x0] =	vst.idx.msk $0xffff, v14  }
0x370: {  	v16 =	vld.idx.msk [tilespmem:v19+s20+$0x0], $0xffff  }
0x371: {  	v17 =	vor.u32 v4, v13  }
0x372: {  	s22 =	simm.s32 $0x22  }
0x373: {  	v63 =	vimm.f32 $0.0e+00;
	v62 =	vimm.f32 $0.0e+00;
	v18 =	vmov s22  }
0x374: {  	s5 =	simm.s32 $0x23;
	v15 =	vimm.f32 $0.0e+00;
	v13 =	vimm.f32 $0.0e+00;
	v14 =	vimm.f32 $0.0e+00  }
.LBB2_44:
0x375: {  	p1 =	sne.s32 s5, $0x3F;
	v18 =	vand.u32 $0x7F, v18;
	vm0 =	veq.s32 v16, $0x0;
	vm1 =	veq.s32 v16, $0x4;
	v19 =	vmovc v16  }
0x376: {  	v18 =	vbroadcast v18, $0x0;
	v16 =	vld.idx.msk [tilespmem:v17+s20+$0x0], $0xffff;
	vm2 =	veq.s32 v19, $0x1;
	v17 =	vsel vm1, $0x3F800000, v12  }
.Ltmp21:
0x377: {  	vm1 =	veq.s32 v19, $0x2;
	vm3 =	veq.s32 v19, $0x3;
	v62 =	vadd.f32 v17, v62;
	(pc) =	sbr.rel @p1 .LBB2_44-.Ltmp21, $4  }
0x378: {  	v19 =	vsel vm2, $0x3F800000, v12;
	v17 =	vor.u32 v4, v18;
	v18 =	vsel vm0, $0x3F800000, v12  }
0x379: {  	v20 =	vsel vm3, $0x3F800000, v12;
	v13 =	vadd.f32 v18, v13;
	v18 =	vsel vm1, $0x3F800000, v12  }
0x37a: {  	v14 =	vadd.f32 v19, v14;
	v15 =	vadd.f32 v18, v15  }
0x37b: {  	v63 =	vadd.f32 v20, v63;
	v18 =	vmov s5;
	s5 =	sadd.s32 $0x1, s5  }
0x37c: {  	_ = 	snop  }
0x37d: {  	v18 =	vand.u32 $0x7F, v18  }
0x37e: {  	v18 =	vbroadcast v18, $0x0;
	_ =	sdelay $0x1  }
0x37f: {  	vm0 =	veq.s32 v16, $0x0;
	vm1 =	veq.s32 v16, $0x4;
	v17 =	vld.idx.msk [tilespmem:v17+s20+$0x0], $0xffff;
	v18 =	vor.u32 v4, v18  }
0x380: {  	vm2 =	veq.s32 v16, $0x1;
	vm15 =	veq.s32 v16, $0x2;
	v19 =	vsel vm1, $0x3F800000, v12  }
0x381: {  	vm3 =	veq.s32 v16, $0x3;
	v16 =	vadd.f32 v19, v62;
	v19 =	vsel vm0, $0x3F800000, v12  }
0x382: {  	v20 =	vsel vm2, $0x3F800000, v12;
	v13 =	vadd.f32 v19, v13;
	v19 =	vsel vm15, $0x3F800000, v12  }
0x383: {  	v62 =	vsel vm3, $0x3F800000, v12;
	v14 =	vadd.f32 v20, v14;
	v15 =	vadd.f32 v19, v15  }
0x384: {  	v19 =	vadd.f32 v62, v63;
	vm6 =	veq.s32 v17, $0x0;
	vm7 =	veq.s32 v17, $0x4;
	v18 =	vld.idx.msk [tilespmem:v18+s20+$0x0], $0xffff  }
0x385: {  	vm8 =	veq.s32 v17, $0x1;
	vm9 =	veq.s32 v17, $0x2;
	v20 =	vsel vm7, $0x3F800000, v12  }
0x386: {  	vm10 =	veq.s32 v17, $0x3;
	v17 =	vsel vm6, $0x3F800000, v12;
	v16 =	vadd.f32 v20, v16  }
0x387: {  	v20 =	vsel vm8, $0x3F800000, v12;
	v13 =	vadd.f32 v17, v13;
	v17 =	vsel vm9, $0x3F800000, v12  }
0x388: {  	s5 =	simm.s32 $0x20;
	v62 =	vsel vm10, $0x3F800000, v12;
	v14 =	vadd.f32 v20, v14;
	v15 =	vadd.f32 v17, v15  }
0x389: {  	v17 =	vadd.f32 v62, v19;
	v19 =	vmov s5;
	vm11 =	veq.s32 v18, $0x0  }
0x38a: {  	vm12 =	veq.s32 v18, $0x4;
	vm13 =	veq.s32 v18, $0x1;
	vm14 =	veq.s32 v18, $0x2  }
0x38b: {  	vm15 =	veq.s32 v18, $0x3;
	v18 =	vand.u32 $0x7F, v19;
	v20 =	vsel vm11, $0x3F800000, v12  }
0x38c: {  	v19 =	vsel vm13, $0x3F800000, v12;
	v18 =	vbroadcast v18, $0x0;
	v13 =	vadd.f32 v20, v13  }
0x38d: {  	v20 =	vsel vm14, $0x3F800000, v12;
	v14 =	vadd.f32 v19, v14  }
0x38e: {  	v62 =	vsel vm15, $0x3F800000, v12;
	v15 =	vadd.f32 v20, v15;
	v19 =	vor.u32 v5, v18;
	[tilespmem:v32+s29+$0x0] =	vst.idx.msk $0xffff, v13  }
0x38f: {  	s8 =	simm.s32 $0x21;
	v17 =	vadd.f32 v62, v17;
	v18 =	vsel vm12, $0x3F800000, v12;
	[tilespmem:v33+s29+$0x0] =	vst.idx.msk $0xffff, v14  }
0x390: {  	v13 =	vmov s8;
	v14 =	vadd.f32 v18, v16;
	[tilespmem:v34+s29+$0x0] =	vst.idx.msk $0xffff, v15  }
0x391: {  	v13 =	vand.u32 $0x7F, v13;
	[tilespmem:v35+s29+$0x0] =	vst.idx.msk $0xffff, v17  }
0x392: {  	v13 =	vbroadcast v13, $0x0;
	[tilespmem:v36+s29+$0x0] =	vst.idx.msk $0xffff, v14  }
0x393: {  	v16 =	vld.idx.msk [tilespmem:v19+s20+$0x0], $0xffff  }
0x394: {  	v17 =	vor.u32 v5, v13  }
0x395: {  	s22 =	simm.s32 $0x22  }
0x396: {  	v63 =	vimm.f32 $0.0e+00;
	v62 =	vimm.f32 $0.0e+00;
	v18 =	vmov s22  }
0x397: {  	s5 =	simm.s32 $0x23;
	v15 =	vimm.f32 $0.0e+00;
	v13 =	vimm.f32 $0.0e+00;
	v14 =	vimm.f32 $0.0e+00  }
.LBB2_46:
0x398: {  	p1 =	sne.s32 s5, $0x3F;
	v18 =	vand.u32 $0x7F, v18;
	vm0 =	veq.s32 v16, $0x0;
	vm1 =	veq.s32 v16, $0x4;
	v19 =	vmovc v16  }
0x399: {  	v18 =	vbroadcast v18, $0x0;
	v16 =	vld.idx.msk [tilespmem:v17+s20+$0x0], $0xffff;
	vm2 =	veq.s32 v19, $0x1;
	v17 =	vsel vm1, $0x3F800000, v12  }
.Ltmp22:
0x39a: {  	vm1 =	veq.s32 v19, $0x2;
	vm3 =	veq.s32 v19, $0x3;
	v62 =	vadd.f32 v17, v62;
	(pc) =	sbr.rel @p1 .LBB2_46-.Ltmp22, $4  }
0x39b: {  	v19 =	vsel vm2, $0x3F800000, v12;
	v17 =	vor.u32 v5, v18;
	v18 =	vsel vm0, $0x3F800000, v12  }
0x39c: {  	v20 =	vsel vm3, $0x3F800000, v12;
	v13 =	vadd.f32 v18, v13;
	v18 =	vsel vm1, $0x3F800000, v12  }
0x39d: {  	v14 =	vadd.f32 v19, v14;
	v15 =	vadd.f32 v18, v15  }
0x39e: {  	v63 =	vadd.f32 v20, v63;
	v18 =	vmov s5;
	s5 =	sadd.s32 $0x1, s5  }
0x39f: {  	_ = 	snop  }
0x3a0: {  	v18 =	vand.u32 $0x7F, v18  }
0x3a1: {  	v18 =	vbroadcast v18, $0x0;
	_ =	sdelay $0x1  }
0x3a2: {  	vm0 =	veq.s32 v16, $0x0;
	vm1 =	veq.s32 v16, $0x4;
	v17 =	vld.idx.msk [tilespmem:v17+s20+$0x0], $0xffff;
	v18 =	vor.u32 v5, v18  }
0x3a3: {  	vm2 =	veq.s32 v16, $0x1;
	vm15 =	veq.s32 v16, $0x2;
	v19 =	vsel vm1, $0x3F800000, v12  }
0x3a4: {  	vm3 =	veq.s32 v16, $0x3;
	v16 =	vadd.f32 v19, v62;
	v19 =	vsel vm0, $0x3F800000, v12  }
0x3a5: {  	v20 =	vsel vm2, $0x3F800000, v12;
	v13 =	vadd.f32 v19, v13;
	v19 =	vsel vm15, $0x3F800000, v12  }
0x3a6: {  	v62 =	vsel vm3, $0x3F800000, v12;
	v14 =	vadd.f32 v20, v14;
	v15 =	vadd.f32 v19, v15  }
0x3a7: {  	v19 =	vadd.f32 v62, v63;
	vm6 =	veq.s32 v17, $0x0;
	vm7 =	veq.s32 v17, $0x4;
	v18 =	vld.idx.msk [tilespmem:v18+s20+$0x0], $0xffff  }
0x3a8: {  	vm8 =	veq.s32 v17, $0x1;
	vm9 =	veq.s32 v17, $0x2;
	v20 =	vsel vm7, $0x3F800000, v12  }
0x3a9: {  	vm10 =	veq.s32 v17, $0x3;
	v17 =	vsel vm6, $0x3F800000, v12;
	v16 =	vadd.f32 v20, v16  }
0x3aa: {  	v20 =	vsel vm8, $0x3F800000, v12;
	v13 =	vadd.f32 v17, v13;
	v17 =	vsel vm9, $0x3F800000, v12  }
0x3ab: {  	s5 =	simm.s32 $0x20;
	v62 =	vsel vm10, $0x3F800000, v12;
	v14 =	vadd.f32 v20, v14;
	v15 =	vadd.f32 v17, v15  }
0x3ac: {  	v17 =	vadd.f32 v62, v19;
	v19 =	vmov s5;
	vm11 =	veq.s32 v18, $0x0  }
0x3ad: {  	vm12 =	veq.s32 v18, $0x4;
	vm13 =	veq.s32 v18, $0x1;
	vm14 =	veq.s32 v18, $0x2  }
0x3ae: {  	vm15 =	veq.s32 v18, $0x3;
	v18 =	vand.u32 $0x7F, v19;
	v20 =	vsel vm11, $0x3F800000, v12  }
0x3af: {  	v19 =	vsel vm13, $0x3F800000, v12;
	v18 =	vbroadcast v18, $0x0;
	v13 =	vadd.f32 v20, v13  }
0x3b0: {  	v20 =	vsel vm14, $0x3F800000, v12;
	v14 =	vadd.f32 v19, v14  }
0x3b1: {  	v62 =	vsel vm15, $0x3F800000, v12;
	v15 =	vadd.f32 v20, v15;
	v19 =	vor.u32 v6, v18;
	[tilespmem:v37+s29+$0x0] =	vst.idx.msk $0xffff, v13  }
0x3b2: {  	s8 =	simm.s32 $0x21;
	v17 =	vadd.f32 v62, v17;
	v18 =	vsel vm12, $0x3F800000, v12;
	[tilespmem:v38+s29+$0x0] =	vst.idx.msk $0xffff, v14  }
0x3b3: {  	v13 =	vmov s8;
	v14 =	vadd.f32 v18, v16;
	[tilespmem:v39+s29+$0x0] =	vst.idx.msk $0xffff, v15  }
0x3b4: {  	v13 =	vand.u32 $0x7F, v13;
	[tilespmem:v40+s29+$0x0] =	vst.idx.msk $0xffff, v17  }
0x3b5: {  	v13 =	vbroadcast v13, $0x0;
	[tilespmem:v41+s29+$0x0] =	vst.idx.msk $0xffff, v14  }
0x3b6: {  	v16 =	vld.idx.msk [tilespmem:v19+s20+$0x0], $0xffff  }
0x3b7: {  	v17 =	vor.u32 v6, v13  }
0x3b8: {  	s22 =	simm.s32 $0x22  }
0x3b9: {  	v63 =	vimm.f32 $0.0e+00;
	v62 =	vimm.f32 $0.0e+00;
	v18 =	vmov s22  }
0x3ba: {  	s5 =	simm.s32 $0x23;
	v15 =	vimm.f32 $0.0e+00;
	v13 =	vimm.f32 $0.0e+00;
	v14 =	vimm.f32 $0.0e+00  }
.LBB2_48:
0x3bb: {  	p1 =	sne.s32 s5, $0x3F;
	v18 =	vand.u32 $0x7F, v18;
	vm0 =	veq.s32 v16, $0x0;
	vm1 =	veq.s32 v16, $0x4;
	v19 =	vmovc v16  }
0x3bc: {  	v18 =	vbroadcast v18, $0x0;
	v16 =	vld.idx.msk [tilespmem:v17+s20+$0x0], $0xffff;
	vm2 =	veq.s32 v19, $0x1;
	v17 =	vsel vm1, $0x3F800000, v12  }
.Ltmp23:
0x3bd: {  	vm1 =	veq.s32 v19, $0x2;
	vm3 =	veq.s32 v19, $0x3;
	v62 =	vadd.f32 v17, v62;
	(pc) =	sbr.rel @p1 .LBB2_48-.Ltmp23, $4  }
0x3be: {  	v19 =	vsel vm2, $0x3F800000, v12;
	v17 =	vor.u32 v6, v18;
	v18 =	vsel vm0, $0x3F800000, v12  }
0x3bf: {  	v20 =	vsel vm3, $0x3F800000, v12;
	v13 =	vadd.f32 v18, v13;
	v18 =	vsel vm1, $0x3F800000, v12  }
0x3c0: {  	v14 =	vadd.f32 v19, v14;
	v15 =	vadd.f32 v18, v15  }
0x3c1: {  	v63 =	vadd.f32 v20, v63;
	v18 =	vmov s5;
	s5 =	sadd.s32 $0x1, s5  }
0x3c2: {  	_ = 	snop  }
0x3c3: {  	v18 =	vand.u32 $0x7F, v18  }
0x3c4: {  	v18 =	vbroadcast v18, $0x0;
	_ =	sdelay $0x1  }
0x3c5: {  	vm0 =	veq.s32 v16, $0x0;
	vm1 =	veq.s32 v16, $0x4;
	v17 =	vld.idx.msk [tilespmem:v17+s20+$0x0], $0xffff;
	v18 =	vor.u32 v6, v18  }
0x3c6: {  	vm2 =	veq.s32 v16, $0x1;
	vm15 =	veq.s32 v16, $0x2;
	v19 =	vsel vm1, $0x3F800000, v12  }
0x3c7: {  	vm3 =	veq.s32 v16, $0x3;
	v16 =	vadd.f32 v19, v62;
	v19 =	vsel vm0, $0x3F800000, v12  }
0x3c8: {  	v20 =	vsel vm2, $0x3F800000, v12;
	v13 =	vadd.f32 v19, v13;
	v19 =	vsel vm15, $0x3F800000, v12  }
0x3c9: {  	v62 =	vsel vm3, $0x3F800000, v12;
	v14 =	vadd.f32 v20, v14;
	v15 =	vadd.f32 v19, v15  }
0x3ca: {  	v19 =	vadd.f32 v62, v63;
	vm6 =	veq.s32 v17, $0x0;
	vm7 =	veq.s32 v17, $0x4;
	v18 =	vld.idx.msk [tilespmem:v18+s20+$0x0], $0xffff  }
0x3cb: {  	vm8 =	veq.s32 v17, $0x1;
	vm9 =	veq.s32 v17, $0x2;
	v20 =	vsel vm7, $0x3F800000, v12  }
0x3cc: {  	vm10 =	veq.s32 v17, $0x3;
	v17 =	vsel vm6, $0x3F800000, v12;
	v16 =	vadd.f32 v20, v16  }
0x3cd: {  	v20 =	vsel vm8, $0x3F800000, v12;
	v13 =	vadd.f32 v17, v13;
	v17 =	vsel vm9, $0x3F800000, v12  }
0x3ce: {  	s5 =	simm.s32 $0x20;
	v62 =	vsel vm10, $0x3F800000, v12;
	v14 =	vadd.f32 v20, v14;
	v15 =	vadd.f32 v17, v15  }
0x3cf: {  	v17 =	vadd.f32 v62, v19;
	v19 =	vmov s5;
	vm11 =	veq.s32 v18, $0x0  }
0x3d0: {  	vm12 =	veq.s32 v18, $0x4;
	vm13 =	veq.s32 v18, $0x1;
	vm14 =	veq.s32 v18, $0x2  }
0x3d1: {  	vm15 =	veq.s32 v18, $0x3;
	v18 =	vand.u32 $0x7F, v19;
	v20 =	vsel vm11, $0x3F800000, v12  }
0x3d2: {  	v19 =	vsel vm13, $0x3F800000, v12;
	v18 =	vbroadcast v18, $0x0;
	v13 =	vadd.f32 v20, v13  }
0x3d3: {  	v20 =	vsel vm14, $0x3F800000, v12;
	v14 =	vadd.f32 v19, v14  }
0x3d4: {  	v62 =	vsel vm15, $0x3F800000, v12;
	v15 =	vadd.f32 v20, v15;
	v19 =	vor.u32 v8, v18;
	[tilespmem:v42+s29+$0x0] =	vst.idx.msk $0xffff, v13  }
0x3d5: {  	s8 =	simm.s32 $0x21;
	v17 =	vadd.f32 v62, v17;
	v18 =	vsel vm12, $0x3F800000, v12;
	[tilespmem:v43+s29+$0x0] =	vst.idx.msk $0xffff, v14  }
0x3d6: {  	v13 =	vmov s8;
	v14 =	vadd.f32 v18, v16;
	[tilespmem:v44+s29+$0x0] =	vst.idx.msk $0xffff, v15  }
0x3d7: {  	v13 =	vand.u32 $0x7F, v13;
	[tilespmem:v45+s29+$0x0] =	vst.idx.msk $0xffff, v17  }
0x3d8: {  	v13 =	vbroadcast v13, $0x0;
	[tilespmem:v46+s29+$0x0] =	vst.idx.msk $0xffff, v14  }
0x3d9: {  	v16 =	vld.idx.msk [tilespmem:v19+s20+$0x0], $0xffff  }
0x3da: {  	v17 =	vor.u32 v8, v13  }
0x3db: {  	s22 =	simm.s32 $0x22  }
0x3dc: {  	v63 =	vimm.f32 $0.0e+00;
	v62 =	vimm.f32 $0.0e+00;
	v18 =	vmov s22  }
0x3dd: {  	s5 =	simm.s32 $0x23;
	v15 =	vimm.f32 $0.0e+00;
	v13 =	vimm.f32 $0.0e+00;
	v14 =	vimm.f32 $0.0e+00  }
.LBB2_50:
0x3de: {  	p1 =	sne.s32 s5, $0x3F;
	v18 =	vand.u32 $0x7F, v18;
	vm0 =	veq.s32 v16, $0x0;
	vm1 =	veq.s32 v16, $0x4;
	v19 =	vmovc v16  }
0x3df: {  	v18 =	vbroadcast v18, $0x0;
	v16 =	vld.idx.msk [tilespmem:v17+s20+$0x0], $0xffff;
	vm2 =	veq.s32 v19, $0x1;
	v17 =	vsel vm1, $0x3F800000, v12  }
.Ltmp24:
0x3e0: {  	vm1 =	veq.s32 v19, $0x2;
	vm3 =	veq.s32 v19, $0x3;
	v62 =	vadd.f32 v17, v62;
	(pc) =	sbr.rel @p1 .LBB2_50-.Ltmp24, $4  }
0x3e1: {  	v19 =	vsel vm2, $0x3F800000, v12;
	v17 =	vor.u32 v8, v18;
	v18 =	vsel vm0, $0x3F800000, v12  }
0x3e2: {  	v20 =	vsel vm3, $0x3F800000, v12;
	v13 =	vadd.f32 v18, v13;
	v18 =	vsel vm1, $0x3F800000, v12  }
0x3e3: {  	v14 =	vadd.f32 v19, v14;
	v15 =	vadd.f32 v18, v15  }
0x3e4: {  	v63 =	vadd.f32 v20, v63;
	v18 =	vmov s5;
	s5 =	sadd.s32 $0x1, s5  }
0x3e5: {  	_ = 	snop  }
0x3e6: {  	v18 =	vand.u32 $0x7F, v18  }
0x3e7: {  	v18 =	vbroadcast v18, $0x0;
	_ =	sdelay $0x1  }
0x3e8: {  	vm0 =	veq.s32 v16, $0x0;
	vm1 =	veq.s32 v16, $0x4;
	v17 =	vld.idx.msk [tilespmem:v17+s20+$0x0], $0xffff;
	v18 =	vor.u32 v8, v18  }
0x3e9: {  	vm2 =	veq.s32 v16, $0x1;
	vm15 =	veq.s32 v16, $0x2;
	v19 =	vsel vm1, $0x3F800000, v12  }
0x3ea: {  	vm3 =	veq.s32 v16, $0x3;
	v16 =	vadd.f32 v19, v62;
	v19 =	vsel vm0, $0x3F800000, v12  }
0x3eb: {  	v20 =	vsel vm2, $0x3F800000, v12;
	v13 =	vadd.f32 v19, v13;
	v19 =	vsel vm15, $0x3F800000, v12  }
0x3ec: {  	v62 =	vsel vm3, $0x3F800000, v12;
	v14 =	vadd.f32 v20, v14;
	v15 =	vadd.f32 v19, v15  }
0x3ed: {  	v19 =	vadd.f32 v62, v63;
	vm6 =	veq.s32 v17, $0x0;
	vm7 =	veq.s32 v17, $0x4;
	v18 =	vld.idx.msk [tilespmem:v18+s20+$0x0], $0xffff  }
0x3ee: {  	vm8 =	veq.s32 v17, $0x1;
	vm9 =	veq.s32 v17, $0x2;
	v20 =	vsel vm7, $0x3F800000, v12  }
0x3ef: {  	vm10 =	veq.s32 v17, $0x3;
	v17 =	vsel vm6, $0x3F800000, v12;
	v16 =	vadd.f32 v20, v16  }
0x3f0: {  	v20 =	vsel vm8, $0x3F800000, v12;
	v13 =	vadd.f32 v17, v13;
	v17 =	vsel vm9, $0x3F800000, v12  }
0x3f1: {  	s5 =	simm.s32 $0x20;
	v62 =	vsel vm10, $0x3F800000, v12;
	v14 =	vadd.f32 v20, v14;
	v15 =	vadd.f32 v17, v15  }
0x3f2: {  	v17 =	vadd.f32 v62, v19;
	v19 =	vmov s5;
	vm11 =	veq.s32 v18, $0x0  }
0x3f3: {  	vm12 =	veq.s32 v18, $0x4;
	vm13 =	veq.s32 v18, $0x1;
	vm14 =	veq.s32 v18, $0x2  }
0x3f4: {  	vm15 =	veq.s32 v18, $0x3;
	v18 =	vand.u32 $0x7F, v19;
	v20 =	vsel vm11, $0x3F800000, v12  }
0x3f5: {  	v19 =	vsel vm13, $0x3F800000, v12;
	v18 =	vbroadcast v18, $0x0;
	v13 =	vadd.f32 v20, v13  }
0x3f6: {  	v20 =	vsel vm14, $0x3F800000, v12;
	v14 =	vadd.f32 v19, v14  }
0x3f7: {  	v62 =	vsel vm15, $0x3F800000, v12;
	v15 =	vadd.f32 v20, v15;
	v19 =	vor.u32 v9, v18;
	[tilespmem:v47+s29+$0x0] =	vst.idx.msk $0xffff, v13  }
0x3f8: {  	s8 =	simm.s32 $0x21;
	v17 =	vadd.f32 v62, v17;
	v18 =	vsel vm12, $0x3F800000, v12;
	[tilespmem:v48+s29+$0x0] =	vst.idx.msk $0xffff, v14  }
0x3f9: {  	v13 =	vmov s8;
	v14 =	vadd.f32 v18, v16;
	[tilespmem:v49+s29+$0x0] =	vst.idx.msk $0xffff, v15  }
0x3fa: {  	v13 =	vand.u32 $0x7F, v13;
	[tilespmem:v50+s29+$0x0] =	vst.idx.msk $0xffff, v17  }
0x3fb: {  	v13 =	vbroadcast v13, $0x0;
	[tilespmem:v51+s29+$0x0] =	vst.idx.msk $0xffff, v14  }
0x3fc: {  	v16 =	vld.idx.msk [tilespmem:v19+s20+$0x0], $0xffff  }
0x3fd: {  	v17 =	vor.u32 v9, v13  }
0x3fe: {  	s22 =	simm.s32 $0x22  }
0x3ff: {  	v18 =	vmov s22;
	v15 =	vimm.f32 $0.0e+00;
	v50 =	vimm.f32 $0.0e+00  }
0x400: {  	s5 =	simm.s32 $0x23;
	v13 =	vimm.f32 $0.0e+00;
	v14 =	vimm.f32 $0.0e+00;
	v51 =	vimm.f32 $0.0e+00  }
.LBB2_52:
0x401: {  	p1 =	sne.s32 s5, $0x3F;
	v18 =	vand.u32 $0x7F, v18;
	vm0 =	veq.s32 v16, $0x0;
	vm1 =	veq.s32 v16, $0x4;
	v19 =	vmovc v16  }
0x402: {  	v18 =	vbroadcast v18, $0x0;
	v16 =	vld.idx.msk [tilespmem:v17+s20+$0x0], $0xffff;
	vm2 =	veq.s32 v19, $0x1;
	v17 =	vsel vm1, $0x3F800000, v12  }
.Ltmp25:
0x403: {  	vm1 =	veq.s32 v19, $0x2;
	vm3 =	veq.s32 v19, $0x3;
	v50 =	vadd.f32 v17, v50;
	(pc) =	sbr.rel @p1 .LBB2_52-.Ltmp25, $4  }
0x404: {  	v19 =	vsel vm2, $0x3F800000, v12;
	v17 =	vor.u32 v9, v18;
	v18 =	vsel vm0, $0x3F800000, v12  }
0x405: {  	v20 =	vsel vm3, $0x3F800000, v12;
	v13 =	vadd.f32 v18, v13;
	v18 =	vsel vm1, $0x3F800000, v12  }
0x406: {  	v14 =	vadd.f32 v19, v14;
	v15 =	vadd.f32 v18, v15  }
0x407: {  	v51 =	vadd.f32 v20, v51;
	v18 =	vmov s5;
	s5 =	sadd.s32 $0x1, s5  }
0x408: {  	_ = 	snop  }
0x409: {  	v18 =	vand.u32 $0x7F, v18  }
0x40a: {  	v18 =	vbroadcast v18, $0x0;
	_ =	sdelay $0x1  }
0x40b: {  	vm0 =	veq.s32 v16, $0x0;
	vm1 =	veq.s32 v16, $0x4;
	v17 =	vld.idx.msk [tilespmem:v17+s20+$0x0], $0xffff;
	v18 =	vor.u32 v9, v18  }
0x40c: {  	vm2 =	veq.s32 v16, $0x1;
	vm15 =	veq.s32 v16, $0x2;
	v19 =	vsel vm1, $0x3F800000, v12  }
0x40d: {  	vm3 =	veq.s32 v16, $0x3;
	v16 =	vadd.f32 v19, v50;
	v19 =	vsel vm0, $0x3F800000, v12  }
0x40e: {  	v20 =	vsel vm2, $0x3F800000, v12;
	v13 =	vadd.f32 v19, v13;
	v19 =	vsel vm15, $0x3F800000, v12  }
0x40f: {  	v63 =	vsel vm3, $0x3F800000, v12;
	v14 =	vadd.f32 v20, v14;
	v15 =	vadd.f32 v19, v15  }
0x410: {  	v19 =	vadd.f32 v63, v51;
	vm6 =	veq.s32 v17, $0x0;
	vm7 =	veq.s32 v17, $0x4;
	v18 =	vld.idx.msk [tilespmem:v18+s20+$0x0], $0xffff  }
0x411: {  	vm8 =	veq.s32 v17, $0x1;
	vm9 =	veq.s32 v17, $0x2;
	v20 =	vsel vm7, $0x3F800000, v12  }
0x412: {  	vm10 =	veq.s32 v17, $0x3;
	v17 =	vsel vm6, $0x3F800000, v12;
	v16 =	vadd.f32 v20, v16  }
0x413: {  	v20 =	vsel vm8, $0x3F800000, v12;
	v13 =	vadd.f32 v17, v13;
	v17 =	vsel vm9, $0x3F800000, v12  }
0x414: {  	s5 =	simm.s32 $0x20;
	v62 =	vsel vm10, $0x3F800000, v12;
	v14 =	vadd.f32 v20, v14;
	v15 =	vadd.f32 v17, v15  }
0x415: {  	v17 =	vadd.f32 v62, v19;
	v19 =	vmov s5;
	vm11 =	veq.s32 v18, $0x0  }
0x416: {  	vm12 =	veq.s32 v18, $0x4;
	vm13 =	veq.s32 v18, $0x1;
	vm14 =	veq.s32 v18, $0x2  }
0x417: {  	vm15 =	veq.s32 v18, $0x3;
	v18 =	vand.u32 $0x7F, v19;
	v20 =	vsel vm11, $0x3F800000, v12  }
0x418: {  	v19 =	vsel vm13, $0x3F800000, v12;
	v18 =	vbroadcast v18, $0x0;
	v13 =	vadd.f32 v20, v13  }
0x419: {  	v20 =	vsel vm14, $0x3F800000, v12;
	v14 =	vadd.f32 v19, v14  }
0x41a: {  	v63 =	vsel vm15, $0x3F800000, v12;
	v15 =	vadd.f32 v20, v15;
	v18 =	vor.u32 v10, v18;
	[tilespmem:v55+s29+$0x0] =	vst.idx.msk $0xffff, v13  }
0x41b: {  	s8 =	simm.s32 $0x21;
	v19 =	vsel vm12, $0x3F800000, v12;
	v17 =	vadd.f32 v63, v17;
	[tilespmem:v52+s29+$0x0] =	vst.idx.msk $0xffff, v14  }
0x41c: {  	v13 =	vmov s8;
	v14 =	vadd.f32 v19, v16;
	[tilespmem:v53+s29+$0x0] =	vst.idx.msk $0xffff, v15  }
0x41d: {  	v13 =	vand.u32 $0x7F, v13;
	[tilespmem:v54+s29+$0x0] =	vst.idx.msk $0xffff, v17  }
0x41e: {  	v13 =	vbroadcast v13, $0x0;
	[tilespmem:v56+s29+$0x0] =	vst.idx.msk $0xffff, v14  }
0x41f: {  	v16 =	vld.idx.msk [tilespmem:v18+s20+$0x0], $0xffff  }
0x420: {  	v52 =	vor.u32 v10, v13;
	_ =	sdelay $0x1  }
0x421: {  	s22 =	simm.s32 $0x22;
	v50 =	vimm.f32 $0.0e+00;
	v51 =	vimm.f32 $0.0e+00;
	v15 =	vimm.f32 $0.0e+00  }
0x422: {  	s5 =	simm.s32 $0x23;
	v17 =	vmov s22;
	v13 =	vimm.f32 $0.0e+00;
	v14 =	vimm.f32 $0.0e+00  }
.LBB2_54:
0x423: {  	p1 =	sne.s32 s5, $0x3F;
	v17 =	vand.u32 $0x7F, v17;
	vm0 =	veq.s32 v16, $0x0;
	vm1 =	veq.s32 v16, $0x4;
	v18 =	vmovc v16  }
0x424: {  	v17 =	vbroadcast v17, $0x0;
	v16 =	vld.idx.msk [tilespmem:v52+s20+$0x0], $0xffff;
	vm2 =	veq.s32 v18, $0x1;
	v19 =	vsel vm1, $0x3F800000, v12  }
.Ltmp26:
0x425: {  	vm1 =	veq.s32 v18, $0x2;
	vm3 =	veq.s32 v18, $0x3;
	v50 =	vadd.f32 v19, v50;
	(pc) =	sbr.rel @p1 .LBB2_54-.Ltmp26, $4  }
0x426: {  	v18 =	vsel vm2, $0x3F800000, v12;
	v52 =	vor.u32 v10, v17;
	v17 =	vsel vm0, $0x3F800000, v12  }
0x427: {  	v19 =	vsel vm3, $0x3F800000, v12;
	v13 =	vadd.f32 v17, v13;
	v17 =	vsel vm1, $0x3F800000, v12  }
0x428: {  	v14 =	vadd.f32 v18, v14;
	v15 =	vadd.f32 v17, v15  }
0x429: {  	v51 =	vadd.f32 v19, v51;
	v17 =	vmov s5;
	s5 =	sadd.s32 $0x1, s5  }
0x42a: {  	v17 =	vand.u32 $0x7F, v17  }
0x42b: {  	v17 =	vbroadcast v17, $0x0;
	_ =	sdelay $0x1  }
0x42c: {  	vm0 =	veq.s32 v16, $0x4;
	v17 =	vor.u32 v10, v17  }
0x42d: {  	vm1 =	veq.s32 v16, $0x0;
	v18 =	vld.idx.msk [tilespmem:v52+s20+$0x0], $0xffff;
	vm2 =	veq.s32 v16, $0x1;
	vm15 =	veq.s32 v16, $0x2  }
0x42e: {  	vm3 =	veq.s32 v16, $0x3;
	v19 =	vsel vm0, $0x3F800000, v12;
	v55 =	vsel vm1, $0x3F800000, v12  }
0x42f: {  	v20 =	vsel vm2, $0x3F800000, v12;
	v56 =	vsel vm15, $0x3F800000, v12;
	v19 =	vadd.f32 v19, v50  }
0x430: {  	v62 =	vsel vm3, $0x3F800000, v12;
	v13 =	vadd.f32 v55, v13;
	v14 =	vadd.f32 v20, v14  }
0x431: {  	v15 =	vadd.f32 v56, v15;
	v63 =	vadd.f32 v62, v51;
	v17 =	vld.idx.msk [tilespmem:v17+s20+$0x0], $0xffff  }
0x432: {  	vm6 =	veq.s32 v18, $0x0;
	vm7 =	veq.s32 v18, $0x4;
	vm8 =	veq.s32 v18, $0x1  }
0x433: {  	vm9 =	veq.s32 v18, $0x2;
	vm10 =	veq.s32 v18, $0x3;
	v20 =	vsel vm7, $0x3F800000, v12  }
0x434: {  	v53 =	vsel vm6, $0x3F800000, v12;
	v54 =	vsel vm9, $0x3F800000, v12;
	v55 =	vsel vm10, $0x3F800000, v12  }
0x435: {  	v52 =	vadd.f32 v20, v19;
	v20 =	vsel vm8, $0x3F800000, v12;
	v13 =	vadd.f32 v53, v13  }
0x436: {  	v15 =	vadd.f32 v54, v15;
	v16 =	vadd.f32 v55, v63;
	vm11 =	veq.s32 v17, $0x0  }
0x437: {  	v14 =	vadd.f32 v20, v14;
	vm12 =	veq.s32 v17, $0x1;
	v56 =	vsel vm11, $0x3F800000, v12  }
0x438: {  	vm13 =	veq.s32 v17, $0x2;
	v20 =	vsel vm12, $0x3F800000, v12;
	v13 =	vadd.f32 v56, v13  }
0x439: {  	vm14 =	veq.s32 v17, $0x3;
	v62 =	vsel vm13, $0x3F800000, v12;
	v14 =	vadd.f32 v20, v14  }
0x43a: {  	vm15 =	veq.s32 v17, $0x4;
	v63 =	vsel vm14, $0x3F800000, v12;
	v15 =	vadd.f32 v62, v15;
	[tilespmem:v57+s29+$0x0] =	vst.idx.msk $0xffff, v13  }
0x43b: {  	v16 =	vadd.f32 v63, v16;
	v13 =	vsel vm15, $0x3F800000, v12;
	[tilespmem:v58+s29+$0x0] =	vst.idx.msk $0xffff, v14  }
0x43c: {  	v13 =	vadd.f32 v13, v52;
	[tilespmem:v59+s29+$0x0] =	vst.idx.msk $0xffff, v15  }
0x43d: {  	[tilespmem:v60+s29+$0x0] =	vst.idx.msk $0xffff, v16  }
0x43e: {  	[tilespmem:v61+s29+$0x0] =	vst.idx.msk $0xffff, v13  }
0x43f: {  	[hbm4b:s13+s4] =	stream.linear.scatter [tilespmem:s29], [sflag:$0x5], $0x500, $0x38;
	[tilespmem:$0x1FF00] =	vst v63  }
0x440: {  	_ =	swait.ge [sflag:s18], $0x500  }
0x441: {  	[sflag:s18] =	ssyncset.done $0x0  }
0x442: {  	[sflag:s18] =	ssyncadd.s32 $0xFFFFFB00  }
0x443: {  	_ =	swait.ge [sflag:s2], $0x4000  }
0x444: {  	[sflag:s2] =	ssyncset.done $0x0  }
0x445: {  	[sflag:s2] =	ssyncadd.s32 $0xFFFFC000  }
0x446: {  	_ =	swait.ge [sflag:s2], $0x1000  }
0x447: {  	s5 =	simm.s32 $0x1F;
	[sflag:s2] =	ssyncset.done $0x0  }
.LBB2_56:
0x448: {  	p1 =	sne.s32 s5, $0x1;
	s5 =	sadd.s32 $0xFFFFFFFF, s5;
	[sflag:s2] =	ssyncadd.s32 $0xFFFFF000  }
.Ltmp27:
0x449: {  	_ =	swait.ge [sflag:s2], $0x4000;
	(pc) =	sbr.rel @p1 .LBB2_56-.Ltmp27, $4  }
0x44a: {  	[sflag:s2] =	ssyncset.done $0x0  }
0x44b: {  	[sflag:s2] =	ssyncadd.s32 $0xFFFFC000  }
0x44c: {  	_ =	swait.ge [sflag:s2], $0x1000  }
0x44d: {  	[sflag:s2] =	ssyncset.done $0x0  }
0x44e: {  	s0 =	sadd.s32 $0x1, s0  }
0x44f: {  	p1 =	sne.s32 s0, s15  }
.Ltmp28:
0x450: {  	[sflag:s2] =	ssyncadd.s32 $0xFFFFF000;
	(pc) =	sbr.rel @p1 .LBB2_1-.Ltmp28, $4  }
0x451: {  	[hbm4b:s14+s4] =	stream.linear.scatter [tilespmem:s25], [sflag:$0x5], $0x5000, $0x38;
	[tilespmem:$0x1FF00] =	vst v63  }
0x452: {  	_ =	swait.ge [sflag:s18], $0x5000  }
0x453: {  	[sflag:s18] =	ssyncset.done $0x0  }
0x454: {  	[sflag:s18] =	ssyncadd.s32 $0xFFFFB000  }
0x455: {  	_ =	sfence.sel $0x180000  }
0x456: {  	[bflag:$0x0] =	sbarrier.arrive $0xFFFF  }
0x457: {  	_ =	strace $0x90000047  }
0x458: {  	s0 =	stileid.u32;
	[bflag:$0x2] =	sbarrier.arrive $0xFFFF  }
0x459: {  	p0 =	sne.s32 s0, $0x0;
	s0 =	rddreg [dreg:$0x4]  }
0x45a: {  	s0 =	sadd.s32 @!p0 $0x100000, s0  }
0x45b: {  	[sflag:s0] =	ssyncadd.tile.s32 @!p0 $0x1;
	_ =	shalt  }
.Lfunc_end2:
_tile_overlayer_lowered:
.L_overlay_start_2:
0x45c: {  	(tag) =	ssettag $0x2  }
0x45d: {  	s0 =	rddreg [dreg:$0x0];
	s2 =	stileid.u32  }
0x45e: {  	s1 =	rddreg [dreg:$0x1];
	p0 =	sne.s32 s2, $0x0  }
0x45f: {  	s3 =	rddreg [dreg:$0x2];
	[bflag:$0x3] =	sbarrier.arrive $0xFFFF;
	s2 =	simm.s32 @!p0 $0x1C05  }
0x460: {  	[timem:s3], [sflag:s2] =	dma.local @!p0 [hbm:s0], s1  }
0x461: {  	s0 =	simm.s32 @!p0 $0x5  }
0x462: {  	_ =	swait.ge @!p0 [sflag:s0], s1  }
0x463: {  	s1 =	ssub.s32 @!p0 $0x0, s1;
	[sflag:s0] =	ssyncset.done @!p0 $0x0  }
0x464: {  	[sflag:s0] =	ssyncadd.s32 @!p0 s1  }
0x465: {  	[bflag:$0x3] =	sbarrier.arrive $0xFFFF  }
0x466: {  	_ =	shalt  }

</sc_bundles>
